<compile_context>
chip_gen: v7x
topology: tpu7x:2x2x1
jax: 0.10.2.dev20260603
libtpu: 0.0.44.dev20260713+nightly
codegen_flags: <defaults>
</compile_context>

<pallas_src>
import functools

import jax
import jax.numpy as jnp
from jax import lax
from jax.experimental import pallas as pl
from jax.experimental.pallas import tpu as pltpu
from jax.experimental.pallas import tpu_sc as plsc

B, Q, T = 16, 8, 2000
K, D = 1024, 128
LANES = 16
TILE_T = 200
TPB = T // TILE_T
NT_SC = (B // 2) * TPB
FC = 4
NSUB = TILE_T // FC
NGRP = (TILE_T + LANES - 1) // LANES
ROWS_PER_SUB = Q * K // LANES


def _dequantize_sc(tok_flat, tokens_len, table):
  mesh = plsc.VectorSubcoreMesh(core_axis_name="c", subcore_axis_name="s")

  @functools.partial(
      pl.kernel,
      out_type=jax.ShapeDtypeStruct((B, D, T), jnp.float32),
      mesh=mesh,
      scratch_types=[
          pltpu.VMEM((Q, TILE_T), jnp.int32),
          pltpu.VMEM((Q * TILE_T,), jnp.int32),
          pltpu.VMEM((2, Q * FC, D), jnp.float32),
          pltpu.VMEM((D, TILE_T), jnp.float32),
          pltpu.VMEM((LANES,), jnp.int32),
          pltpu.SMEM((1,), jnp.int32),
          pltpu.VMEM_SHARED((Q * K, D), jnp.float32),
          pltpu.SemaphoreType.DMA,
      ],
      compiler_params=pltpu.CompilerParams(
          use_tc_tiling_on_sc=False, needs_layout_passes=False),
  )
  def run(tok_hbm, len_hbm, tab_hbm, out_hbm, tok_v, idx_v, rows_v, tile_v,
          len_v, cnt, tab_sh, sem):
    c = lax.axis_index("c")
    s = lax.axis_index("s")
    iota = lax.broadcasted_iota(jnp.int32, (LANES,), 0)
    row_ids = [iota + LANES * j for j in range(D // LANES)]
    zeros = jnp.zeros((LANES,), jnp.float32)

    pltpu.sync_copy(
        tab_hbm.at[s // 2, pl.ds(lax.rem(s, 2) * (K // 2), K // 2)],
        tab_sh.at[pl.ds(s * ROWS_PER_SUB, ROWS_PER_SUB)])
    pltpu.sync_copy(len_hbm, len_v)

    @pl.when(s == 0)
    def _():
      cnt[0] = 0

    plsc.subcore_barrier()
    lenv = len_v[...]

    def process(tid):
      b_loc = tid // TPB
      b = c * (B // 2) + b_loc
      t0 = pl.multiple_of(lax.rem(tid, TPB) * TILE_T, TILE_T)
      len_b = lax.reduce_max(jnp.where(iota == b, lenv, 0), (0,))
      nv = jnp.clip(len_b - t0, 0, TILE_T)
      nsub = (nv + FC - 1) // FC

      @pl.when(nsub > 0)
      def _():
        pltpu.sync_copy(tok_hbm.at[b, :, pl.ds(t0, TILE_T)], tok_v)
        for q in range(Q):
          for g in range(NGRP):
            f0 = min(LANES * g, TILE_T - LANES)
            val = tok_v[q, pl.ds(f0, LANES)] + q * K
            pos = iota * Q + (f0 * Q + q)
            plsc.store_scatter(idx_v, [pos], val)
        pltpu.async_copy(
            tab_sh.at[idx_v.at[pl.ds(0, Q * FC)]], rows_v.at[0], sem)

      def accum(slot, cbase, nframes):
        for f in range(nframes):
          col = cbase + f
          for j in range(D // LANES):
            acc = rows_v[slot, Q * f, pl.ds(LANES * j, LANES)]
            for q in range(1, Q):
              acc = acc + rows_v[slot, Q * f + q, pl.ds(LANES * j, LANES)]
            plsc.store_scatter(tile_v, [row_ids[j], col], acc)

      def subchunk(sc_i, _):
        slot = lax.rem(sc_i, 2)
        pltpu.make_async_copy(
            tab_hbm.at[pl.ds(0, Q * FC)], rows_v.at[slot], sem).wait()

        @pl.when(sc_i + 1 < nsub)
        def _():
          pltpu.async_copy(
              tab_sh.at[idx_v.at[pl.ds((sc_i + 1) * Q * FC, Q * FC)]],
              rows_v.at[lax.rem(sc_i + 1, 2)], sem)

        accum(slot, jnp.full((LANES,), sc_i * FC, jnp.int32), FC)
        return 0

      lax.fori_loop(0, nsub, subchunk, 0)

      def zerocol(col_i, _):
        col = jnp.full((LANES,), col_i, jnp.int32)
        for j in range(D // LANES):
          plsc.store_scatter(tile_v, [row_ids[j], col], zeros)
        return 0

      lax.fori_loop(nv, TILE_T, zerocol, 0)

      pltpu.sync_copy(tile_v, out_hbm.at[b, :, pl.ds(t0, TILE_T)])

    def steal(tid):
      process(tid)
      return plsc.fetch_and_add(cnt.at[0], 1, subcore_id=0)

    tid0 = plsc.fetch_and_add(cnt.at[0], 1, subcore_id=0)
    lax.while_loop(lambda tid: tid < NT_SC, steal, tid0)

  return run(tok_flat, tokens_len, table)


def kernel(tokens, tokens_len, codebooks):
  return _dequantize_sc(tokens, tokens_len, codebooks)

# --- scband reference (transcript-rebuilt; emitter-appended) ---
"""Pipeline reference for scband-codec-embedder-26800595927478 (READ-ONLY COPY).

The authoritative reference and input builder live on the scoring server;
editing this copy changes nothing except your own understanding.
"""

import jax, jax.numpy as jnp
import numpy as np


def setup_inputs(seed: int = 0) -> dict:
    key = jax.random.key(seed)
    k1, k2, k3 = jax.random.split(key, 3)
    B, Q, T = 16, 8, 2000
    K, D = 1024, 128
    tokens = jax.random.randint(k1, (B, Q, T), 0, K, dtype=jnp.int32)
    tokens_len = jax.random.randint(k2, (B,), 0, T, dtype=jnp.int32)
    codebooks = jax.random.normal(k3, (Q, K, D), dtype=jnp.float32)
    return {"tokens": tokens, "tokens_len": tokens_len, "codebooks": codebooks}


def reference(tokens, tokens_len, codebooks):
    # Faithful RVQ dequantize: codes_to_emedding(x, x_len) -> codec.dequantize(tokens, tokens_len)
    # Sum the per-codebook embedding lookups (residual VQ decode), then mask padded
    # frames beyond tokens_len and return [B, D, T] (channel-first like audio codecs).
    B, Q, T = tokens.shape
    D = codebooks.shape[-1]
    emb = jnp.zeros((B, T, D), dtype=codebooks.dtype)
    for q in range(Q):
        emb = emb + jnp.take(codebooks[q], tokens[:, q, :], axis=0)
    mask = (jnp.arange(T)[None, :] < tokens_len[:, None]).astype(emb.dtype)
    emb = emb * mask[:, :, None]
    return jnp.transpose(emb, (0, 2, 1))

if __name__ == "__main__":
    import jax
    _d = setup_inputs()
    print(jax.jit(kernel)(*tuple(_d.values())))

</pallas_src>

<mosaic_0001>
#map = affine_map<(d0, d1) -> (0, 0, 0)>
#map1 = affine_map<(d0, d1) -> (0)>
module attributes {stable_mosaic.version = 14 : i64} {
  func.func @run(%arg0: i32, %arg1: i32, %arg2: memref<16x8x2000xi32, #tpu.memory_space<hbm>>, %arg3: memref<16xi32, #tpu.memory_space<hbm>>, %arg4: memref<8x1024x128xf32, #tpu.memory_space<hbm>>, %arg5: memref<16x128x2000xf32, #tpu.memory_space<hbm>>, %arg6: memref<8x200xi32, #tpu.memory_space<vmem>>, %arg7: memref<1600xi32, #tpu.memory_space<vmem>>, %arg8: memref<2x32x128xf32, #tpu.memory_space<vmem>>, %arg9: memref<128x200xf32, #tpu.memory_space<vmem>>, %arg10: memref<16xi32, #tpu.memory_space<vmem>>, %arg11: memref<1xi32, #tpu.memory_space<smem>>, %arg12: memref<8192x128xf32, #tpu.memory_space<vmem_shared>>, %arg13: memref<!tpu.dma_semaphore, #tpu.memory_space<semaphore_mem>>) attributes {dimension_semantics = [#tpu.dimension_semantics<core_parallel>, #tpu.dimension_semantics<subcore_parallel>], iteration_bounds = array<i64: 2, 16>, scalar_prefetch = 0 : i64, scratch_operands = 8 : i64, tpu.core_type = #tpu.core_type<sc_vector_subcore>, window_params = [{transform_indices = #map}, {transform_indices = #map1}, {transform_indices = #map}, {transform_indices = #map}]} {
    %iota3A = tpu.iota {dimensions = array<i32: 0>} : vector<16xi32>
    %add3A = arith.constant 0 : i32
    %add3A_0 = vector.broadcast %add3A : i32 to vector<16xi32>
    %add3A_1 = arith.addi %iota3A, %add3A_0 : vector<16xi32>
    %add3A_2 = arith.constant 16 : i32
    %add3A_3 = vector.broadcast %add3A_2 : i32 to vector<16xi32>
    %add3A_4 = arith.addi %iota3A, %add3A_3 : vector<16xi32>
    %add3A_5 = arith.constant 32 : i32
    %add3A_6 = vector.broadcast %add3A_5 : i32 to vector<16xi32>
    %add3A_7 = arith.addi %iota3A, %add3A_6 : vector<16xi32>
    %add3A_8 = arith.constant 48 : i32
    %add3A_9 = vector.broadcast %add3A_8 : i32 to vector<16xi32>
    %add3A_10 = arith.addi %iota3A, %add3A_9 : vector<16xi32>
    %add3A_11 = arith.constant 64 : i32
    %add3A_12 = vector.broadcast %add3A_11 : i32 to vector<16xi32>
    %add3A_13 = arith.addi %iota3A, %add3A_12 : vector<16xi32>
    %add3A_14 = arith.constant 80 : i32
    %add3A_15 = vector.broadcast %add3A_14 : i32 to vector<16xi32>
    %add3A_16 = arith.addi %iota3A, %add3A_15 : vector<16xi32>
    %add3A_17 = arith.constant 96 : i32
    %add3A_18 = vector.broadcast %add3A_17 : i32 to vector<16xi32>
    %add3A_19 = arith.addi %iota3A, %add3A_18 : vector<16xi32>
    %add3A_20 = arith.constant 112 : i32
    %add3A_21 = vector.broadcast %add3A_20 : i32 to vector<16xi32>
    %add3A_22 = arith.addi %iota3A, %add3A_21 : vector<16xi32>
    %broadcast_in_dim3A = arith.constant 0.000000e+00 : f32
    %broadcast_in_dim3A_23 = vector.broadcast %broadcast_in_dim3A : f32 to vector<16xf32>
    %jit3A = arith.constant 2 : i32
    %div3A = arith.divsi %arg1, %jit3A : i32
    %sign3A = arith.constant 0 : i32
    %sign3A_24 = arith.cmpi sgt, %arg1, %sign3A : i32
    %sign3A_25 = arith.extui %sign3A_24 : i1 to i32
    %sign3A_26 = arith.constant 0 : i32
    %sign3A_27 = arith.cmpi slt, %arg1, %sign3A_26 : i32
    %sign3A_28 = arith.extui %sign3A_27 : i1 to i32
    %sign3A_29 = arith.subi %sign3A_25, %sign3A_28 : i32
    %sign3A_30 = arith.constant 0 : i32
    %sign3A_31 = arith.cmpi sgt, %jit3A, %sign3A_30 : i32
    %sign3A_32 = arith.extui %sign3A_31 : i1 to i32
    %sign3A_33 = arith.constant 0 : i32
    %sign3A_34 = arith.cmpi slt, %jit3A, %sign3A_33 : i32
    %sign3A_35 = arith.extui %sign3A_34 : i1 to i32
    %sign3A_36 = arith.subi %sign3A_32, %sign3A_35 : i32
    %ne3A = arith.cmpi ne, %sign3A_29, %sign3A_36 : i32
    %rem3A = arith.remsi %arg1, %jit3A : i32
    %ne3A_37 = arith.constant 0 : i32
    %ne3A_38 = arith.cmpi ne, %rem3A, %ne3A_37 : i32
    %and3A = arith.andi %ne3A, %ne3A_38 : i1
    %sub3A = arith.constant 1 : i32
    %sub3A_39 = arith.subi %div3A, %sub3A : i32
    %select_n3A = arith.select %and3A, %sub3A_39, %div3A : i32
    %rem3A_40 = arith.constant 2 : i32
    %rem3A_41 = arith.remsi %arg1, %rem3A_40 : i32
    %mul3A = arith.constant 512 : i32
    %mul3A_42 = arith.muli %rem3A_41, %mul3A : i32
    %mul3A_43 = arith.constant 512 : i32
    %mul3A_44 = arith.muli %arg1, %mul3A_43 : i32
    "tpu.region"() ({
      %run_scoped3A = tpu.sem_alloc : memref<!tpu.dma_semaphore, #tpu.memory_space<semaphore_mem>>
      %dma_start3A = arith.constant 0 : i32
      %dma_start3A_51 = tpu.memref_slice %arg12[%mul3A_44, %dma_start3A] : memref<8192x128xf32, #tpu.memory_space<vmem_shared>> -> memref<512x128xf32, #tpu.memory_space<vmem_shared>>
      %dma_start3A_52 = arith.constant 0 : i32
      %dma_start3A_53 = tpu.memref_slice %arg4[%select_n3A, %mul3A_42, %dma_start3A_52] : memref<8x1024x128xf32, #tpu.memory_space<hbm>> -> memref<1x512x128xf32, #tpu.memory_space<hbm>>
      %dma_start3A_54 = tpu.memref_squeeze %dma_start3A_53 : memref<1x512x128xf32, #tpu.memory_space<hbm>> -> memref<512x128xf32, #tpu.memory_space<hbm>>
      tpu.enqueue_dma source(%dma_start3A_54 : memref<512x128xf32, #tpu.memory_space<hbm>>) target(%dma_start3A_51 : memref<512x128xf32, #tpu.memory_space<vmem_shared>>) target_semaphore(%run_scoped3A : memref<!tpu.dma_semaphore, #tpu.memory_space<semaphore_mem>>)
      %dma_wait3A = arith.constant 0 : i32
      %dma_wait3A_55 = tpu.memref_slice %arg12[%mul3A_44, %dma_wait3A] : memref<8192x128xf32, #tpu.memory_space<vmem_shared>> -> memref<512x128xf32, #tpu.memory_space<vmem_shared>>
      %dma_wait3A_56 = arith.constant 0 : i32
      %dma_wait3A_57 = tpu.memref_slice %arg4[%select_n3A, %mul3A_42, %dma_wait3A_56] : memref<8x1024x128xf32, #tpu.memory_space<hbm>> -> memref<1x512x128xf32, #tpu.memory_space<hbm>>
      %dma_wait3A_58 = tpu.memref_squeeze %dma_wait3A_57 : memref<1x512x128xf32, #tpu.memory_space<hbm>> -> memref<512x128xf32, #tpu.memory_space<hbm>>
      tpu.wait_dma2 semaphore(%run_scoped3A : memref<!tpu.dma_semaphore, #tpu.memory_space<semaphore_mem>>) src(%dma_wait3A_58 : memref<512x128xf32, #tpu.memory_space<hbm>>) dst(%dma_wait3A_55 : memref<512x128xf32, #tpu.memory_space<vmem_shared>>)
      tpu.yield
    }) : () -> ()
    "tpu.region"() ({
      %run_scoped3A = tpu.sem_alloc : memref<!tpu.dma_semaphore, #tpu.memory_space<semaphore_mem>>
      tpu.enqueue_dma source(%arg3 : memref<16xi32, #tpu.memory_space<hbm>>) target(%arg10 : memref<16xi32, #tpu.memory_space<vmem>>) target_semaphore(%run_scoped3A : memref<!tpu.dma_semaphore, #tpu.memory_space<semaphore_mem>>)
      tpu.wait_dma2 semaphore(%run_scoped3A : memref<!tpu.dma_semaphore, #tpu.memory_space<semaphore_mem>>) src(%arg3 : memref<16xi32, #tpu.memory_space<hbm>>) dst(%arg10 : memref<16xi32, #tpu.memory_space<vmem>>)
      tpu.yield
    }) : () -> ()
    %eq3A = arith.constant 0 : i32
    %eq3A_45 = arith.cmpi eq, %arg1, %eq3A : i32
    %convert_element_type3A = arith.extui %eq3A_45 : i1 to i32
    %cond3A = arith.constant 0 : i32
    %cond3A_46 = arith.cmpi ne, %convert_element_type3A, %cond3A : i32
    scf.if %cond3A_46 {
      %swap3A = arith.constant 0 : i32
      %swap3A_51 = arith.constant 0 : i32
      %swap3A_52 = arith.index_cast %swap3A_51 : i32 to index
      %swap3A_53 = memref.load %arg11[%swap3A_52] : memref<1xi32, #tpu.memory_space<smem>>
      memref.store %swap3A, %arg11[%swap3A_52] : memref<1xi32, #tpu.memory_space<smem>>
    } else {
    }
    %barrier3A = arith.constant 0 : index
    tpu.barrier barrier_id(%barrier3A)
    %get3A = arith.constant 0 : index
    %get3A_47 = tpu.vector_load %arg10[%get3A] {strides = array<i32>} : memref<16xi32, #tpu.memory_space<vmem>>, vector<16xi32>,
    %sc_fetch_and_add3A = arith.constant 1 : i32
    %sc_fetch_and_add3A_48 = arith.constant 0 : i32
    %sc_fetch_and_add3A_49 = arith.constant 0 : i32
    %sc_fetch_and_add3A_50 = tpu.fetch_and_add_sync %arg11[%sc_fetch_and_add3A_48], %sc_fetch_and_add3A, %sc_fetch_and_add3A_49 : memref<1xi32, #tpu.memory_space<smem>>, i32 -> i32
    %while3A = scf.while (%while3A_51 = %sc_fetch_and_add3A_50) : (i32) -> i32 {
      %lt3A = arith.constant 80 : i32
      %lt3A_52 = arith.cmpi slt, %while3A_51, %lt3A : i32
      scf.condition(%lt3A_52) %while3A_51 : i32
    } do {
    ^bb0(%while3A_51: i32):
      %jit3A_52 = arith.constant 10 : i32
      %div3A_53 = arith.divsi %while3A_51, %jit3A_52 : i32
      %sign3A_54 = arith.constant 0 : i32
      %sign3A_55 = arith.cmpi sgt, %while3A_51, %sign3A_54 : i32
      %sign3A_56 = arith.extui %sign3A_55 : i1 to i32
      %sign3A_57 = arith.constant 0 : i32
      %sign3A_58 = arith.cmpi slt, %while3A_51, %sign3A_57 : i32
      %sign3A_59 = arith.extui %sign3A_58 : i1 to i32
      %sign3A_60 = arith.subi %sign3A_56, %sign3A_59 : i32
      %sign3A_61 = arith.constant 0 : i32
      %sign3A_62 = arith.cmpi sgt, %jit3A_52, %sign3A_61 : i32
      %sign3A_63 = arith.extui %sign3A_62 : i1 to i32
      %sign3A_64 = arith.constant 0 : i32
      %sign3A_65 = arith.cmpi slt, %jit3A_52, %sign3A_64 : i32
      %sign3A_66 = arith.extui %sign3A_65 : i1 to i32
      %sign3A_67 = arith.subi %sign3A_63, %sign3A_66 : i32
      %ne3A_68 = arith.cmpi ne, %sign3A_60, %sign3A_67 : i32
      %rem3A_69 = arith.remsi %while3A_51, %jit3A_52 : i32
      %ne3A_70 = arith.constant 0 : i32
      %ne3A_71 = arith.cmpi ne, %rem3A_69, %ne3A_70 : i32
      %and3A_72 = arith.andi %ne3A_68, %ne3A_71 : i1
      %sub3A_73 = arith.constant 1 : i32
      %sub3A_74 = arith.subi %div3A_53, %sub3A_73 : i32
      %select_n3A_75 = arith.select %and3A_72, %sub3A_74, %div3A_53 : i32
      %mul3A_76 = arith.constant 8 : i32
      %mul3A_77 = arith.muli %arg0, %mul3A_76 : i32
      %add3A_78 = arith.addi %mul3A_77, %select_n3A_75 : i32
      %rem3A_79 = arith.constant 10 : i32
      %rem3A_80 = arith.remsi %while3A_51, %rem3A_79 : i32
      %mul3A_81 = arith.constant 200 : i32
      %mul3A_82 = arith.muli %rem3A_80, %mul3A_81 : i32
      %multiple_of3A = tpu.assume_multiple %mul3A_82, 200 : i32
      %eq3A_83 = vector.broadcast %add3A_78 : i32 to vector<16xi32>
      %eq3A_84 = arith.cmpi eq, %iota3A, %eq3A_83 : vector<16xi32>
      %jit3A_85 = arith.constant 0 : i32
      %broadcast_in_dim3A_86 = vector.broadcast %jit3A_85 : i32 to vector<16xi32>
      %select_n3A_87 = arith.select %eq3A_84, %get3A_47, %broadcast_in_dim3A_86 : vector<16xi1>, vector<16xi32>
      %reduce_max3A = arith.constant true
      %reduce_max3A_88 = vector.broadcast %reduce_max3A : i1 to vector<16xi1>
      %reduce_max3A_89 = arith.constant -2147483648 : i32
      %reduce_max3A_90 = vector.broadcast %reduce_max3A_89 : i32 to vector<16xi32>
      %reduce_max3A_91 = arith.xori %select_n3A_87, %reduce_max3A_90 : vector<16xi32>
      %reduce_max3A_92 = tpu.scan <max>, %reduce_max3A_91 masked %reduce_max3A_88 : vector<16xi32>, vector<16xi1> -> vector<16xi32>
      %reduce_max3A_93 = arith.xori %reduce_max3A_92, %reduce_max3A_90 : vector<16xi32>
      %reduce_max3A_94 = vector.extract %reduce_max3A_93[15] : i32 from vector<16xi32>
      %sub3A_95 = arith.subi %reduce_max3A_94, %multiple_of3A : i32
      %jit3A_96 = arith.constant 0 : i32
      %jit3A_97 = arith.constant 200 : i32
      %max3A = arith.maxsi %jit3A_96, %sub3A_95 : i32
      %min3A = arith.minsi %jit3A_97, %max3A : i32
      %add3A_98 = arith.constant 4 : i32
      %add3A_99 = arith.addi %min3A, %add3A_98 : i32
      %sub3A_100 = arith.constant 1 : i32
      %sub3A_101 = arith.subi %add3A_99, %sub3A_100 : i32
      %jit3A_102 = arith.constant 4 : i32
      %div3A_103 = arith.divsi %sub3A_101, %jit3A_102 : i32
      %sign3A_104 = arith.constant 0 : i32
      %sign3A_105 = arith.cmpi sgt, %sub3A_101, %sign3A_104 : i32
      %sign3A_106 = arith.extui %sign3A_105 : i1 to i32
      %sign3A_107 = arith.constant 0 : i32
      %sign3A_108 = arith.cmpi slt, %sub3A_101, %sign3A_107 : i32
      %sign3A_109 = arith.extui %sign3A_108 : i1 to i32
      %sign3A_110 = arith.subi %sign3A_106, %sign3A_109 : i32
      %sign3A_111 = arith.constant 0 : i32
      %sign3A_112 = arith.cmpi sgt, %jit3A_102, %sign3A_111 : i32
      %sign3A_113 = arith.extui %sign3A_112 : i1 to i32
      %sign3A_114 = arith.constant 0 : i32
      %sign3A_115 = arith.cmpi slt, %jit3A_102, %sign3A_114 : i32
      %sign3A_116 = arith.extui %sign3A_115 : i1 to i32
      %sign3A_117 = arith.subi %sign3A_113, %sign3A_116 : i32
      %ne3A_118 = arith.cmpi ne, %sign3A_110, %sign3A_117 : i32
      %rem3A_119 = arith.remsi %sub3A_101, %jit3A_102 : i32
      %ne3A_120 = arith.constant 0 : i32
      %ne3A_121 = arith.cmpi ne, %rem3A_119, %ne3A_120 : i32
      %and3A_122 = arith.andi %ne3A_118, %ne3A_121 : i1
      %sub3A_123 = arith.constant 1 : i32
      %sub3A_124 = arith.subi %div3A_103, %sub3A_123 : i32
      %select_n3A_125 = arith.select %and3A_122, %sub3A_124, %div3A_103 : i32
      %gt3A = arith.constant 0 : i32
      %gt3A_126 = arith.cmpi sgt, %select_n3A_125, %gt3A : i32
      %convert_element_type3A_127 = arith.extui %gt3A_126 : i1 to i32
      %cond3A_128 = arith.constant 0 : i32
      %cond3A_129 = arith.cmpi ne, %convert_element_type3A_127, %cond3A_128 : i32
      scf.if %cond3A_129 {
        "tpu.region"() ({
          %run_scoped3A = tpu.sem_alloc : memref<!tpu.dma_semaphore, #tpu.memory_space<semaphore_mem>>
          %dma_start3A_1519 = arith.constant 0 : i32
          %dma_start3A_1520 = tpu.memref_slice %arg2[%add3A_78, %dma_start3A_1519, %multiple_of3A] : memref<16x8x2000xi32, #tpu.memory_space<hbm>> -> memref<1x8x200xi32, #tpu.memory_space<hbm>>
          %dma_start3A_1521 = tpu.memref_squeeze %dma_start3A_1520 : memref<1x8x200xi32, #tpu.memory_space<hbm>> -> memref<8x200xi32, #tpu.memory_space<hbm>>
          %dma_start3A_1522 = arith.constant 0 : i32
          %dma_start3A_1523 = tpu.memref_slice %arg2[%add3A_78, %dma_start3A_1522, %multiple_of3A] : memref<16x8x2000xi32, #tpu.memory_space<hbm>> -> memref<1x8x200xi32, #tpu.memory_space<hbm>>
          %dma_start3A_1524 = tpu.memref_squeeze %dma_start3A_1523 : memref<1x8x200xi32, #tpu.memory_space<hbm>> -> memref<8x200xi32, #tpu.memory_space<hbm>>
          tpu.enqueue_dma source(%dma_start3A_1524 : memref<8x200xi32, #tpu.memory_space<hbm>>) target(%arg6 : memref<8x200xi32, #tpu.memory_space<vmem>>) target_semaphore(%run_scoped3A : memref<!tpu.dma_semaphore, #tpu.memory_space<semaphore_mem>>)
          %dma_wait3A = arith.constant 0 : i32
          %dma_wait3A_1525 = tpu.memref_slice %arg2[%add3A_78, %dma_wait3A, %multiple_of3A] : memref<16x8x2000xi32, #tpu.memory_space<hbm>> -> memref<1x8x200xi32, #tpu.memory_space<hbm>>
          %dma_wait3A_1526 = tpu.memref_squeeze %dma_wait3A_1525 : memref<1x8x200xi32, #tpu.memory_space<hbm>> -> memref<8x200xi32, #tpu.memory_space<hbm>>
          %dma_wait3A_1527 = arith.constant 0 : i32
          %dma_wait3A_1528 = tpu.memref_slice %arg2[%add3A_78, %dma_wait3A_1527, %multiple_of3A] : memref<16x8x2000xi32, #tpu.memory_space<hbm>> -> memref<1x8x200xi32, #tpu.memory_space<hbm>>
          %dma_wait3A_1529 = tpu.memref_squeeze %dma_wait3A_1528 : memref<1x8x200xi32, #tpu.memory_space<hbm>> -> memref<8x200xi32, #tpu.memory_space<hbm>>
          tpu.wait_dma2 semaphore(%run_scoped3A : memref<!tpu.dma_semaphore, #tpu.memory_space<semaphore_mem>>) src(%dma_wait3A_1529 : memref<8x200xi32, #tpu.memory_space<hbm>>) dst(%arg6 : memref<8x200xi32, #tpu.memory_space<vmem>>)
          tpu.yield
        }) : () -> ()
        %get3A_158 = arith.constant 0 : i32
        %get3A_159 = arith.index_cast %get3A_158 : i32 to index
        %get3A_160 = arith.constant 0 : index
        %get3A_161 = tpu.vector_load %arg6[%get3A_159, %get3A_160] {strides = array<i32>} : memref<8x200xi32, #tpu.memory_space<vmem>>, vector<16xi32>,
        %add3A_162 = arith.constant 0 : i32
        %add3A_163 = vector.broadcast %add3A_162 : i32 to vector<16xi32>
        %add3A_164 = arith.addi %get3A_161, %add3A_163 : vector<16xi32>
        %mul3A_165 = arith.constant 8 : i32
        %mul3A_166 = vector.broadcast %mul3A_165 : i32 to vector<16xi32>
        %mul3A_167 = arith.muli %iota3A, %mul3A_166 : vector<16xi32>
        %add3A_168 = arith.constant 0 : i32
        %add3A_169 = vector.broadcast %add3A_168 : i32 to vector<16xi32>
        %add3A_170 = arith.addi %mul3A_167, %add3A_169 : vector<16xi32>
        tpu.vector_store_idx %arg7[%add3A_170], %add3A_164 : memref<1600xi32, #tpu.memory_space<vmem>>[vector<16xi32>], vector<16xi32>,
        %get3A_171 = arith.constant 0 : i32
        %get3A_172 = arith.index_cast %get3A_171 : i32 to index
        %get3A_173 = arith.constant 16 : index
        %get3A_174 = tpu.vector_load %arg6[%get3A_172, %get3A_173] {strides = array<i32>} : memref<8x200xi32, #tpu.memory_space<vmem>>, vector<16xi32>,
        %add3A_175 = arith.constant 0 : i32
        %add3A_176 = vector.broadcast %add3A_175 : i32 to vector<16xi32>
        %add3A_177 = arith.addi %get3A_174, %add3A_176 : vector<16xi32>
        %mul3A_178 = arith.constant 8 : i32
        %mul3A_179 = vector.broadcast %mul3A_178 : i32 to vector<16xi32>
        %mul3A_180 = arith.muli %iota3A, %mul3A_179 : vector<16xi32>
        %add3A_181 = arith.constant 128 : i32
        %add3A_182 = vector.broadcast %add3A_181 : i32 to vector<16xi32>
        %add3A_183 = arith.addi %mul3A_180, %add3A_182 : vector<16xi32>
        tpu.vector_store_idx %arg7[%add3A_183], %add3A_177 : memref<1600xi32, #tpu.memory_space<vmem>>[vector<16xi32>], vector<16xi32>,
        %get3A_184 = arith.constant 0 : i32
        %get3A_185 = arith.index_cast %get3A_184 : i32 to index
        %get3A_186 = arith.constant 32 : index
        %get3A_187 = tpu.vector_load %arg6[%get3A_185, %get3A_186] {strides = array<i32>} : memref<8x200xi32, #tpu.memory_space<vmem>>, vector<16xi32>,
        %add3A_188 = arith.constant 0 : i32
        %add3A_189 = vector.broadcast %add3A_188 : i32 to vector<16xi32>
        %add3A_190 = arith.addi %get3A_187, %add3A_189 : vector<16xi32>
        %mul3A_191 = arith.constant 8 : i32
        %mul3A_192 = vector.broadcast %mul3A_191 : i32 to vector<16xi32>
        %mul3A_193 = arith.muli %iota3A, %mul3A_192 : vector<16xi32>
        %add3A_194 = arith.constant 256 : i32
        %add3A_195 = vector.broadcast %add3A_194 : i32 to vector<16xi32>
        %add3A_196 = arith.addi %mul3A_193, %add3A_195 : vector<16xi32>
        tpu.vector_store_idx %arg7[%add3A_196], %add3A_190 : memref<1600xi32, #tpu.memory_space<vmem>>[vector<16xi32>], vector<16xi32>,
        %get3A_197 = arith.constant 0 : i32
        %get3A_198 = arith.index_cast %get3A_197 : i32 to index
        %get3A_199 = arith.constant 48 : index
        %get3A_200 = tpu.vector_load %arg6[%get3A_198, %get3A_199] {strides = array<i32>} : memref<8x200xi32, #tpu.memory_space<vmem>>, vector<16xi32>,
        %add3A_201 = arith.constant 0 : i32
        %add3A_202 = vector.broadcast %add3A_201 : i32 to vector<16xi32>
        %add3A_203 = arith.addi %get3A_200, %add3A_202 : vector<16xi32>
        %mul3A_204 = arith.constant 8 : i32
        %mul3A_205 = vector.broadcast %mul3A_204 : i32 to vector<16xi32>
        %mul3A_206 = arith.muli %iota3A, %mul3A_205 : vector<16xi32>
        %add3A_207 = arith.constant 384 : i32
        %add3A_208 = vector.broadcast %add3A_207 : i32 to vector<16xi32>
        %add3A_209 = arith.addi %mul3A_206, %add3A_208 : vector<16xi32>
        tpu.vector_store_idx %arg7[%add3A_209], %add3A_203 : memref<1600xi32, #tpu.memory_space<vmem>>[vector<16xi32>], vector<16xi32>,
        %get3A_210 = arith.constant 0 : i32
        %get3A_211 = arith.index_cast %get3A_210 : i32 to index
        %get3A_212 = arith.constant 64 : index
        %get3A_213 = tpu.vector_load %arg6[%get3A_211, %get3A_212] {strides = array<i32>} : memref<8x200xi32, #tpu.memory_space<vmem>>, vector<16xi32>,
        %add3A_214 = arith.constant 0 : i32
        %add3A_215 = vector.broadcast %add3A_214 : i32 to vector<16xi32>
        %add3A_216 = arith.addi %get3A_213, %add3A_215 : vector<16xi32>
        %mul3A_217 = arith.constant 8 : i32
        %mul3A_218 = vector.broadcast %mul3A_217 : i32 to vector<16xi32>
        %mul3A_219 = arith.muli %iota3A, %mul3A_218 : vector<16xi32>
        %add3A_220 = arith.constant 512 : i32
        %add3A_221 = vector.broadcast %add3A_220 : i32 to vector<16xi32>
        %add3A_222 = arith.addi %mul3A_219, %add3A_221 : vector<16xi32>
        tpu.vector_store_idx %arg7[%add3A_222], %add3A_216 : memref<1600xi32, #tpu.memory_space<vmem>>[vector<16xi32>], vector<16xi32>,
        %get3A_223 = arith.constant 0 : i32
        %get3A_224 = arith.index_cast %get3A_223 : i32 to index
        %get3A_225 = arith.constant 80 : index
        %get3A_226 = tpu.vector_load %arg6[%get3A_224, %get3A_225] {strides = array<i32>} : memref<8x200xi32, #tpu.memory_space<vmem>>, vector<16xi32>,
        %add3A_227 = arith.constant 0 : i32
        %add3A_228 = vector.broadcast %add3A_227 : i32 to vector<16xi32>
        %add3A_229 = arith.addi %get3A_226, %add3A_228 : vector<16xi32>
        %mul3A_230 = arith.constant 8 : i32
        %mul3A_231 = vector.broadcast %mul3A_230 : i32 to vector<16xi32>
        %mul3A_232 = arith.muli %iota3A, %mul3A_231 : vector<16xi32>
        %add3A_233 = arith.constant 640 : i32
        %add3A_234 = vector.broadcast %add3A_233 : i32 to vector<16xi32>
        %add3A_235 = arith.addi %mul3A_232, %add3A_234 : vector<16xi32>
        tpu.vector_store_idx %arg7[%add3A_235], %add3A_229 : memref<1600xi32, #tpu.memory_space<vmem>>[vector<16xi32>], vector<16xi32>,
        %get3A_236 = arith.constant 0 : i32
        %get3A_237 = arith.index_cast %get3A_236 : i32 to index
        %get3A_238 = arith.constant 96 : index
        %get3A_239 = tpu.vector_load %arg6[%get3A_237, %get3A_238] {strides = array<i32>} : memref<8x200xi32, #tpu.memory_space<vmem>>, vector<16xi32>,
        %add3A_240 = arith.constant 0 : i32
        %add3A_241 = vector.broadcast %add3A_240 : i32 to vector<16xi32>
        %add3A_242 = arith.addi %get3A_239, %add3A_241 : vector<16xi32>
        %mul3A_243 = arith.constant 8 : i32
        %mul3A_244 = vector.broadcast %mul3A_243 : i32 to vector<16xi32>
        %mul3A_245 = arith.muli %iota3A, %mul3A_244 : vector<16xi32>
        %add3A_246 = arith.constant 768 : i32
        %add3A_247 = vector.broadcast %add3A_246 : i32 to vector<16xi32>
        %add3A_248 = arith.addi %mul3A_245, %add3A_247 : vector<16xi32>
        tpu.vector_store_idx %arg7[%add3A_248], %add3A_242 : memref<1600xi32, #tpu.memory_space<vmem>>[vector<16xi32>], vector<16xi32>,
        %get3A_249 = arith.constant 0 : i32
        %get3A_250 = arith.index_cast %get3A_249 : i32 to index
        %get3A_251 = arith.constant 112 : index
        %get3A_252 = tpu.vector_load %arg6[%get3A_250, %get3A_251] {strides = array<i32>} : memref<8x200xi32, #tpu.memory_space<vmem>>, vector<16xi32>,
        %add3A_253 = arith.constant 0 : i32
        %add3A_254 = vector.broadcast %add3A_253 : i32 to vector<16xi32>
        %add3A_255 = arith.addi %get3A_252, %add3A_254 : vector<16xi32>
        %mul3A_256 = arith.constant 8 : i32
        %mul3A_257 = vector.broadcast %mul3A_256 : i32 to vector<16xi32>
        %mul3A_258 = arith.muli %iota3A, %mul3A_257 : vector<16xi32>
        %add3A_259 = arith.constant 896 : i32
        %add3A_260 = vector.broadcast %add3A_259 : i32 to vector<16xi32>
        %add3A_261 = arith.addi %mul3A_258, %add3A_260 : vector<16xi32>
        tpu.vector_store_idx %arg7[%add3A_261], %add3A_255 : memref<1600xi32, #tpu.memory_space<vmem>>[vector<16xi32>], vector<16xi32>,
        %get3A_262 = arith.constant 0 : i32
        %get3A_263 = arith.index_cast %get3A_262 : i32 to index
        %get3A_264 = arith.constant 128 : index
        %get3A_265 = tpu.vector_load %arg6[%get3A_263, %get3A_264] {strides = array<i32>} : memref<8x200xi32, #tpu.memory_space<vmem>>, vector<16xi32>,
        %add3A_266 = arith.constant 0 : i32
        %add3A_267 = vector.broadcast %add3A_266 : i32 to vector<16xi32>
        %add3A_268 = arith.addi %get3A_265, %add3A_267 : vector<16xi32>
        %mul3A_269 = arith.constant 8 : i32
        %mul3A_270 = vector.broadcast %mul3A_269 : i32 to vector<16xi32>
        %mul3A_271 = arith.muli %iota3A, %mul3A_270 : vector<16xi32>
        %add3A_272 = arith.constant 1024 : i32
        %add3A_273 = vector.broadcast %add3A_272 : i32 to vector<16xi32>
        %add3A_274 = arith.addi %mul3A_271, %add3A_273 : vector<16xi32>
        tpu.vector_store_idx %arg7[%add3A_274], %add3A_268 : memref<1600xi32, #tpu.memory_space<vmem>>[vector<16xi32>], vector<16xi32>,
        %get3A_275 = arith.constant 0 : i32
        %get3A_276 = arith.index_cast %get3A_275 : i32 to index
        %get3A_277 = arith.constant 144 : index
        %get3A_278 = tpu.vector_load %arg6[%get3A_276, %get3A_277] {strides = array<i32>} : memref<8x200xi32, #tpu.memory_space<vmem>>, vector<16xi32>,
        %add3A_279 = arith.constant 0 : i32
        %add3A_280 = vector.broadcast %add3A_279 : i32 to vector<16xi32>
        %add3A_281 = arith.addi %get3A_278, %add3A_280 : vector<16xi32>
        %mul3A_282 = arith.constant 8 : i32
        %mul3A_283 = vector.broadcast %mul3A_282 : i32 to vector<16xi32>
        %mul3A_284 = arith.muli %iota3A, %mul3A_283 : vector<16xi32>
        %add3A_285 = arith.constant 1152 : i32
        %add3A_286 = vector.broadcast %add3A_285 : i32 to vector<16xi32>
        %add3A_287 = arith.addi %mul3A_284, %add3A_286 : vector<16xi32>
        tpu.vector_store_idx %arg7[%add3A_287], %add3A_281 : memref<1600xi32, #tpu.memory_space<vmem>>[vector<16xi32>], vector<16xi32>,
        %get3A_288 = arith.constant 0 : i32
        %get3A_289 = arith.index_cast %get3A_288 : i32 to index
        %get3A_290 = arith.constant 160 : index
        %get3A_291 = tpu.vector_load %arg6[%get3A_289, %get3A_290] {strides = array<i32>} : memref<8x200xi32, #tpu.memory_space<vmem>>, vector<16xi32>,
        %add3A_292 = arith.constant 0 : i32
        %add3A_293 = vector.broadcast %add3A_292 : i32 to vector<16xi32>
        %add3A_294 = arith.addi %get3A_291, %add3A_293 : vector<16xi32>
        %mul3A_295 = arith.constant 8 : i32
        %mul3A_296 = vector.broadcast %mul3A_295 : i32 to vector<16xi32>
        %mul3A_297 = arith.muli %iota3A, %mul3A_296 : vector<16xi32>
        %add3A_298 = arith.constant 1280 : i32
        %add3A_299 = vector.broadcast %add3A_298 : i32 to vector<16xi32>
        %add3A_300 = arith.addi %mul3A_297, %add3A_299 : vector<16xi32>
        tpu.vector_store_idx %arg7[%add3A_300], %add3A_294 : memref<1600xi32, #tpu.memory_space<vmem>>[vector<16xi32>], vector<16xi32>,
        %get3A_301 = arith.constant 0 : i32
        %get3A_302 = arith.index_cast %get3A_301 : i32 to index
        %get3A_303 = arith.constant 176 : index
        %get3A_304 = tpu.vector_load %arg6[%get3A_302, %get3A_303] {strides = array<i32>} : memref<8x200xi32, #tpu.memory_space<vmem>>, vector<16xi32>,
        %add3A_305 = arith.constant 0 : i32
        %add3A_306 = vector.broadcast %add3A_305 : i32 to vector<16xi32>
        %add3A_307 = arith.addi %get3A_304, %add3A_306 : vector<16xi32>
        %mul3A_308 = arith.constant 8 : i32
        %mul3A_309 = vector.broadcast %mul3A_308 : i32 to vector<16xi32>
        %mul3A_310 = arith.muli %iota3A, %mul3A_309 : vector<16xi32>
        %add3A_311 = arith.constant 1408 : i32
        %add3A_312 = vector.broadcast %add3A_311 : i32 to vector<16xi32>
        %add3A_313 = arith.addi %mul3A_310, %add3A_312 : vector<16xi32>
        tpu.vector_store_idx %arg7[%add3A_313], %add3A_307 : memref<1600xi32, #tpu.memory_space<vmem>>[vector<16xi32>], vector<16xi32>,
        %get3A_314 = arith.constant 0 : i32
        %get3A_315 = arith.index_cast %get3A_314 : i32 to index
        %get3A_316 = arith.constant 184 : index
        %get3A_317 = tpu.vector_load %arg6[%get3A_315, %get3A_316] {strides = array<i32>} : memref<8x200xi32, #tpu.memory_space<vmem>>, vector<16xi32>,
        %add3A_318 = arith.constant 0 : i32
        %add3A_319 = vector.broadcast %add3A_318 : i32 to vector<16xi32>
        %add3A_320 = arith.addi %get3A_317, %add3A_319 : vector<16xi32>
        %mul3A_321 = arith.constant 8 : i32
        %mul3A_322 = vector.broadcast %mul3A_321 : i32 to vector<16xi32>
        %mul3A_323 = arith.muli %iota3A, %mul3A_322 : vector<16xi32>
        %add3A_324 = arith.constant 1472 : i32
        %add3A_325 = vector.broadcast %add3A_324 : i32 to vector<16xi32>
        %add3A_326 = arith.addi %mul3A_323, %add3A_325 : vector<16xi32>
        tpu.vector_store_idx %arg7[%add3A_326], %add3A_320 : memref<1600xi32, #tpu.memory_space<vmem>>[vector<16xi32>], vector<16xi32>,
        %get3A_327 = arith.constant 1 : i32
        %get3A_328 = arith.index_cast %get3A_327 : i32 to index
        %get3A_329 = arith.constant 0 : index
        %get3A_330 = tpu.vector_load %arg6[%get3A_328, %get3A_329] {strides = array<i32>} : memref<8x200xi32, #tpu.memory_space<vmem>>, vector<16xi32>,
        %add3A_331 = arith.constant 1024 : i32
        %add3A_332 = vector.broadcast %add3A_331 : i32 to vector<16xi32>
        %add3A_333 = arith.addi %get3A_330, %add3A_332 : vector<16xi32>
        %mul3A_334 = arith.constant 8 : i32
        %mul3A_335 = vector.broadcast %mul3A_334 : i32 to vector<16xi32>
        %mul3A_336 = arith.muli %iota3A, %mul3A_335 : vector<16xi32>
        %add3A_337 = arith.constant 1 : i32
        %add3A_338 = vector.broadcast %add3A_337 : i32 to vector<16xi32>
        %add3A_339 = arith.addi %mul3A_336, %add3A_338 : vector<16xi32>
        tpu.vector_store_idx %arg7[%add3A_339], %add3A_333 : memref<1600xi32, #tpu.memory_space<vmem>>[vector<16xi32>], vector<16xi32>,
        %get3A_340 = arith.constant 1 : i32
        %get3A_341 = arith.index_cast %get3A_340 : i32 to index
        %get3A_342 = arith.constant 16 : index
        %get3A_343 = tpu.vector_load %arg6[%get3A_341, %get3A_342] {strides = array<i32>} : memref<8x200xi32, #tpu.memory_space<vmem>>, vector<16xi32>,
        %add3A_344 = arith.constant 1024 : i32
        %add3A_345 = vector.broadcast %add3A_344 : i32 to vector<16xi32>
        %add3A_346 = arith.addi %get3A_343, %add3A_345 : vector<16xi32>
        %mul3A_347 = arith.constant 8 : i32
        %mul3A_348 = vector.broadcast %mul3A_347 : i32 to vector<16xi32>
        %mul3A_349 = arith.muli %iota3A, %mul3A_348 : vector<16xi32>
        %add3A_350 = arith.constant 129 : i32
        %add3A_351 = vector.broadcast %add3A_350 : i32 to vector<16xi32>
        %add3A_352 = arith.addi %mul3A_349, %add3A_351 : vector<16xi32>
        tpu.vector_store_idx %arg7[%add3A_352], %add3A_346 : memref<1600xi32, #tpu.memory_space<vmem>>[vector<16xi32>], vector<16xi32>,
        %get3A_353 = arith.constant 1 : i32
        %get3A_354 = arith.index_cast %get3A_353 : i32 to index
        %get3A_355 = arith.constant 32 : index
        %get3A_356 = tpu.vector_load %arg6[%get3A_354, %get3A_355] {strides = array<i32>} : memref<8x200xi32, #tpu.memory_space<vmem>>, vector<16xi32>,
        %add3A_357 = arith.constant 1024 : i32
        %add3A_358 = vector.broadcast %add3A_357 : i32 to vector<16xi32>
        %add3A_359 = arith.addi %get3A_356, %add3A_358 : vector<16xi32>
        %mul3A_360 = arith.constant 8 : i32
        %mul3A_361 = vector.broadcast %mul3A_360 : i32 to vector<16xi32>
        %mul3A_362 = arith.muli %iota3A, %mul3A_361 : vector<16xi32>
        %add3A_363 = arith.constant 257 : i32
        %add3A_364 = vector.broadcast %add3A_363 : i32 to vector<16xi32>
        %add3A_365 = arith.addi %mul3A_362, %add3A_364 : vector<16xi32>
        tpu.vector_store_idx %arg7[%add3A_365], %add3A_359 : memref<1600xi32, #tpu.memory_space<vmem>>[vector<16xi32>], vector<16xi32>,
        %get3A_366 = arith.constant 1 : i32
        %get3A_367 = arith.index_cast %get3A_366 : i32 to index
        %get3A_368 = arith.constant 48 : index
        %get3A_369 = tpu.vector_load %arg6[%get3A_367, %get3A_368] {strides = array<i32>} : memref<8x200xi32, #tpu.memory_space<vmem>>, vector<16xi32>,
        %add3A_370 = arith.constant 1024 : i32
        %add3A_371 = vector.broadcast %add3A_370 : i32 to vector<16xi32>
        %add3A_372 = arith.addi %get3A_369, %add3A_371 : vector<16xi32>
        %mul3A_373 = arith.constant 8 : i32
        %mul3A_374 = vector.broadcast %mul3A_373 : i32 to vector<16xi32>
        %mul3A_375 = arith.muli %iota3A, %mul3A_374 : vector<16xi32>
        %add3A_376 = arith.constant 385 : i32
        %add3A_377 = vector.broadcast %add3A_376 : i32 to vector<16xi32>
        %add3A_378 = arith.addi %mul3A_375, %add3A_377 : vector<16xi32>
        tpu.vector_store_idx %arg7[%add3A_378], %add3A_372 : memref<1600xi32, #tpu.memory_space<vmem>>[vector<16xi32>], vector<16xi32>,
        %get3A_379 = arith.constant 1 : i32
        %get3A_380 = arith.index_cast %get3A_379 : i32 to index
        %get3A_381 = arith.constant 64 : index
        %get3A_382 = tpu.vector_load %arg6[%get3A_380, %get3A_381] {strides = array<i32>} : memref<8x200xi32, #tpu.memory_space<vmem>>, vector<16xi32>,
        %add3A_383 = arith.constant 1024 : i32
        %add3A_384 = vector.broadcast %add3A_383 : i32 to vector<16xi32>
        %add3A_385 = arith.addi %get3A_382, %add3A_384 : vector<16xi32>
        %mul3A_386 = arith.constant 8 : i32
        %mul3A_387 = vector.broadcast %mul3A_386 : i32 to vector<16xi32>
        %mul3A_388 = arith.muli %iota3A, %mul3A_387 : vector<16xi32>
        %add3A_389 = arith.constant 513 : i32
        %add3A_390 = vector.broadcast %add3A_389 : i32 to vector<16xi32>
        %add3A_391 = arith.addi %mul3A_388, %add3A_390 : vector<16xi32>
        tpu.vector_store_idx %arg7[%add3A_391], %add3A_385 : memref<1600xi32, #tpu.memory_space<vmem>>[vector<16xi32>], vector<16xi32>,
        %get3A_392 = arith.constant 1 : i32
        %get3A_393 = arith.index_cast %get3A_392 : i32 to index
        %get3A_394 = arith.constant 80 : index
        %get3A_395 = tpu.vector_load %arg6[%get3A_393, %get3A_394] {strides = array<i32>} : memref<8x200xi32, #tpu.memory_space<vmem>>, vector<16xi32>,
        %add3A_396 = arith.constant 1024 : i32
        %add3A_397 = vector.broadcast %add3A_396 : i32 to vector<16xi32>
        %add3A_398 = arith.addi %get3A_395, %add3A_397 : vector<16xi32>
        %mul3A_399 = arith.constant 8 : i32
        %mul3A_400 = vector.broadcast %mul3A_399 : i32 to vector<16xi32>
        %mul3A_401 = arith.muli %iota3A, %mul3A_400 : vector<16xi32>
        %add3A_402 = arith.constant 641 : i32
        %add3A_403 = vector.broadcast %add3A_402 : i32 to vector<16xi32>
        %add3A_404 = arith.addi %mul3A_401, %add3A_403 : vector<16xi32>
        tpu.vector_store_idx %arg7[%add3A_404], %add3A_398 : memref<1600xi32, #tpu.memory_space<vmem>>[vector<16xi32>], vector<16xi32>,
        %get3A_405 = arith.constant 1 : i32
        %get3A_406 = arith.index_cast %get3A_405 : i32 to index
        %get3A_407 = arith.constant 96 : index
        %get3A_408 = tpu.vector_load %arg6[%get3A_406, %get3A_407] {strides = array<i32>} : memref<8x200xi32, #tpu.memory_space<vmem>>, vector<16xi32>,
        %add3A_409 = arith.constant 1024 : i32
        %add3A_410 = vector.broadcast %add3A_409 : i32 to vector<16xi32>
        %add3A_411 = arith.addi %get3A_408, %add3A_410 : vector<16xi32>
        %mul3A_412 = arith.constant 8 : i32
        %mul3A_413 = vector.broadcast %mul3A_412 : i32 to vector<16xi32>
        %mul3A_414 = arith.muli %iota3A, %mul3A_413 : vector<16xi32>
        %add3A_415 = arith.constant 769 : i32
        %add3A_416 = vector.broadcast %add3A_415 : i32 to vector<16xi32>
        %add3A_417 = arith.addi %mul3A_414, %add3A_416 : vector<16xi32>
        tpu.vector_store_idx %arg7[%add3A_417], %add3A_411 : memref<1600xi32, #tpu.memory_space<vmem>>[vector<16xi32>], vector<16xi32>,
        %get3A_418 = arith.constant 1 : i32
        %get3A_419 = arith.index_cast %get3A_418 : i32 to index
        %get3A_420 = arith.constant 112 : index
        %get3A_421 = tpu.vector_load %arg6[%get3A_419, %get3A_420] {strides = array<i32>} : memref<8x200xi32, #tpu.memory_space<vmem>>, vector<16xi32>,
        %add3A_422 = arith.constant 1024 : i32
        %add3A_423 = vector.broadcast %add3A_422 : i32 to vector<16xi32>
        %add3A_424 = arith.addi %get3A_421, %add3A_423 : vector<16xi32>
        %mul3A_425 = arith.constant 8 : i32
        %mul3A_426 = vector.broadcast %mul3A_425 : i32 to vector<16xi32>
        %mul3A_427 = arith.muli %iota3A, %mul3A_426 : vector<16xi32>
        %add3A_428 = arith.constant 897 : i32
        %add3A_429 = vector.broadcast %add3A_428 : i32 to vector<16xi32>
        %add3A_430 = arith.addi %mul3A_427, %add3A_429 : vector<16xi32>
        tpu.vector_store_idx %arg7[%add3A_430], %add3A_424 : memref<1600xi32, #tpu.memory_space<vmem>>[vector<16xi32>], vector<16xi32>,
        %get3A_431 = arith.constant 1 : i32
        %get3A_432 = arith.index_cast %get3A_431 : i32 to index
        %get3A_433 = arith.constant 128 : index
        %get3A_434 = tpu.vector_load %arg6[%get3A_432, %get3A_433] {strides = array<i32>} : memref<8x200xi32, #tpu.memory_space<vmem>>, vector<16xi32>,
        %add3A_435 = arith.constant 1024 : i32
        %add3A_436 = vector.broadcast %add3A_435 : i32 to vector<16xi32>
        %add3A_437 = arith.addi %get3A_434, %add3A_436 : vector<16xi32>
        %mul3A_438 = arith.constant 8 : i32
        %mul3A_439 = vector.broadcast %mul3A_438 : i32 to vector<16xi32>
        %mul3A_440 = arith.muli %iota3A, %mul3A_439 : vector<16xi32>
        %add3A_441 = arith.constant 1025 : i32
        %add3A_442 = vector.broadcast %add3A_441 : i32 to vector<16xi32>
        %add3A_443 = arith.addi %mul3A_440, %add3A_442 : vector<16xi32>
        tpu.vector_store_idx %arg7[%add3A_443], %add3A_437 : memref<1600xi32, #tpu.memory_space<vmem>>[vector<16xi32>], vector<16xi32>,
        %get3A_444 = arith.constant 1 : i32
        %get3A_445 = arith.index_cast %get3A_444 : i32 to index
        %get3A_446 = arith.constant 144 : index
        %get3A_447 = tpu.vector_load %arg6[%get3A_445, %get3A_446] {strides = array<i32>} : memref<8x200xi32, #tpu.memory_space<vmem>>, vector<16xi32>,
        %add3A_448 = arith.constant 1024 : i32
        %add3A_449 = vector.broadcast %add3A_448 : i32 to vector<16xi32>
        %add3A_450 = arith.addi %get3A_447, %add3A_449 : vector<16xi32>
        %mul3A_451 = arith.constant 8 : i32
        %mul3A_452 = vector.broadcast %mul3A_451 : i32 to vector<16xi32>
        %mul3A_453 = arith.muli %iota3A, %mul3A_452 : vector<16xi32>
        %add3A_454 = arith.constant 1153 : i32
        %add3A_455 = vector.broadcast %add3A_454 : i32 to vector<16xi32>
        %add3A_456 = arith.addi %mul3A_453, %add3A_455 : vector<16xi32>
        tpu.vector_store_idx %arg7[%add3A_456], %add3A_450 : memref<1600xi32, #tpu.memory_space<vmem>>[vector<16xi32>], vector<16xi32>,
        %get3A_457 = arith.constant 1 : i32
        %get3A_458 = arith.index_cast %get3A_457 : i32 to index
        %get3A_459 = arith.constant 160 : index
        %get3A_460 = tpu.vector_load %arg6[%get3A_458, %get3A_459] {strides = array<i32>} : memref<8x200xi32, #tpu.memory_space<vmem>>, vector<16xi32>,
        %add3A_461 = arith.constant 1024 : i32
        %add3A_462 = vector.broadcast %add3A_461 : i32 to vector<16xi32>
        %add3A_463 = arith.addi %get3A_460, %add3A_462 : vector<16xi32>
        %mul3A_464 = arith.constant 8 : i32
        %mul3A_465 = vector.broadcast %mul3A_464 : i32 to vector<16xi32>
        %mul3A_466 = arith.muli %iota3A, %mul3A_465 : vector<16xi32>
        %add3A_467 = arith.constant 1281 : i32
        %add3A_468 = vector.broadcast %add3A_467 : i32 to vector<16xi32>
        %add3A_469 = arith.addi %mul3A_466, %add3A_468 : vector<16xi32>
        tpu.vector_store_idx %arg7[%add3A_469], %add3A_463 : memref<1600xi32, #tpu.memory_space<vmem>>[vector<16xi32>], vector<16xi32>,
        %get3A_470 = arith.constant 1 : i32
        %get3A_471 = arith.index_cast %get3A_470 : i32 to index
        %get3A_472 = arith.constant 176 : index
        %get3A_473 = tpu.vector_load %arg6[%get3A_471, %get3A_472] {strides = array<i32>} : memref<8x200xi32, #tpu.memory_space<vmem>>, vector<16xi32>,
        %add3A_474 = arith.constant 1024 : i32
        %add3A_475 = vector.broadcast %add3A_474 : i32 to vector<16xi32>
        %add3A_476 = arith.addi %get3A_473, %add3A_475 : vector<16xi32>
        %mul3A_477 = arith.constant 8 : i32
        %mul3A_478 = vector.broadcast %mul3A_477 : i32 to vector<16xi32>
        %mul3A_479 = arith.muli %iota3A, %mul3A_478 : vector<16xi32>
        %add3A_480 = arith.constant 1409 : i32
        %add3A_481 = vector.broadcast %add3A_480 : i32 to vector<16xi32>
        %add3A_482 = arith.addi %mul3A_479, %add3A_481 : vector<16xi32>
        tpu.vector_store_idx %arg7[%add3A_482], %add3A_476 : memref<1600xi32, #tpu.memory_space<vmem>>[vector<16xi32>], vector<16xi32>,
        %get3A_483 = arith.constant 1 : i32
        %get3A_484 = arith.index_cast %get3A_483 : i32 to index
        %get3A_485 = arith.constant 184 : index
        %get3A_486 = tpu.vector_load %arg6[%get3A_484, %get3A_485] {strides = array<i32>} : memref<8x200xi32, #tpu.memory_space<vmem>>, vector<16xi32>,
        %add3A_487 = arith.constant 1024 : i32
        %add3A_488 = vector.broadcast %add3A_487 : i32 to vector<16xi32>
        %add3A_489 = arith.addi %get3A_486, %add3A_488 : vector<16xi32>
        %mul3A_490 = arith.constant 8 : i32
        %mul3A_491 = vector.broadcast %mul3A_490 : i32 to vector<16xi32>
        %mul3A_492 = arith.muli %iota3A, %mul3A_491 : vector<16xi32>
        %add3A_493 = arith.constant 1473 : i32
        %add3A_494 = vector.broadcast %add3A_493 : i32 to vector<16xi32>
        %add3A_495 = arith.addi %mul3A_492, %add3A_494 : vector<16xi32>
        tpu.vector_store_idx %arg7[%add3A_495], %add3A_489 : memref<1600xi32, #tpu.memory_space<vmem>>[vector<16xi32>], vector<16xi32>,
        %get3A_496 = arith.constant 2 : i32
        %get3A_497 = arith.index_cast %get3A_496 : i32 to index
        %get3A_498 = arith.constant 0 : index
        %get3A_499 = tpu.vector_load %arg6[%get3A_497, %get3A_498] {strides = array<i32>} : memref<8x200xi32, #tpu.memory_space<vmem>>, vector<16xi32>,
        %add3A_500 = arith.constant 2048 : i32
        %add3A_501 = vector.broadcast %add3A_500 : i32 to vector<16xi32>
        %add3A_502 = arith.addi %get3A_499, %add3A_501 : vector<16xi32>
        %mul3A_503 = arith.constant 8 : i32
        %mul3A_504 = vector.broadcast %mul3A_503 : i32 to vector<16xi32>
        %mul3A_505 = arith.muli %iota3A, %mul3A_504 : vector<16xi32>
        %add3A_506 = arith.constant 2 : i32
        %add3A_507 = vector.broadcast %add3A_506 : i32 to vector<16xi32>
        %add3A_508 = arith.addi %mul3A_505, %add3A_507 : vector<16xi32>
        tpu.vector_store_idx %arg7[%add3A_508], %add3A_502 : memref<1600xi32, #tpu.memory_space<vmem>>[vector<16xi32>], vector<16xi32>,
        %get3A_509 = arith.constant 2 : i32
        %get3A_510 = arith.index_cast %get3A_509 : i32 to index
        %get3A_511 = arith.constant 16 : index
        %get3A_512 = tpu.vector_load %arg6[%get3A_510, %get3A_511] {strides = array<i32>} : memref<8x200xi32, #tpu.memory_space<vmem>>, vector<16xi32>,
        %add3A_513 = arith.constant 2048 : i32
        %add3A_514 = vector.broadcast %add3A_513 : i32 to vector<16xi32>
        %add3A_515 = arith.addi %get3A_512, %add3A_514 : vector<16xi32>
        %mul3A_516 = arith.constant 8 : i32
        %mul3A_517 = vector.broadcast %mul3A_516 : i32 to vector<16xi32>
        %mul3A_518 = arith.muli %iota3A, %mul3A_517 : vector<16xi32>
        %add3A_519 = arith.constant 130 : i32
        %add3A_520 = vector.broadcast %add3A_519 : i32 to vector<16xi32>
        %add3A_521 = arith.addi %mul3A_518, %add3A_520 : vector<16xi32>
        tpu.vector_store_idx %arg7[%add3A_521], %add3A_515 : memref<1600xi32, #tpu.memory_space<vmem>>[vector<16xi32>], vector<16xi32>,
        %get3A_522 = arith.constant 2 : i32
        %get3A_523 = arith.index_cast %get3A_522 : i32 to index
        %get3A_524 = arith.constant 32 : index
        %get3A_525 = tpu.vector_load %arg6[%get3A_523, %get3A_524] {strides = array<i32>} : memref<8x200xi32, #tpu.memory_space<vmem>>, vector<16xi32>,
        %add3A_526 = arith.constant 2048 : i32
        %add3A_527 = vector.broadcast %add3A_526 : i32 to vector<16xi32>
        %add3A_528 = arith.addi %get3A_525, %add3A_527 : vector<16xi32>
        %mul3A_529 = arith.constant 8 : i32
        %mul3A_530 = vector.broadcast %mul3A_529 : i32 to vector<16xi32>
        %mul3A_531 = arith.muli %iota3A, %mul3A_530 : vector<16xi32>
        %add3A_532 = arith.constant 258 : i32
        %add3A_533 = vector.broadcast %add3A_532 : i32 to vector<16xi32>
        %add3A_534 = arith.addi %mul3A_531, %add3A_533 : vector<16xi32>
        tpu.vector_store_idx %arg7[%add3A_534], %add3A_528 : memref<1600xi32, #tpu.memory_space<vmem>>[vector<16xi32>], vector<16xi32>,
        %get3A_535 = arith.constant 2 : i32
        %get3A_536 = arith.index_cast %get3A_535 : i32 to index
        %get3A_537 = arith.constant 48 : index
        %get3A_538 = tpu.vector_load %arg6[%get3A_536, %get3A_537] {strides = array<i32>} : memref<8x200xi32, #tpu.memory_space<vmem>>, vector<16xi32>,
        %add3A_539 = arith.constant 2048 : i32
        %add3A_540 = vector.broadcast %add3A_539 : i32 to vector<16xi32>
        %add3A_541 = arith.addi %get3A_538, %add3A_540 : vector<16xi32>
        %mul3A_542 = arith.constant 8 : i32
        %mul3A_543 = vector.broadcast %mul3A_542 : i32 to vector<16xi32>
        %mul3A_544 = arith.muli %iota3A, %mul3A_543 : vector<16xi32>
        %add3A_545 = arith.constant 386 : i32
        %add3A_546 = vector.broadcast %add3A_545 : i32 to vector<16xi32>
        %add3A_547 = arith.addi %mul3A_544, %add3A_546 : vector<16xi32>
        tpu.vector_store_idx %arg7[%add3A_547], %add3A_541 : memref<1600xi32, #tpu.memory_space<vmem>>[vector<16xi32>], vector<16xi32>,
        %get3A_548 = arith.constant 2 : i32
        %get3A_549 = arith.index_cast %get3A_548 : i32 to index
        %get3A_550 = arith.constant 64 : index
        %get3A_551 = tpu.vector_load %arg6[%get3A_549, %get3A_550] {strides = array<i32>} : memref<8x200xi32, #tpu.memory_space<vmem>>, vector<16xi32>,
        %add3A_552 = arith.constant 2048 : i32
        %add3A_553 = vector.broadcast %add3A_552 : i32 to vector<16xi32>
        %add3A_554 = arith.addi %get3A_551, %add3A_553 : vector<16xi32>
        %mul3A_555 = arith.constant 8 : i32
        %mul3A_556 = vector.broadcast %mul3A_555 : i32 to vector<16xi32>
        %mul3A_557 = arith.muli %iota3A, %mul3A_556 : vector<16xi32>
        %add3A_558 = arith.constant 514 : i32
        %add3A_559 = vector.broadcast %add3A_558 : i32 to vector<16xi32>
        %add3A_560 = arith.addi %mul3A_557, %add3A_559 : vector<16xi32>
        tpu.vector_store_idx %arg7[%add3A_560], %add3A_554 : memref<1600xi32, #tpu.memory_space<vmem>>[vector<16xi32>], vector<16xi32>,
        %get3A_561 = arith.constant 2 : i32
        %get3A_562 = arith.index_cast %get3A_561 : i32 to index
        %get3A_563 = arith.constant 80 : index
        %get3A_564 = tpu.vector_load %arg6[%get3A_562, %get3A_563] {strides = array<i32>} : memref<8x200xi32, #tpu.memory_space<vmem>>, vector<16xi32>,
        %add3A_565 = arith.constant 2048 : i32
        %add3A_566 = vector.broadcast %add3A_565 : i32 to vector<16xi32>
        %add3A_567 = arith.addi %get3A_564, %add3A_566 : vector<16xi32>
        %mul3A_568 = arith.constant 8 : i32
        %mul3A_569 = vector.broadcast %mul3A_568 : i32 to vector<16xi32>
        %mul3A_570 = arith.muli %iota3A, %mul3A_569 : vector<16xi32>
        %add3A_571 = arith.constant 642 : i32
        %add3A_572 = vector.broadcast %add3A_571 : i32 to vector<16xi32>
        %add3A_573 = arith.addi %mul3A_570, %add3A_572 : vector<16xi32>
        tpu.vector_store_idx %arg7[%add3A_573], %add3A_567 : memref<1600xi32, #tpu.memory_space<vmem>>[vector<16xi32>], vector<16xi32>,
        %get3A_574 = arith.constant 2 : i32
        %get3A_575 = arith.index_cast %get3A_574 : i32 to index
        %get3A_576 = arith.constant 96 : index
        %get3A_577 = tpu.vector_load %arg6[%get3A_575, %get3A_576] {strides = array<i32>} : memref<8x200xi32, #tpu.memory_space<vmem>>, vector<16xi32>,
        %add3A_578 = arith.constant 2048 : i32
        %add3A_579 = vector.broadcast %add3A_578 : i32 to vector<16xi32>
        %add3A_580 = arith.addi %get3A_577, %add3A_579 : vector<16xi32>
        %mul3A_581 = arith.constant 8 : i32
        %mul3A_582 = vector.broadcast %mul3A_581 : i32 to vector<16xi32>
        %mul3A_583 = arith.muli %iota3A, %mul3A_582 : vector<16xi32>
        %add3A_584 = arith.constant 770 : i32
        %add3A_585 = vector.broadcast %add3A_584 : i32 to vector<16xi32>
        %add3A_586 = arith.addi %mul3A_583, %add3A_585 : vector<16xi32>
        tpu.vector_store_idx %arg7[%add3A_586], %add3A_580 : memref<1600xi32, #tpu.memory_space<vmem>>[vector<16xi32>], vector<16xi32>,
        %get3A_587 = arith.constant 2 : i32
        %get3A_588 = arith.index_cast %get3A_587 : i32 to index
        %get3A_589 = arith.constant 112 : index
        %get3A_590 = tpu.vector_load %arg6[%get3A_588, %get3A_589] {strides = array<i32>} : memref<8x200xi32, #tpu.memory_space<vmem>>, vector<16xi32>,
        %add3A_591 = arith.constant 2048 : i32
        %add3A_592 = vector.broadcast %add3A_591 : i32 to vector<16xi32>
        %add3A_593 = arith.addi %get3A_590, %add3A_592 : vector<16xi32>
        %mul3A_594 = arith.constant 8 : i32
        %mul3A_595 = vector.broadcast %mul3A_594 : i32 to vector<16xi32>
        %mul3A_596 = arith.muli %iota3A, %mul3A_595 : vector<16xi32>
        %add3A_597 = arith.constant 898 : i32
        %add3A_598 = vector.broadcast %add3A_597 : i32 to vector<16xi32>
        %add3A_599 = arith.addi %mul3A_596, %add3A_598 : vector<16xi32>
        tpu.vector_store_idx %arg7[%add3A_599], %add3A_593 : memref<1600xi32, #tpu.memory_space<vmem>>[vector<16xi32>], vector<16xi32>,
        %get3A_600 = arith.constant 2 : i32
        %get3A_601 = arith.index_cast %get3A_600 : i32 to index
        %get3A_602 = arith.constant 128 : index
        %get3A_603 = tpu.vector_load %arg6[%get3A_601, %get3A_602] {strides = array<i32>} : memref<8x200xi32, #tpu.memory_space<vmem>>, vector<16xi32>,
        %add3A_604 = arith.constant 2048 : i32
        %add3A_605 = vector.broadcast %add3A_604 : i32 to vector<16xi32>
        %add3A_606 = arith.addi %get3A_603, %add3A_605 : vector<16xi32>
        %mul3A_607 = arith.constant 8 : i32
        %mul3A_608 = vector.broadcast %mul3A_607 : i32 to vector<16xi32>
        %mul3A_609 = arith.muli %iota3A, %mul3A_608 : vector<16xi32>
        %add3A_610 = arith.constant 1026 : i32
        %add3A_611 = vector.broadcast %add3A_610 : i32 to vector<16xi32>
        %add3A_612 = arith.addi %mul3A_609, %add3A_611 : vector<16xi32>
        tpu.vector_store_idx %arg7[%add3A_612], %add3A_606 : memref<1600xi32, #tpu.memory_space<vmem>>[vector<16xi32>], vector<16xi32>,
        %get3A_613 = arith.constant 2 : i32
        %get3A_614 = arith.index_cast %get3A_613 : i32 to index
        %get3A_615 = arith.constant 144 : index
        %get3A_616 = tpu.vector_load %arg6[%get3A_614, %get3A_615] {strides = array<i32>} : memref<8x200xi32, #tpu.memory_space<vmem>>, vector<16xi32>,
        %add3A_617 = arith.constant 2048 : i32
        %add3A_618 = vector.broadcast %add3A_617 : i32 to vector<16xi32>
        %add3A_619 = arith.addi %get3A_616, %add3A_618 : vector<16xi32>
        %mul3A_620 = arith.constant 8 : i32
        %mul3A_621 = vector.broadcast %mul3A_620 : i32 to vector<16xi32>
        %mul3A_622 = arith.muli %iota3A, %mul3A_621 : vector<16xi32>
        %add3A_623 = arith.constant 1154 : i32
        %add3A_624 = vector.broadcast %add3A_623 : i32 to vector<16xi32>
        %add3A_625 = arith.addi %mul3A_622, %add3A_624 : vector<16xi32>
        tpu.vector_store_idx %arg7[%add3A_625], %add3A_619 : memref<1600xi32, #tpu.memory_space<vmem>>[vector<16xi32>], vector<16xi32>,
        %get3A_626 = arith.constant 2 : i32
        %get3A_627 = arith.index_cast %get3A_626 : i32 to index
        %get3A_628 = arith.constant 160 : index
        %get3A_629 = tpu.vector_load %arg6[%get3A_627, %get3A_628] {strides = array<i32>} : memref<8x200xi32, #tpu.memory_space<vmem>>, vector<16xi32>,
        %add3A_630 = arith.constant 2048 : i32
        %add3A_631 = vector.broadcast %add3A_630 : i32 to vector<16xi32>
        %add3A_632 = arith.addi %get3A_629, %add3A_631 : vector<16xi32>
        %mul3A_633 = arith.constant 8 : i32
        %mul3A_634 = vector.broadcast %mul3A_633 : i32 to vector<16xi32>
        %mul3A_635 = arith.muli %iota3A, %mul3A_634 : vector<16xi32>
        %add3A_636 = arith.constant 1282 : i32
        %add3A_637 = vector.broadcast %add3A_636 : i32 to vector<16xi32>
        %add3A_638 = arith.addi %mul3A_635, %add3A_637 : vector<16xi32>
        tpu.vector_store_idx %arg7[%add3A_638], %add3A_632 : memref<1600xi32, #tpu.memory_space<vmem>>[vector<16xi32>], vector<16xi32>,
        %get3A_639 = arith.constant 2 : i32
        %get3A_640 = arith.index_cast %get3A_639 : i32 to index
        %get3A_641 = arith.constant 176 : index
        %get3A_642 = tpu.vector_load %arg6[%get3A_640, %get3A_641] {strides = array<i32>} : memref<8x200xi32, #tpu.memory_space<vmem>>, vector<16xi32>,
        %add3A_643 = arith.constant 2048 : i32
        %add3A_644 = vector.broadcast %add3A_643 : i32 to vector<16xi32>
        %add3A_645 = arith.addi %get3A_642, %add3A_644 : vector<16xi32>
        %mul3A_646 = arith.constant 8 : i32
        %mul3A_647 = vector.broadcast %mul3A_646 : i32 to vector<16xi32>
        %mul3A_648 = arith.muli %iota3A, %mul3A_647 : vector<16xi32>
        %add3A_649 = arith.constant 1410 : i32
        %add3A_650 = vector.broadcast %add3A_649 : i32 to vector<16xi32>
        %add3A_651 = arith.addi %mul3A_648, %add3A_650 : vector<16xi32>
        tpu.vector_store_idx %arg7[%add3A_651], %add3A_645 : memref<1600xi32, #tpu.memory_space<vmem>>[vector<16xi32>], vector<16xi32>,
        %get3A_652 = arith.constant 2 : i32
        %get3A_653 = arith.index_cast %get3A_652 : i32 to index
        %get3A_654 = arith.constant 184 : index
        %get3A_655 = tpu.vector_load %arg6[%get3A_653, %get3A_654] {strides = array<i32>} : memref<8x200xi32, #tpu.memory_space<vmem>>, vector<16xi32>,
        %add3A_656 = arith.constant 2048 : i32
        %add3A_657 = vector.broadcast %add3A_656 : i32 to vector<16xi32>
        %add3A_658 = arith.addi %get3A_655, %add3A_657 : vector<16xi32>
        %mul3A_659 = arith.constant 8 : i32
        %mul3A_660 = vector.broadcast %mul3A_659 : i32 to vector<16xi32>
        %mul3A_661 = arith.muli %iota3A, %mul3A_660 : vector<16xi32>
        %add3A_662 = arith.constant 1474 : i32
        %add3A_663 = vector.broadcast %add3A_662 : i32 to vector<16xi32>
        %add3A_664 = arith.addi %mul3A_661, %add3A_663 : vector<16xi32>
        tpu.vector_store_idx %arg7[%add3A_664], %add3A_658 : memref<1600xi32, #tpu.memory_space<vmem>>[vector<16xi32>], vector<16xi32>,
        %get3A_665 = arith.constant 3 : i32
        %get3A_666 = arith.index_cast %get3A_665 : i32 to index
        %get3A_667 = arith.constant 0 : index
        %get3A_668 = tpu.vector_load %arg6[%get3A_666, %get3A_667] {strides = array<i32>} : memref<8x200xi32, #tpu.memory_space<vmem>>, vector<16xi32>,
        %add3A_669 = arith.constant 3072 : i32
        %add3A_670 = vector.broadcast %add3A_669 : i32 to vector<16xi32>
        %add3A_671 = arith.addi %get3A_668, %add3A_670 : vector<16xi32>
        %mul3A_672 = arith.constant 8 : i32
        %mul3A_673 = vector.broadcast %mul3A_672 : i32 to vector<16xi32>
        %mul3A_674 = arith.muli %iota3A, %mul3A_673 : vector<16xi32>
        %add3A_675 = arith.constant 3 : i32
        %add3A_676 = vector.broadcast %add3A_675 : i32 to vector<16xi32>
        %add3A_677 = arith.addi %mul3A_674, %add3A_676 : vector<16xi32>
        tpu.vector_store_idx %arg7[%add3A_677], %add3A_671 : memref<1600xi32, #tpu.memory_space<vmem>>[vector<16xi32>], vector<16xi32>,
        %get3A_678 = arith.constant 3 : i32
        %get3A_679 = arith.index_cast %get3A_678 : i32 to index
        %get3A_680 = arith.constant 16 : index
        %get3A_681 = tpu.vector_load %arg6[%get3A_679, %get3A_680] {strides = array<i32>} : memref<8x200xi32, #tpu.memory_space<vmem>>, vector<16xi32>,
        %add3A_682 = arith.constant 3072 : i32
        %add3A_683 = vector.broadcast %add3A_682 : i32 to vector<16xi32>
        %add3A_684 = arith.addi %get3A_681, %add3A_683 : vector<16xi32>
        %mul3A_685 = arith.constant 8 : i32
        %mul3A_686 = vector.broadcast %mul3A_685 : i32 to vector<16xi32>
        %mul3A_687 = arith.muli %iota3A, %mul3A_686 : vector<16xi32>
        %add3A_688 = arith.constant 131 : i32
        %add3A_689 = vector.broadcast %add3A_688 : i32 to vector<16xi32>
        %add3A_690 = arith.addi %mul3A_687, %add3A_689 : vector<16xi32>
        tpu.vector_store_idx %arg7[%add3A_690], %add3A_684 : memref<1600xi32, #tpu.memory_space<vmem>>[vector<16xi32>], vector<16xi32>,
        %get3A_691 = arith.constant 3 : i32
        %get3A_692 = arith.index_cast %get3A_691 : i32 to index
        %get3A_693 = arith.constant 32 : index
        %get3A_694 = tpu.vector_load %arg6[%get3A_692, %get3A_693] {strides = array<i32>} : memref<8x200xi32, #tpu.memory_space<vmem>>, vector<16xi32>,
        %add3A_695 = arith.constant 3072 : i32
        %add3A_696 = vector.broadcast %add3A_695 : i32 to vector<16xi32>
        %add3A_697 = arith.addi %get3A_694, %add3A_696 : vector<16xi32>
        %mul3A_698 = arith.constant 8 : i32
        %mul3A_699 = vector.broadcast %mul3A_698 : i32 to vector<16xi32>
        %mul3A_700 = arith.muli %iota3A, %mul3A_699 : vector<16xi32>
        %add3A_701 = arith.constant 259 : i32
        %add3A_702 = vector.broadcast %add3A_701 : i32 to vector<16xi32>
        %add3A_703 = arith.addi %mul3A_700, %add3A_702 : vector<16xi32>
        tpu.vector_store_idx %arg7[%add3A_703], %add3A_697 : memref<1600xi32, #tpu.memory_space<vmem>>[vector<16xi32>], vector<16xi32>,
        %get3A_704 = arith.constant 3 : i32
        %get3A_705 = arith.index_cast %get3A_704 : i32 to index
        %get3A_706 = arith.constant 48 : index
        %get3A_707 = tpu.vector_load %arg6[%get3A_705, %get3A_706] {strides = array<i32>} : memref<8x200xi32, #tpu.memory_space<vmem>>, vector<16xi32>,
        %add3A_708 = arith.constant 3072 : i32
        %add3A_709 = vector.broadcast %add3A_708 : i32 to vector<16xi32>
        %add3A_710 = arith.addi %get3A_707, %add3A_709 : vector<16xi32>
        %mul3A_711 = arith.constant 8 : i32
        %mul3A_712 = vector.broadcast %mul3A_711 : i32 to vector<16xi32>
        %mul3A_713 = arith.muli %iota3A, %mul3A_712 : vector<16xi32>
        %add3A_714 = arith.constant 387 : i32
        %add3A_715 = vector.broadcast %add3A_714 : i32 to vector<16xi32>
        %add3A_716 = arith.addi %mul3A_713, %add3A_715 : vector<16xi32>
        tpu.vector_store_idx %arg7[%add3A_716], %add3A_710 : memref<1600xi32, #tpu.memory_space<vmem>>[vector<16xi32>], vector<16xi32>,
        %get3A_717 = arith.constant 3 : i32
        %get3A_718 = arith.index_cast %get3A_717 : i32 to index
        %get3A_719 = arith.constant 64 : index
        %get3A_720 = tpu.vector_load %arg6[%get3A_718, %get3A_719] {strides = array<i32>} : memref<8x200xi32, #tpu.memory_space<vmem>>, vector<16xi32>,
        %add3A_721 = arith.constant 3072 : i32
        %add3A_722 = vector.broadcast %add3A_721 : i32 to vector<16xi32>
        %add3A_723 = arith.addi %get3A_720, %add3A_722 : vector<16xi32>
        %mul3A_724 = arith.constant 8 : i32
        %mul3A_725 = vector.broadcast %mul3A_724 : i32 to vector<16xi32>
        %mul3A_726 = arith.muli %iota3A, %mul3A_725 : vector<16xi32>
        %add3A_727 = arith.constant 515 : i32
        %add3A_728 = vector.broadcast %add3A_727 : i32 to vector<16xi32>
        %add3A_729 = arith.addi %mul3A_726, %add3A_728 : vector<16xi32>
        tpu.vector_store_idx %arg7[%add3A_729], %add3A_723 : memref<1600xi32, #tpu.memory_space<vmem>>[vector<16xi32>], vector<16xi32>,
        %get3A_730 = arith.constant 3 : i32
        %get3A_731 = arith.index_cast %get3A_730 : i32 to index
        %get3A_732 = arith.constant 80 : index
        %get3A_733 = tpu.vector_load %arg6[%get3A_731, %get3A_732] {strides = array<i32>} : memref<8x200xi32, #tpu.memory_space<vmem>>, vector<16xi32>,
        %add3A_734 = arith.constant 3072 : i32
        %add3A_735 = vector.broadcast %add3A_734 : i32 to vector<16xi32>
        %add3A_736 = arith.addi %get3A_733, %add3A_735 : vector<16xi32>
        %mul3A_737 = arith.constant 8 : i32
        %mul3A_738 = vector.broadcast %mul3A_737 : i32 to vector<16xi32>
        %mul3A_739 = arith.muli %iota3A, %mul3A_738 : vector<16xi32>
        %add3A_740 = arith.constant 643 : i32
        %add3A_741 = vector.broadcast %add3A_740 : i32 to vector<16xi32>
        %add3A_742 = arith.addi %mul3A_739, %add3A_741 : vector<16xi32>
        tpu.vector_store_idx %arg7[%add3A_742], %add3A_736 : memref<1600xi32, #tpu.memory_space<vmem>>[vector<16xi32>], vector<16xi32>,
        %get3A_743 = arith.constant 3 : i32
        %get3A_744 = arith.index_cast %get3A_743 : i32 to index
        %get3A_745 = arith.constant 96 : index
        %get3A_746 = tpu.vector_load %arg6[%get3A_744, %get3A_745] {strides = array<i32>} : memref<8x200xi32, #tpu.memory_space<vmem>>, vector<16xi32>,
        %add3A_747 = arith.constant 3072 : i32
        %add3A_748 = vector.broadcast %add3A_747 : i32 to vector<16xi32>
        %add3A_749 = arith.addi %get3A_746, %add3A_748 : vector<16xi32>
        %mul3A_750 = arith.constant 8 : i32
        %mul3A_751 = vector.broadcast %mul3A_750 : i32 to vector<16xi32>
        %mul3A_752 = arith.muli %iota3A, %mul3A_751 : vector<16xi32>
        %add3A_753 = arith.constant 771 : i32
        %add3A_754 = vector.broadcast %add3A_753 : i32 to vector<16xi32>
        %add3A_755 = arith.addi %mul3A_752, %add3A_754 : vector<16xi32>
        tpu.vector_store_idx %arg7[%add3A_755], %add3A_749 : memref<1600xi32, #tpu.memory_space<vmem>>[vector<16xi32>], vector<16xi32>,
        %get3A_756 = arith.constant 3 : i32
        %get3A_757 = arith.index_cast %get3A_756 : i32 to index
        %get3A_758 = arith.constant 112 : index
        %get3A_759 = tpu.vector_load %arg6[%get3A_757, %get3A_758] {strides = array<i32>} : memref<8x200xi32, #tpu.memory_space<vmem>>, vector<16xi32>,
        %add3A_760 = arith.constant 3072 : i32
        %add3A_761 = vector.broadcast %add3A_760 : i32 to vector<16xi32>
        %add3A_762 = arith.addi %get3A_759, %add3A_761 : vector<16xi32>
        %mul3A_763 = arith.constant 8 : i32
        %mul3A_764 = vector.broadcast %mul3A_763 : i32 to vector<16xi32>
        %mul3A_765 = arith.muli %iota3A, %mul3A_764 : vector<16xi32>
        %add3A_766 = arith.constant 899 : i32
        %add3A_767 = vector.broadcast %add3A_766 : i32 to vector<16xi32>
        %add3A_768 = arith.addi %mul3A_765, %add3A_767 : vector<16xi32>
        tpu.vector_store_idx %arg7[%add3A_768], %add3A_762 : memref<1600xi32, #tpu.memory_space<vmem>>[vector<16xi32>], vector<16xi32>,
        %get3A_769 = arith.constant 3 : i32
        %get3A_770 = arith.index_cast %get3A_769 : i32 to index
        %get3A_771 = arith.constant 128 : index
        %get3A_772 = tpu.vector_load %arg6[%get3A_770, %get3A_771] {strides = array<i32>} : memref<8x200xi32, #tpu.memory_space<vmem>>, vector<16xi32>,
        %add3A_773 = arith.constant 3072 : i32
        %add3A_774 = vector.broadcast %add3A_773 : i32 to vector<16xi32>
        %add3A_775 = arith.addi %get3A_772, %add3A_774 : vector<16xi32>
        %mul3A_776 = arith.constant 8 : i32
        %mul3A_777 = vector.broadcast %mul3A_776 : i32 to vector<16xi32>
        %mul3A_778 = arith.muli %iota3A, %mul3A_777 : vector<16xi32>
        %add3A_779 = arith.constant 1027 : i32
        %add3A_780 = vector.broadcast %add3A_779 : i32 to vector<16xi32>
        %add3A_781 = arith.addi %mul3A_778, %add3A_780 : vector<16xi32>
        tpu.vector_store_idx %arg7[%add3A_781], %add3A_775 : memref<1600xi32, #tpu.memory_space<vmem>>[vector<16xi32>], vector<16xi32>,
        %get3A_782 = arith.constant 3 : i32
        %get3A_783 = arith.index_cast %get3A_782 : i32 to index
        %get3A_784 = arith.constant 144 : index
        %get3A_785 = tpu.vector_load %arg6[%get3A_783, %get3A_784] {strides = array<i32>} : memref<8x200xi32, #tpu.memory_space<vmem>>, vector<16xi32>,
        %add3A_786 = arith.constant 3072 : i32
        %add3A_787 = vector.broadcast %add3A_786 : i32 to vector<16xi32>
        %add3A_788 = arith.addi %get3A_785, %add3A_787 : vector<16xi32>
        %mul3A_789 = arith.constant 8 : i32
        %mul3A_790 = vector.broadcast %mul3A_789 : i32 to vector<16xi32>
        %mul3A_791 = arith.muli %iota3A, %mul3A_790 : vector<16xi32>
        %add3A_792 = arith.constant 1155 : i32
        %add3A_793 = vector.broadcast %add3A_792 : i32 to vector<16xi32>
        %add3A_794 = arith.addi %mul3A_791, %add3A_793 : vector<16xi32>
        tpu.vector_store_idx %arg7[%add3A_794], %add3A_788 : memref<1600xi32, #tpu.memory_space<vmem>>[vector<16xi32>], vector<16xi32>,
        %get3A_795 = arith.constant 3 : i32
        %get3A_796 = arith.index_cast %get3A_795 : i32 to index
        %get3A_797 = arith.constant 160 : index
        %get3A_798 = tpu.vector_load %arg6[%get3A_796, %get3A_797] {strides = array<i32>} : memref<8x200xi32, #tpu.memory_space<vmem>>, vector<16xi32>,
        %add3A_799 = arith.constant 3072 : i32
        %add3A_800 = vector.broadcast %add3A_799 : i32 to vector<16xi32>
        %add3A_801 = arith.addi %get3A_798, %add3A_800 : vector<16xi32>
        %mul3A_802 = arith.constant 8 : i32
        %mul3A_803 = vector.broadcast %mul3A_802 : i32 to vector<16xi32>
        %mul3A_804 = arith.muli %iota3A, %mul3A_803 : vector<16xi32>
        %add3A_805 = arith.constant 1283 : i32
        %add3A_806 = vector.broadcast %add3A_805 : i32 to vector<16xi32>
        %add3A_807 = arith.addi %mul3A_804, %add3A_806 : vector<16xi32>
        tpu.vector_store_idx %arg7[%add3A_807], %add3A_801 : memref<1600xi32, #tpu.memory_space<vmem>>[vector<16xi32>], vector<16xi32>,
        %get3A_808 = arith.constant 3 : i32
        %get3A_809 = arith.index_cast %get3A_808 : i32 to index
        %get3A_810 = arith.constant 176 : index
        %get3A_811 = tpu.vector_load %arg6[%get3A_809, %get3A_810] {strides = array<i32>} : memref<8x200xi32, #tpu.memory_space<vmem>>, vector<16xi32>,
        %add3A_812 = arith.constant 3072 : i32
        %add3A_813 = vector.broadcast %add3A_812 : i32 to vector<16xi32>
        %add3A_814 = arith.addi %get3A_811, %add3A_813 : vector<16xi32>
        %mul3A_815 = arith.constant 8 : i32
        %mul3A_816 = vector.broadcast %mul3A_815 : i32 to vector<16xi32>
        %mul3A_817 = arith.muli %iota3A, %mul3A_816 : vector<16xi32>
        %add3A_818 = arith.constant 1411 : i32
        %add3A_819 = vector.broadcast %add3A_818 : i32 to vector<16xi32>
        %add3A_820 = arith.addi %mul3A_817, %add3A_819 : vector<16xi32>
        tpu.vector_store_idx %arg7[%add3A_820], %add3A_814 : memref<1600xi32, #tpu.memory_space<vmem>>[vector<16xi32>], vector<16xi32>,
        %get3A_821 = arith.constant 3 : i32
        %get3A_822 = arith.index_cast %get3A_821 : i32 to index
        %get3A_823 = arith.constant 184 : index
        %get3A_824 = tpu.vector_load %arg6[%get3A_822, %get3A_823] {strides = array<i32>} : memref<8x200xi32, #tpu.memory_space<vmem>>, vector<16xi32>,
        %add3A_825 = arith.constant 3072 : i32
        %add3A_826 = vector.broadcast %add3A_825 : i32 to vector<16xi32>
        %add3A_827 = arith.addi %get3A_824, %add3A_826 : vector<16xi32>
        %mul3A_828 = arith.constant 8 : i32
        %mul3A_829 = vector.broadcast %mul3A_828 : i32 to vector<16xi32>
        %mul3A_830 = arith.muli %iota3A, %mul3A_829 : vector<16xi32>
        %add3A_831 = arith.constant 1475 : i32
        %add3A_832 = vector.broadcast %add3A_831 : i32 to vector<16xi32>
        %add3A_833 = arith.addi %mul3A_830, %add3A_832 : vector<16xi32>
        tpu.vector_store_idx %arg7[%add3A_833], %add3A_827 : memref<1600xi32, #tpu.memory_space<vmem>>[vector<16xi32>], vector<16xi32>,
        %get3A_834 = arith.constant 4 : i32
        %get3A_835 = arith.index_cast %get3A_834 : i32 to index
        %get3A_836 = arith.constant 0 : index
        %get3A_837 = tpu.vector_load %arg6[%get3A_835, %get3A_836] {strides = array<i32>} : memref<8x200xi32, #tpu.memory_space<vmem>>, vector<16xi32>,
        %add3A_838 = arith.constant 4096 : i32
        %add3A_839 = vector.broadcast %add3A_838 : i32 to vector<16xi32>
        %add3A_840 = arith.addi %get3A_837, %add3A_839 : vector<16xi32>
        %mul3A_841 = arith.constant 8 : i32
        %mul3A_842 = vector.broadcast %mul3A_841 : i32 to vector<16xi32>
        %mul3A_843 = arith.muli %iota3A, %mul3A_842 : vector<16xi32>
        %add3A_844 = arith.constant 4 : i32
        %add3A_845 = vector.broadcast %add3A_844 : i32 to vector<16xi32>
        %add3A_846 = arith.addi %mul3A_843, %add3A_845 : vector<16xi32>
        tpu.vector_store_idx %arg7[%add3A_846], %add3A_840 : memref<1600xi32, #tpu.memory_space<vmem>>[vector<16xi32>], vector<16xi32>,
        %get3A_847 = arith.constant 4 : i32
        %get3A_848 = arith.index_cast %get3A_847 : i32 to index
        %get3A_849 = arith.constant 16 : index
        %get3A_850 = tpu.vector_load %arg6[%get3A_848, %get3A_849] {strides = array<i32>} : memref<8x200xi32, #tpu.memory_space<vmem>>, vector<16xi32>,
        %add3A_851 = arith.constant 4096 : i32
        %add3A_852 = vector.broadcast %add3A_851 : i32 to vector<16xi32>
        %add3A_853 = arith.addi %get3A_850, %add3A_852 : vector<16xi32>
        %mul3A_854 = arith.constant 8 : i32
        %mul3A_855 = vector.broadcast %mul3A_854 : i32 to vector<16xi32>
        %mul3A_856 = arith.muli %iota3A, %mul3A_855 : vector<16xi32>
        %add3A_857 = arith.constant 132 : i32
        %add3A_858 = vector.broadcast %add3A_857 : i32 to vector<16xi32>
        %add3A_859 = arith.addi %mul3A_856, %add3A_858 : vector<16xi32>
        tpu.vector_store_idx %arg7[%add3A_859], %add3A_853 : memref<1600xi32, #tpu.memory_space<vmem>>[vector<16xi32>], vector<16xi32>,
        %get3A_860 = arith.constant 4 : i32
        %get3A_861 = arith.index_cast %get3A_860 : i32 to index
        %get3A_862 = arith.constant 32 : index
        %get3A_863 = tpu.vector_load %arg6[%get3A_861, %get3A_862] {strides = array<i32>} : memref<8x200xi32, #tpu.memory_space<vmem>>, vector<16xi32>,
        %add3A_864 = arith.constant 4096 : i32
        %add3A_865 = vector.broadcast %add3A_864 : i32 to vector<16xi32>
        %add3A_866 = arith.addi %get3A_863, %add3A_865 : vector<16xi32>
        %mul3A_867 = arith.constant 8 : i32
        %mul3A_868 = vector.broadcast %mul3A_867 : i32 to vector<16xi32>
        %mul3A_869 = arith.muli %iota3A, %mul3A_868 : vector<16xi32>
        %add3A_870 = arith.constant 260 : i32
        %add3A_871 = vector.broadcast %add3A_870 : i32 to vector<16xi32>
        %add3A_872 = arith.addi %mul3A_869, %add3A_871 : vector<16xi32>
        tpu.vector_store_idx %arg7[%add3A_872], %add3A_866 : memref<1600xi32, #tpu.memory_space<vmem>>[vector<16xi32>], vector<16xi32>,
        %get3A_873 = arith.constant 4 : i32
        %get3A_874 = arith.index_cast %get3A_873 : i32 to index
        %get3A_875 = arith.constant 48 : index
        %get3A_876 = tpu.vector_load %arg6[%get3A_874, %get3A_875] {strides = array<i32>} : memref<8x200xi32, #tpu.memory_space<vmem>>, vector<16xi32>,
        %add3A_877 = arith.constant 4096 : i32
        %add3A_878 = vector.broadcast %add3A_877 : i32 to vector<16xi32>
        %add3A_879 = arith.addi %get3A_876, %add3A_878 : vector<16xi32>
        %mul3A_880 = arith.constant 8 : i32
        %mul3A_881 = vector.broadcast %mul3A_880 : i32 to vector<16xi32>
        %mul3A_882 = arith.muli %iota3A, %mul3A_881 : vector<16xi32>
        %add3A_883 = arith.constant 388 : i32
        %add3A_884 = vector.broadcast %add3A_883 : i32 to vector<16xi32>
        %add3A_885 = arith.addi %mul3A_882, %add3A_884 : vector<16xi32>
        tpu.vector_store_idx %arg7[%add3A_885], %add3A_879 : memref<1600xi32, #tpu.memory_space<vmem>>[vector<16xi32>], vector<16xi32>,
        %get3A_886 = arith.constant 4 : i32
        %get3A_887 = arith.index_cast %get3A_886 : i32 to index
        %get3A_888 = arith.constant 64 : index
        %get3A_889 = tpu.vector_load %arg6[%get3A_887, %get3A_888] {strides = array<i32>} : memref<8x200xi32, #tpu.memory_space<vmem>>, vector<16xi32>,
        %add3A_890 = arith.constant 4096 : i32
        %add3A_891 = vector.broadcast %add3A_890 : i32 to vector<16xi32>
        %add3A_892 = arith.addi %get3A_889, %add3A_891 : vector<16xi32>
        %mul3A_893 = arith.constant 8 : i32
        %mul3A_894 = vector.broadcast %mul3A_893 : i32 to vector<16xi32>
        %mul3A_895 = arith.muli %iota3A, %mul3A_894 : vector<16xi32>
        %add3A_896 = arith.constant 516 : i32
        %add3A_897 = vector.broadcast %add3A_896 : i32 to vector<16xi32>
        %add3A_898 = arith.addi %mul3A_895, %add3A_897 : vector<16xi32>
        tpu.vector_store_idx %arg7[%add3A_898], %add3A_892 : memref<1600xi32, #tpu.memory_space<vmem>>[vector<16xi32>], vector<16xi32>,
        %get3A_899 = arith.constant 4 : i32
        %get3A_900 = arith.index_cast %get3A_899 : i32 to index
        %get3A_901 = arith.constant 80 : index
        %get3A_902 = tpu.vector_load %arg6[%get3A_900, %get3A_901] {strides = array<i32>} : memref<8x200xi32, #tpu.memory_space<vmem>>, vector<16xi32>,
        %add3A_903 = arith.constant 4096 : i32
        %add3A_904 = vector.broadcast %add3A_903 : i32 to vector<16xi32>
        %add3A_905 = arith.addi %get3A_902, %add3A_904 : vector<16xi32>
        %mul3A_906 = arith.constant 8 : i32
        %mul3A_907 = vector.broadcast %mul3A_906 : i32 to vector<16xi32>
        %mul3A_908 = arith.muli %iota3A, %mul3A_907 : vector<16xi32>
        %add3A_909 = arith.constant 644 : i32
        %add3A_910 = vector.broadcast %add3A_909 : i32 to vector<16xi32>
        %add3A_911 = arith.addi %mul3A_908, %add3A_910 : vector<16xi32>
        tpu.vector_store_idx %arg7[%add3A_911], %add3A_905 : memref<1600xi32, #tpu.memory_space<vmem>>[vector<16xi32>], vector<16xi32>,
        %get3A_912 = arith.constant 4 : i32
        %get3A_913 = arith.index_cast %get3A_912 : i32 to index
        %get3A_914 = arith.constant 96 : index
        %get3A_915 = tpu.vector_load %arg6[%get3A_913, %get3A_914] {strides = array<i32>} : memref<8x200xi32, #tpu.memory_space<vmem>>, vector<16xi32>,
        %add3A_916 = arith.constant 4096 : i32
        %add3A_917 = vector.broadcast %add3A_916 : i32 to vector<16xi32>
        %add3A_918 = arith.addi %get3A_915, %add3A_917 : vector<16xi32>
        %mul3A_919 = arith.constant 8 : i32
        %mul3A_920 = vector.broadcast %mul3A_919 : i32 to vector<16xi32>
        %mul3A_921 = arith.muli %iota3A, %mul3A_920 : vector<16xi32>
        %add3A_922 = arith.constant 772 : i32
        %add3A_923 = vector.broadcast %add3A_922 : i32 to vector<16xi32>
        %add3A_924 = arith.addi %mul3A_921, %add3A_923 : vector<16xi32>
        tpu.vector_store_idx %arg7[%add3A_924], %add3A_918 : memref<1600xi32, #tpu.memory_space<vmem>>[vector<16xi32>], vector<16xi32>,
        %get3A_925 = arith.constant 4 : i32
        %get3A_926 = arith.index_cast %get3A_925 : i32 to index
        %get3A_927 = arith.constant 112 : index
        %get3A_928 = tpu.vector_load %arg6[%get3A_926, %get3A_927] {strides = array<i32>} : memref<8x200xi32, #tpu.memory_space<vmem>>, vector<16xi32>,
        %add3A_929 = arith.constant 4096 : i32
        %add3A_930 = vector.broadcast %add3A_929 : i32 to vector<16xi32>
        %add3A_931 = arith.addi %get3A_928, %add3A_930 : vector<16xi32>
        %mul3A_932 = arith.constant 8 : i32
        %mul3A_933 = vector.broadcast %mul3A_932 : i32 to vector<16xi32>
        %mul3A_934 = arith.muli %iota3A, %mul3A_933 : vector<16xi32>
        %add3A_935 = arith.constant 900 : i32
        %add3A_936 = vector.broadcast %add3A_935 : i32 to vector<16xi32>
        %add3A_937 = arith.addi %mul3A_934, %add3A_936 : vector<16xi32>
        tpu.vector_store_idx %arg7[%add3A_937], %add3A_931 : memref<1600xi32, #tpu.memory_space<vmem>>[vector<16xi32>], vector<16xi32>,
        %get3A_938 = arith.constant 4 : i32
        %get3A_939 = arith.index_cast %get3A_938 : i32 to index
        %get3A_940 = arith.constant 128 : index
        %get3A_941 = tpu.vector_load %arg6[%get3A_939, %get3A_940] {strides = array<i32>} : memref<8x200xi32, #tpu.memory_space<vmem>>, vector<16xi32>,
        %add3A_942 = arith.constant 4096 : i32
        %add3A_943 = vector.broadcast %add3A_942 : i32 to vector<16xi32>
        %add3A_944 = arith.addi %get3A_941, %add3A_943 : vector<16xi32>
        %mul3A_945 = arith.constant 8 : i32
        %mul3A_946 = vector.broadcast %mul3A_945 : i32 to vector<16xi32>
        %mul3A_947 = arith.muli %iota3A, %mul3A_946 : vector<16xi32>
        %add3A_948 = arith.constant 1028 : i32
        %add3A_949 = vector.broadcast %add3A_948 : i32 to vector<16xi32>
        %add3A_950 = arith.addi %mul3A_947, %add3A_949 : vector<16xi32>
        tpu.vector_store_idx %arg7[%add3A_950], %add3A_944 : memref<1600xi32, #tpu.memory_space<vmem>>[vector<16xi32>], vector<16xi32>,
        %get3A_951 = arith.constant 4 : i32
        %get3A_952 = arith.index_cast %get3A_951 : i32 to index
        %get3A_953 = arith.constant 144 : index
        %get3A_954 = tpu.vector_load %arg6[%get3A_952, %get3A_953] {strides = array<i32>} : memref<8x200xi32, #tpu.memory_space<vmem>>, vector<16xi32>,
        %add3A_955 = arith.constant 4096 : i32
        %add3A_956 = vector.broadcast %add3A_955 : i32 to vector<16xi32>
        %add3A_957 = arith.addi %get3A_954, %add3A_956 : vector<16xi32>
        %mul3A_958 = arith.constant 8 : i32
        %mul3A_959 = vector.broadcast %mul3A_958 : i32 to vector<16xi32>
        %mul3A_960 = arith.muli %iota3A, %mul3A_959 : vector<16xi32>
        %add3A_961 = arith.constant 1156 : i32
        %add3A_962 = vector.broadcast %add3A_961 : i32 to vector<16xi32>
        %add3A_963 = arith.addi %mul3A_960, %add3A_962 : vector<16xi32>
        tpu.vector_store_idx %arg7[%add3A_963], %add3A_957 : memref<1600xi32, #tpu.memory_space<vmem>>[vector<16xi32>], vector<16xi32>,
        %get3A_964 = arith.constant 4 : i32
        %get3A_965 = arith.index_cast %get3A_964 : i32 to index
        %get3A_966 = arith.constant 160 : index
        %get3A_967 = tpu.vector_load %arg6[%get3A_965, %get3A_966] {strides = array<i32>} : memref<8x200xi32, #tpu.memory_space<vmem>>, vector<16xi32>,
        %add3A_968 = arith.constant 4096 : i32
        %add3A_969 = vector.broadcast %add3A_968 : i32 to vector<16xi32>
        %add3A_970 = arith.addi %get3A_967, %add3A_969 : vector<16xi32>
        %mul3A_971 = arith.constant 8 : i32
        %mul3A_972 = vector.broadcast %mul3A_971 : i32 to vector<16xi32>
        %mul3A_973 = arith.muli %iota3A, %mul3A_972 : vector<16xi32>
        %add3A_974 = arith.constant 1284 : i32
        %add3A_975 = vector.broadcast %add3A_974 : i32 to vector<16xi32>
        %add3A_976 = arith.addi %mul3A_973, %add3A_975 : vector<16xi32>
        tpu.vector_store_idx %arg7[%add3A_976], %add3A_970 : memref<1600xi32, #tpu.memory_space<vmem>>[vector<16xi32>], vector<16xi32>,
        %get3A_977 = arith.constant 4 : i32
        %get3A_978 = arith.index_cast %get3A_977 : i32 to index
        %get3A_979 = arith.constant 176 : index
        %get3A_980 = tpu.vector_load %arg6[%get3A_978, %get3A_979] {strides = array<i32>} : memref<8x200xi32, #tpu.memory_space<vmem>>, vector<16xi32>,
        %add3A_981 = arith.constant 4096 : i32
        %add3A_982 = vector.broadcast %add3A_981 : i32 to vector<16xi32>
        %add3A_983 = arith.addi %get3A_980, %add3A_982 : vector<16xi32>
        %mul3A_984 = arith.constant 8 : i32
        %mul3A_985 = vector.broadcast %mul3A_984 : i32 to vector<16xi32>
        %mul3A_986 = arith.muli %iota3A, %mul3A_985 : vector<16xi32>
        %add3A_987 = arith.constant 1412 : i32
        %add3A_988 = vector.broadcast %add3A_987 : i32 to vector<16xi32>
        %add3A_989 = arith.addi %mul3A_986, %add3A_988 : vector<16xi32>
        tpu.vector_store_idx %arg7[%add3A_989], %add3A_983 : memref<1600xi32, #tpu.memory_space<vmem>>[vector<16xi32>], vector<16xi32>,
        %get3A_990 = arith.constant 4 : i32
        %get3A_991 = arith.index_cast %get3A_990 : i32 to index
        %get3A_992 = arith.constant 184 : index
        %get3A_993 = tpu.vector_load %arg6[%get3A_991, %get3A_992] {strides = array<i32>} : memref<8x200xi32, #tpu.memory_space<vmem>>, vector<16xi32>,
        %add3A_994 = arith.constant 4096 : i32
        %add3A_995 = vector.broadcast %add3A_994 : i32 to vector<16xi32>
        %add3A_996 = arith.addi %get3A_993, %add3A_995 : vector<16xi32>
        %mul3A_997 = arith.constant 8 : i32
        %mul3A_998 = vector.broadcast %mul3A_997 : i32 to vector<16xi32>
        %mul3A_999 = arith.muli %iota3A, %mul3A_998 : vector<16xi32>
        %add3A_1000 = arith.constant 1476 : i32
        %add3A_1001 = vector.broadcast %add3A_1000 : i32 to vector<16xi32>
        %add3A_1002 = arith.addi %mul3A_999, %add3A_1001 : vector<16xi32>
        tpu.vector_store_idx %arg7[%add3A_1002], %add3A_996 : memref<1600xi32, #tpu.memory_space<vmem>>[vector<16xi32>], vector<16xi32>,
        %get3A_1003 = arith.constant 5 : i32
        %get3A_1004 = arith.index_cast %get3A_1003 : i32 to index
        %get3A_1005 = arith.constant 0 : index
        %get3A_1006 = tpu.vector_load %arg6[%get3A_1004, %get3A_1005] {strides = array<i32>} : memref<8x200xi32, #tpu.memory_space<vmem>>, vector<16xi32>,
        %add3A_1007 = arith.constant 5120 : i32
        %add3A_1008 = vector.broadcast %add3A_1007 : i32 to vector<16xi32>
        %add3A_1009 = arith.addi %get3A_1006, %add3A_1008 : vector<16xi32>
        %mul3A_1010 = arith.constant 8 : i32
        %mul3A_1011 = vector.broadcast %mul3A_1010 : i32 to vector<16xi32>
        %mul3A_1012 = arith.muli %iota3A, %mul3A_1011 : vector<16xi32>
        %add3A_1013 = arith.constant 5 : i32
        %add3A_1014 = vector.broadcast %add3A_1013 : i32 to vector<16xi32>
        %add3A_1015 = arith.addi %mul3A_1012, %add3A_1014 : vector<16xi32>
        tpu.vector_store_idx %arg7[%add3A_1015], %add3A_1009 : memref<1600xi32, #tpu.memory_space<vmem>>[vector<16xi32>], vector<16xi32>,
        %get3A_1016 = arith.constant 5 : i32
        %get3A_1017 = arith.index_cast %get3A_1016 : i32 to index
        %get3A_1018 = arith.constant 16 : index
        %get3A_1019 = tpu.vector_load %arg6[%get3A_1017, %get3A_1018] {strides = array<i32>} : memref<8x200xi32, #tpu.memory_space<vmem>>, vector<16xi32>,
        %add3A_1020 = arith.constant 5120 : i32
        %add3A_1021 = vector.broadcast %add3A_1020 : i32 to vector<16xi32>
        %add3A_1022 = arith.addi %get3A_1019, %add3A_1021 : vector<16xi32>
        %mul3A_1023 = arith.constant 8 : i32
        %mul3A_1024 = vector.broadcast %mul3A_1023 : i32 to vector<16xi32>
        %mul3A_1025 = arith.muli %iota3A, %mul3A_1024 : vector<16xi32>
        %add3A_1026 = arith.constant 133 : i32
        %add3A_1027 = vector.broadcast %add3A_1026 : i32 to vector<16xi32>
        %add3A_1028 = arith.addi %mul3A_1025, %add3A_1027 : vector<16xi32>
        tpu.vector_store_idx %arg7[%add3A_1028], %add3A_1022 : memref<1600xi32, #tpu.memory_space<vmem>>[vector<16xi32>], vector<16xi32>,
        %get3A_1029 = arith.constant 5 : i32
        %get3A_1030 = arith.index_cast %get3A_1029 : i32 to index
        %get3A_1031 = arith.constant 32 : index
        %get3A_1032 = tpu.vector_load %arg6[%get3A_1030, %get3A_1031] {strides = array<i32>} : memref<8x200xi32, #tpu.memory_space<vmem>>, vector<16xi32>,
        %add3A_1033 = arith.constant 5120 : i32
        %add3A_1034 = vector.broadcast %add3A_1033 : i32 to vector<16xi32>
        %add3A_1035 = arith.addi %get3A_1032, %add3A_1034 : vector<16xi32>
        %mul3A_1036 = arith.constant 8 : i32
        %mul3A_1037 = vector.broadcast %mul3A_1036 : i32 to vector<16xi32>
        %mul3A_1038 = arith.muli %iota3A, %mul3A_1037 : vector<16xi32>
        %add3A_1039 = arith.constant 261 : i32
        %add3A_1040 = vector.broadcast %add3A_1039 : i32 to vector<16xi32>
        %add3A_1041 = arith.addi %mul3A_1038, %add3A_1040 : vector<16xi32>
        tpu.vector_store_idx %arg7[%add3A_1041], %add3A_1035 : memref<1600xi32, #tpu.memory_space<vmem>>[vector<16xi32>], vector<16xi32>,
        %get3A_1042 = arith.constant 5 : i32
        %get3A_1043 = arith.index_cast %get3A_1042 : i32 to index
        %get3A_1044 = arith.constant 48 : index
        %get3A_1045 = tpu.vector_load %arg6[%get3A_1043, %get3A_1044] {strides = array<i32>} : memref<8x200xi32, #tpu.memory_space<vmem>>, vector<16xi32>,
        %add3A_1046 = arith.constant 5120 : i32
        %add3A_1047 = vector.broadcast %add3A_1046 : i32 to vector<16xi32>
        %add3A_1048 = arith.addi %get3A_1045, %add3A_1047 : vector<16xi32>
        %mul3A_1049 = arith.constant 8 : i32
        %mul3A_1050 = vector.broadcast %mul3A_1049 : i32 to vector<16xi32>
        %mul3A_1051 = arith.muli %iota3A, %mul3A_1050 : vector<16xi32>
        %add3A_1052 = arith.constant 389 : i32
        %add3A_1053 = vector.broadcast %add3A_1052 : i32 to vector<16xi32>
        %add3A_1054 = arith.addi %mul3A_1051, %add3A_1053 : vector<16xi32>
        tpu.vector_store_idx %arg7[%add3A_1054], %add3A_1048 : memref<1600xi32, #tpu.memory_space<vmem>>[vector<16xi32>], vector<16xi32>,
        %get3A_1055 = arith.constant 5 : i32
        %get3A_1056 = arith.index_cast %get3A_1055 : i32 to index
        %get3A_1057 = arith.constant 64 : index
        %get3A_1058 = tpu.vector_load %arg6[%get3A_1056, %get3A_1057] {strides = array<i32>} : memref<8x200xi32, #tpu.memory_space<vmem>>, vector<16xi32>,
        %add3A_1059 = arith.constant 5120 : i32
        %add3A_1060 = vector.broadcast %add3A_1059 : i32 to vector<16xi32>
        %add3A_1061 = arith.addi %get3A_1058, %add3A_1060 : vector<16xi32>
        %mul3A_1062 = arith.constant 8 : i32
        %mul3A_1063 = vector.broadcast %mul3A_1062 : i32 to vector<16xi32>
        %mul3A_1064 = arith.muli %iota3A, %mul3A_1063 : vector<16xi32>
        %add3A_1065 = arith.constant 517 : i32
        %add3A_1066 = vector.broadcast %add3A_1065 : i32 to vector<16xi32>
        %add3A_1067 = arith.addi %mul3A_1064, %add3A_1066 : vector<16xi32>
        tpu.vector_store_idx %arg7[%add3A_1067], %add3A_1061 : memref<1600xi32, #tpu.memory_space<vmem>>[vector<16xi32>], vector<16xi32>,
        %get3A_1068 = arith.constant 5 : i32
        %get3A_1069 = arith.index_cast %get3A_1068 : i32 to index
        %get3A_1070 = arith.constant 80 : index
        %get3A_1071 = tpu.vector_load %arg6[%get3A_1069, %get3A_1070] {strides = array<i32>} : memref<8x200xi32, #tpu.memory_space<vmem>>, vector<16xi32>,
        %add3A_1072 = arith.constant 5120 : i32
        %add3A_1073 = vector.broadcast %add3A_1072 : i32 to vector<16xi32>
        %add3A_1074 = arith.addi %get3A_1071, %add3A_1073 : vector<16xi32>
        %mul3A_1075 = arith.constant 8 : i32
        %mul3A_1076 = vector.broadcast %mul3A_1075 : i32 to vector<16xi32>
        %mul3A_1077 = arith.muli %iota3A, %mul3A_1076 : vector<16xi32>
        %add3A_1078 = arith.constant 645 : i32
        %add3A_1079 = vector.broadcast %add3A_1078 : i32 to vector<16xi32>
        %add3A_1080 = arith.addi %mul3A_1077, %add3A_1079 : vector<16xi32>
        tpu.vector_store_idx %arg7[%add3A_1080], %add3A_1074 : memref<1600xi32, #tpu.memory_space<vmem>>[vector<16xi32>], vector<16xi32>,
        %get3A_1081 = arith.constant 5 : i32
        %get3A_1082 = arith.index_cast %get3A_1081 : i32 to index
        %get3A_1083 = arith.constant 96 : index
        %get3A_1084 = tpu.vector_load %arg6[%get3A_1082, %get3A_1083] {strides = array<i32>} : memref<8x200xi32, #tpu.memory_space<vmem>>, vector<16xi32>,
        %add3A_1085 = arith.constant 5120 : i32
        %add3A_1086 = vector.broadcast %add3A_1085 : i32 to vector<16xi32>
        %add3A_1087 = arith.addi %get3A_1084, %add3A_1086 : vector<16xi32>
        %mul3A_1088 = arith.constant 8 : i32
        %mul3A_1089 = vector.broadcast %mul3A_1088 : i32 to vector<16xi32>
        %mul3A_1090 = arith.muli %iota3A, %mul3A_1089 : vector<16xi32>
        %add3A_1091 = arith.constant 773 : i32
        %add3A_1092 = vector.broadcast %add3A_1091 : i32 to vector<16xi32>
        %add3A_1093 = arith.addi %mul3A_1090, %add3A_1092 : vector<16xi32>
        tpu.vector_store_idx %arg7[%add3A_1093], %add3A_1087 : memref<1600xi32, #tpu.memory_space<vmem>>[vector<16xi32>], vector<16xi32>,
        %get3A_1094 = arith.constant 5 : i32
        %get3A_1095 = arith.index_cast %get3A_1094 : i32 to index
        %get3A_1096 = arith.constant 112 : index
        %get3A_1097 = tpu.vector_load %arg6[%get3A_1095, %get3A_1096] {strides = array<i32>} : memref<8x200xi32, #tpu.memory_space<vmem>>, vector<16xi32>,
        %add3A_1098 = arith.constant 5120 : i32
        %add3A_1099 = vector.broadcast %add3A_1098 : i32 to vector<16xi32>
        %add3A_1100 = arith.addi %get3A_1097, %add3A_1099 : vector<16xi32>
        %mul3A_1101 = arith.constant 8 : i32
        %mul3A_1102 = vector.broadcast %mul3A_1101 : i32 to vector<16xi32>
        %mul3A_1103 = arith.muli %iota3A, %mul3A_1102 : vector<16xi32>
        %add3A_1104 = arith.constant 901 : i32
        %add3A_1105 = vector.broadcast %add3A_1104 : i32 to vector<16xi32>
        %add3A_1106 = arith.addi %mul3A_1103, %add3A_1105 : vector<16xi32>
        tpu.vector_store_idx %arg7[%add3A_1106], %add3A_1100 : memref<1600xi32, #tpu.memory_space<vmem>>[vector<16xi32>], vector<16xi32>,
        %get3A_1107 = arith.constant 5 : i32
        %get3A_1108 = arith.index_cast %get3A_1107 : i32 to index
        %get3A_1109 = arith.constant 128 : index
        %get3A_1110 = tpu.vector_load %arg6[%get3A_1108, %get3A_1109] {strides = array<i32>} : memref<8x200xi32, #tpu.memory_space<vmem>>, vector<16xi32>,
        %add3A_1111 = arith.constant 5120 : i32
        %add3A_1112 = vector.broadcast %add3A_1111 : i32 to vector<16xi32>
        %add3A_1113 = arith.addi %get3A_1110, %add3A_1112 : vector<16xi32>
        %mul3A_1114 = arith.constant 8 : i32
        %mul3A_1115 = vector.broadcast %mul3A_1114 : i32 to vector<16xi32>
        %mul3A_1116 = arith.muli %iota3A, %mul3A_1115 : vector<16xi32>
        %add3A_1117 = arith.constant 1029 : i32
        %add3A_1118 = vector.broadcast %add3A_1117 : i32 to vector<16xi32>
        %add3A_1119 = arith.addi %mul3A_1116, %add3A_1118 : vector<16xi32>
        tpu.vector_store_idx %arg7[%add3A_1119], %add3A_1113 : memref<1600xi32, #tpu.memory_space<vmem>>[vector<16xi32>], vector<16xi32>,
        %get3A_1120 = arith.constant 5 : i32
        %get3A_1121 = arith.index_cast %get3A_1120 : i32 to index
        %get3A_1122 = arith.constant 144 : index
        %get3A_1123 = tpu.vector_load %arg6[%get3A_1121, %get3A_1122] {strides = array<i32>} : memref<8x200xi32, #tpu.memory_space<vmem>>, vector<16xi32>,
        %add3A_1124 = arith.constant 5120 : i32
        %add3A_1125 = vector.broadcast %add3A_1124 : i32 to vector<16xi32>
        %add3A_1126 = arith.addi %get3A_1123, %add3A_1125 : vector<16xi32>
        %mul3A_1127 = arith.constant 8 : i32
        %mul3A_1128 = vector.broadcast %mul3A_1127 : i32 to vector<16xi32>
        %mul3A_1129 = arith.muli %iota3A, %mul3A_1128 : vector<16xi32>
        %add3A_1130 = arith.constant 1157 : i32
        %add3A_1131 = vector.broadcast %add3A_1130 : i32 to vector<16xi32>
        %add3A_1132 = arith.addi %mul3A_1129, %add3A_1131 : vector<16xi32>
        tpu.vector_store_idx %arg7[%add3A_1132], %add3A_1126 : memref<1600xi32, #tpu.memory_space<vmem>>[vector<16xi32>], vector<16xi32>,
        %get3A_1133 = arith.constant 5 : i32
        %get3A_1134 = arith.index_cast %get3A_1133 : i32 to index
        %get3A_1135 = arith.constant 160 : index
        %get3A_1136 = tpu.vector_load %arg6[%get3A_1134, %get3A_1135] {strides = array<i32>} : memref<8x200xi32, #tpu.memory_space<vmem>>, vector<16xi32>,
        %add3A_1137 = arith.constant 5120 : i32
        %add3A_1138 = vector.broadcast %add3A_1137 : i32 to vector<16xi32>
        %add3A_1139 = arith.addi %get3A_1136, %add3A_1138 : vector<16xi32>
        %mul3A_1140 = arith.constant 8 : i32
        %mul3A_1141 = vector.broadcast %mul3A_1140 : i32 to vector<16xi32>
        %mul3A_1142 = arith.muli %iota3A, %mul3A_1141 : vector<16xi32>
        %add3A_1143 = arith.constant 1285 : i32
        %add3A_1144 = vector.broadcast %add3A_1143 : i32 to vector<16xi32>
        %add3A_1145 = arith.addi %mul3A_1142, %add3A_1144 : vector<16xi32>
        tpu.vector_store_idx %arg7[%add3A_1145], %add3A_1139 : memref<1600xi32, #tpu.memory_space<vmem>>[vector<16xi32>], vector<16xi32>,
        %get3A_1146 = arith.constant 5 : i32
        %get3A_1147 = arith.index_cast %get3A_1146 : i32 to index
        %get3A_1148 = arith.constant 176 : index
        %get3A_1149 = tpu.vector_load %arg6[%get3A_1147, %get3A_1148] {strides = array<i32>} : memref<8x200xi32, #tpu.memory_space<vmem>>, vector<16xi32>,
        %add3A_1150 = arith.constant 5120 : i32
        %add3A_1151 = vector.broadcast %add3A_1150 : i32 to vector<16xi32>
        %add3A_1152 = arith.addi %get3A_1149, %add3A_1151 : vector<16xi32>
        %mul3A_1153 = arith.constant 8 : i32
        %mul3A_1154 = vector.broadcast %mul3A_1153 : i32 to vector<16xi32>
        %mul3A_1155 = arith.muli %iota3A, %mul3A_1154 : vector<16xi32>
        %add3A_1156 = arith.constant 1413 : i32
        %add3A_1157 = vector.broadcast %add3A_1156 : i32 to vector<16xi32>
        %add3A_1158 = arith.addi %mul3A_1155, %add3A_1157 : vector<16xi32>
        tpu.vector_store_idx %arg7[%add3A_1158], %add3A_1152 : memref<1600xi32, #tpu.memory_space<vmem>>[vector<16xi32>], vector<16xi32>,
        %get3A_1159 = arith.constant 5 : i32
        %get3A_1160 = arith.index_cast %get3A_1159 : i32 to index
        %get3A_1161 = arith.constant 184 : index
        %get3A_1162 = tpu.vector_load %arg6[%get3A_1160, %get3A_1161] {strides = array<i32>} : memref<8x200xi32, #tpu.memory_space<vmem>>, vector<16xi32>,
        %add3A_1163 = arith.constant 5120 : i32
        %add3A_1164 = vector.broadcast %add3A_1163 : i32 to vector<16xi32>
        %add3A_1165 = arith.addi %get3A_1162, %add3A_1164 : vector<16xi32>
        %mul3A_1166 = arith.constant 8 : i32
        %mul3A_1167 = vector.broadcast %mul3A_1166 : i32 to vector<16xi32>
        %mul3A_1168 = arith.muli %iota3A, %mul3A_1167 : vector<16xi32>
        %add3A_1169 = arith.constant 1477 : i32
        %add3A_1170 = vector.broadcast %add3A_1169 : i32 to vector<16xi32>
        %add3A_1171 = arith.addi %mul3A_1168, %add3A_1170 : vector<16xi32>
        tpu.vector_store_idx %arg7[%add3A_1171], %add3A_1165 : memref<1600xi32, #tpu.memory_space<vmem>>[vector<16xi32>], vector<16xi32>,
        %get3A_1172 = arith.constant 6 : i32
        %get3A_1173 = arith.index_cast %get3A_1172 : i32 to index
        %get3A_1174 = arith.constant 0 : index
        %get3A_1175 = tpu.vector_load %arg6[%get3A_1173, %get3A_1174] {strides = array<i32>} : memref<8x200xi32, #tpu.memory_space<vmem>>, vector<16xi32>,
        %add3A_1176 = arith.constant 6144 : i32
        %add3A_1177 = vector.broadcast %add3A_1176 : i32 to vector<16xi32>
        %add3A_1178 = arith.addi %get3A_1175, %add3A_1177 : vector<16xi32>
        %mul3A_1179 = arith.constant 8 : i32
        %mul3A_1180 = vector.broadcast %mul3A_1179 : i32 to vector<16xi32>
        %mul3A_1181 = arith.muli %iota3A, %mul3A_1180 : vector<16xi32>
        %add3A_1182 = arith.constant 6 : i32
        %add3A_1183 = vector.broadcast %add3A_1182 : i32 to vector<16xi32>
        %add3A_1184 = arith.addi %mul3A_1181, %add3A_1183 : vector<16xi32>
        tpu.vector_store_idx %arg7[%add3A_1184], %add3A_1178 : memref<1600xi32, #tpu.memory_space<vmem>>[vector<16xi32>], vector<16xi32>,
        %get3A_1185 = arith.constant 6 : i32
        %get3A_1186 = arith.index_cast %get3A_1185 : i32 to index
        %get3A_1187 = arith.constant 16 : index
        %get3A_1188 = tpu.vector_load %arg6[%get3A_1186, %get3A_1187] {strides = array<i32>} : memref<8x200xi32, #tpu.memory_space<vmem>>, vector<16xi32>,
        %add3A_1189 = arith.constant 6144 : i32
        %add3A_1190 = vector.broadcast %add3A_1189 : i32 to vector<16xi32>
        %add3A_1191 = arith.addi %get3A_1188, %add3A_1190 : vector<16xi32>
        %mul3A_1192 = arith.constant 8 : i32
        %mul3A_1193 = vector.broadcast %mul3A_1192 : i32 to vector<16xi32>
        %mul3A_1194 = arith.muli %iota3A, %mul3A_1193 : vector<16xi32>
        %add3A_1195 = arith.constant 134 : i32
        %add3A_1196 = vector.broadcast %add3A_1195 : i32 to vector<16xi32>
        %add3A_1197 = arith.addi %mul3A_1194, %add3A_1196 : vector<16xi32>
        tpu.vector_store_idx %arg7[%add3A_1197], %add3A_1191 : memref<1600xi32, #tpu.memory_space<vmem>>[vector<16xi32>], vector<16xi32>,
        %get3A_1198 = arith.constant 6 : i32
        %get3A_1199 = arith.index_cast %get3A_1198 : i32 to index
        %get3A_1200 = arith.constant 32 : index
        %get3A_1201 = tpu.vector_load %arg6[%get3A_1199, %get3A_1200] {strides = array<i32>} : memref<8x200xi32, #tpu.memory_space<vmem>>, vector<16xi32>,
        %add3A_1202 = arith.constant 6144 : i32
        %add3A_1203 = vector.broadcast %add3A_1202 : i32 to vector<16xi32>
        %add3A_1204 = arith.addi %get3A_1201, %add3A_1203 : vector<16xi32>
        %mul3A_1205 = arith.constant 8 : i32
        %mul3A_1206 = vector.broadcast %mul3A_1205 : i32 to vector<16xi32>
        %mul3A_1207 = arith.muli %iota3A, %mul3A_1206 : vector<16xi32>
        %add3A_1208 = arith.constant 262 : i32
        %add3A_1209 = vector.broadcast %add3A_1208 : i32 to vector<16xi32>
        %add3A_1210 = arith.addi %mul3A_1207, %add3A_1209 : vector<16xi32>
        tpu.vector_store_idx %arg7[%add3A_1210], %add3A_1204 : memref<1600xi32, #tpu.memory_space<vmem>>[vector<16xi32>], vector<16xi32>,
        %get3A_1211 = arith.constant 6 : i32
        %get3A_1212 = arith.index_cast %get3A_1211 : i32 to index
        %get3A_1213 = arith.constant 48 : index
        %get3A_1214 = tpu.vector_load %arg6[%get3A_1212, %get3A_1213] {strides = array<i32>} : memref<8x200xi32, #tpu.memory_space<vmem>>, vector<16xi32>,
        %add3A_1215 = arith.constant 6144 : i32
        %add3A_1216 = vector.broadcast %add3A_1215 : i32 to vector<16xi32>
        %add3A_1217 = arith.addi %get3A_1214, %add3A_1216 : vector<16xi32>
        %mul3A_1218 = arith.constant 8 : i32
        %mul3A_1219 = vector.broadcast %mul3A_1218 : i32 to vector<16xi32>
        %mul3A_1220 = arith.muli %iota3A, %mul3A_1219 : vector<16xi32>
        %add3A_1221 = arith.constant 390 : i32
        %add3A_1222 = vector.broadcast %add3A_1221 : i32 to vector<16xi32>
        %add3A_1223 = arith.addi %mul3A_1220, %add3A_1222 : vector<16xi32>
        tpu.vector_store_idx %arg7[%add3A_1223], %add3A_1217 : memref<1600xi32, #tpu.memory_space<vmem>>[vector<16xi32>], vector<16xi32>,
        %get3A_1224 = arith.constant 6 : i32
        %get3A_1225 = arith.index_cast %get3A_1224 : i32 to index
        %get3A_1226 = arith.constant 64 : index
        %get3A_1227 = tpu.vector_load %arg6[%get3A_1225, %get3A_1226] {strides = array<i32>} : memref<8x200xi32, #tpu.memory_space<vmem>>, vector<16xi32>,
        %add3A_1228 = arith.constant 6144 : i32
        %add3A_1229 = vector.broadcast %add3A_1228 : i32 to vector<16xi32>
        %add3A_1230 = arith.addi %get3A_1227, %add3A_1229 : vector<16xi32>
        %mul3A_1231 = arith.constant 8 : i32
        %mul3A_1232 = vector.broadcast %mul3A_1231 : i32 to vector<16xi32>
        %mul3A_1233 = arith.muli %iota3A, %mul3A_1232 : vector<16xi32>
        %add3A_1234 = arith.constant 518 : i32
        %add3A_1235 = vector.broadcast %add3A_1234 : i32 to vector<16xi32>
        %add3A_1236 = arith.addi %mul3A_1233, %add3A_1235 : vector<16xi32>
        tpu.vector_store_idx %arg7[%add3A_1236], %add3A_1230 : memref<1600xi32, #tpu.memory_space<vmem>>[vector<16xi32>], vector<16xi32>,
        %get3A_1237 = arith.constant 6 : i32
        %get3A_1238 = arith.index_cast %get3A_1237 : i32 to index
        %get3A_1239 = arith.constant 80 : index
        %get3A_1240 = tpu.vector_load %arg6[%get3A_1238, %get3A_1239] {strides = array<i32>} : memref<8x200xi32, #tpu.memory_space<vmem>>, vector<16xi32>,
        %add3A_1241 = arith.constant 6144 : i32
        %add3A_1242 = vector.broadcast %add3A_1241 : i32 to vector<16xi32>
        %add3A_1243 = arith.addi %get3A_1240, %add3A_1242 : vector<16xi32>
        %mul3A_1244 = arith.constant 8 : i32
        %mul3A_1245 = vector.broadcast %mul3A_1244 : i32 to vector<16xi32>
        %mul3A_1246 = arith.muli %iota3A, %mul3A_1245 : vector<16xi32>
        %add3A_1247 = arith.constant 646 : i32
        %add3A_1248 = vector.broadcast %add3A_1247 : i32 to vector<16xi32>
        %add3A_1249 = arith.addi %mul3A_1246, %add3A_1248 : vector<16xi32>
        tpu.vector_store_idx %arg7[%add3A_1249], %add3A_1243 : memref<1600xi32, #tpu.memory_space<vmem>>[vector<16xi32>], vector<16xi32>,
        %get3A_1250 = arith.constant 6 : i32
        %get3A_1251 = arith.index_cast %get3A_1250 : i32 to index
        %get3A_1252 = arith.constant 96 : index
        %get3A_1253 = tpu.vector_load %arg6[%get3A_1251, %get3A_1252] {strides = array<i32>} : memref<8x200xi32, #tpu.memory_space<vmem>>, vector<16xi32>,
        %add3A_1254 = arith.constant 6144 : i32
        %add3A_1255 = vector.broadcast %add3A_1254 : i32 to vector<16xi32>
        %add3A_1256 = arith.addi %get3A_1253, %add3A_1255 : vector<16xi32>
        %mul3A_1257 = arith.constant 8 : i32
        %mul3A_1258 = vector.broadcast %mul3A_1257 : i32 to vector<16xi32>
        %mul3A_1259 = arith.muli %iota3A, %mul3A_1258 : vector<16xi32>
        %add3A_1260 = arith.constant 774 : i32
        %add3A_1261 = vector.broadcast %add3A_1260 : i32 to vector<16xi32>
        %add3A_1262 = arith.addi %mul3A_1259, %add3A_1261 : vector<16xi32>
        tpu.vector_store_idx %arg7[%add3A_1262], %add3A_1256 : memref<1600xi32, #tpu.memory_space<vmem>>[vector<16xi32>], vector<16xi32>,
        %get3A_1263 = arith.constant 6 : i32
        %get3A_1264 = arith.index_cast %get3A_1263 : i32 to index
        %get3A_1265 = arith.constant 112 : index
        %get3A_1266 = tpu.vector_load %arg6[%get3A_1264, %get3A_1265] {strides = array<i32>} : memref<8x200xi32, #tpu.memory_space<vmem>>, vector<16xi32>,
        %add3A_1267 = arith.constant 6144 : i32
        %add3A_1268 = vector.broadcast %add3A_1267 : i32 to vector<16xi32>
        %add3A_1269 = arith.addi %get3A_1266, %add3A_1268 : vector<16xi32>
        %mul3A_1270 = arith.constant 8 : i32
        %mul3A_1271 = vector.broadcast %mul3A_1270 : i32 to vector<16xi32>
        %mul3A_1272 = arith.muli %iota3A, %mul3A_1271 : vector<16xi32>
        %add3A_1273 = arith.constant 902 : i32
        %add3A_1274 = vector.broadcast %add3A_1273 : i32 to vector<16xi32>
        %add3A_1275 = arith.addi %mul3A_1272, %add3A_1274 : vector<16xi32>
        tpu.vector_store_idx %arg7[%add3A_1275], %add3A_1269 : memref<1600xi32, #tpu.memory_space<vmem>>[vector<16xi32>], vector<16xi32>,
        %get3A_1276 = arith.constant 6 : i32
        %get3A_1277 = arith.index_cast %get3A_1276 : i32 to index
        %get3A_1278 = arith.constant 128 : index
        %get3A_1279 = tpu.vector_load %arg6[%get3A_1277, %get3A_1278] {strides = array<i32>} : memref<8x200xi32, #tpu.memory_space<vmem>>, vector<16xi32>,
        %add3A_1280 = arith.constant 6144 : i32
        %add3A_1281 = vector.broadcast %add3A_1280 : i32 to vector<16xi32>
        %add3A_1282 = arith.addi %get3A_1279, %add3A_1281 : vector<16xi32>
        %mul3A_1283 = arith.constant 8 : i32
        %mul3A_1284 = vector.broadcast %mul3A_1283 : i32 to vector<16xi32>
        %mul3A_1285 = arith.muli %iota3A, %mul3A_1284 : vector<16xi32>
        %add3A_1286 = arith.constant 1030 : i32
        %add3A_1287 = vector.broadcast %add3A_1286 : i32 to vector<16xi32>
        %add3A_1288 = arith.addi %mul3A_1285, %add3A_1287 : vector<16xi32>
        tpu.vector_store_idx %arg7[%add3A_1288], %add3A_1282 : memref<1600xi32, #tpu.memory_space<vmem>>[vector<16xi32>], vector<16xi32>,
        %get3A_1289 = arith.constant 6 : i32
        %get3A_1290 = arith.index_cast %get3A_1289 : i32 to index
        %get3A_1291 = arith.constant 144 : index
        %get3A_1292 = tpu.vector_load %arg6[%get3A_1290, %get3A_1291] {strides = array<i32>} : memref<8x200xi32, #tpu.memory_space<vmem>>, vector<16xi32>,
        %add3A_1293 = arith.constant 6144 : i32
        %add3A_1294 = vector.broadcast %add3A_1293 : i32 to vector<16xi32>
        %add3A_1295 = arith.addi %get3A_1292, %add3A_1294 : vector<16xi32>
        %mul3A_1296 = arith.constant 8 : i32
        %mul3A_1297 = vector.broadcast %mul3A_1296 : i32 to vector<16xi32>
        %mul3A_1298 = arith.muli %iota3A, %mul3A_1297 : vector<16xi32>
        %add3A_1299 = arith.constant 1158 : i32
        %add3A_1300 = vector.broadcast %add3A_1299 : i32 to vector<16xi32>
        %add3A_1301 = arith.addi %mul3A_1298, %add3A_1300 : vector<16xi32>
        tpu.vector_store_idx %arg7[%add3A_1301], %add3A_1295 : memref<1600xi32, #tpu.memory_space<vmem>>[vector<16xi32>], vector<16xi32>,
        %get3A_1302 = arith.constant 6 : i32
        %get3A_1303 = arith.index_cast %get3A_1302 : i32 to index
        %get3A_1304 = arith.constant 160 : index
        %get3A_1305 = tpu.vector_load %arg6[%get3A_1303, %get3A_1304] {strides = array<i32>} : memref<8x200xi32, #tpu.memory_space<vmem>>, vector<16xi32>,
        %add3A_1306 = arith.constant 6144 : i32
        %add3A_1307 = vector.broadcast %add3A_1306 : i32 to vector<16xi32>
        %add3A_1308 = arith.addi %get3A_1305, %add3A_1307 : vector<16xi32>
        %mul3A_1309 = arith.constant 8 : i32
        %mul3A_1310 = vector.broadcast %mul3A_1309 : i32 to vector<16xi32>
        %mul3A_1311 = arith.muli %iota3A, %mul3A_1310 : vector<16xi32>
        %add3A_1312 = arith.constant 1286 : i32
        %add3A_1313 = vector.broadcast %add3A_1312 : i32 to vector<16xi32>
        %add3A_1314 = arith.addi %mul3A_1311, %add3A_1313 : vector<16xi32>
        tpu.vector_store_idx %arg7[%add3A_1314], %add3A_1308 : memref<1600xi32, #tpu.memory_space<vmem>>[vector<16xi32>], vector<16xi32>,
        %get3A_1315 = arith.constant 6 : i32
        %get3A_1316 = arith.index_cast %get3A_1315 : i32 to index
        %get3A_1317 = arith.constant 176 : index
        %get3A_1318 = tpu.vector_load %arg6[%get3A_1316, %get3A_1317] {strides = array<i32>} : memref<8x200xi32, #tpu.memory_space<vmem>>, vector<16xi32>,
        %add3A_1319 = arith.constant 6144 : i32
        %add3A_1320 = vector.broadcast %add3A_1319 : i32 to vector<16xi32>
        %add3A_1321 = arith.addi %get3A_1318, %add3A_1320 : vector<16xi32>
        %mul3A_1322 = arith.constant 8 : i32
        %mul3A_1323 = vector.broadcast %mul3A_1322 : i32 to vector<16xi32>
        %mul3A_1324 = arith.muli %iota3A, %mul3A_1323 : vector<16xi32>
        %add3A_1325 = arith.constant 1414 : i32
        %add3A_1326 = vector.broadcast %add3A_1325 : i32 to vector<16xi32>
        %add3A_1327 = arith.addi %mul3A_1324, %add3A_1326 : vector<16xi32>
        tpu.vector_store_idx %arg7[%add3A_1327], %add3A_1321 : memref<1600xi32, #tpu.memory_space<vmem>>[vector<16xi32>], vector<16xi32>,
        %get3A_1328 = arith.constant 6 : i32
        %get3A_1329 = arith.index_cast %get3A_1328 : i32 to index
        %get3A_1330 = arith.constant 184 : index
        %get3A_1331 = tpu.vector_load %arg6[%get3A_1329, %get3A_1330] {strides = array<i32>} : memref<8x200xi32, #tpu.memory_space<vmem>>, vector<16xi32>,
        %add3A_1332 = arith.constant 6144 : i32
        %add3A_1333 = vector.broadcast %add3A_1332 : i32 to vector<16xi32>
        %add3A_1334 = arith.addi %get3A_1331, %add3A_1333 : vector<16xi32>
        %mul3A_1335 = arith.constant 8 : i32
        %mul3A_1336 = vector.broadcast %mul3A_1335 : i32 to vector<16xi32>
        %mul3A_1337 = arith.muli %iota3A, %mul3A_1336 : vector<16xi32>
        %add3A_1338 = arith.constant 1478 : i32
        %add3A_1339 = vector.broadcast %add3A_1338 : i32 to vector<16xi32>
        %add3A_1340 = arith.addi %mul3A_1337, %add3A_1339 : vector<16xi32>
        tpu.vector_store_idx %arg7[%add3A_1340], %add3A_1334 : memref<1600xi32, #tpu.memory_space<vmem>>[vector<16xi32>], vector<16xi32>,
        %get3A_1341 = arith.constant 7 : i32
        %get3A_1342 = arith.index_cast %get3A_1341 : i32 to index
        %get3A_1343 = arith.constant 0 : index
        %get3A_1344 = tpu.vector_load %arg6[%get3A_1342, %get3A_1343] {strides = array<i32>} : memref<8x200xi32, #tpu.memory_space<vmem>>, vector<16xi32>,
        %add3A_1345 = arith.constant 7168 : i32
        %add3A_1346 = vector.broadcast %add3A_1345 : i32 to vector<16xi32>
        %add3A_1347 = arith.addi %get3A_1344, %add3A_1346 : vector<16xi32>
        %mul3A_1348 = arith.constant 8 : i32
        %mul3A_1349 = vector.broadcast %mul3A_1348 : i32 to vector<16xi32>
        %mul3A_1350 = arith.muli %iota3A, %mul3A_1349 : vector<16xi32>
        %add3A_1351 = arith.constant 7 : i32
        %add3A_1352 = vector.broadcast %add3A_1351 : i32 to vector<16xi32>
        %add3A_1353 = arith.addi %mul3A_1350, %add3A_1352 : vector<16xi32>
        tpu.vector_store_idx %arg7[%add3A_1353], %add3A_1347 : memref<1600xi32, #tpu.memory_space<vmem>>[vector<16xi32>], vector<16xi32>,
        %get3A_1354 = arith.constant 7 : i32
        %get3A_1355 = arith.index_cast %get3A_1354 : i32 to index
        %get3A_1356 = arith.constant 16 : index
        %get3A_1357 = tpu.vector_load %arg6[%get3A_1355, %get3A_1356] {strides = array<i32>} : memref<8x200xi32, #tpu.memory_space<vmem>>, vector<16xi32>,
        %add3A_1358 = arith.constant 7168 : i32
        %add3A_1359 = vector.broadcast %add3A_1358 : i32 to vector<16xi32>
        %add3A_1360 = arith.addi %get3A_1357, %add3A_1359 : vector<16xi32>
        %mul3A_1361 = arith.constant 8 : i32
        %mul3A_1362 = vector.broadcast %mul3A_1361 : i32 to vector<16xi32>
        %mul3A_1363 = arith.muli %iota3A, %mul3A_1362 : vector<16xi32>
        %add3A_1364 = arith.constant 135 : i32
        %add3A_1365 = vector.broadcast %add3A_1364 : i32 to vector<16xi32>
        %add3A_1366 = arith.addi %mul3A_1363, %add3A_1365 : vector<16xi32>
        tpu.vector_store_idx %arg7[%add3A_1366], %add3A_1360 : memref<1600xi32, #tpu.memory_space<vmem>>[vector<16xi32>], vector<16xi32>,
        %get3A_1367 = arith.constant 7 : i32
        %get3A_1368 = arith.index_cast %get3A_1367 : i32 to index
        %get3A_1369 = arith.constant 32 : index
        %get3A_1370 = tpu.vector_load %arg6[%get3A_1368, %get3A_1369] {strides = array<i32>} : memref<8x200xi32, #tpu.memory_space<vmem>>, vector<16xi32>,
        %add3A_1371 = arith.constant 7168 : i32
        %add3A_1372 = vector.broadcast %add3A_1371 : i32 to vector<16xi32>
        %add3A_1373 = arith.addi %get3A_1370, %add3A_1372 : vector<16xi32>
        %mul3A_1374 = arith.constant 8 : i32
        %mul3A_1375 = vector.broadcast %mul3A_1374 : i32 to vector<16xi32>
        %mul3A_1376 = arith.muli %iota3A, %mul3A_1375 : vector<16xi32>
        %add3A_1377 = arith.constant 263 : i32
        %add3A_1378 = vector.broadcast %add3A_1377 : i32 to vector<16xi32>
        %add3A_1379 = arith.addi %mul3A_1376, %add3A_1378 : vector<16xi32>
        tpu.vector_store_idx %arg7[%add3A_1379], %add3A_1373 : memref<1600xi32, #tpu.memory_space<vmem>>[vector<16xi32>], vector<16xi32>,
        %get3A_1380 = arith.constant 7 : i32
        %get3A_1381 = arith.index_cast %get3A_1380 : i32 to index
        %get3A_1382 = arith.constant 48 : index
        %get3A_1383 = tpu.vector_load %arg6[%get3A_1381, %get3A_1382] {strides = array<i32>} : memref<8x200xi32, #tpu.memory_space<vmem>>, vector<16xi32>,
        %add3A_1384 = arith.constant 7168 : i32
        %add3A_1385 = vector.broadcast %add3A_1384 : i32 to vector<16xi32>
        %add3A_1386 = arith.addi %get3A_1383, %add3A_1385 : vector<16xi32>
        %mul3A_1387 = arith.constant 8 : i32
        %mul3A_1388 = vector.broadcast %mul3A_1387 : i32 to vector<16xi32>
        %mul3A_1389 = arith.muli %iota3A, %mul3A_1388 : vector<16xi32>
        %add3A_1390 = arith.constant 391 : i32
        %add3A_1391 = vector.broadcast %add3A_1390 : i32 to vector<16xi32>
        %add3A_1392 = arith.addi %mul3A_1389, %add3A_1391 : vector<16xi32>
        tpu.vector_store_idx %arg7[%add3A_1392], %add3A_1386 : memref<1600xi32, #tpu.memory_space<vmem>>[vector<16xi32>], vector<16xi32>,
        %get3A_1393 = arith.constant 7 : i32
        %get3A_1394 = arith.index_cast %get3A_1393 : i32 to index
        %get3A_1395 = arith.constant 64 : index
        %get3A_1396 = tpu.vector_load %arg6[%get3A_1394, %get3A_1395] {strides = array<i32>} : memref<8x200xi32, #tpu.memory_space<vmem>>, vector<16xi32>,
        %add3A_1397 = arith.constant 7168 : i32
        %add3A_1398 = vector.broadcast %add3A_1397 : i32 to vector<16xi32>
        %add3A_1399 = arith.addi %get3A_1396, %add3A_1398 : vector<16xi32>
        %mul3A_1400 = arith.constant 8 : i32
        %mul3A_1401 = vector.broadcast %mul3A_1400 : i32 to vector<16xi32>
        %mul3A_1402 = arith.muli %iota3A, %mul3A_1401 : vector<16xi32>
        %add3A_1403 = arith.constant 519 : i32
        %add3A_1404 = vector.broadcast %add3A_1403 : i32 to vector<16xi32>
        %add3A_1405 = arith.addi %mul3A_1402, %add3A_1404 : vector<16xi32>
        tpu.vector_store_idx %arg7[%add3A_1405], %add3A_1399 : memref<1600xi32, #tpu.memory_space<vmem>>[vector<16xi32>], vector<16xi32>,
        %get3A_1406 = arith.constant 7 : i32
        %get3A_1407 = arith.index_cast %get3A_1406 : i32 to index
        %get3A_1408 = arith.constant 80 : index
        %get3A_1409 = tpu.vector_load %arg6[%get3A_1407, %get3A_1408] {strides = array<i32>} : memref<8x200xi32, #tpu.memory_space<vmem>>, vector<16xi32>,
        %add3A_1410 = arith.constant 7168 : i32
        %add3A_1411 = vector.broadcast %add3A_1410 : i32 to vector<16xi32>
        %add3A_1412 = arith.addi %get3A_1409, %add3A_1411 : vector<16xi32>
        %mul3A_1413 = arith.constant 8 : i32
        %mul3A_1414 = vector.broadcast %mul3A_1413 : i32 to vector<16xi32>
        %mul3A_1415 = arith.muli %iota3A, %mul3A_1414 : vector<16xi32>
        %add3A_1416 = arith.constant 647 : i32
        %add3A_1417 = vector.broadcast %add3A_1416 : i32 to vector<16xi32>
        %add3A_1418 = arith.addi %mul3A_1415, %add3A_1417 : vector<16xi32>
        tpu.vector_store_idx %arg7[%add3A_1418], %add3A_1412 : memref<1600xi32, #tpu.memory_space<vmem>>[vector<16xi32>], vector<16xi32>,
        %get3A_1419 = arith.constant 7 : i32
        %get3A_1420 = arith.index_cast %get3A_1419 : i32 to index
        %get3A_1421 = arith.constant 96 : index
        %get3A_1422 = tpu.vector_load %arg6[%get3A_1420, %get3A_1421] {strides = array<i32>} : memref<8x200xi32, #tpu.memory_space<vmem>>, vector<16xi32>,
        %add3A_1423 = arith.constant 7168 : i32
        %add3A_1424 = vector.broadcast %add3A_1423 : i32 to vector<16xi32>
        %add3A_1425 = arith.addi %get3A_1422, %add3A_1424 : vector<16xi32>
        %mul3A_1426 = arith.constant 8 : i32
        %mul3A_1427 = vector.broadcast %mul3A_1426 : i32 to vector<16xi32>
        %mul3A_1428 = arith.muli %iota3A, %mul3A_1427 : vector<16xi32>
        %add3A_1429 = arith.constant 775 : i32
        %add3A_1430 = vector.broadcast %add3A_1429 : i32 to vector<16xi32>
        %add3A_1431 = arith.addi %mul3A_1428, %add3A_1430 : vector<16xi32>
        tpu.vector_store_idx %arg7[%add3A_1431], %add3A_1425 : memref<1600xi32, #tpu.memory_space<vmem>>[vector<16xi32>], vector<16xi32>,
        %get3A_1432 = arith.constant 7 : i32
        %get3A_1433 = arith.index_cast %get3A_1432 : i32 to index
        %get3A_1434 = arith.constant 112 : index
        %get3A_1435 = tpu.vector_load %arg6[%get3A_1433, %get3A_1434] {strides = array<i32>} : memref<8x200xi32, #tpu.memory_space<vmem>>, vector<16xi32>,
        %add3A_1436 = arith.constant 7168 : i32
        %add3A_1437 = vector.broadcast %add3A_1436 : i32 to vector<16xi32>
        %add3A_1438 = arith.addi %get3A_1435, %add3A_1437 : vector<16xi32>
        %mul3A_1439 = arith.constant 8 : i32
        %mul3A_1440 = vector.broadcast %mul3A_1439 : i32 to vector<16xi32>
        %mul3A_1441 = arith.muli %iota3A, %mul3A_1440 : vector<16xi32>
        %add3A_1442 = arith.constant 903 : i32
        %add3A_1443 = vector.broadcast %add3A_1442 : i32 to vector<16xi32>
        %add3A_1444 = arith.addi %mul3A_1441, %add3A_1443 : vector<16xi32>
        tpu.vector_store_idx %arg7[%add3A_1444], %add3A_1438 : memref<1600xi32, #tpu.memory_space<vmem>>[vector<16xi32>], vector<16xi32>,
        %get3A_1445 = arith.constant 7 : i32
        %get3A_1446 = arith.index_cast %get3A_1445 : i32 to index
        %get3A_1447 = arith.constant 128 : index
        %get3A_1448 = tpu.vector_load %arg6[%get3A_1446, %get3A_1447] {strides = array<i32>} : memref<8x200xi32, #tpu.memory_space<vmem>>, vector<16xi32>,
        %add3A_1449 = arith.constant 7168 : i32
        %add3A_1450 = vector.broadcast %add3A_1449 : i32 to vector<16xi32>
        %add3A_1451 = arith.addi %get3A_1448, %add3A_1450 : vector<16xi32>
        %mul3A_1452 = arith.constant 8 : i32
        %mul3A_1453 = vector.broadcast %mul3A_1452 : i32 to vector<16xi32>
        %mul3A_1454 = arith.muli %iota3A, %mul3A_1453 : vector<16xi32>
        %add3A_1455 = arith.constant 1031 : i32
        %add3A_1456 = vector.broadcast %add3A_1455 : i32 to vector<16xi32>
        %add3A_1457 = arith.addi %mul3A_1454, %add3A_1456 : vector<16xi32>
        tpu.vector_store_idx %arg7[%add3A_1457], %add3A_1451 : memref<1600xi32, #tpu.memory_space<vmem>>[vector<16xi32>], vector<16xi32>,
        %get3A_1458 = arith.constant 7 : i32
        %get3A_1459 = arith.index_cast %get3A_1458 : i32 to index
        %get3A_1460 = arith.constant 144 : index
        %get3A_1461 = tpu.vector_load %arg6[%get3A_1459, %get3A_1460] {strides = array<i32>} : memref<8x200xi32, #tpu.memory_space<vmem>>, vector<16xi32>,
        %add3A_1462 = arith.constant 7168 : i32
        %add3A_1463 = vector.broadcast %add3A_1462 : i32 to vector<16xi32>
        %add3A_1464 = arith.addi %get3A_1461, %add3A_1463 : vector<16xi32>
        %mul3A_1465 = arith.constant 8 : i32
        %mul3A_1466 = vector.broadcast %mul3A_1465 : i32 to vector<16xi32>
        %mul3A_1467 = arith.muli %iota3A, %mul3A_1466 : vector<16xi32>
        %add3A_1468 = arith.constant 1159 : i32
        %add3A_1469 = vector.broadcast %add3A_1468 : i32 to vector<16xi32>
        %add3A_1470 = arith.addi %mul3A_1467, %add3A_1469 : vector<16xi32>
        tpu.vector_store_idx %arg7[%add3A_1470], %add3A_1464 : memref<1600xi32, #tpu.memory_space<vmem>>[vector<16xi32>], vector<16xi32>,
        %get3A_1471 = arith.constant 7 : i32
        %get3A_1472 = arith.index_cast %get3A_1471 : i32 to index
        %get3A_1473 = arith.constant 160 : index
        %get3A_1474 = tpu.vector_load %arg6[%get3A_1472, %get3A_1473] {strides = array<i32>} : memref<8x200xi32, #tpu.memory_space<vmem>>, vector<16xi32>,
        %add3A_1475 = arith.constant 7168 : i32
        %add3A_1476 = vector.broadcast %add3A_1475 : i32 to vector<16xi32>
        %add3A_1477 = arith.addi %get3A_1474, %add3A_1476 : vector<16xi32>
        %mul3A_1478 = arith.constant 8 : i32
        %mul3A_1479 = vector.broadcast %mul3A_1478 : i32 to vector<16xi32>
        %mul3A_1480 = arith.muli %iota3A, %mul3A_1479 : vector<16xi32>
        %add3A_1481 = arith.constant 1287 : i32
        %add3A_1482 = vector.broadcast %add3A_1481 : i32 to vector<16xi32>
        %add3A_1483 = arith.addi %mul3A_1480, %add3A_1482 : vector<16xi32>
        tpu.vector_store_idx %arg7[%add3A_1483], %add3A_1477 : memref<1600xi32, #tpu.memory_space<vmem>>[vector<16xi32>], vector<16xi32>,
        %get3A_1484 = arith.constant 7 : i32
        %get3A_1485 = arith.index_cast %get3A_1484 : i32 to index
        %get3A_1486 = arith.constant 176 : index
        %get3A_1487 = tpu.vector_load %arg6[%get3A_1485, %get3A_1486] {strides = array<i32>} : memref<8x200xi32, #tpu.memory_space<vmem>>, vector<16xi32>,
        %add3A_1488 = arith.constant 7168 : i32
        %add3A_1489 = vector.broadcast %add3A_1488 : i32 to vector<16xi32>
        %add3A_1490 = arith.addi %get3A_1487, %add3A_1489 : vector<16xi32>
        %mul3A_1491 = arith.constant 8 : i32
        %mul3A_1492 = vector.broadcast %mul3A_1491 : i32 to vector<16xi32>
        %mul3A_1493 = arith.muli %iota3A, %mul3A_1492 : vector<16xi32>
        %add3A_1494 = arith.constant 1415 : i32
        %add3A_1495 = vector.broadcast %add3A_1494 : i32 to vector<16xi32>
        %add3A_1496 = arith.addi %mul3A_1493, %add3A_1495 : vector<16xi32>
        tpu.vector_store_idx %arg7[%add3A_1496], %add3A_1490 : memref<1600xi32, #tpu.memory_space<vmem>>[vector<16xi32>], vector<16xi32>,
        %get3A_1497 = arith.constant 7 : i32
        %get3A_1498 = arith.index_cast %get3A_1497 : i32 to index
        %get3A_1499 = arith.constant 184 : index
        %get3A_1500 = tpu.vector_load %arg6[%get3A_1498, %get3A_1499] {strides = array<i32>} : memref<8x200xi32, #tpu.memory_space<vmem>>, vector<16xi32>,
        %add3A_1501 = arith.constant 7168 : i32
        %add3A_1502 = vector.broadcast %add3A_1501 : i32 to vector<16xi32>
        %add3A_1503 = arith.addi %get3A_1500, %add3A_1502 : vector<16xi32>
        %mul3A_1504 = arith.constant 8 : i32
        %mul3A_1505 = vector.broadcast %mul3A_1504 : i32 to vector<16xi32>
        %mul3A_1506 = arith.muli %iota3A, %mul3A_1505 : vector<16xi32>
        %add3A_1507 = arith.constant 1479 : i32
        %add3A_1508 = vector.broadcast %add3A_1507 : i32 to vector<16xi32>
        %add3A_1509 = arith.addi %mul3A_1506, %add3A_1508 : vector<16xi32>
        tpu.vector_store_idx %arg7[%add3A_1509], %add3A_1503 : memref<1600xi32, #tpu.memory_space<vmem>>[vector<16xi32>], vector<16xi32>,
        %dma_start3A = arith.constant 0 : i32
        %dma_start3A_1510 = arith.constant 0 : i32
        %dma_start3A_1511 = arith.constant 0 : i32
        %dma_start3A_1512 = tpu.memref_slice %arg8[%dma_start3A, %dma_start3A_1510, %dma_start3A_1511] : memref<2x32x128xf32, #tpu.memory_space<vmem>> -> memref<1x32x128xf32, #tpu.memory_space<vmem>>
        %dma_start3A_1513 = tpu.memref_squeeze %dma_start3A_1512 : memref<1x32x128xf32, #tpu.memory_space<vmem>> -> memref<32x128xf32, #tpu.memory_space<vmem>>
        %dma_start3A_1514 = arith.constant 0 : i32
        %dma_start3A_1515 = tpu.memref_slice %arg7[%dma_start3A_1514] : memref<1600xi32, #tpu.memory_space<vmem>> -> memref<32xi32, #tpu.memory_space<vmem>>
        %dma_start3A_1516 = arith.constant 0 : i32
        %dma_start3A_1517 = arith.constant 0 : i32
        %dma_start3A_1518 = tpu.memref_slice %arg12[%dma_start3A_1516, %dma_start3A_1517] : memref<8192x128xf32, #tpu.memory_space<vmem_shared>> -> memref<8192x128xf32, #tpu.memory_space<vmem_shared>>
        tpu.enqueue_indirect_dma source(%dma_start3A_1518 : memref<8192x128xf32, #tpu.memory_space<vmem_shared>>) target(%dma_start3A_1513 : memref<32x128xf32, #tpu.memory_space<vmem>>) offsets(%dma_start3A_1515 : memref<32xi32, #tpu.memory_space<vmem>>) semaphore(%arg13 : memref<!tpu.dma_semaphore, #tpu.memory_space<semaphore_mem>>)
      } else {
      }
      %while3A_130 = arith.constant 0 : i32
      %while3A_131 = arith.constant 0 : i32
      %while3A_132 = arith.subi %select_n3A_125, %while3A_130 : i32
      %while3A_133 = arith.addi %while3A_130, %while3A_132 : i32
      %while3A_134 = arith.constant 1 : i32
      %while3A_135 = arith.divsi %while3A_132, %while3A_134 : i32
      %while3A_136 = arith.muli %while3A_135, %while3A_134 : i32
      %while3A_137 = arith.addi %while3A_130, %while3A_136 : i32
      %while3A_138 = arith.constant 1 : i32
      %while3A_139 = scf.for %while3A_158 = %while3A_130 to %while3A_137 step %while3A_138 iter_args(%while3A_159 = %while3A_131) -> (i32)  : i32 {
        %rem3A_160 = arith.constant 2 : i32
        %rem3A_161 = arith.remsi %while3A_158, %rem3A_160 : i32
        %dma_wait3A = arith.constant 0 : i32
        %dma_wait3A_162 = arith.constant 0 : i32
        %dma_wait3A_163 = tpu.memref_slice %arg8[%rem3A_161, %dma_wait3A, %dma_wait3A_162] : memref<2x32x128xf32, #tpu.memory_space<vmem>> -> memref<1x32x128xf32, #tpu.memory_space<vmem>>
        %dma_wait3A_164 = tpu.memref_squeeze %dma_wait3A_163 : memref<1x32x128xf32, #tpu.memory_space<vmem>> -> memref<32x128xf32, #tpu.memory_space<vmem>>
        %dma_wait3A_165 = arith.constant 0 : i32
        %dma_wait3A_166 = arith.constant 0 : i32
        %dma_wait3A_167 = arith.constant 0 : i32
        %dma_wait3A_168 = tpu.memref_slice %arg4[%dma_wait3A_165, %dma_wait3A_166, %dma_wait3A_167] : memref<8x1024x128xf32, #tpu.memory_space<hbm>> -> memref<32x1024x128xf32, #tpu.memory_space<hbm>>
        %dma_wait3A_169 = arith.constant 0 : i32
        %dma_wait3A_170 = arith.constant 0 : i32
        %dma_wait3A_171 = tpu.memref_slice %arg8[%rem3A_161, %dma_wait3A_169, %dma_wait3A_170] : memref<2x32x128xf32, #tpu.memory_space<vmem>> -> memref<1x32x128xf32, #tpu.memory_space<vmem>>
        %dma_wait3A_172 = tpu.memref_squeeze %dma_wait3A_171 : memref<1x32x128xf32, #tpu.memory_space<vmem>> -> memref<32x128xf32, #tpu.memory_space<vmem>>
        %dma_wait3A_173 = arith.constant 0 : i32
        %dma_wait3A_174 = arith.constant 0 : i32
        %dma_wait3A_175 = arith.constant 0 : i32
        %dma_wait3A_176 = tpu.memref_slice %arg4[%dma_wait3A_173, %dma_wait3A_174, %dma_wait3A_175] : memref<8x1024x128xf32, #tpu.memory_space<hbm>> -> memref<32x1024x128xf32, #tpu.memory_space<hbm>>
        tpu.wait_dma2 semaphore(%arg13 : memref<!tpu.dma_semaphore, #tpu.memory_space<semaphore_mem>>) src(%dma_wait3A_176 : memref<32x1024x128xf32, #tpu.memory_space<hbm>>) dst(%dma_wait3A_172 : memref<32x128xf32, #tpu.memory_space<vmem>>)
        %add3A_177 = arith.constant 1 : i32
        %add3A_178 = arith.addi %while3A_158, %add3A_177 : i32
        %lt3A = arith.cmpi slt, %add3A_178, %select_n3A_125 : i32
        %convert_element_type3A_179 = arith.extui %lt3A : i1 to i32
        %cond3A_180 = arith.constant 0 : i32
        %cond3A_181 = arith.cmpi ne, %convert_element_type3A_179, %cond3A_180 : i32
        scf.if %cond3A_181 {
          %add3A_1702 = arith.constant 1 : i32
          %add3A_1703 = arith.addi %while3A_158, %add3A_1702 : i32
          %mul3A_1704 = arith.constant 8 : i32
          %mul3A_1705 = arith.muli %add3A_1703, %mul3A_1704 : i32
          %mul3A_1706 = arith.constant 4 : i32
          %mul3A_1707 = arith.muli %mul3A_1705, %mul3A_1706 : i32
          %add3A_1708 = arith.constant 1 : i32
          %add3A_1709 = arith.addi %while3A_158, %add3A_1708 : i32
          %rem3A_1710 = arith.constant 2 : i32
          %rem3A_1711 = arith.remsi %add3A_1709, %rem3A_1710 : i32
          %dma_start3A = arith.constant 0 : i32
          %dma_start3A_1712 = arith.constant 0 : i32
          %dma_start3A_1713 = tpu.memref_slice %arg8[%rem3A_1711, %dma_start3A, %dma_start3A_1712] : memref<2x32x128xf32, #tpu.memory_space<vmem>> -> memref<1x32x128xf32, #tpu.memory_space<vmem>>
          %dma_start3A_1714 = tpu.memref_squeeze %dma_start3A_1713 : memref<1x32x128xf32, #tpu.memory_space<vmem>> -> memref<32x128xf32, #tpu.memory_space<vmem>>
          %dma_start3A_1715 = tpu.memref_slice %arg7[%mul3A_1707] : memref<1600xi32, #tpu.memory_space<vmem>> -> memref<32xi32, #tpu.memory_space<vmem>>
          %dma_start3A_1716 = arith.constant 0 : i32
          %dma_start3A_1717 = arith.constant 0 : i32
          %dma_start3A_1718 = tpu.memref_slice %arg12[%dma_start3A_1716, %dma_start3A_1717] : memref<8192x128xf32, #tpu.memory_space<vmem_shared>> -> memref<8192x128xf32, #tpu.memory_space<vmem_shared>>
          tpu.enqueue_indirect_dma source(%dma_start3A_1718 : memref<8192x128xf32, #tpu.memory_space<vmem_shared>>) target(%dma_start3A_1714 : memref<32x128xf32, #tpu.memory_space<vmem>>) offsets(%dma_start3A_1715 : memref<32xi32, #tpu.memory_space<vmem>>) semaphore(%arg13 : memref<!tpu.dma_semaphore, #tpu.memory_space<semaphore_mem>>)
        } else {
        }
        %mul3A_182 = arith.constant 4 : i32
        %mul3A_183 = arith.muli %while3A_158, %mul3A_182 : i32
        %broadcast_in_dim3A_184 = vector.broadcast %mul3A_183 : i32 to vector<16xi32>
        %add3A_185 = arith.constant 0 : i32
        %add3A_186 = vector.broadcast %add3A_185 : i32 to vector<16xi32>
        %add3A_187 = arith.addi %broadcast_in_dim3A_184, %add3A_186 : vector<16xi32>
        %get3A_188 = arith.constant 0 : i32
        %get3A_189 = arith.index_cast %rem3A_161 : i32 to index
        %get3A_190 = arith.index_cast %get3A_188 : i32 to index
        %get3A_191 = arith.constant 0 : index
        %get3A_192 = tpu.vector_load %arg8[%get3A_189, %get3A_190, %get3A_191] {strides = array<i32>} : memref<2x32x128xf32, #tpu.memory_space<vmem>>, vector<16xf32>,
        %get3A_193 = arith.constant 1 : i32
        %get3A_194 = arith.index_cast %rem3A_161 : i32 to index
        %get3A_195 = arith.index_cast %get3A_193 : i32 to index
        %get3A_196 = arith.constant 0 : index
        %get3A_197 = tpu.vector_load %arg8[%get3A_194, %get3A_195, %get3A_196] {strides = array<i32>} : memref<2x32x128xf32, #tpu.memory_space<vmem>>, vector<16xf32>,
        %add3A_198 = arith.addf %get3A_192, %get3A_197 : vector<16xf32>
        %get3A_199 = arith.constant 2 : i32
        %get3A_200 = arith.index_cast %rem3A_161 : i32 to index
        %get3A_201 = arith.index_cast %get3A_199 : i32 to index
        %get3A_202 = arith.constant 0 : index
        %get3A_203 = tpu.vector_load %arg8[%get3A_200, %get3A_201, %get3A_202] {strides = array<i32>} : memref<2x32x128xf32, #tpu.memory_space<vmem>>, vector<16xf32>,
        %add3A_204 = arith.addf %add3A_198, %get3A_203 : vector<16xf32>
        %get3A_205 = arith.constant 3 : i32
        %get3A_206 = arith.index_cast %rem3A_161 : i32 to index
        %get3A_207 = arith.index_cast %get3A_205 : i32 to index
        %get3A_208 = arith.constant 0 : index
        %get3A_209 = tpu.vector_load %arg8[%get3A_206, %get3A_207, %get3A_208] {strides = array<i32>} : memref<2x32x128xf32, #tpu.memory_space<vmem>>, vector<16xf32>,
        %add3A_210 = arith.addf %add3A_204, %get3A_209 : vector<16xf32>
        %get3A_211 = arith.constant 4 : i32
        %get3A_212 = arith.index_cast %rem3A_161 : i32 to index
        %get3A_213 = arith.index_cast %get3A_211 : i32 to index
        %get3A_214 = arith.constant 0 : index
        %get3A_215 = tpu.vector_load %arg8[%get3A_212, %get3A_213, %get3A_214] {strides = array<i32>} : memref<2x32x128xf32, #tpu.memory_space<vmem>>, vector<16xf32>,
        %add3A_216 = arith.addf %add3A_210, %get3A_215 : vector<16xf32>
        %get3A_217 = arith.constant 5 : i32
        %get3A_218 = arith.index_cast %rem3A_161 : i32 to index
        %get3A_219 = arith.index_cast %get3A_217 : i32 to index
        %get3A_220 = arith.constant 0 : index
        %get3A_221 = tpu.vector_load %arg8[%get3A_218, %get3A_219, %get3A_220] {strides = array<i32>} : memref<2x32x128xf32, #tpu.memory_space<vmem>>, vector<16xf32>,
        %add3A_222 = arith.addf %add3A_216, %get3A_221 : vector<16xf32>
        %get3A_223 = arith.constant 6 : i32
        %get3A_224 = arith.index_cast %rem3A_161 : i32 to index
        %get3A_225 = arith.index_cast %get3A_223 : i32 to index
        %get3A_226 = arith.constant 0 : index
        %get3A_227 = tpu.vector_load %arg8[%get3A_224, %get3A_225, %get3A_226] {strides = array<i32>} : memref<2x32x128xf32, #tpu.memory_space<vmem>>, vector<16xf32>,
        %add3A_228 = arith.addf %add3A_222, %get3A_227 : vector<16xf32>
        %get3A_229 = arith.constant 7 : i32
        %get3A_230 = arith.index_cast %rem3A_161 : i32 to index
        %get3A_231 = arith.index_cast %get3A_229 : i32 to index
        %get3A_232 = arith.constant 0 : index
        %get3A_233 = tpu.vector_load %arg8[%get3A_230, %get3A_231, %get3A_232] {strides = array<i32>} : memref<2x32x128xf32, #tpu.memory_space<vmem>>, vector<16xf32>,
        %add3A_234 = arith.addf %add3A_228, %get3A_233 : vector<16xf32>
        tpu.vector_store_idx %arg9[%add3A_1, %add3A_187], %add3A_234 : memref<128x200xf32, #tpu.memory_space<vmem>>[vector<16xi32>, vector<16xi32>], vector<16xf32>,
        %get3A_235 = arith.constant 0 : i32
        %get3A_236 = arith.index_cast %rem3A_161 : i32 to index
        %get3A_237 = arith.index_cast %get3A_235 : i32 to index
        %get3A_238 = arith.constant 16 : index
        %get3A_239 = tpu.vector_load %arg8[%get3A_236, %get3A_237, %get3A_238] {strides = array<i32>} : memref<2x32x128xf32, #tpu.memory_space<vmem>>, vector<16xf32>,
        %get3A_240 = arith.constant 1 : i32
        %get3A_241 = arith.index_cast %rem3A_161 : i32 to index
        %get3A_242 = arith.index_cast %get3A_240 : i32 to index
        %get3A_243 = arith.constant 16 : index
        %get3A_244 = tpu.vector_load %arg8[%get3A_241, %get3A_242, %get3A_243] {strides = array<i32>} : memref<2x32x128xf32, #tpu.memory_space<vmem>>, vector<16xf32>,
        %add3A_245 = arith.addf %get3A_239, %get3A_244 : vector<16xf32>
        %get3A_246 = arith.constant 2 : i32
        %get3A_247 = arith.index_cast %rem3A_161 : i32 to index
        %get3A_248 = arith.index_cast %get3A_246 : i32 to index
        %get3A_249 = arith.constant 16 : index
        %get3A_250 = tpu.vector_load %arg8[%get3A_247, %get3A_248, %get3A_249] {strides = array<i32>} : memref<2x32x128xf32, #tpu.memory_space<vmem>>, vector<16xf32>,
        %add3A_251 = arith.addf %add3A_245, %get3A_250 : vector<16xf32>
        %get3A_252 = arith.constant 3 : i32
        %get3A_253 = arith.index_cast %rem3A_161 : i32 to index
        %get3A_254 = arith.index_cast %get3A_252 : i32 to index
        %get3A_255 = arith.constant 16 : index
        %get3A_256 = tpu.vector_load %arg8[%get3A_253, %get3A_254, %get3A_255] {strides = array<i32>} : memref<2x32x128xf32, #tpu.memory_space<vmem>>, vector<16xf32>,
        %add3A_257 = arith.addf %add3A_251, %get3A_256 : vector<16xf32>
        %get3A_258 = arith.constant 4 : i32
        %get3A_259 = arith.index_cast %rem3A_161 : i32 to index
        %get3A_260 = arith.index_cast %get3A_258 : i32 to index
        %get3A_261 = arith.constant 16 : index
        %get3A_262 = tpu.vector_load %arg8[%get3A_259, %get3A_260, %get3A_261] {strides = array<i32>} : memref<2x32x128xf32, #tpu.memory_space<vmem>>, vector<16xf32>,
        %add3A_263 = arith.addf %add3A_257, %get3A_262 : vector<16xf32>
        %get3A_264 = arith.constant 5 : i32
        %get3A_265 = arith.index_cast %rem3A_161 : i32 to index
        %get3A_266 = arith.index_cast %get3A_264 : i32 to index
        %get3A_267 = arith.constant 16 : index
        %get3A_268 = tpu.vector_load %arg8[%get3A_265, %get3A_266, %get3A_267] {strides = array<i32>} : memref<2x32x128xf32, #tpu.memory_space<vmem>>, vector<16xf32>,
        %add3A_269 = arith.addf %add3A_263, %get3A_268 : vector<16xf32>
        %get3A_270 = arith.constant 6 : i32
        %get3A_271 = arith.index_cast %rem3A_161 : i32 to index
        %get3A_272 = arith.index_cast %get3A_270 : i32 to index
        %get3A_273 = arith.constant 16 : index
        %get3A_274 = tpu.vector_load %arg8[%get3A_271, %get3A_272, %get3A_273] {strides = array<i32>} : memref<2x32x128xf32, #tpu.memory_space<vmem>>, vector<16xf32>,
        %add3A_275 = arith.addf %add3A_269, %get3A_274 : vector<16xf32>
        %get3A_276 = arith.constant 7 : i32
        %get3A_277 = arith.index_cast %rem3A_161 : i32 to index
        %get3A_278 = arith.index_cast %get3A_276 : i32 to index
        %get3A_279 = arith.constant 16 : index
        %get3A_280 = tpu.vector_load %arg8[%get3A_277, %get3A_278, %get3A_279] {strides = array<i32>} : memref<2x32x128xf32, #tpu.memory_space<vmem>>, vector<16xf32>,
        %add3A_281 = arith.addf %add3A_275, %get3A_280 : vector<16xf32>
        tpu.vector_store_idx %arg9[%add3A_4, %add3A_187], %add3A_281 : memref<128x200xf32, #tpu.memory_space<vmem>>[vector<16xi32>, vector<16xi32>], vector<16xf32>,
        %get3A_282 = arith.constant 0 : i32
        %get3A_283 = arith.index_cast %rem3A_161 : i32 to index
        %get3A_284 = arith.index_cast %get3A_282 : i32 to index
        %get3A_285 = arith.constant 32 : index
        %get3A_286 = tpu.vector_load %arg8[%get3A_283, %get3A_284, %get3A_285] {strides = array<i32>} : memref<2x32x128xf32, #tpu.memory_space<vmem>>, vector<16xf32>,
        %get3A_287 = arith.constant 1 : i32
        %get3A_288 = arith.index_cast %rem3A_161 : i32 to index
        %get3A_289 = arith.index_cast %get3A_287 : i32 to index
        %get3A_290 = arith.constant 32 : index
        %get3A_291 = tpu.vector_load %arg8[%get3A_288, %get3A_289, %get3A_290] {strides = array<i32>} : memref<2x32x128xf32, #tpu.memory_space<vmem>>, vector<16xf32>,
        %add3A_292 = arith.addf %get3A_286, %get3A_291 : vector<16xf32>
        %get3A_293 = arith.constant 2 : i32
        %get3A_294 = arith.index_cast %rem3A_161 : i32 to index
        %get3A_295 = arith.index_cast %get3A_293 : i32 to index
        %get3A_296 = arith.constant 32 : index
        %get3A_297 = tpu.vector_load %arg8[%get3A_294, %get3A_295, %get3A_296] {strides = array<i32>} : memref<2x32x128xf32, #tpu.memory_space<vmem>>, vector<16xf32>,
        %add3A_298 = arith.addf %add3A_292, %get3A_297 : vector<16xf32>
        %get3A_299 = arith.constant 3 : i32
        %get3A_300 = arith.index_cast %rem3A_161 : i32 to index
        %get3A_301 = arith.index_cast %get3A_299 : i32 to index
        %get3A_302 = arith.constant 32 : index
        %get3A_303 = tpu.vector_load %arg8[%get3A_300, %get3A_301, %get3A_302] {strides = array<i32>} : memref<2x32x128xf32, #tpu.memory_space<vmem>>, vector<16xf32>,
        %add3A_304 = arith.addf %add3A_298, %get3A_303 : vector<16xf32>
        %get3A_305 = arith.constant 4 : i32
        %get3A_306 = arith.index_cast %rem3A_161 : i32 to index
        %get3A_307 = arith.index_cast %get3A_305 : i32 to index
        %get3A_308 = arith.constant 32 : index
        %get3A_309 = tpu.vector_load %arg8[%get3A_306, %get3A_307, %get3A_308] {strides = array<i32>} : memref<2x32x128xf32, #tpu.memory_space<vmem>>, vector<16xf32>,
        %add3A_310 = arith.addf %add3A_304, %get3A_309 : vector<16xf32>
        %get3A_311 = arith.constant 5 : i32
        %get3A_312 = arith.index_cast %rem3A_161 : i32 to index
        %get3A_313 = arith.index_cast %get3A_311 : i32 to index
        %get3A_314 = arith.constant 32 : index
        %get3A_315 = tpu.vector_load %arg8[%get3A_312, %get3A_313, %get3A_314] {strides = array<i32>} : memref<2x32x128xf32, #tpu.memory_space<vmem>>, vector<16xf32>,
        %add3A_316 = arith.addf %add3A_310, %get3A_315 : vector<16xf32>
        %get3A_317 = arith.constant 6 : i32
        %get3A_318 = arith.index_cast %rem3A_161 : i32 to index
        %get3A_319 = arith.index_cast %get3A_317 : i32 to index
        %get3A_320 = arith.constant 32 : index
        %get3A_321 = tpu.vector_load %arg8[%get3A_318, %get3A_319, %get3A_320] {strides = array<i32>} : memref<2x32x128xf32, #tpu.memory_space<vmem>>, vector<16xf32>,
        %add3A_322 = arith.addf %add3A_316, %get3A_321 : vector<16xf32>
        %get3A_323 = arith.constant 7 : i32
        %get3A_324 = arith.index_cast %rem3A_161 : i32 to index
        %get3A_325 = arith.index_cast %get3A_323 : i32 to index
        %get3A_326 = arith.constant 32 : index
        %get3A_327 = tpu.vector_load %arg8[%get3A_324, %get3A_325, %get3A_326] {strides = array<i32>} : memref<2x32x128xf32, #tpu.memory_space<vmem>>, vector<16xf32>,
        %add3A_328 = arith.addf %add3A_322, %get3A_327 : vector<16xf32>
        tpu.vector_store_idx %arg9[%add3A_7, %add3A_187], %add3A_328 : memref<128x200xf32, #tpu.memory_space<vmem>>[vector<16xi32>, vector<16xi32>], vector<16xf32>,
        %get3A_329 = arith.constant 0 : i32
        %get3A_330 = arith.index_cast %rem3A_161 : i32 to index
        %get3A_331 = arith.index_cast %get3A_329 : i32 to index
        %get3A_332 = arith.constant 48 : index
        %get3A_333 = tpu.vector_load %arg8[%get3A_330, %get3A_331, %get3A_332] {strides = array<i32>} : memref<2x32x128xf32, #tpu.memory_space<vmem>>, vector<16xf32>,
        %get3A_334 = arith.constant 1 : i32
        %get3A_335 = arith.index_cast %rem3A_161 : i32 to index
        %get3A_336 = arith.index_cast %get3A_334 : i32 to index
        %get3A_337 = arith.constant 48 : index
        %get3A_338 = tpu.vector_load %arg8[%get3A_335, %get3A_336, %get3A_337] {strides = array<i32>} : memref<2x32x128xf32, #tpu.memory_space<vmem>>, vector<16xf32>,
        %add3A_339 = arith.addf %get3A_333, %get3A_338 : vector<16xf32>
        %get3A_340 = arith.constant 2 : i32
        %get3A_341 = arith.index_cast %rem3A_161 : i32 to index
        %get3A_342 = arith.index_cast %get3A_340 : i32 to index
        %get3A_343 = arith.constant 48 : index
        %get3A_344 = tpu.vector_load %arg8[%get3A_341, %get3A_342, %get3A_343] {strides = array<i32>} : memref<2x32x128xf32, #tpu.memory_space<vmem>>, vector<16xf32>,
        %add3A_345 = arith.addf %add3A_339, %get3A_344 : vector<16xf32>
        %get3A_346 = arith.constant 3 : i32
        %get3A_347 = arith.index_cast %rem3A_161 : i32 to index
        %get3A_348 = arith.index_cast %get3A_346 : i32 to index
        %get3A_349 = arith.constant 48 : index
        %get3A_350 = tpu.vector_load %arg8[%get3A_347, %get3A_348, %get3A_349] {strides = array<i32>} : memref<2x32x128xf32, #tpu.memory_space<vmem>>, vector<16xf32>,
        %add3A_351 = arith.addf %add3A_345, %get3A_350 : vector<16xf32>
        %get3A_352 = arith.constant 4 : i32
        %get3A_353 = arith.index_cast %rem3A_161 : i32 to index
        %get3A_354 = arith.index_cast %get3A_352 : i32 to index
        %get3A_355 = arith.constant 48 : index
        %get3A_356 = tpu.vector_load %arg8[%get3A_353, %get3A_354, %get3A_355] {strides = array<i32>} : memref<2x32x128xf32, #tpu.memory_space<vmem>>, vector<16xf32>,
        %add3A_357 = arith.addf %add3A_351, %get3A_356 : vector<16xf32>
        %get3A_358 = arith.constant 5 : i32
        %get3A_359 = arith.index_cast %rem3A_161 : i32 to index
        %get3A_360 = arith.index_cast %get3A_358 : i32 to index
        %get3A_361 = arith.constant 48 : index
        %get3A_362 = tpu.vector_load %arg8[%get3A_359, %get3A_360, %get3A_361] {strides = array<i32>} : memref<2x32x128xf32, #tpu.memory_space<vmem>>, vector<16xf32>,
        %add3A_363 = arith.addf %add3A_357, %get3A_362 : vector<16xf32>
        %get3A_364 = arith.constant 6 : i32
        %get3A_365 = arith.index_cast %rem3A_161 : i32 to index
        %get3A_366 = arith.index_cast %get3A_364 : i32 to index
        %get3A_367 = arith.constant 48 : index
        %get3A_368 = tpu.vector_load %arg8[%get3A_365, %get3A_366, %get3A_367] {strides = array<i32>} : memref<2x32x128xf32, #tpu.memory_space<vmem>>, vector<16xf32>,
        %add3A_369 = arith.addf %add3A_363, %get3A_368 : vector<16xf32>
        %get3A_370 = arith.constant 7 : i32
        %get3A_371 = arith.index_cast %rem3A_161 : i32 to index
        %get3A_372 = arith.index_cast %get3A_370 : i32 to index
        %get3A_373 = arith.constant 48 : index
        %get3A_374 = tpu.vector_load %arg8[%get3A_371, %get3A_372, %get3A_373] {strides = array<i32>} : memref<2x32x128xf32, #tpu.memory_space<vmem>>, vector<16xf32>,
        %add3A_375 = arith.addf %add3A_369, %get3A_374 : vector<16xf32>
        tpu.vector_store_idx %arg9[%add3A_10, %add3A_187], %add3A_375 : memref<128x200xf32, #tpu.memory_space<vmem>>[vector<16xi32>, vector<16xi32>], vector<16xf32>,
        %get3A_376 = arith.constant 0 : i32
        %get3A_377 = arith.index_cast %rem3A_161 : i32 to index
        %get3A_378 = arith.index_cast %get3A_376 : i32 to index
        %get3A_379 = arith.constant 64 : index
        %get3A_380 = tpu.vector_load %arg8[%get3A_377, %get3A_378, %get3A_379] {strides = array<i32>} : memref<2x32x128xf32, #tpu.memory_space<vmem>>, vector<16xf32>,
        %get3A_381 = arith.constant 1 : i32
        %get3A_382 = arith.index_cast %rem3A_161 : i32 to index
        %get3A_383 = arith.index_cast %get3A_381 : i32 to index
        %get3A_384 = arith.constant 64 : index
        %get3A_385 = tpu.vector_load %arg8[%get3A_382, %get3A_383, %get3A_384] {strides = array<i32>} : memref<2x32x128xf32, #tpu.memory_space<vmem>>, vector<16xf32>,
        %add3A_386 = arith.addf %get3A_380, %get3A_385 : vector<16xf32>
        %get3A_387 = arith.constant 2 : i32
        %get3A_388 = arith.index_cast %rem3A_161 : i32 to index
        %get3A_389 = arith.index_cast %get3A_387 : i32 to index
        %get3A_390 = arith.constant 64 : index
        %get3A_391 = tpu.vector_load %arg8[%get3A_388, %get3A_389, %get3A_390] {strides = array<i32>} : memref<2x32x128xf32, #tpu.memory_space<vmem>>, vector<16xf32>,
        %add3A_392 = arith.addf %add3A_386, %get3A_391 : vector<16xf32>
        %get3A_393 = arith.constant 3 : i32
        %get3A_394 = arith.index_cast %rem3A_161 : i32 to index
        %get3A_395 = arith.index_cast %get3A_393 : i32 to index
        %get3A_396 = arith.constant 64 : index
        %get3A_397 = tpu.vector_load %arg8[%get3A_394, %get3A_395, %get3A_396] {strides = array<i32>} : memref<2x32x128xf32, #tpu.memory_space<vmem>>, vector<16xf32>,
        %add3A_398 = arith.addf %add3A_392, %get3A_397 : vector<16xf32>
        %get3A_399 = arith.constant 4 : i32
        %get3A_400 = arith.index_cast %rem3A_161 : i32 to index
        %get3A_401 = arith.index_cast %get3A_399 : i32 to index
        %get3A_402 = arith.constant 64 : index
        %get3A_403 = tpu.vector_load %arg8[%get3A_400, %get3A_401, %get3A_402] {strides = array<i32>} : memref<2x32x128xf32, #tpu.memory_space<vmem>>, vector<16xf32>,
        %add3A_404 = arith.addf %add3A_398, %get3A_403 : vector<16xf32>
        %get3A_405 = arith.constant 5 : i32
        %get3A_406 = arith.index_cast %rem3A_161 : i32 to index
        %get3A_407 = arith.index_cast %get3A_405 : i32 to index
        %get3A_408 = arith.constant 64 : index
        %get3A_409 = tpu.vector_load %arg8[%get3A_406, %get3A_407, %get3A_408] {strides = array<i32>} : memref<2x32x128xf32, #tpu.memory_space<vmem>>, vector<16xf32>,
        %add3A_410 = arith.addf %add3A_404, %get3A_409 : vector<16xf32>
        %get3A_411 = arith.constant 6 : i32
        %get3A_412 = arith.index_cast %rem3A_161 : i32 to index
        %get3A_413 = arith.index_cast %get3A_411 : i32 to index
        %get3A_414 = arith.constant 64 : index
        %get3A_415 = tpu.vector_load %arg8[%get3A_412, %get3A_413, %get3A_414] {strides = array<i32>} : memref<2x32x128xf32, #tpu.memory_space<vmem>>, vector<16xf32>,
        %add3A_416 = arith.addf %add3A_410, %get3A_415 : vector<16xf32>
        %get3A_417 = arith.constant 7 : i32
        %get3A_418 = arith.index_cast %rem3A_161 : i32 to index
        %get3A_419 = arith.index_cast %get3A_417 : i32 to index
        %get3A_420 = arith.constant 64 : index
        %get3A_421 = tpu.vector_load %arg8[%get3A_418, %get3A_419, %get3A_420] {strides = array<i32>} : memref<2x32x128xf32, #tpu.memory_space<vmem>>, vector<16xf32>,
        %add3A_422 = arith.addf %add3A_416, %get3A_421 : vector<16xf32>
        tpu.vector_store_idx %arg9[%add3A_13, %add3A_187], %add3A_422 : memref<128x200xf32, #tpu.memory_space<vmem>>[vector<16xi32>, vector<16xi32>], vector<16xf32>,
        %get3A_423 = arith.constant 0 : i32
        %get3A_424 = arith.index_cast %rem3A_161 : i32 to index
        %get3A_425 = arith.index_cast %get3A_423 : i32 to index
        %get3A_426 = arith.constant 80 : index
        %get3A_427 = tpu.vector_load %arg8[%get3A_424, %get3A_425, %get3A_426] {strides = array<i32>} : memref<2x32x128xf32, #tpu.memory_space<vmem>>, vector<16xf32>,
        %get3A_428 = arith.constant 1 : i32
        %get3A_429 = arith.index_cast %rem3A_161 : i32 to index
        %get3A_430 = arith.index_cast %get3A_428 : i32 to index
        %get3A_431 = arith.constant 80 : index
        %get3A_432 = tpu.vector_load %arg8[%get3A_429, %get3A_430, %get3A_431] {strides = array<i32>} : memref<2x32x128xf32, #tpu.memory_space<vmem>>, vector<16xf32>,
        %add3A_433 = arith.addf %get3A_427, %get3A_432 : vector<16xf32>
        %get3A_434 = arith.constant 2 : i32
        %get3A_435 = arith.index_cast %rem3A_161 : i32 to index
        %get3A_436 = arith.index_cast %get3A_434 : i32 to index
        %get3A_437 = arith.constant 80 : index
        %get3A_438 = tpu.vector_load %arg8[%get3A_435, %get3A_436, %get3A_437] {strides = array<i32>} : memref<2x32x128xf32, #tpu.memory_space<vmem>>, vector<16xf32>,
        %add3A_439 = arith.addf %add3A_433, %get3A_438 : vector<16xf32>
        %get3A_440 = arith.constant 3 : i32
        %get3A_441 = arith.index_cast %rem3A_161 : i32 to index
        %get3A_442 = arith.index_cast %get3A_440 : i32 to index
        %get3A_443 = arith.constant 80 : index
        %get3A_444 = tpu.vector_load %arg8[%get3A_441, %get3A_442, %get3A_443] {strides = array<i32>} : memref<2x32x128xf32, #tpu.memory_space<vmem>>, vector<16xf32>,
        %add3A_445 = arith.addf %add3A_439, %get3A_444 : vector<16xf32>
        %get3A_446 = arith.constant 4 : i32
        %get3A_447 = arith.index_cast %rem3A_161 : i32 to index
        %get3A_448 = arith.index_cast %get3A_446 : i32 to index
        %get3A_449 = arith.constant 80 : index
        %get3A_450 = tpu.vector_load %arg8[%get3A_447, %get3A_448, %get3A_449] {strides = array<i32>} : memref<2x32x128xf32, #tpu.memory_space<vmem>>, vector<16xf32>,
        %add3A_451 = arith.addf %add3A_445, %get3A_450 : vector<16xf32>
        %get3A_452 = arith.constant 5 : i32
        %get3A_453 = arith.index_cast %rem3A_161 : i32 to index
        %get3A_454 = arith.index_cast %get3A_452 : i32 to index
        %get3A_455 = arith.constant 80 : index
        %get3A_456 = tpu.vector_load %arg8[%get3A_453, %get3A_454, %get3A_455] {strides = array<i32>} : memref<2x32x128xf32, #tpu.memory_space<vmem>>, vector<16xf32>,
        %add3A_457 = arith.addf %add3A_451, %get3A_456 : vector<16xf32>
        %get3A_458 = arith.constant 6 : i32
        %get3A_459 = arith.index_cast %rem3A_161 : i32 to index
        %get3A_460 = arith.index_cast %get3A_458 : i32 to index
        %get3A_461 = arith.constant 80 : index
        %get3A_462 = tpu.vector_load %arg8[%get3A_459, %get3A_460, %get3A_461] {strides = array<i32>} : memref<2x32x128xf32, #tpu.memory_space<vmem>>, vector<16xf32>,
        %add3A_463 = arith.addf %add3A_457, %get3A_462 : vector<16xf32>
        %get3A_464 = arith.constant 7 : i32
        %get3A_465 = arith.index_cast %rem3A_161 : i32 to index
        %get3A_466 = arith.index_cast %get3A_464 : i32 to index
        %get3A_467 = arith.constant 80 : index
        %get3A_468 = tpu.vector_load %arg8[%get3A_465, %get3A_466, %get3A_467] {strides = array<i32>} : memref<2x32x128xf32, #tpu.memory_space<vmem>>, vector<16xf32>,
        %add3A_469 = arith.addf %add3A_463, %get3A_468 : vector<16xf32>
        tpu.vector_store_idx %arg9[%add3A_16, %add3A_187], %add3A_469 : memref<128x200xf32, #tpu.memory_space<vmem>>[vector<16xi32>, vector<16xi32>], vector<16xf32>,
        %get3A_470 = arith.constant 0 : i32
        %get3A_471 = arith.index_cast %rem3A_161 : i32 to index
        %get3A_472 = arith.index_cast %get3A_470 : i32 to index
        %get3A_473 = arith.constant 96 : index
        %get3A_474 = tpu.vector_load %arg8[%get3A_471, %get3A_472, %get3A_473] {strides = array<i32>} : memref<2x32x128xf32, #tpu.memory_space<vmem>>, vector<16xf32>,
        %get3A_475 = arith.constant 1 : i32
        %get3A_476 = arith.index_cast %rem3A_161 : i32 to index
        %get3A_477 = arith.index_cast %get3A_475 : i32 to index
        %get3A_478 = arith.constant 96 : index
        %get3A_479 = tpu.vector_load %arg8[%get3A_476, %get3A_477, %get3A_478] {strides = array<i32>} : memref<2x32x128xf32, #tpu.memory_space<vmem>>, vector<16xf32>,
        %add3A_480 = arith.addf %get3A_474, %get3A_479 : vector<16xf32>
        %get3A_481 = arith.constant 2 : i32
        %get3A_482 = arith.index_cast %rem3A_161 : i32 to index
        %get3A_483 = arith.index_cast %get3A_481 : i32 to index
        %get3A_484 = arith.constant 96 : index
        %get3A_485 = tpu.vector_load %arg8[%get3A_482, %get3A_483, %get3A_484] {strides = array<i32>} : memref<2x32x128xf32, #tpu.memory_space<vmem>>, vector<16xf32>,
        %add3A_486 = arith.addf %add3A_480, %get3A_485 : vector<16xf32>
        %get3A_487 = arith.constant 3 : i32
        %get3A_488 = arith.index_cast %rem3A_161 : i32 to index
        %get3A_489 = arith.index_cast %get3A_487 : i32 to index
        %get3A_490 = arith.constant 96 : index
        %get3A_491 = tpu.vector_load %arg8[%get3A_488, %get3A_489, %get3A_490] {strides = array<i32>} : memref<2x32x128xf32, #tpu.memory_space<vmem>>, vector<16xf32>,
        %add3A_492 = arith.addf %add3A_486, %get3A_491 : vector<16xf32>
        %get3A_493 = arith.constant 4 : i32
        %get3A_494 = arith.index_cast %rem3A_161 : i32 to index
        %get3A_495 = arith.index_cast %get3A_493 : i32 to index
        %get3A_496 = arith.constant 96 : index
        %get3A_497 = tpu.vector_load %arg8[%get3A_494, %get3A_495, %get3A_496] {strides = array<i32>} : memref<2x32x128xf32, #tpu.memory_space<vmem>>, vector<16xf32>,
        %add3A_498 = arith.addf %add3A_492, %get3A_497 : vector<16xf32>
        %get3A_499 = arith.constant 5 : i32
        %get3A_500 = arith.index_cast %rem3A_161 : i32 to index
        %get3A_501 = arith.index_cast %get3A_499 : i32 to index
        %get3A_502 = arith.constant 96 : index
        %get3A_503 = tpu.vector_load %arg8[%get3A_500, %get3A_501, %get3A_502] {strides = array<i32>} : memref<2x32x128xf32, #tpu.memory_space<vmem>>, vector<16xf32>,
        %add3A_504 = arith.addf %add3A_498, %get3A_503 : vector<16xf32>
        %get3A_505 = arith.constant 6 : i32
        %get3A_506 = arith.index_cast %rem3A_161 : i32 to index
        %get3A_507 = arith.index_cast %get3A_505 : i32 to index
        %get3A_508 = arith.constant 96 : index
        %get3A_509 = tpu.vector_load %arg8[%get3A_506, %get3A_507, %get3A_508] {strides = array<i32>} : memref<2x32x128xf32, #tpu.memory_space<vmem>>, vector<16xf32>,
        %add3A_510 = arith.addf %add3A_504, %get3A_509 : vector<16xf32>
        %get3A_511 = arith.constant 7 : i32
        %get3A_512 = arith.index_cast %rem3A_161 : i32 to index
        %get3A_513 = arith.index_cast %get3A_511 : i32 to index
        %get3A_514 = arith.constant 96 : index
        %get3A_515 = tpu.vector_load %arg8[%get3A_512, %get3A_513, %get3A_514] {strides = array<i32>} : memref<2x32x128xf32, #tpu.memory_space<vmem>>, vector<16xf32>,
        %add3A_516 = arith.addf %add3A_510, %get3A_515 : vector<16xf32>
        tpu.vector_store_idx %arg9[%add3A_19, %add3A_187], %add3A_516 : memref<128x200xf32, #tpu.memory_space<vmem>>[vector<16xi32>, vector<16xi32>], vector<16xf32>,
        %get3A_517 = arith.constant 0 : i32
        %get3A_518 = arith.index_cast %rem3A_161 : i32 to index
        %get3A_519 = arith.index_cast %get3A_517 : i32 to index
        %get3A_520 = arith.constant 112 : index
        %get3A_521 = tpu.vector_load %arg8[%get3A_518, %get3A_519, %get3A_520] {strides = array<i32>} : memref<2x32x128xf32, #tpu.memory_space<vmem>>, vector<16xf32>,
        %get3A_522 = arith.constant 1 : i32
        %get3A_523 = arith.index_cast %rem3A_161 : i32 to index
        %get3A_524 = arith.index_cast %get3A_522 : i32 to index
        %get3A_525 = arith.constant 112 : index
        %get3A_526 = tpu.vector_load %arg8[%get3A_523, %get3A_524, %get3A_525] {strides = array<i32>} : memref<2x32x128xf32, #tpu.memory_space<vmem>>, vector<16xf32>,
        %add3A_527 = arith.addf %get3A_521, %get3A_526 : vector<16xf32>
        %get3A_528 = arith.constant 2 : i32
        %get3A_529 = arith.index_cast %rem3A_161 : i32 to index
        %get3A_530 = arith.index_cast %get3A_528 : i32 to index
        %get3A_531 = arith.constant 112 : index
        %get3A_532 = tpu.vector_load %arg8[%get3A_529, %get3A_530, %get3A_531] {strides = array<i32>} : memref<2x32x128xf32, #tpu.memory_space<vmem>>, vector<16xf32>,
        %add3A_533 = arith.addf %add3A_527, %get3A_532 : vector<16xf32>
        %get3A_534 = arith.constant 3 : i32
        %get3A_535 = arith.index_cast %rem3A_161 : i32 to index
        %get3A_536 = arith.index_cast %get3A_534 : i32 to index
        %get3A_537 = arith.constant 112 : index
        %get3A_538 = tpu.vector_load %arg8[%get3A_535, %get3A_536, %get3A_537] {strides = array<i32>} : memref<2x32x128xf32, #tpu.memory_space<vmem>>, vector<16xf32>,
        %add3A_539 = arith.addf %add3A_533, %get3A_538 : vector<16xf32>
        %get3A_540 = arith.constant 4 : i32
        %get3A_541 = arith.index_cast %rem3A_161 : i32 to index
        %get3A_542 = arith.index_cast %get3A_540 : i32 to index
        %get3A_543 = arith.constant 112 : index
        %get3A_544 = tpu.vector_load %arg8[%get3A_541, %get3A_542, %get3A_543] {strides = array<i32>} : memref<2x32x128xf32, #tpu.memory_space<vmem>>, vector<16xf32>,
        %add3A_545 = arith.addf %add3A_539, %get3A_544 : vector<16xf32>
        %get3A_546 = arith.constant 5 : i32
        %get3A_547 = arith.index_cast %rem3A_161 : i32 to index
        %get3A_548 = arith.index_cast %get3A_546 : i32 to index
        %get3A_549 = arith.constant 112 : index
        %get3A_550 = tpu.vector_load %arg8[%get3A_547, %get3A_548, %get3A_549] {strides = array<i32>} : memref<2x32x128xf32, #tpu.memory_space<vmem>>, vector<16xf32>,
        %add3A_551 = arith.addf %add3A_545, %get3A_550 : vector<16xf32>
        %get3A_552 = arith.constant 6 : i32
        %get3A_553 = arith.index_cast %rem3A_161 : i32 to index
        %get3A_554 = arith.index_cast %get3A_552 : i32 to index
        %get3A_555 = arith.constant 112 : index
        %get3A_556 = tpu.vector_load %arg8[%get3A_553, %get3A_554, %get3A_555] {strides = array<i32>} : memref<2x32x128xf32, #tpu.memory_space<vmem>>, vector<16xf32>,
        %add3A_557 = arith.addf %add3A_551, %get3A_556 : vector<16xf32>
        %get3A_558 = arith.constant 7 : i32
        %get3A_559 = arith.index_cast %rem3A_161 : i32 to index
        %get3A_560 = arith.index_cast %get3A_558 : i32 to index
        %get3A_561 = arith.constant 112 : index
        %get3A_562 = tpu.vector_load %arg8[%get3A_559, %get3A_560, %get3A_561] {strides = array<i32>} : memref<2x32x128xf32, #tpu.memory_space<vmem>>, vector<16xf32>,
        %add3A_563 = arith.addf %add3A_557, %get3A_562 : vector<16xf32>
        tpu.vector_store_idx %arg9[%add3A_22, %add3A_187], %add3A_563 : memref<128x200xf32, #tpu.memory_space<vmem>>[vector<16xi32>, vector<16xi32>], vector<16xf32>,
        %add3A_564 = arith.constant 1 : i32
        %add3A_565 = vector.broadcast %add3A_564 : i32 to vector<16xi32>
        %add3A_566 = arith.addi %broadcast_in_dim3A_184, %add3A_565 : vector<16xi32>
        %get3A_567 = arith.constant 8 : i32
        %get3A_568 = arith.index_cast %rem3A_161 : i32 to index
        %get3A_569 = arith.index_cast %get3A_567 : i32 to index
        %get3A_570 = arith.constant 0 : index
        %get3A_571 = tpu.vector_load %arg8[%get3A_568, %get3A_569, %get3A_570] {strides = array<i32>} : memref<2x32x128xf32, #tpu.memory_space<vmem>>, vector<16xf32>,
        %get3A_572 = arith.constant 9 : i32
        %get3A_573 = arith.index_cast %rem3A_161 : i32 to index
        %get3A_574 = arith.index_cast %get3A_572 : i32 to index
        %get3A_575 = arith.constant 0 : index
        %get3A_576 = tpu.vector_load %arg8[%get3A_573, %get3A_574, %get3A_575] {strides = array<i32>} : memref<2x32x128xf32, #tpu.memory_space<vmem>>, vector<16xf32>,
        %add3A_577 = arith.addf %get3A_571, %get3A_576 : vector<16xf32>
        %get3A_578 = arith.constant 10 : i32
        %get3A_579 = arith.index_cast %rem3A_161 : i32 to index
        %get3A_580 = arith.index_cast %get3A_578 : i32 to index
        %get3A_581 = arith.constant 0 : index
        %get3A_582 = tpu.vector_load %arg8[%get3A_579, %get3A_580, %get3A_581] {strides = array<i32>} : memref<2x32x128xf32, #tpu.memory_space<vmem>>, vector<16xf32>,
        %add3A_583 = arith.addf %add3A_577, %get3A_582 : vector<16xf32>
        %get3A_584 = arith.constant 11 : i32
        %get3A_585 = arith.index_cast %rem3A_161 : i32 to index
        %get3A_586 = arith.index_cast %get3A_584 : i32 to index
        %get3A_587 = arith.constant 0 : index
        %get3A_588 = tpu.vector_load %arg8[%get3A_585, %get3A_586, %get3A_587] {strides = array<i32>} : memref<2x32x128xf32, #tpu.memory_space<vmem>>, vector<16xf32>,
        %add3A_589 = arith.addf %add3A_583, %get3A_588 : vector<16xf32>
        %get3A_590 = arith.constant 12 : i32
        %get3A_591 = arith.index_cast %rem3A_161 : i32 to index
        %get3A_592 = arith.index_cast %get3A_590 : i32 to index
        %get3A_593 = arith.constant 0 : index
        %get3A_594 = tpu.vector_load %arg8[%get3A_591, %get3A_592, %get3A_593] {strides = array<i32>} : memref<2x32x128xf32, #tpu.memory_space<vmem>>, vector<16xf32>,
        %add3A_595 = arith.addf %add3A_589, %get3A_594 : vector<16xf32>
        %get3A_596 = arith.constant 13 : i32
        %get3A_597 = arith.index_cast %rem3A_161 : i32 to index
        %get3A_598 = arith.index_cast %get3A_596 : i32 to index
        %get3A_599 = arith.constant 0 : index
        %get3A_600 = tpu.vector_load %arg8[%get3A_597, %get3A_598, %get3A_599] {strides = array<i32>} : memref<2x32x128xf32, #tpu.memory_space<vmem>>, vector<16xf32>,
        %add3A_601 = arith.addf %add3A_595, %get3A_600 : vector<16xf32>
        %get3A_602 = arith.constant 14 : i32
        %get3A_603 = arith.index_cast %rem3A_161 : i32 to index
        %get3A_604 = arith.index_cast %get3A_602 : i32 to index
        %get3A_605 = arith.constant 0 : index
        %get3A_606 = tpu.vector_load %arg8[%get3A_603, %get3A_604, %get3A_605] {strides = array<i32>} : memref<2x32x128xf32, #tpu.memory_space<vmem>>, vector<16xf32>,
        %add3A_607 = arith.addf %add3A_601, %get3A_606 : vector<16xf32>
        %get3A_608 = arith.constant 15 : i32
        %get3A_609 = arith.index_cast %rem3A_161 : i32 to index
        %get3A_610 = arith.index_cast %get3A_608 : i32 to index
        %get3A_611 = arith.constant 0 : index
        %get3A_612 = tpu.vector_load %arg8[%get3A_609, %get3A_610, %get3A_611] {strides = array<i32>} : memref<2x32x128xf32, #tpu.memory_space<vmem>>, vector<16xf32>,
        %add3A_613 = arith.addf %add3A_607, %get3A_612 : vector<16xf32>
        tpu.vector_store_idx %arg9[%add3A_1, %add3A_566], %add3A_613 : memref<128x200xf32, #tpu.memory_space<vmem>>[vector<16xi32>, vector<16xi32>], vector<16xf32>,
        %get3A_614 = arith.constant 8 : i32
        %get3A_615 = arith.index_cast %rem3A_161 : i32 to index
        %get3A_616 = arith.index_cast %get3A_614 : i32 to index
        %get3A_617 = arith.constant 16 : index
        %get3A_618 = tpu.vector_load %arg8[%get3A_615, %get3A_616, %get3A_617] {strides = array<i32>} : memref<2x32x128xf32, #tpu.memory_space<vmem>>, vector<16xf32>,
        %get3A_619 = arith.constant 9 : i32
        %get3A_620 = arith.index_cast %rem3A_161 : i32 to index
        %get3A_621 = arith.index_cast %get3A_619 : i32 to index
        %get3A_622 = arith.constant 16 : index
        %get3A_623 = tpu.vector_load %arg8[%get3A_620, %get3A_621, %get3A_622] {strides = array<i32>} : memref<2x32x128xf32, #tpu.memory_space<vmem>>, vector<16xf32>,
        %add3A_624 = arith.addf %get3A_618, %get3A_623 : vector<16xf32>
        %get3A_625 = arith.constant 10 : i32
        %get3A_626 = arith.index_cast %rem3A_161 : i32 to index
        %get3A_627 = arith.index_cast %get3A_625 : i32 to index
        %get3A_628 = arith.constant 16 : index
        %get3A_629 = tpu.vector_load %arg8[%get3A_626, %get3A_627, %get3A_628] {strides = array<i32>} : memref<2x32x128xf32, #tpu.memory_space<vmem>>, vector<16xf32>,
        %add3A_630 = arith.addf %add3A_624, %get3A_629 : vector<16xf32>
        %get3A_631 = arith.constant 11 : i32
        %get3A_632 = arith.index_cast %rem3A_161 : i32 to index
        %get3A_633 = arith.index_cast %get3A_631 : i32 to index
        %get3A_634 = arith.constant 16 : index
        %get3A_635 = tpu.vector_load %arg8[%get3A_632, %get3A_633, %get3A_634] {strides = array<i32>} : memref<2x32x128xf32, #tpu.memory_space<vmem>>, vector<16xf32>,
        %add3A_636 = arith.addf %add3A_630, %get3A_635 : vector<16xf32>
        %get3A_637 = arith.constant 12 : i32
        %get3A_638 = arith.index_cast %rem3A_161 : i32 to index
        %get3A_639 = arith.index_cast %get3A_637 : i32 to index
        %get3A_640 = arith.constant 16 : index
        %get3A_641 = tpu.vector_load %arg8[%get3A_638, %get3A_639, %get3A_640] {strides = array<i32>} : memref<2x32x128xf32, #tpu.memory_space<vmem>>, vector<16xf32>,
        %add3A_642 = arith.addf %add3A_636, %get3A_641 : vector<16xf32>
        %get3A_643 = arith.constant 13 : i32
        %get3A_644 = arith.index_cast %rem3A_161 : i32 to index
        %get3A_645 = arith.index_cast %get3A_643 : i32 to index
        %get3A_646 = arith.constant 16 : index
        %get3A_647 = tpu.vector_load %arg8[%get3A_644, %get3A_645, %get3A_646] {strides = array<i32>} : memref<2x32x128xf32, #tpu.memory_space<vmem>>, vector<16xf32>,
        %add3A_648 = arith.addf %add3A_642, %get3A_647 : vector<16xf32>
        %get3A_649 = arith.constant 14 : i32
        %get3A_650 = arith.index_cast %rem3A_161 : i32 to index
        %get3A_651 = arith.index_cast %get3A_649 : i32 to index
        %get3A_652 = arith.constant 16 : index
        %get3A_653 = tpu.vector_load %arg8[%get3A_650, %get3A_651, %get3A_652] {strides = array<i32>} : memref<2x32x128xf32, #tpu.memory_space<vmem>>, vector<16xf32>,
        %add3A_654 = arith.addf %add3A_648, %get3A_653 : vector<16xf32>
        %get3A_655 = arith.constant 15 : i32
        %get3A_656 = arith.index_cast %rem3A_161 : i32 to index
        %get3A_657 = arith.index_cast %get3A_655 : i32 to index
        %get3A_658 = arith.constant 16 : index
        %get3A_659 = tpu.vector_load %arg8[%get3A_656, %get3A_657, %get3A_658] {strides = array<i32>} : memref<2x32x128xf32, #tpu.memory_space<vmem>>, vector<16xf32>,
        %add3A_660 = arith.addf %add3A_654, %get3A_659 : vector<16xf32>
        tpu.vector_store_idx %arg9[%add3A_4, %add3A_566], %add3A_660 : memref<128x200xf32, #tpu.memory_space<vmem>>[vector<16xi32>, vector<16xi32>], vector<16xf32>,
        %get3A_661 = arith.constant 8 : i32
        %get3A_662 = arith.index_cast %rem3A_161 : i32 to index
        %get3A_663 = arith.index_cast %get3A_661 : i32 to index
        %get3A_664 = arith.constant 32 : index
        %get3A_665 = tpu.vector_load %arg8[%get3A_662, %get3A_663, %get3A_664] {strides = array<i32>} : memref<2x32x128xf32, #tpu.memory_space<vmem>>, vector<16xf32>,
        %get3A_666 = arith.constant 9 : i32
        %get3A_667 = arith.index_cast %rem3A_161 : i32 to index
        %get3A_668 = arith.index_cast %get3A_666 : i32 to index
        %get3A_669 = arith.constant 32 : index
        %get3A_670 = tpu.vector_load %arg8[%get3A_667, %get3A_668, %get3A_669] {strides = array<i32>} : memref<2x32x128xf32, #tpu.memory_space<vmem>>, vector<16xf32>,
        %add3A_671 = arith.addf %get3A_665, %get3A_670 : vector<16xf32>
        %get3A_672 = arith.constant 10 : i32
        %get3A_673 = arith.index_cast %rem3A_161 : i32 to index
        %get3A_674 = arith.index_cast %get3A_672 : i32 to index
        %get3A_675 = arith.constant 32 : index
        %get3A_676 = tpu.vector_load %arg8[%get3A_673, %get3A_674, %get3A_675] {strides = array<i32>} : memref<2x32x128xf32, #tpu.memory_space<vmem>>, vector<16xf32>,
        %add3A_677 = arith.addf %add3A_671, %get3A_676 : vector<16xf32>
        %get3A_678 = arith.constant 11 : i32
        %get3A_679 = arith.index_cast %rem3A_161 : i32 to index
        %get3A_680 = arith.index_cast %get3A_678 : i32 to index
        %get3A_681 = arith.constant 32 : index
        %get3A_682 = tpu.vector_load %arg8[%get3A_679, %get3A_680, %get3A_681] {strides = array<i32>} : memref<2x32x128xf32, #tpu.memory_space<vmem>>, vector<16xf32>,
        %add3A_683 = arith.addf %add3A_677, %get3A_682 : vector<16xf32>
        %get3A_684 = arith.constant 12 : i32
        %get3A_685 = arith.index_cast %rem3A_161 : i32 to index
        %get3A_686 = arith.index_cast %get3A_684 : i32 to index
        %get3A_687 = arith.constant 32 : index
        %get3A_688 = tpu.vector_load %arg8[%get3A_685, %get3A_686, %get3A_687] {strides = array<i32>} : memref<2x32x128xf32, #tpu.memory_space<vmem>>, vector<16xf32>,
        %add3A_689 = arith.addf %add3A_683, %get3A_688 : vector<16xf32>
        %get3A_690 = arith.constant 13 : i32
        %get3A_691 = arith.index_cast %rem3A_161 : i32 to index
        %get3A_692 = arith.index_cast %get3A_690 : i32 to index
        %get3A_693 = arith.constant 32 : index
        %get3A_694 = tpu.vector_load %arg8[%get3A_691, %get3A_692, %get3A_693] {strides = array<i32>} : memref<2x32x128xf32, #tpu.memory_space<vmem>>, vector<16xf32>,
        %add3A_695 = arith.addf %add3A_689, %get3A_694 : vector<16xf32>
        %get3A_696 = arith.constant 14 : i32
        %get3A_697 = arith.index_cast %rem3A_161 : i32 to index
        %get3A_698 = arith.index_cast %get3A_696 : i32 to index
        %get3A_699 = arith.constant 32 : index
        %get3A_700 = tpu.vector_load %arg8[%get3A_697, %get3A_698, %get3A_699] {strides = array<i32>} : memref<2x32x128xf32, #tpu.memory_space<vmem>>, vector<16xf32>,
        %add3A_701 = arith.addf %add3A_695, %get3A_700 : vector<16xf32>
        %get3A_702 = arith.constant 15 : i32
        %get3A_703 = arith.index_cast %rem3A_161 : i32 to index
        %get3A_704 = arith.index_cast %get3A_702 : i32 to index
        %get3A_705 = arith.constant 32 : index
        %get3A_706 = tpu.vector_load %arg8[%get3A_703, %get3A_704, %get3A_705] {strides = array<i32>} : memref<2x32x128xf32, #tpu.memory_space<vmem>>, vector<16xf32>,
        %add3A_707 = arith.addf %add3A_701, %get3A_706 : vector<16xf32>
        tpu.vector_store_idx %arg9[%add3A_7, %add3A_566], %add3A_707 : memref<128x200xf32, #tpu.memory_space<vmem>>[vector<16xi32>, vector<16xi32>], vector<16xf32>,
        %get3A_708 = arith.constant 8 : i32
        %get3A_709 = arith.index_cast %rem3A_161 : i32 to index
        %get3A_710 = arith.index_cast %get3A_708 : i32 to index
        %get3A_711 = arith.constant 48 : index
        %get3A_712 = tpu.vector_load %arg8[%get3A_709, %get3A_710, %get3A_711] {strides = array<i32>} : memref<2x32x128xf32, #tpu.memory_space<vmem>>, vector<16xf32>,
        %get3A_713 = arith.constant 9 : i32
        %get3A_714 = arith.index_cast %rem3A_161 : i32 to index
        %get3A_715 = arith.index_cast %get3A_713 : i32 to index
        %get3A_716 = arith.constant 48 : index
        %get3A_717 = tpu.vector_load %arg8[%get3A_714, %get3A_715, %get3A_716] {strides = array<i32>} : memref<2x32x128xf32, #tpu.memory_space<vmem>>, vector<16xf32>,
        %add3A_718 = arith.addf %get3A_712, %get3A_717 : vector<16xf32>
        %get3A_719 = arith.constant 10 : i32
        %get3A_720 = arith.index_cast %rem3A_161 : i32 to index
        %get3A_721 = arith.index_cast %get3A_719 : i32 to index
        %get3A_722 = arith.constant 48 : index
        %get3A_723 = tpu.vector_load %arg8[%get3A_720, %get3A_721, %get3A_722] {strides = array<i32>} : memref<2x32x128xf32, #tpu.memory_space<vmem>>, vector<16xf32>,
        %add3A_724 = arith.addf %add3A_718, %get3A_723 : vector<16xf32>
        %get3A_725 = arith.constant 11 : i32
        %get3A_726 = arith.index_cast %rem3A_161 : i32 to index
        %get3A_727 = arith.index_cast %get3A_725 : i32 to index
        %get3A_728 = arith.constant 48 : index
        %get3A_729 = tpu.vector_load %arg8[%get3A_726, %get3A_727, %get3A_728] {strides = array<i32>} : memref<2x32x128xf32, #tpu.memory_space<vmem>>, vector<16xf32>,
        %add3A_730 = arith.addf %add3A_724, %get3A_729 : vector<16xf32>
        %get3A_731 = arith.constant 12 : i32
        %get3A_732 = arith.index_cast %rem3A_161 : i32 to index
        %get3A_733 = arith.index_cast %get3A_731 : i32 to index
        %get3A_734 = arith.constant 48 : index
        %get3A_735 = tpu.vector_load %arg8[%get3A_732, %get3A_733, %get3A_734] {strides = array<i32>} : memref<2x32x128xf32, #tpu.memory_space<vmem>>, vector<16xf32>,
        %add3A_736 = arith.addf %add3A_730, %get3A_735 : vector<16xf32>
        %get3A_737 = arith.constant 13 : i32
        %get3A_738 = arith.index_cast %rem3A_161 : i32 to index
        %get3A_739 = arith.index_cast %get3A_737 : i32 to index
        %get3A_740 = arith.constant 48 : index
        %get3A_741 = tpu.vector_load %arg8[%get3A_738, %get3A_739, %get3A_740] {strides = array<i32>} : memref<2x32x128xf32, #tpu.memory_space<vmem>>, vector<16xf32>,
        %add3A_742 = arith.addf %add3A_736, %get3A_741 : vector<16xf32>
        %get3A_743 = arith.constant 14 : i32
        %get3A_744 = arith.index_cast %rem3A_161 : i32 to index
        %get3A_745 = arith.index_cast %get3A_743 : i32 to index
        %get3A_746 = arith.constant 48 : index
        %get3A_747 = tpu.vector_load %arg8[%get3A_744, %get3A_745, %get3A_746] {strides = array<i32>} : memref<2x32x128xf32, #tpu.memory_space<vmem>>, vector<16xf32>,
        %add3A_748 = arith.addf %add3A_742, %get3A_747 : vector<16xf32>
        %get3A_749 = arith.constant 15 : i32
        %get3A_750 = arith.index_cast %rem3A_161 : i32 to index
        %get3A_751 = arith.index_cast %get3A_749 : i32 to index
        %get3A_752 = arith.constant 48 : index
        %get3A_753 = tpu.vector_load %arg8[%get3A_750, %get3A_751, %get3A_752] {strides = array<i32>} : memref<2x32x128xf32, #tpu.memory_space<vmem>>, vector<16xf32>,
        %add3A_754 = arith.addf %add3A_748, %get3A_753 : vector<16xf32>
        tpu.vector_store_idx %arg9[%add3A_10, %add3A_566], %add3A_754 : memref<128x200xf32, #tpu.memory_space<vmem>>[vector<16xi32>, vector<16xi32>], vector<16xf32>,
        %get3A_755 = arith.constant 8 : i32
        %get3A_756 = arith.index_cast %rem3A_161 : i32 to index
        %get3A_757 = arith.index_cast %get3A_755 : i32 to index
        %get3A_758 = arith.constant 64 : index
        %get3A_759 = tpu.vector_load %arg8[%get3A_756, %get3A_757, %get3A_758] {strides = array<i32>} : memref<2x32x128xf32, #tpu.memory_space<vmem>>, vector<16xf32>,
        %get3A_760 = arith.constant 9 : i32
        %get3A_761 = arith.index_cast %rem3A_161 : i32 to index
        %get3A_762 = arith.index_cast %get3A_760 : i32 to index
        %get3A_763 = arith.constant 64 : index
        %get3A_764 = tpu.vector_load %arg8[%get3A_761, %get3A_762, %get3A_763] {strides = array<i32>} : memref<2x32x128xf32, #tpu.memory_space<vmem>>, vector<16xf32>,
        %add3A_765 = arith.addf %get3A_759, %get3A_764 : vector<16xf32>
        %get3A_766 = arith.constant 10 : i32
        %get3A_767 = arith.index_cast %rem3A_161 : i32 to index
        %get3A_768 = arith.index_cast %get3A_766 : i32 to index
        %get3A_769 = arith.constant 64 : index
        %get3A_770 = tpu.vector_load %arg8[%get3A_767, %get3A_768, %get3A_769] {strides = array<i32>} : memref<2x32x128xf32, #tpu.memory_space<vmem>>, vector<16xf32>,
        %add3A_771 = arith.addf %add3A_765, %get3A_770 : vector<16xf32>
        %get3A_772 = arith.constant 11 : i32
        %get3A_773 = arith.index_cast %rem3A_161 : i32 to index
        %get3A_774 = arith.index_cast %get3A_772 : i32 to index
        %get3A_775 = arith.constant 64 : index
        %get3A_776 = tpu.vector_load %arg8[%get3A_773, %get3A_774, %get3A_775] {strides = array<i32>} : memref<2x32x128xf32, #tpu.memory_space<vmem>>, vector<16xf32>,
        %add3A_777 = arith.addf %add3A_771, %get3A_776 : vector<16xf32>
        %get3A_778 = arith.constant 12 : i32
        %get3A_779 = arith.index_cast %rem3A_161 : i32 to index
        %get3A_780 = arith.index_cast %get3A_778 : i32 to index
        %get3A_781 = arith.constant 64 : index
        %get3A_782 = tpu.vector_load %arg8[%get3A_779, %get3A_780, %get3A_781] {strides = array<i32>} : memref<2x32x128xf32, #tpu.memory_space<vmem>>, vector<16xf32>,
        %add3A_783 = arith.addf %add3A_777, %get3A_782 : vector<16xf32>
        %get3A_784 = arith.constant 13 : i32
        %get3A_785 = arith.index_cast %rem3A_161 : i32 to index
        %get3A_786 = arith.index_cast %get3A_784 : i32 to index
        %get3A_787 = arith.constant 64 : index
        %get3A_788 = tpu.vector_load %arg8[%get3A_785, %get3A_786, %get3A_787] {strides = array<i32>} : memref<2x32x128xf32, #tpu.memory_space<vmem>>, vector<16xf32>,
        %add3A_789 = arith.addf %add3A_783, %get3A_788 : vector<16xf32>
        %get3A_790 = arith.constant 14 : i32
        %get3A_791 = arith.index_cast %rem3A_161 : i32 to index
        %get3A_792 = arith.index_cast %get3A_790 : i32 to index
        %get3A_793 = arith.constant 64 : index
        %get3A_794 = tpu.vector_load %arg8[%get3A_791, %get3A_792, %get3A_793] {strides = array<i32>} : memref<2x32x128xf32, #tpu.memory_space<vmem>>, vector<16xf32>,
        %add3A_795 = arith.addf %add3A_789, %get3A_794 : vector<16xf32>
        %get3A_796 = arith.constant 15 : i32
        %get3A_797 = arith.index_cast %rem3A_161 : i32 to index
        %get3A_798 = arith.index_cast %get3A_796 : i32 to index
        %get3A_799 = arith.constant 64 : index
        %get3A_800 = tpu.vector_load %arg8[%get3A_797, %get3A_798, %get3A_799] {strides = array<i32>} : memref<2x32x128xf32, #tpu.memory_space<vmem>>, vector<16xf32>,
        %add3A_801 = arith.addf %add3A_795, %get3A_800 : vector<16xf32>
        tpu.vector_store_idx %arg9[%add3A_13, %add3A_566], %add3A_801 : memref<128x200xf32, #tpu.memory_space<vmem>>[vector<16xi32>, vector<16xi32>], vector<16xf32>,
        %get3A_802 = arith.constant 8 : i32
        %get3A_803 = arith.index_cast %rem3A_161 : i32 to index
        %get3A_804 = arith.index_cast %get3A_802 : i32 to index
        %get3A_805 = arith.constant 80 : index
        %get3A_806 = tpu.vector_load %arg8[%get3A_803, %get3A_804, %get3A_805] {strides = array<i32>} : memref<2x32x128xf32, #tpu.memory_space<vmem>>, vector<16xf32>,
        %get3A_807 = arith.constant 9 : i32
        %get3A_808 = arith.index_cast %rem3A_161 : i32 to index
        %get3A_809 = arith.index_cast %get3A_807 : i32 to index
        %get3A_810 = arith.constant 80 : index
        %get3A_811 = tpu.vector_load %arg8[%get3A_808, %get3A_809, %get3A_810] {strides = array<i32>} : memref<2x32x128xf32, #tpu.memory_space<vmem>>, vector<16xf32>,
        %add3A_812 = arith.addf %get3A_806, %get3A_811 : vector<16xf32>
        %get3A_813 = arith.constant 10 : i32
        %get3A_814 = arith.index_cast %rem3A_161 : i32 to index
        %get3A_815 = arith.index_cast %get3A_813 : i32 to index
        %get3A_816 = arith.constant 80 : index
        %get3A_817 = tpu.vector_load %arg8[%get3A_814, %get3A_815, %get3A_816] {strides = array<i32>} : memref<2x32x128xf32, #tpu.memory_space<vmem>>, vector<16xf32>,
        %add3A_818 = arith.addf %add3A_812, %get3A_817 : vector<16xf32>
        %get3A_819 = arith.constant 11 : i32
        %get3A_820 = arith.index_cast %rem3A_161 : i32 to index
        %get3A_821 = arith.index_cast %get3A_819 : i32 to index
        %get3A_822 = arith.constant 80 : index
        %get3A_823 = tpu.vector_load %arg8[%get3A_820, %get3A_821, %get3A_822] {strides = array<i32>} : memref<2x32x128xf32, #tpu.memory_space<vmem>>, vector<16xf32>,
        %add3A_824 = arith.addf %add3A_818, %get3A_823 : vector<16xf32>
        %get3A_825 = arith.constant 12 : i32
        %get3A_826 = arith.index_cast %rem3A_161 : i32 to index
        %get3A_827 = arith.index_cast %get3A_825 : i32 to index
        %get3A_828 = arith.constant 80 : index
        %get3A_829 = tpu.vector_load %arg8[%get3A_826, %get3A_827, %get3A_828] {strides = array<i32>} : memref<2x32x128xf32, #tpu.memory_space<vmem>>, vector<16xf32>,
        %add3A_830 = arith.addf %add3A_824, %get3A_829 : vector<16xf32>
        %get3A_831 = arith.constant 13 : i32
        %get3A_832 = arith.index_cast %rem3A_161 : i32 to index
        %get3A_833 = arith.index_cast %get3A_831 : i32 to index
        %get3A_834 = arith.constant 80 : index
        %get3A_835 = tpu.vector_load %arg8[%get3A_832, %get3A_833, %get3A_834] {strides = array<i32>} : memref<2x32x128xf32, #tpu.memory_space<vmem>>, vector<16xf32>,
        %add3A_836 = arith.addf %add3A_830, %get3A_835 : vector<16xf32>
        %get3A_837 = arith.constant 14 : i32
        %get3A_838 = arith.index_cast %rem3A_161 : i32 to index
        %get3A_839 = arith.index_cast %get3A_837 : i32 to index
        %get3A_840 = arith.constant 80 : index
        %get3A_841 = tpu.vector_load %arg8[%get3A_838, %get3A_839, %get3A_840] {strides = array<i32>} : memref<2x32x128xf32, #tpu.memory_space<vmem>>, vector<16xf32>,
        %add3A_842 = arith.addf %add3A_836, %get3A_841 : vector<16xf32>
        %get3A_843 = arith.constant 15 : i32
        %get3A_844 = arith.index_cast %rem3A_161 : i32 to index
        %get3A_845 = arith.index_cast %get3A_843 : i32 to index
        %get3A_846 = arith.constant 80 : index
        %get3A_847 = tpu.vector_load %arg8[%get3A_844, %get3A_845, %get3A_846] {strides = array<i32>} : memref<2x32x128xf32, #tpu.memory_space<vmem>>, vector<16xf32>,
        %add3A_848 = arith.addf %add3A_842, %get3A_847 : vector<16xf32>
        tpu.vector_store_idx %arg9[%add3A_16, %add3A_566], %add3A_848 : memref<128x200xf32, #tpu.memory_space<vmem>>[vector<16xi32>, vector<16xi32>], vector<16xf32>,
        %get3A_849 = arith.constant 8 : i32
        %get3A_850 = arith.index_cast %rem3A_161 : i32 to index
        %get3A_851 = arith.index_cast %get3A_849 : i32 to index
        %get3A_852 = arith.constant 96 : index
        %get3A_853 = tpu.vector_load %arg8[%get3A_850, %get3A_851, %get3A_852] {strides = array<i32>} : memref<2x32x128xf32, #tpu.memory_space<vmem>>, vector<16xf32>,
        %get3A_854 = arith.constant 9 : i32
        %get3A_855 = arith.index_cast %rem3A_161 : i32 to index
        %get3A_856 = arith.index_cast %get3A_854 : i32 to index
        %get3A_857 = arith.constant 96 : index
        %get3A_858 = tpu.vector_load %arg8[%get3A_855, %get3A_856, %get3A_857] {strides = array<i32>} : memref<2x32x128xf32, #tpu.memory_space<vmem>>, vector<16xf32>,
        %add3A_859 = arith.addf %get3A_853, %get3A_858 : vector<16xf32>
        %get3A_860 = arith.constant 10 : i32
        %get3A_861 = arith.index_cast %rem3A_161 : i32 to index
        %get3A_862 = arith.index_cast %get3A_860 : i32 to index
        %get3A_863 = arith.constant 96 : index
        %get3A_864 = tpu.vector_load %arg8[%get3A_861, %get3A_862, %get3A_863] {strides = array<i32>} : memref<2x32x128xf32, #tpu.memory_space<vmem>>, vector<16xf32>,
        %add3A_865 = arith.addf %add3A_859, %get3A_864 : vector<16xf32>
        %get3A_866 = arith.constant 11 : i32
        %get3A_867 = arith.index_cast %rem3A_161 : i32 to index
        %get3A_868 = arith.index_cast %get3A_866 : i32 to index
        %get3A_869 = arith.constant 96 : index
        %get3A_870 = tpu.vector_load %arg8[%get3A_867, %get3A_868, %get3A_869] {strides = array<i32>} : memref<2x32x128xf32, #tpu.memory_space<vmem>>, vector<16xf32>,
        %add3A_871 = arith.addf %add3A_865, %get3A_870 : vector<16xf32>
        %get3A_872 = arith.constant 12 : i32
        %get3A_873 = arith.index_cast %rem3A_161 : i32 to index
        %get3A_874 = arith.index_cast %get3A_872 : i32 to index
        %get3A_875 = arith.constant 96 : index
        %get3A_876 = tpu.vector_load %arg8[%get3A_873, %get3A_874, %get3A_875] {strides = array<i32>} : memref<2x32x128xf32, #tpu.memory_space<vmem>>, vector<16xf32>,
        %add3A_877 = arith.addf %add3A_871, %get3A_876 : vector<16xf32>
        %get3A_878 = arith.constant 13 : i32
        %get3A_879 = arith.index_cast %rem3A_161 : i32 to index
        %get3A_880 = arith.index_cast %get3A_878 : i32 to index
        %get3A_881 = arith.constant 96 : index
        %get3A_882 = tpu.vector_load %arg8[%get3A_879, %get3A_880, %get3A_881] {strides = array<i32>} : memref<2x32x128xf32, #tpu.memory_space<vmem>>, vector<16xf32>,
        %add3A_883 = arith.addf %add3A_877, %get3A_882 : vector<16xf32>
        %get3A_884 = arith.constant 14 : i32
        %get3A_885 = arith.index_cast %rem3A_161 : i32 to index
        %get3A_886 = arith.index_cast %get3A_884 : i32 to index
        %get3A_887 = arith.constant 96 : index
        %get3A_888 = tpu.vector_load %arg8[%get3A_885, %get3A_886, %get3A_887] {strides = array<i32>} : memref<2x32x128xf32, #tpu.memory_space<vmem>>, vector<16xf32>,
        %add3A_889 = arith.addf %add3A_883, %get3A_888 : vector<16xf32>
        %get3A_890 = arith.constant 15 : i32
        %get3A_891 = arith.index_cast %rem3A_161 : i32 to index
        %get3A_892 = arith.index_cast %get3A_890 : i32 to index
        %get3A_893 = arith.constant 96 : index
        %get3A_894 = tpu.vector_load %arg8[%get3A_891, %get3A_892, %get3A_893] {strides = array<i32>} : memref<2x32x128xf32, #tpu.memory_space<vmem>>, vector<16xf32>,
        %add3A_895 = arith.addf %add3A_889, %get3A_894 : vector<16xf32>
        tpu.vector_store_idx %arg9[%add3A_19, %add3A_566], %add3A_895 : memref<128x200xf32, #tpu.memory_space<vmem>>[vector<16xi32>, vector<16xi32>], vector<16xf32>,
        %get3A_896 = arith.constant 8 : i32
        %get3A_897 = arith.index_cast %rem3A_161 : i32 to index
        %get3A_898 = arith.index_cast %get3A_896 : i32 to index
        %get3A_899 = arith.constant 112 : index
        %get3A_900 = tpu.vector_load %arg8[%get3A_897, %get3A_898, %get3A_899] {strides = array<i32>} : memref<2x32x128xf32, #tpu.memory_space<vmem>>, vector<16xf32>,
        %get3A_901 = arith.constant 9 : i32
        %get3A_902 = arith.index_cast %rem3A_161 : i32 to index
        %get3A_903 = arith.index_cast %get3A_901 : i32 to index
        %get3A_904 = arith.constant 112 : index
        %get3A_905 = tpu.vector_load %arg8[%get3A_902, %get3A_903, %get3A_904] {strides = array<i32>} : memref<2x32x128xf32, #tpu.memory_space<vmem>>, vector<16xf32>,
        %add3A_906 = arith.addf %get3A_900, %get3A_905 : vector<16xf32>
        %get3A_907 = arith.constant 10 : i32
        %get3A_908 = arith.index_cast %rem3A_161 : i32 to index
        %get3A_909 = arith.index_cast %get3A_907 : i32 to index
        %get3A_910 = arith.constant 112 : index
        %get3A_911 = tpu.vector_load %arg8[%get3A_908, %get3A_909, %get3A_910] {strides = array<i32>} : memref<2x32x128xf32, #tpu.memory_space<vmem>>, vector<16xf32>,
        %add3A_912 = arith.addf %add3A_906, %get3A_911 : vector<16xf32>
        %get3A_913 = arith.constant 11 : i32
        %get3A_914 = arith.index_cast %rem3A_161 : i32 to index
        %get3A_915 = arith.index_cast %get3A_913 : i32 to index
        %get3A_916 = arith.constant 112 : index
        %get3A_917 = tpu.vector_load %arg8[%get3A_914, %get3A_915, %get3A_916] {strides = array<i32>} : memref<2x32x128xf32, #tpu.memory_space<vmem>>, vector<16xf32>,
        %add3A_918 = arith.addf %add3A_912, %get3A_917 : vector<16xf32>
        %get3A_919 = arith.constant 12 : i32
        %get3A_920 = arith.index_cast %rem3A_161 : i32 to index
        %get3A_921 = arith.index_cast %get3A_919 : i32 to index
        %get3A_922 = arith.constant 112 : index
        %get3A_923 = tpu.vector_load %arg8[%get3A_920, %get3A_921, %get3A_922] {strides = array<i32>} : memref<2x32x128xf32, #tpu.memory_space<vmem>>, vector<16xf32>,
        %add3A_924 = arith.addf %add3A_918, %get3A_923 : vector<16xf32>
        %get3A_925 = arith.constant 13 : i32
        %get3A_926 = arith.index_cast %rem3A_161 : i32 to index
        %get3A_927 = arith.index_cast %get3A_925 : i32 to index
        %get3A_928 = arith.constant 112 : index
        %get3A_929 = tpu.vector_load %arg8[%get3A_926, %get3A_927, %get3A_928] {strides = array<i32>} : memref<2x32x128xf32, #tpu.memory_space<vmem>>, vector<16xf32>,
        %add3A_930 = arith.addf %add3A_924, %get3A_929 : vector<16xf32>
        %get3A_931 = arith.constant 14 : i32
        %get3A_932 = arith.index_cast %rem3A_161 : i32 to index
        %get3A_933 = arith.index_cast %get3A_931 : i32 to index
        %get3A_934 = arith.constant 112 : index
        %get3A_935 = tpu.vector_load %arg8[%get3A_932, %get3A_933, %get3A_934] {strides = array<i32>} : memref<2x32x128xf32, #tpu.memory_space<vmem>>, vector<16xf32>,
        %add3A_936 = arith.addf %add3A_930, %get3A_935 : vector<16xf32>
        %get3A_937 = arith.constant 15 : i32
        %get3A_938 = arith.index_cast %rem3A_161 : i32 to index
        %get3A_939 = arith.index_cast %get3A_937 : i32 to index
        %get3A_940 = arith.constant 112 : index
        %get3A_941 = tpu.vector_load %arg8[%get3A_938, %get3A_939, %get3A_940] {strides = array<i32>} : memref<2x32x128xf32, #tpu.memory_space<vmem>>, vector<16xf32>,
        %add3A_942 = arith.addf %add3A_936, %get3A_941 : vector<16xf32>
        tpu.vector_store_idx %arg9[%add3A_22, %add3A_566], %add3A_942 : memref<128x200xf32, #tpu.memory_space<vmem>>[vector<16xi32>, vector<16xi32>], vector<16xf32>,
        %add3A_943 = arith.constant 2 : i32
        %add3A_944 = vector.broadcast %add3A_943 : i32 to vector<16xi32>
        %add3A_945 = arith.addi %broadcast_in_dim3A_184, %add3A_944 : vector<16xi32>
        %get3A_946 = arith.constant 16 : i32
        %get3A_947 = arith.index_cast %rem3A_161 : i32 to index
        %get3A_948 = arith.index_cast %get3A_946 : i32 to index
        %get3A_949 = arith.constant 0 : index
        %get3A_950 = tpu.vector_load %arg8[%get3A_947, %get3A_948, %get3A_949] {strides = array<i32>} : memref<2x32x128xf32, #tpu.memory_space<vmem>>, vector<16xf32>,
        %get3A_951 = arith.constant 17 : i32
        %get3A_952 = arith.index_cast %rem3A_161 : i32 to index
        %get3A_953 = arith.index_cast %get3A_951 : i32 to index
        %get3A_954 = arith.constant 0 : index
        %get3A_955 = tpu.vector_load %arg8[%get3A_952, %get3A_953, %get3A_954] {strides = array<i32>} : memref<2x32x128xf32, #tpu.memory_space<vmem>>, vector<16xf32>,
        %add3A_956 = arith.addf %get3A_950, %get3A_955 : vector<16xf32>
        %get3A_957 = arith.constant 18 : i32
        %get3A_958 = arith.index_cast %rem3A_161 : i32 to index
        %get3A_959 = arith.index_cast %get3A_957 : i32 to index
        %get3A_960 = arith.constant 0 : index
        %get3A_961 = tpu.vector_load %arg8[%get3A_958, %get3A_959, %get3A_960] {strides = array<i32>} : memref<2x32x128xf32, #tpu.memory_space<vmem>>, vector<16xf32>,
        %add3A_962 = arith.addf %add3A_956, %get3A_961 : vector<16xf32>
        %get3A_963 = arith.constant 19 : i32
        %get3A_964 = arith.index_cast %rem3A_161 : i32 to index
        %get3A_965 = arith.index_cast %get3A_963 : i32 to index
        %get3A_966 = arith.constant 0 : index
        %get3A_967 = tpu.vector_load %arg8[%get3A_964, %get3A_965, %get3A_966] {strides = array<i32>} : memref<2x32x128xf32, #tpu.memory_space<vmem>>, vector<16xf32>,
        %add3A_968 = arith.addf %add3A_962, %get3A_967 : vector<16xf32>
        %get3A_969 = arith.constant 20 : i32
        %get3A_970 = arith.index_cast %rem3A_161 : i32 to index
        %get3A_971 = arith.index_cast %get3A_969 : i32 to index
        %get3A_972 = arith.constant 0 : index
        %get3A_973 = tpu.vector_load %arg8[%get3A_970, %get3A_971, %get3A_972] {strides = array<i32>} : memref<2x32x128xf32, #tpu.memory_space<vmem>>, vector<16xf32>,
        %add3A_974 = arith.addf %add3A_968, %get3A_973 : vector<16xf32>
        %get3A_975 = arith.constant 21 : i32
        %get3A_976 = arith.index_cast %rem3A_161 : i32 to index
        %get3A_977 = arith.index_cast %get3A_975 : i32 to index
        %get3A_978 = arith.constant 0 : index
        %get3A_979 = tpu.vector_load %arg8[%get3A_976, %get3A_977, %get3A_978] {strides = array<i32>} : memref<2x32x128xf32, #tpu.memory_space<vmem>>, vector<16xf32>,
        %add3A_980 = arith.addf %add3A_974, %get3A_979 : vector<16xf32>
        %get3A_981 = arith.constant 22 : i32
        %get3A_982 = arith.index_cast %rem3A_161 : i32 to index
        %get3A_983 = arith.index_cast %get3A_981 : i32 to index
        %get3A_984 = arith.constant 0 : index
        %get3A_985 = tpu.vector_load %arg8[%get3A_982, %get3A_983, %get3A_984] {strides = array<i32>} : memref<2x32x128xf32, #tpu.memory_space<vmem>>, vector<16xf32>,
        %add3A_986 = arith.addf %add3A_980, %get3A_985 : vector<16xf32>
        %get3A_987 = arith.constant 23 : i32
        %get3A_988 = arith.index_cast %rem3A_161 : i32 to index
        %get3A_989 = arith.index_cast %get3A_987 : i32 to index
        %get3A_990 = arith.constant 0 : index
        %get3A_991 = tpu.vector_load %arg8[%get3A_988, %get3A_989, %get3A_990] {strides = array<i32>} : memref<2x32x128xf32, #tpu.memory_space<vmem>>, vector<16xf32>,
        %add3A_992 = arith.addf %add3A_986, %get3A_991 : vector<16xf32>
        tpu.vector_store_idx %arg9[%add3A_1, %add3A_945], %add3A_992 : memref<128x200xf32, #tpu.memory_space<vmem>>[vector<16xi32>, vector<16xi32>], vector<16xf32>,
        %get3A_993 = arith.constant 16 : i32
        %get3A_994 = arith.index_cast %rem3A_161 : i32 to index
        %get3A_995 = arith.index_cast %get3A_993 : i32 to index
        %get3A_996 = arith.constant 16 : index
        %get3A_997 = tpu.vector_load %arg8[%get3A_994, %get3A_995, %get3A_996] {strides = array<i32>} : memref<2x32x128xf32, #tpu.memory_space<vmem>>, vector<16xf32>,
        %get3A_998 = arith.constant 17 : i32
        %get3A_999 = arith.index_cast %rem3A_161 : i32 to index
        %get3A_1000 = arith.index_cast %get3A_998 : i32 to index
        %get3A_1001 = arith.constant 16 : index
        %get3A_1002 = tpu.vector_load %arg8[%get3A_999, %get3A_1000, %get3A_1001] {strides = array<i32>} : memref<2x32x128xf32, #tpu.memory_space<vmem>>, vector<16xf32>,
        %add3A_1003 = arith.addf %get3A_997, %get3A_1002 : vector<16xf32>
        %get3A_1004 = arith.constant 18 : i32
        %get3A_1005 = arith.index_cast %rem3A_161 : i32 to index
        %get3A_1006 = arith.index_cast %get3A_1004 : i32 to index
        %get3A_1007 = arith.constant 16 : index
        %get3A_1008 = tpu.vector_load %arg8[%get3A_1005, %get3A_1006, %get3A_1007] {strides = array<i32>} : memref<2x32x128xf32, #tpu.memory_space<vmem>>, vector<16xf32>,
        %add3A_1009 = arith.addf %add3A_1003, %get3A_1008 : vector<16xf32>
        %get3A_1010 = arith.constant 19 : i32
        %get3A_1011 = arith.index_cast %rem3A_161 : i32 to index
        %get3A_1012 = arith.index_cast %get3A_1010 : i32 to index
        %get3A_1013 = arith.constant 16 : index
        %get3A_1014 = tpu.vector_load %arg8[%get3A_1011, %get3A_1012, %get3A_1013] {strides = array<i32>} : memref<2x32x128xf32, #tpu.memory_space<vmem>>, vector<16xf32>,
        %add3A_1015 = arith.addf %add3A_1009, %get3A_1014 : vector<16xf32>
        %get3A_1016 = arith.constant 20 : i32
        %get3A_1017 = arith.index_cast %rem3A_161 : i32 to index
        %get3A_1018 = arith.index_cast %get3A_1016 : i32 to index
        %get3A_1019 = arith.constant 16 : index
        %get3A_1020 = tpu.vector_load %arg8[%get3A_1017, %get3A_1018, %get3A_1019] {strides = array<i32>} : memref<2x32x128xf32, #tpu.memory_space<vmem>>, vector<16xf32>,
        %add3A_1021 = arith.addf %add3A_1015, %get3A_1020 : vector<16xf32>
        %get3A_1022 = arith.constant 21 : i32
        %get3A_1023 = arith.index_cast %rem3A_161 : i32 to index
        %get3A_1024 = arith.index_cast %get3A_1022 : i32 to index
        %get3A_1025 = arith.constant 16 : index
        %get3A_1026 = tpu.vector_load %arg8[%get3A_1023, %get3A_1024, %get3A_1025] {strides = array<i32>} : memref<2x32x128xf32, #tpu.memory_space<vmem>>, vector<16xf32>,
        %add3A_1027 = arith.addf %add3A_1021, %get3A_1026 : vector<16xf32>
        %get3A_1028 = arith.constant 22 : i32
        %get3A_1029 = arith.index_cast %rem3A_161 : i32 to index
        %get3A_1030 = arith.index_cast %get3A_1028 : i32 to index
        %get3A_1031 = arith.constant 16 : index
        %get3A_1032 = tpu.vector_load %arg8[%get3A_1029, %get3A_1030, %get3A_1031] {strides = array<i32>} : memref<2x32x128xf32, #tpu.memory_space<vmem>>, vector<16xf32>,
        %add3A_1033 = arith.addf %add3A_1027, %get3A_1032 : vector<16xf32>
        %get3A_1034 = arith.constant 23 : i32
        %get3A_1035 = arith.index_cast %rem3A_161 : i32 to index
        %get3A_1036 = arith.index_cast %get3A_1034 : i32 to index
        %get3A_1037 = arith.constant 16 : index
        %get3A_1038 = tpu.vector_load %arg8[%get3A_1035, %get3A_1036, %get3A_1037] {strides = array<i32>} : memref<2x32x128xf32, #tpu.memory_space<vmem>>, vector<16xf32>,
        %add3A_1039 = arith.addf %add3A_1033, %get3A_1038 : vector<16xf32>
        tpu.vector_store_idx %arg9[%add3A_4, %add3A_945], %add3A_1039 : memref<128x200xf32, #tpu.memory_space<vmem>>[vector<16xi32>, vector<16xi32>], vector<16xf32>,
        %get3A_1040 = arith.constant 16 : i32
        %get3A_1041 = arith.index_cast %rem3A_161 : i32 to index
        %get3A_1042 = arith.index_cast %get3A_1040 : i32 to index
        %get3A_1043 = arith.constant 32 : index
        %get3A_1044 = tpu.vector_load %arg8[%get3A_1041, %get3A_1042, %get3A_1043] {strides = array<i32>} : memref<2x32x128xf32, #tpu.memory_space<vmem>>, vector<16xf32>,
        %get3A_1045 = arith.constant 17 : i32
        %get3A_1046 = arith.index_cast %rem3A_161 : i32 to index
        %get3A_1047 = arith.index_cast %get3A_1045 : i32 to index
        %get3A_1048 = arith.constant 32 : index
        %get3A_1049 = tpu.vector_load %arg8[%get3A_1046, %get3A_1047, %get3A_1048] {strides = array<i32>} : memref<2x32x128xf32, #tpu.memory_space<vmem>>, vector<16xf32>,
        %add3A_1050 = arith.addf %get3A_1044, %get3A_1049 : vector<16xf32>
        %get3A_1051 = arith.constant 18 : i32
        %get3A_1052 = arith.index_cast %rem3A_161 : i32 to index
        %get3A_1053 = arith.index_cast %get3A_1051 : i32 to index
        %get3A_1054 = arith.constant 32 : index
        %get3A_1055 = tpu.vector_load %arg8[%get3A_1052, %get3A_1053, %get3A_1054] {strides = array<i32>} : memref<2x32x128xf32, #tpu.memory_space<vmem>>, vector<16xf32>,
        %add3A_1056 = arith.addf %add3A_1050, %get3A_1055 : vector<16xf32>
        %get3A_1057 = arith.constant 19 : i32
        %get3A_1058 = arith.index_cast %rem3A_161 : i32 to index
        %get3A_1059 = arith.index_cast %get3A_1057 : i32 to index
        %get3A_1060 = arith.constant 32 : index
        %get3A_1061 = tpu.vector_load %arg8[%get3A_1058, %get3A_1059, %get3A_1060] {strides = array<i32>} : memref<2x32x128xf32, #tpu.memory_space<vmem>>, vector<16xf32>,
        %add3A_1062 = arith.addf %add3A_1056, %get3A_1061 : vector<16xf32>
        %get3A_1063 = arith.constant 20 : i32
        %get3A_1064 = arith.index_cast %rem3A_161 : i32 to index
        %get3A_1065 = arith.index_cast %get3A_1063 : i32 to index
        %get3A_1066 = arith.constant 32 : index
        %get3A_1067 = tpu.vector_load %arg8[%get3A_1064, %get3A_1065, %get3A_1066] {strides = array<i32>} : memref<2x32x128xf32, #tpu.memory_space<vmem>>, vector<16xf32>,
        %add3A_1068 = arith.addf %add3A_1062, %get3A_1067 : vector<16xf32>
        %get3A_1069 = arith.constant 21 : i32
        %get3A_1070 = arith.index_cast %rem3A_161 : i32 to index
        %get3A_1071 = arith.index_cast %get3A_1069 : i32 to index
        %get3A_1072 = arith.constant 32 : index
        %get3A_1073 = tpu.vector_load %arg8[%get3A_1070, %get3A_1071, %get3A_1072] {strides = array<i32>} : memref<2x32x128xf32, #tpu.memory_space<vmem>>, vector<16xf32>,
        %add3A_1074 = arith.addf %add3A_1068, %get3A_1073 : vector<16xf32>
        %get3A_1075 = arith.constant 22 : i32
        %get3A_1076 = arith.index_cast %rem3A_161 : i32 to index
        %get3A_1077 = arith.index_cast %get3A_1075 : i32 to index
        %get3A_1078 = arith.constant 32 : index
        %get3A_1079 = tpu.vector_load %arg8[%get3A_1076, %get3A_1077, %get3A_1078] {strides = array<i32>} : memref<2x32x128xf32, #tpu.memory_space<vmem>>, vector<16xf32>,
        %add3A_1080 = arith.addf %add3A_1074, %get3A_1079 : vector<16xf32>
        %get3A_1081 = arith.constant 23 : i32
        %get3A_1082 = arith.index_cast %rem3A_161 : i32 to index
        %get3A_1083 = arith.index_cast %get3A_1081 : i32 to index
        %get3A_1084 = arith.constant 32 : index
        %get3A_1085 = tpu.vector_load %arg8[%get3A_1082, %get3A_1083, %get3A_1084] {strides = array<i32>} : memref<2x32x128xf32, #tpu.memory_space<vmem>>, vector<16xf32>,
        %add3A_1086 = arith.addf %add3A_1080, %get3A_1085 : vector<16xf32>
        tpu.vector_store_idx %arg9[%add3A_7, %add3A_945], %add3A_1086 : memref<128x200xf32, #tpu.memory_space<vmem>>[vector<16xi32>, vector<16xi32>], vector<16xf32>,
        %get3A_1087 = arith.constant 16 : i32
        %get3A_1088 = arith.index_cast %rem3A_161 : i32 to index
        %get3A_1089 = arith.index_cast %get3A_1087 : i32 to index
        %get3A_1090 = arith.constant 48 : index
        %get3A_1091 = tpu.vector_load %arg8[%get3A_1088, %get3A_1089, %get3A_1090] {strides = array<i32>} : memref<2x32x128xf32, #tpu.memory_space<vmem>>, vector<16xf32>,
        %get3A_1092 = arith.constant 17 : i32
        %get3A_1093 = arith.index_cast %rem3A_161 : i32 to index
        %get3A_1094 = arith.index_cast %get3A_1092 : i32 to index
        %get3A_1095 = arith.constant 48 : index
        %get3A_1096 = tpu.vector_load %arg8[%get3A_1093, %get3A_1094, %get3A_1095] {strides = array<i32>} : memref<2x32x128xf32, #tpu.memory_space<vmem>>, vector<16xf32>,
        %add3A_1097 = arith.addf %get3A_1091, %get3A_1096 : vector<16xf32>
        %get3A_1098 = arith.constant 18 : i32
        %get3A_1099 = arith.index_cast %rem3A_161 : i32 to index
        %get3A_1100 = arith.index_cast %get3A_1098 : i32 to index
        %get3A_1101 = arith.constant 48 : index
        %get3A_1102 = tpu.vector_load %arg8[%get3A_1099, %get3A_1100, %get3A_1101] {strides = array<i32>} : memref<2x32x128xf32, #tpu.memory_space<vmem>>, vector<16xf32>,
        %add3A_1103 = arith.addf %add3A_1097, %get3A_1102 : vector<16xf32>
        %get3A_1104 = arith.constant 19 : i32
        %get3A_1105 = arith.index_cast %rem3A_161 : i32 to index
        %get3A_1106 = arith.index_cast %get3A_1104 : i32 to index
        %get3A_1107 = arith.constant 48 : index
        %get3A_1108 = tpu.vector_load %arg8[%get3A_1105, %get3A_1106, %get3A_1107] {strides = array<i32>} : memref<2x32x128xf32, #tpu.memory_space<vmem>>, vector<16xf32>,
        %add3A_1109 = arith.addf %add3A_1103, %get3A_1108 : vector<16xf32>
        %get3A_1110 = arith.constant 20 : i32
        %get3A_1111 = arith.index_cast %rem3A_161 : i32 to index
        %get3A_1112 = arith.index_cast %get3A_1110 : i32 to index
        %get3A_1113 = arith.constant 48 : index
        %get3A_1114 = tpu.vector_load %arg8[%get3A_1111, %get3A_1112, %get3A_1113] {strides = array<i32>} : memref<2x32x128xf32, #tpu.memory_space<vmem>>, vector<16xf32>,
        %add3A_1115 = arith.addf %add3A_1109, %get3A_1114 : vector<16xf32>
        %get3A_1116 = arith.constant 21 : i32
        %get3A_1117 = arith.index_cast %rem3A_161 : i32 to index
        %get3A_1118 = arith.index_cast %get3A_1116 : i32 to index
        %get3A_1119 = arith.constant 48 : index
        %get3A_1120 = tpu.vector_load %arg8[%get3A_1117, %get3A_1118, %get3A_1119] {strides = array<i32>} : memref<2x32x128xf32, #tpu.memory_space<vmem>>, vector<16xf32>,
        %add3A_1121 = arith.addf %add3A_1115, %get3A_1120 : vector<16xf32>
        %get3A_1122 = arith.constant 22 : i32
        %get3A_1123 = arith.index_cast %rem3A_161 : i32 to index
        %get3A_1124 = arith.index_cast %get3A_1122 : i32 to index
        %get3A_1125 = arith.constant 48 : index
        %get3A_1126 = tpu.vector_load %arg8[%get3A_1123, %get3A_1124, %get3A_1125] {strides = array<i32>} : memref<2x32x128xf32, #tpu.memory_space<vmem>>, vector<16xf32>,
        %add3A_1127 = arith.addf %add3A_1121, %get3A_1126 : vector<16xf32>
        %get3A_1128 = arith.constant 23 : i32
        %get3A_1129 = arith.index_cast %rem3A_161 : i32 to index
        %get3A_1130 = arith.index_cast %get3A_1128 : i32 to index
        %get3A_1131 = arith.constant 48 : index
        %get3A_1132 = tpu.vector_load %arg8[%get3A_1129, %get3A_1130, %get3A_1131] {strides = array<i32>} : memref<2x32x128xf32, #tpu.memory_space<vmem>>, vector<16xf32>,
        %add3A_1133 = arith.addf %add3A_1127, %get3A_1132 : vector<16xf32>
        tpu.vector_store_idx %arg9[%add3A_10, %add3A_945], %add3A_1133 : memref<128x200xf32, #tpu.memory_space<vmem>>[vector<16xi32>, vector<16xi32>], vector<16xf32>,
        %get3A_1134 = arith.constant 16 : i32
        %get3A_1135 = arith.index_cast %rem3A_161 : i32 to index
        %get3A_1136 = arith.index_cast %get3A_1134 : i32 to index
        %get3A_1137 = arith.constant 64 : index
        %get3A_1138 = tpu.vector_load %arg8[%get3A_1135, %get3A_1136, %get3A_1137] {strides = array<i32>} : memref<2x32x128xf32, #tpu.memory_space<vmem>>, vector<16xf32>,
        %get3A_1139 = arith.constant 17 : i32
        %get3A_1140 = arith.index_cast %rem3A_161 : i32 to index
        %get3A_1141 = arith.index_cast %get3A_1139 : i32 to index
        %get3A_1142 = arith.constant 64 : index
        %get3A_1143 = tpu.vector_load %arg8[%get3A_1140, %get3A_1141, %get3A_1142] {strides = array<i32>} : memref<2x32x128xf32, #tpu.memory_space<vmem>>, vector<16xf32>,
        %add3A_1144 = arith.addf %get3A_1138, %get3A_1143 : vector<16xf32>
        %get3A_1145 = arith.constant 18 : i32
        %get3A_1146 = arith.index_cast %rem3A_161 : i32 to index
        %get3A_1147 = arith.index_cast %get3A_1145 : i32 to index
        %get3A_1148 = arith.constant 64 : index
        %get3A_1149 = tpu.vector_load %arg8[%get3A_1146, %get3A_1147, %get3A_1148] {strides = array<i32>} : memref<2x32x128xf32, #tpu.memory_space<vmem>>, vector<16xf32>,
        %add3A_1150 = arith.addf %add3A_1144, %get3A_1149 : vector<16xf32>
        %get3A_1151 = arith.constant 19 : i32
        %get3A_1152 = arith.index_cast %rem3A_161 : i32 to index
        %get3A_1153 = arith.index_cast %get3A_1151 : i32 to index
        %get3A_1154 = arith.constant 64 : index
        %get3A_1155 = tpu.vector_load %arg8[%get3A_1152, %get3A_1153, %get3A_1154] {strides = array<i32>} : memref<2x32x128xf32, #tpu.memory_space<vmem>>, vector<16xf32>,
        %add3A_1156 = arith.addf %add3A_1150, %get3A_1155 : vector<16xf32>
        %get3A_1157 = arith.constant 20 : i32
        %get3A_1158 = arith.index_cast %rem3A_161 : i32 to index
        %get3A_1159 = arith.index_cast %get3A_1157 : i32 to index
        %get3A_1160 = arith.constant 64 : index
        %get3A_1161 = tpu.vector_load %arg8[%get3A_1158, %get3A_1159, %get3A_1160] {strides = array<i32>} : memref<2x32x128xf32, #tpu.memory_space<vmem>>, vector<16xf32>,
        %add3A_1162 = arith.addf %add3A_1156, %get3A_1161 : vector<16xf32>
        %get3A_1163 = arith.constant 21 : i32
        %get3A_1164 = arith.index_cast %rem3A_161 : i32 to index
        %get3A_1165 = arith.index_cast %get3A_1163 : i32 to index
        %get3A_1166 = arith.constant 64 : index
        %get3A_1167 = tpu.vector_load %arg8[%get3A_1164, %get3A_1165, %get3A_1166] {strides = array<i32>} : memref<2x32x128xf32, #tpu.memory_space<vmem>>, vector<16xf32>,
        %add3A_1168 = arith.addf %add3A_1162, %get3A_1167 : vector<16xf32>
        %get3A_1169 = arith.constant 22 : i32
        %get3A_1170 = arith.index_cast %rem3A_161 : i32 to index
        %get3A_1171 = arith.index_cast %get3A_1169 : i32 to index
        %get3A_1172 = arith.constant 64 : index
        %get3A_1173 = tpu.vector_load %arg8[%get3A_1170, %get3A_1171, %get3A_1172] {strides = array<i32>} : memref<2x32x128xf32, #tpu.memory_space<vmem>>, vector<16xf32>,
        %add3A_1174 = arith.addf %add3A_1168, %get3A_1173 : vector<16xf32>
        %get3A_1175 = arith.constant 23 : i32
        %get3A_1176 = arith.index_cast %rem3A_161 : i32 to index
        %get3A_1177 = arith.index_cast %get3A_1175 : i32 to index
        %get3A_1178 = arith.constant 64 : index
        %get3A_1179 = tpu.vector_load %arg8[%get3A_1176, %get3A_1177, %get3A_1178] {strides = array<i32>} : memref<2x32x128xf32, #tpu.memory_space<vmem>>, vector<16xf32>,
        %add3A_1180 = arith.addf %add3A_1174, %get3A_1179 : vector<16xf32>
        tpu.vector_store_idx %arg9[%add3A_13, %add3A_945], %add3A_1180 : memref<128x200xf32, #tpu.memory_space<vmem>>[vector<16xi32>, vector<16xi32>], vector<16xf32>,
        %get3A_1181 = arith.constant 16 : i32
        %get3A_1182 = arith.index_cast %rem3A_161 : i32 to index
        %get3A_1183 = arith.index_cast %get3A_1181 : i32 to index
        %get3A_1184 = arith.constant 80 : index
        %get3A_1185 = tpu.vector_load %arg8[%get3A_1182, %get3A_1183, %get3A_1184] {strides = array<i32>} : memref<2x32x128xf32, #tpu.memory_space<vmem>>, vector<16xf32>,
        %get3A_1186 = arith.constant 17 : i32
        %get3A_1187 = arith.index_cast %rem3A_161 : i32 to index
        %get3A_1188 = arith.index_cast %get3A_1186 : i32 to index
        %get3A_1189 = arith.constant 80 : index
        %get3A_1190 = tpu.vector_load %arg8[%get3A_1187, %get3A_1188, %get3A_1189] {strides = array<i32>} : memref<2x32x128xf32, #tpu.memory_space<vmem>>, vector<16xf32>,
        %add3A_1191 = arith.addf %get3A_1185, %get3A_1190 : vector<16xf32>
        %get3A_1192 = arith.constant 18 : i32
        %get3A_1193 = arith.index_cast %rem3A_161 : i32 to index
        %get3A_1194 = arith.index_cast %get3A_1192 : i32 to index
        %get3A_1195 = arith.constant 80 : index
        %get3A_1196 = tpu.vector_load %arg8[%get3A_1193, %get3A_1194, %get3A_1195] {strides = array<i32>} : memref<2x32x128xf32, #tpu.memory_space<vmem>>, vector<16xf32>,
        %add3A_1197 = arith.addf %add3A_1191, %get3A_1196 : vector<16xf32>
        %get3A_1198 = arith.constant 19 : i32
        %get3A_1199 = arith.index_cast %rem3A_161 : i32 to index
        %get3A_1200 = arith.index_cast %get3A_1198 : i32 to index
        %get3A_1201 = arith.constant 80 : index
        %get3A_1202 = tpu.vector_load %arg8[%get3A_1199, %get3A_1200, %get3A_1201] {strides = array<i32>} : memref<2x32x128xf32, #tpu.memory_space<vmem>>, vector<16xf32>,
        %add3A_1203 = arith.addf %add3A_1197, %get3A_1202 : vector<16xf32>
        %get3A_1204 = arith.constant 20 : i32
        %get3A_1205 = arith.index_cast %rem3A_161 : i32 to index
        %get3A_1206 = arith.index_cast %get3A_1204 : i32 to index
        %get3A_1207 = arith.constant 80 : index
        %get3A_1208 = tpu.vector_load %arg8[%get3A_1205, %get3A_1206, %get3A_1207] {strides = array<i32>} : memref<2x32x128xf32, #tpu.memory_space<vmem>>, vector<16xf32>,
        %add3A_1209 = arith.addf %add3A_1203, %get3A_1208 : vector<16xf32>
        %get3A_1210 = arith.constant 21 : i32
        %get3A_1211 = arith.index_cast %rem3A_161 : i32 to index
        %get3A_1212 = arith.index_cast %get3A_1210 : i32 to index
        %get3A_1213 = arith.constant 80 : index
        %get3A_1214 = tpu.vector_load %arg8[%get3A_1211, %get3A_1212, %get3A_1213] {strides = array<i32>} : memref<2x32x128xf32, #tpu.memory_space<vmem>>, vector<16xf32>,
        %add3A_1215 = arith.addf %add3A_1209, %get3A_1214 : vector<16xf32>
        %get3A_1216 = arith.constant 22 : i32
        %get3A_1217 = arith.index_cast %rem3A_161 : i32 to index
        %get3A_1218 = arith.index_cast %get3A_1216 : i32 to index
        %get3A_1219 = arith.constant 80 : index
        %get3A_1220 = tpu.vector_load %arg8[%get3A_1217, %get3A_1218, %get3A_1219] {strides = array<i32>} : memref<2x32x128xf32, #tpu.memory_space<vmem>>, vector<16xf32>,
        %add3A_1221 = arith.addf %add3A_1215, %get3A_1220 : vector<16xf32>
        %get3A_1222 = arith.constant 23 : i32
        %get3A_1223 = arith.index_cast %rem3A_161 : i32 to index
        %get3A_1224 = arith.index_cast %get3A_1222 : i32 to index
        %get3A_1225 = arith.constant 80 : index
        %get3A_1226 = tpu.vector_load %arg8[%get3A_1223, %get3A_1224, %get3A_1225] {strides = array<i32>} : memref<2x32x128xf32, #tpu.memory_space<vmem>>, vector<16xf32>,
        %add3A_1227 = arith.addf %add3A_1221, %get3A_1226 : vector<16xf32>
        tpu.vector_store_idx %arg9[%add3A_16, %add3A_945], %add3A_1227 : memref<128x200xf32, #tpu.memory_space<vmem>>[vector<16xi32>, vector<16xi32>], vector<16xf32>,
        %get3A_1228 = arith.constant 16 : i32
        %get3A_1229 = arith.index_cast %rem3A_161 : i32 to index
        %get3A_1230 = arith.index_cast %get3A_1228 : i32 to index
        %get3A_1231 = arith.constant 96 : index
        %get3A_1232 = tpu.vector_load %arg8[%get3A_1229, %get3A_1230, %get3A_1231] {strides = array<i32>} : memref<2x32x128xf32, #tpu.memory_space<vmem>>, vector<16xf32>,
        %get3A_1233 = arith.constant 17 : i32
        %get3A_1234 = arith.index_cast %rem3A_161 : i32 to index
        %get3A_1235 = arith.index_cast %get3A_1233 : i32 to index
        %get3A_1236 = arith.constant 96 : index
        %get3A_1237 = tpu.vector_load %arg8[%get3A_1234, %get3A_1235, %get3A_1236] {strides = array<i32>} : memref<2x32x128xf32, #tpu.memory_space<vmem>>, vector<16xf32>,
        %add3A_1238 = arith.addf %get3A_1232, %get3A_1237 : vector<16xf32>
        %get3A_1239 = arith.constant 18 : i32
        %get3A_1240 = arith.index_cast %rem3A_161 : i32 to index
        %get3A_1241 = arith.index_cast %get3A_1239 : i32 to index
        %get3A_1242 = arith.constant 96 : index
        %get3A_1243 = tpu.vector_load %arg8[%get3A_1240, %get3A_1241, %get3A_1242] {strides = array<i32>} : memref<2x32x128xf32, #tpu.memory_space<vmem>>, vector<16xf32>,
        %add3A_1244 = arith.addf %add3A_1238, %get3A_1243 : vector<16xf32>
        %get3A_1245 = arith.constant 19 : i32
        %get3A_1246 = arith.index_cast %rem3A_161 : i32 to index
        %get3A_1247 = arith.index_cast %get3A_1245 : i32 to index
        %get3A_1248 = arith.constant 96 : index
        %get3A_1249 = tpu.vector_load %arg8[%get3A_1246, %get3A_1247, %get3A_1248] {strides = array<i32>} : memref<2x32x128xf32, #tpu.memory_space<vmem>>, vector<16xf32>,
        %add3A_1250 = arith.addf %add3A_1244, %get3A_1249 : vector<16xf32>
        %get3A_1251 = arith.constant 20 : i32
        %get3A_1252 = arith.index_cast %rem3A_161 : i32 to index
        %get3A_1253 = arith.index_cast %get3A_1251 : i32 to index
        %get3A_1254 = arith.constant 96 : index
        %get3A_1255 = tpu.vector_load %arg8[%get3A_1252, %get3A_1253, %get3A_1254] {strides = array<i32>} : memref<2x32x128xf32, #tpu.memory_space<vmem>>, vector<16xf32>,
        %add3A_1256 = arith.addf %add3A_1250, %get3A_1255 : vector<16xf32>
        %get3A_1257 = arith.constant 21 : i32
        %get3A_1258 = arith.index_cast %rem3A_161 : i32 to index
        %get3A_1259 = arith.index_cast %get3A_1257 : i32 to index
        %get3A_1260 = arith.constant 96 : index
        %get3A_1261 = tpu.vector_load %arg8[%get3A_1258, %get3A_1259, %get3A_1260] {strides = array<i32>} : memref<2x32x128xf32, #tpu.memory_space<vmem>>, vector<16xf32>,
        %add3A_1262 = arith.addf %add3A_1256, %get3A_1261 : vector<16xf32>
        %get3A_1263 = arith.constant 22 : i32
        %get3A_1264 = arith.index_cast %rem3A_161 : i32 to index
        %get3A_1265 = arith.index_cast %get3A_1263 : i32 to index
        %get3A_1266 = arith.constant 96 : index
        %get3A_1267 = tpu.vector_load %arg8[%get3A_1264, %get3A_1265, %get3A_1266] {strides = array<i32>} : memref<2x32x128xf32, #tpu.memory_space<vmem>>, vector<16xf32>,
        %add3A_1268 = arith.addf %add3A_1262, %get3A_1267 : vector<16xf32>
        %get3A_1269 = arith.constant 23 : i32
        %get3A_1270 = arith.index_cast %rem3A_161 : i32 to index
        %get3A_1271 = arith.index_cast %get3A_1269 : i32 to index
        %get3A_1272 = arith.constant 96 : index
        %get3A_1273 = tpu.vector_load %arg8[%get3A_1270, %get3A_1271, %get3A_1272] {strides = array<i32>} : memref<2x32x128xf32, #tpu.memory_space<vmem>>, vector<16xf32>,
        %add3A_1274 = arith.addf %add3A_1268, %get3A_1273 : vector<16xf32>
        tpu.vector_store_idx %arg9[%add3A_19, %add3A_945], %add3A_1274 : memref<128x200xf32, #tpu.memory_space<vmem>>[vector<16xi32>, vector<16xi32>], vector<16xf32>,
        %get3A_1275 = arith.constant 16 : i32
        %get3A_1276 = arith.index_cast %rem3A_161 : i32 to index
        %get3A_1277 = arith.index_cast %get3A_1275 : i32 to index
        %get3A_1278 = arith.constant 112 : index
        %get3A_1279 = tpu.vector_load %arg8[%get3A_1276, %get3A_1277, %get3A_1278] {strides = array<i32>} : memref<2x32x128xf32, #tpu.memory_space<vmem>>, vector<16xf32>,
        %get3A_1280 = arith.constant 17 : i32
        %get3A_1281 = arith.index_cast %rem3A_161 : i32 to index
        %get3A_1282 = arith.index_cast %get3A_1280 : i32 to index
        %get3A_1283 = arith.constant 112 : index
        %get3A_1284 = tpu.vector_load %arg8[%get3A_1281, %get3A_1282, %get3A_1283] {strides = array<i32>} : memref<2x32x128xf32, #tpu.memory_space<vmem>>, vector<16xf32>,
        %add3A_1285 = arith.addf %get3A_1279, %get3A_1284 : vector<16xf32>
        %get3A_1286 = arith.constant 18 : i32
        %get3A_1287 = arith.index_cast %rem3A_161 : i32 to index
        %get3A_1288 = arith.index_cast %get3A_1286 : i32 to index
        %get3A_1289 = arith.constant 112 : index
        %get3A_1290 = tpu.vector_load %arg8[%get3A_1287, %get3A_1288, %get3A_1289] {strides = array<i32>} : memref<2x32x128xf32, #tpu.memory_space<vmem>>, vector<16xf32>,
        %add3A_1291 = arith.addf %add3A_1285, %get3A_1290 : vector<16xf32>
        %get3A_1292 = arith.constant 19 : i32
        %get3A_1293 = arith.index_cast %rem3A_161 : i32 to index
        %get3A_1294 = arith.index_cast %get3A_1292 : i32 to index
        %get3A_1295 = arith.constant 112 : index
        %get3A_1296 = tpu.vector_load %arg8[%get3A_1293, %get3A_1294, %get3A_1295] {strides = array<i32>} : memref<2x32x128xf32, #tpu.memory_space<vmem>>, vector<16xf32>,
        %add3A_1297 = arith.addf %add3A_1291, %get3A_1296 : vector<16xf32>
        %get3A_1298 = arith.constant 20 : i32
        %get3A_1299 = arith.index_cast %rem3A_161 : i32 to index
        %get3A_1300 = arith.index_cast %get3A_1298 : i32 to index
        %get3A_1301 = arith.constant 112 : index
        %get3A_1302 = tpu.vector_load %arg8[%get3A_1299, %get3A_1300, %get3A_1301] {strides = array<i32>} : memref<2x32x128xf32, #tpu.memory_space<vmem>>, vector<16xf32>,
        %add3A_1303 = arith.addf %add3A_1297, %get3A_1302 : vector<16xf32>
        %get3A_1304 = arith.constant 21 : i32
        %get3A_1305 = arith.index_cast %rem3A_161 : i32 to index
        %get3A_1306 = arith.index_cast %get3A_1304 : i32 to index
        %get3A_1307 = arith.constant 112 : index
        %get3A_1308 = tpu.vector_load %arg8[%get3A_1305, %get3A_1306, %get3A_1307] {strides = array<i32>} : memref<2x32x128xf32, #tpu.memory_space<vmem>>, vector<16xf32>,
        %add3A_1309 = arith.addf %add3A_1303, %get3A_1308 : vector<16xf32>
        %get3A_1310 = arith.constant 22 : i32
        %get3A_1311 = arith.index_cast %rem3A_161 : i32 to index
        %get3A_1312 = arith.index_cast %get3A_1310 : i32 to index
        %get3A_1313 = arith.constant 112 : index
        %get3A_1314 = tpu.vector_load %arg8[%get3A_1311, %get3A_1312, %get3A_1313] {strides = array<i32>} : memref<2x32x128xf32, #tpu.memory_space<vmem>>, vector<16xf32>,
        %add3A_1315 = arith.addf %add3A_1309, %get3A_1314 : vector<16xf32>
        %get3A_1316 = arith.constant 23 : i32
        %get3A_1317 = arith.index_cast %rem3A_161 : i32 to index
        %get3A_1318 = arith.index_cast %get3A_1316 : i32 to index
        %get3A_1319 = arith.constant 112 : index
        %get3A_1320 = tpu.vector_load %arg8[%get3A_1317, %get3A_1318, %get3A_1319] {strides = array<i32>} : memref<2x32x128xf32, #tpu.memory_space<vmem>>, vector<16xf32>,
        %add3A_1321 = arith.addf %add3A_1315, %get3A_1320 : vector<16xf32>
        tpu.vector_store_idx %arg9[%add3A_22, %add3A_945], %add3A_1321 : memref<128x200xf32, #tpu.memory_space<vmem>>[vector<16xi32>, vector<16xi32>], vector<16xf32>,
        %add3A_1322 = arith.constant 3 : i32
        %add3A_1323 = vector.broadcast %add3A_1322 : i32 to vector<16xi32>
        %add3A_1324 = arith.addi %broadcast_in_dim3A_184, %add3A_1323 : vector<16xi32>
        %get3A_1325 = arith.constant 24 : i32
        %get3A_1326 = arith.index_cast %rem3A_161 : i32 to index
        %get3A_1327 = arith.index_cast %get3A_1325 : i32 to index
        %get3A_1328 = arith.constant 0 : index
        %get3A_1329 = tpu.vector_load %arg8[%get3A_1326, %get3A_1327, %get3A_1328] {strides = array<i32>} : memref<2x32x128xf32, #tpu.memory_space<vmem>>, vector<16xf32>,
        %get3A_1330 = arith.constant 25 : i32
        %get3A_1331 = arith.index_cast %rem3A_161 : i32 to index
        %get3A_1332 = arith.index_cast %get3A_1330 : i32 to index
        %get3A_1333 = arith.constant 0 : index
        %get3A_1334 = tpu.vector_load %arg8[%get3A_1331, %get3A_1332, %get3A_1333] {strides = array<i32>} : memref<2x32x128xf32, #tpu.memory_space<vmem>>, vector<16xf32>,
        %add3A_1335 = arith.addf %get3A_1329, %get3A_1334 : vector<16xf32>
        %get3A_1336 = arith.constant 26 : i32
        %get3A_1337 = arith.index_cast %rem3A_161 : i32 to index
        %get3A_1338 = arith.index_cast %get3A_1336 : i32 to index
        %get3A_1339 = arith.constant 0 : index
        %get3A_1340 = tpu.vector_load %arg8[%get3A_1337, %get3A_1338, %get3A_1339] {strides = array<i32>} : memref<2x32x128xf32, #tpu.memory_space<vmem>>, vector<16xf32>,
        %add3A_1341 = arith.addf %add3A_1335, %get3A_1340 : vector<16xf32>
        %get3A_1342 = arith.constant 27 : i32
        %get3A_1343 = arith.index_cast %rem3A_161 : i32 to index
        %get3A_1344 = arith.index_cast %get3A_1342 : i32 to index
        %get3A_1345 = arith.constant 0 : index
        %get3A_1346 = tpu.vector_load %arg8[%get3A_1343, %get3A_1344, %get3A_1345] {strides = array<i32>} : memref<2x32x128xf32, #tpu.memory_space<vmem>>, vector<16xf32>,
        %add3A_1347 = arith.addf %add3A_1341, %get3A_1346 : vector<16xf32>
        %get3A_1348 = arith.constant 28 : i32
        %get3A_1349 = arith.index_cast %rem3A_161 : i32 to index
        %get3A_1350 = arith.index_cast %get3A_1348 : i32 to index
        %get3A_1351 = arith.constant 0 : index
        %get3A_1352 = tpu.vector_load %arg8[%get3A_1349, %get3A_1350, %get3A_1351] {strides = array<i32>} : memref<2x32x128xf32, #tpu.memory_space<vmem>>, vector<16xf32>,
        %add3A_1353 = arith.addf %add3A_1347, %get3A_1352 : vector<16xf32>
        %get3A_1354 = arith.constant 29 : i32
        %get3A_1355 = arith.index_cast %rem3A_161 : i32 to index
        %get3A_1356 = arith.index_cast %get3A_1354 : i32 to index
        %get3A_1357 = arith.constant 0 : index
        %get3A_1358 = tpu.vector_load %arg8[%get3A_1355, %get3A_1356, %get3A_1357] {strides = array<i32>} : memref<2x32x128xf32, #tpu.memory_space<vmem>>, vector<16xf32>,
        %add3A_1359 = arith.addf %add3A_1353, %get3A_1358 : vector<16xf32>
        %get3A_1360 = arith.constant 30 : i32
        %get3A_1361 = arith.index_cast %rem3A_161 : i32 to index
        %get3A_1362 = arith.index_cast %get3A_1360 : i32 to index
        %get3A_1363 = arith.constant 0 : index
        %get3A_1364 = tpu.vector_load %arg8[%get3A_1361, %get3A_1362, %get3A_1363] {strides = array<i32>} : memref<2x32x128xf32, #tpu.memory_space<vmem>>, vector<16xf32>,
        %add3A_1365 = arith.addf %add3A_1359, %get3A_1364 : vector<16xf32>
        %get3A_1366 = arith.constant 31 : i32
        %get3A_1367 = arith.index_cast %rem3A_161 : i32 to index
        %get3A_1368 = arith.index_cast %get3A_1366 : i32 to index
        %get3A_1369 = arith.constant 0 : index
        %get3A_1370 = tpu.vector_load %arg8[%get3A_1367, %get3A_1368, %get3A_1369] {strides = array<i32>} : memref<2x32x128xf32, #tpu.memory_space<vmem>>, vector<16xf32>,
        %add3A_1371 = arith.addf %add3A_1365, %get3A_1370 : vector<16xf32>
        tpu.vector_store_idx %arg9[%add3A_1, %add3A_1324], %add3A_1371 : memref<128x200xf32, #tpu.memory_space<vmem>>[vector<16xi32>, vector<16xi32>], vector<16xf32>,
        %get3A_1372 = arith.constant 24 : i32
        %get3A_1373 = arith.index_cast %rem3A_161 : i32 to index
        %get3A_1374 = arith.index_cast %get3A_1372 : i32 to index
        %get3A_1375 = arith.constant 16 : index
        %get3A_1376 = tpu.vector_load %arg8[%get3A_1373, %get3A_1374, %get3A_1375] {strides = array<i32>} : memref<2x32x128xf32, #tpu.memory_space<vmem>>, vector<16xf32>,
        %get3A_1377 = arith.constant 25 : i32
        %get3A_1378 = arith.index_cast %rem3A_161 : i32 to index
        %get3A_1379 = arith.index_cast %get3A_1377 : i32 to index
        %get3A_1380 = arith.constant 16 : index
        %get3A_1381 = tpu.vector_load %arg8[%get3A_1378, %get3A_1379, %get3A_1380] {strides = array<i32>} : memref<2x32x128xf32, #tpu.memory_space<vmem>>, vector<16xf32>,
        %add3A_1382 = arith.addf %get3A_1376, %get3A_1381 : vector<16xf32>
        %get3A_1383 = arith.constant 26 : i32
        %get3A_1384 = arith.index_cast %rem3A_161 : i32 to index
        %get3A_1385 = arith.index_cast %get3A_1383 : i32 to index
        %get3A_1386 = arith.constant 16 : index
        %get3A_1387 = tpu.vector_load %arg8[%get3A_1384, %get3A_1385, %get3A_1386] {strides = array<i32>} : memref<2x32x128xf32, #tpu.memory_space<vmem>>, vector<16xf32>,
        %add3A_1388 = arith.addf %add3A_1382, %get3A_1387 : vector<16xf32>
        %get3A_1389 = arith.constant 27 : i32
        %get3A_1390 = arith.index_cast %rem3A_161 : i32 to index
        %get3A_1391 = arith.index_cast %get3A_1389 : i32 to index
        %get3A_1392 = arith.constant 16 : index
        %get3A_1393 = tpu.vector_load %arg8[%get3A_1390, %get3A_1391, %get3A_1392] {strides = array<i32>} : memref<2x32x128xf32, #tpu.memory_space<vmem>>, vector<16xf32>,
        %add3A_1394 = arith.addf %add3A_1388, %get3A_1393 : vector<16xf32>
        %get3A_1395 = arith.constant 28 : i32
        %get3A_1396 = arith.index_cast %rem3A_161 : i32 to index
        %get3A_1397 = arith.index_cast %get3A_1395 : i32 to index
        %get3A_1398 = arith.constant 16 : index
        %get3A_1399 = tpu.vector_load %arg8[%get3A_1396, %get3A_1397, %get3A_1398] {strides = array<i32>} : memref<2x32x128xf32, #tpu.memory_space<vmem>>, vector<16xf32>,
        %add3A_1400 = arith.addf %add3A_1394, %get3A_1399 : vector<16xf32>
        %get3A_1401 = arith.constant 29 : i32
        %get3A_1402 = arith.index_cast %rem3A_161 : i32 to index
        %get3A_1403 = arith.index_cast %get3A_1401 : i32 to index
        %get3A_1404 = arith.constant 16 : index
        %get3A_1405 = tpu.vector_load %arg8[%get3A_1402, %get3A_1403, %get3A_1404] {strides = array<i32>} : memref<2x32x128xf32, #tpu.memory_space<vmem>>, vector<16xf32>,
        %add3A_1406 = arith.addf %add3A_1400, %get3A_1405 : vector<16xf32>
        %get3A_1407 = arith.constant 30 : i32
        %get3A_1408 = arith.index_cast %rem3A_161 : i32 to index
        %get3A_1409 = arith.index_cast %get3A_1407 : i32 to index
        %get3A_1410 = arith.constant 16 : index
        %get3A_1411 = tpu.vector_load %arg8[%get3A_1408, %get3A_1409, %get3A_1410] {strides = array<i32>} : memref<2x32x128xf32, #tpu.memory_space<vmem>>, vector<16xf32>,
        %add3A_1412 = arith.addf %add3A_1406, %get3A_1411 : vector<16xf32>
        %get3A_1413 = arith.constant 31 : i32
        %get3A_1414 = arith.index_cast %rem3A_161 : i32 to index
        %get3A_1415 = arith.index_cast %get3A_1413 : i32 to index
        %get3A_1416 = arith.constant 16 : index
        %get3A_1417 = tpu.vector_load %arg8[%get3A_1414, %get3A_1415, %get3A_1416] {strides = array<i32>} : memref<2x32x128xf32, #tpu.memory_space<vmem>>, vector<16xf32>,
        %add3A_1418 = arith.addf %add3A_1412, %get3A_1417 : vector<16xf32>
        tpu.vector_store_idx %arg9[%add3A_4, %add3A_1324], %add3A_1418 : memref<128x200xf32, #tpu.memory_space<vmem>>[vector<16xi32>, vector<16xi32>], vector<16xf32>,
        %get3A_1419 = arith.constant 24 : i32
        %get3A_1420 = arith.index_cast %rem3A_161 : i32 to index
        %get3A_1421 = arith.index_cast %get3A_1419 : i32 to index
        %get3A_1422 = arith.constant 32 : index
        %get3A_1423 = tpu.vector_load %arg8[%get3A_1420, %get3A_1421, %get3A_1422] {strides = array<i32>} : memref<2x32x128xf32, #tpu.memory_space<vmem>>, vector<16xf32>,
        %get3A_1424 = arith.constant 25 : i32
        %get3A_1425 = arith.index_cast %rem3A_161 : i32 to index
        %get3A_1426 = arith.index_cast %get3A_1424 : i32 to index
        %get3A_1427 = arith.constant 32 : index
        %get3A_1428 = tpu.vector_load %arg8[%get3A_1425, %get3A_1426, %get3A_1427] {strides = array<i32>} : memref<2x32x128xf32, #tpu.memory_space<vmem>>, vector<16xf32>,
        %add3A_1429 = arith.addf %get3A_1423, %get3A_1428 : vector<16xf32>
        %get3A_1430 = arith.constant 26 : i32
        %get3A_1431 = arith.index_cast %rem3A_161 : i32 to index
        %get3A_1432 = arith.index_cast %get3A_1430 : i32 to index
        %get3A_1433 = arith.constant 32 : index
        %get3A_1434 = tpu.vector_load %arg8[%get3A_1431, %get3A_1432, %get3A_1433] {strides = array<i32>} : memref<2x32x128xf32, #tpu.memory_space<vmem>>, vector<16xf32>,
        %add3A_1435 = arith.addf %add3A_1429, %get3A_1434 : vector<16xf32>
        %get3A_1436 = arith.constant 27 : i32
        %get3A_1437 = arith.index_cast %rem3A_161 : i32 to index
        %get3A_1438 = arith.index_cast %get3A_1436 : i32 to index
        %get3A_1439 = arith.constant 32 : index
        %get3A_1440 = tpu.vector_load %arg8[%get3A_1437, %get3A_1438, %get3A_1439] {strides = array<i32>} : memref<2x32x128xf32, #tpu.memory_space<vmem>>, vector<16xf32>,
        %add3A_1441 = arith.addf %add3A_1435, %get3A_1440 : vector<16xf32>
        %get3A_1442 = arith.constant 28 : i32
        %get3A_1443 = arith.index_cast %rem3A_161 : i32 to index
        %get3A_1444 = arith.index_cast %get3A_1442 : i32 to index
        %get3A_1445 = arith.constant 32 : index
        %get3A_1446 = tpu.vector_load %arg8[%get3A_1443, %get3A_1444, %get3A_1445] {strides = array<i32>} : memref<2x32x128xf32, #tpu.memory_space<vmem>>, vector<16xf32>,
        %add3A_1447 = arith.addf %add3A_1441, %get3A_1446 : vector<16xf32>
        %get3A_1448 = arith.constant 29 : i32
        %get3A_1449 = arith.index_cast %rem3A_161 : i32 to index
        %get3A_1450 = arith.index_cast %get3A_1448 : i32 to index
        %get3A_1451 = arith.constant 32 : index
        %get3A_1452 = tpu.vector_load %arg8[%get3A_1449, %get3A_1450, %get3A_1451] {strides = array<i32>} : memref<2x32x128xf32, #tpu.memory_space<vmem>>, vector<16xf32>,
        %add3A_1453 = arith.addf %add3A_1447, %get3A_1452 : vector<16xf32>
        %get3A_1454 = arith.constant 30 : i32
        %get3A_1455 = arith.index_cast %rem3A_161 : i32 to index
        %get3A_1456 = arith.index_cast %get3A_1454 : i32 to index
        %get3A_1457 = arith.constant 32 : index
        %get3A_1458 = tpu.vector_load %arg8[%get3A_1455, %get3A_1456, %get3A_1457] {strides = array<i32>} : memref<2x32x128xf32, #tpu.memory_space<vmem>>, vector<16xf32>,
        %add3A_1459 = arith.addf %add3A_1453, %get3A_1458 : vector<16xf32>
        %get3A_1460 = arith.constant 31 : i32
        %get3A_1461 = arith.index_cast %rem3A_161 : i32 to index
        %get3A_1462 = arith.index_cast %get3A_1460 : i32 to index
        %get3A_1463 = arith.constant 32 : index
        %get3A_1464 = tpu.vector_load %arg8[%get3A_1461, %get3A_1462, %get3A_1463] {strides = array<i32>} : memref<2x32x128xf32, #tpu.memory_space<vmem>>, vector<16xf32>,
        %add3A_1465 = arith.addf %add3A_1459, %get3A_1464 : vector<16xf32>
        tpu.vector_store_idx %arg9[%add3A_7, %add3A_1324], %add3A_1465 : memref<128x200xf32, #tpu.memory_space<vmem>>[vector<16xi32>, vector<16xi32>], vector<16xf32>,
        %get3A_1466 = arith.constant 24 : i32
        %get3A_1467 = arith.index_cast %rem3A_161 : i32 to index
        %get3A_1468 = arith.index_cast %get3A_1466 : i32 to index
        %get3A_1469 = arith.constant 48 : index
        %get3A_1470 = tpu.vector_load %arg8[%get3A_1467, %get3A_1468, %get3A_1469] {strides = array<i32>} : memref<2x32x128xf32, #tpu.memory_space<vmem>>, vector<16xf32>,
        %get3A_1471 = arith.constant 25 : i32
        %get3A_1472 = arith.index_cast %rem3A_161 : i32 to index
        %get3A_1473 = arith.index_cast %get3A_1471 : i32 to index
        %get3A_1474 = arith.constant 48 : index
        %get3A_1475 = tpu.vector_load %arg8[%get3A_1472, %get3A_1473, %get3A_1474] {strides = array<i32>} : memref<2x32x128xf32, #tpu.memory_space<vmem>>, vector<16xf32>,
        %add3A_1476 = arith.addf %get3A_1470, %get3A_1475 : vector<16xf32>
        %get3A_1477 = arith.constant 26 : i32
        %get3A_1478 = arith.index_cast %rem3A_161 : i32 to index
        %get3A_1479 = arith.index_cast %get3A_1477 : i32 to index
        %get3A_1480 = arith.constant 48 : index
        %get3A_1481 = tpu.vector_load %arg8[%get3A_1478, %get3A_1479, %get3A_1480] {strides = array<i32>} : memref<2x32x128xf32, #tpu.memory_space<vmem>>, vector<16xf32>,
        %add3A_1482 = arith.addf %add3A_1476, %get3A_1481 : vector<16xf32>
        %get3A_1483 = arith.constant 27 : i32
        %get3A_1484 = arith.index_cast %rem3A_161 : i32 to index
        %get3A_1485 = arith.index_cast %get3A_1483 : i32 to index
        %get3A_1486 = arith.constant 48 : index
        %get3A_1487 = tpu.vector_load %arg8[%get3A_1484, %get3A_1485, %get3A_1486] {strides = array<i32>} : memref<2x32x128xf32, #tpu.memory_space<vmem>>, vector<16xf32>,
        %add3A_1488 = arith.addf %add3A_1482, %get3A_1487 : vector<16xf32>
        %get3A_1489 = arith.constant 28 : i32
        %get3A_1490 = arith.index_cast %rem3A_161 : i32 to index
        %get3A_1491 = arith.index_cast %get3A_1489 : i32 to index
        %get3A_1492 = arith.constant 48 : index
        %get3A_1493 = tpu.vector_load %arg8[%get3A_1490, %get3A_1491, %get3A_1492] {strides = array<i32>} : memref<2x32x128xf32, #tpu.memory_space<vmem>>, vector<16xf32>,
        %add3A_1494 = arith.addf %add3A_1488, %get3A_1493 : vector<16xf32>
        %get3A_1495 = arith.constant 29 : i32
        %get3A_1496 = arith.index_cast %rem3A_161 : i32 to index
        %get3A_1497 = arith.index_cast %get3A_1495 : i32 to index
        %get3A_1498 = arith.constant 48 : index
        %get3A_1499 = tpu.vector_load %arg8[%get3A_1496, %get3A_1497, %get3A_1498] {strides = array<i32>} : memref<2x32x128xf32, #tpu.memory_space<vmem>>, vector<16xf32>,
        %add3A_1500 = arith.addf %add3A_1494, %get3A_1499 : vector<16xf32>
        %get3A_1501 = arith.constant 30 : i32
        %get3A_1502 = arith.index_cast %rem3A_161 : i32 to index
        %get3A_1503 = arith.index_cast %get3A_1501 : i32 to index
        %get3A_1504 = arith.constant 48 : index
        %get3A_1505 = tpu.vector_load %arg8[%get3A_1502, %get3A_1503, %get3A_1504] {strides = array<i32>} : memref<2x32x128xf32, #tpu.memory_space<vmem>>, vector<16xf32>,
        %add3A_1506 = arith.addf %add3A_1500, %get3A_1505 : vector<16xf32>
        %get3A_1507 = arith.constant 31 : i32
        %get3A_1508 = arith.index_cast %rem3A_161 : i32 to index
        %get3A_1509 = arith.index_cast %get3A_1507 : i32 to index
        %get3A_1510 = arith.constant 48 : index
        %get3A_1511 = tpu.vector_load %arg8[%get3A_1508, %get3A_1509, %get3A_1510] {strides = array<i32>} : memref<2x32x128xf32, #tpu.memory_space<vmem>>, vector<16xf32>,
        %add3A_1512 = arith.addf %add3A_1506, %get3A_1511 : vector<16xf32>
        tpu.vector_store_idx %arg9[%add3A_10, %add3A_1324], %add3A_1512 : memref<128x200xf32, #tpu.memory_space<vmem>>[vector<16xi32>, vector<16xi32>], vector<16xf32>,
        %get3A_1513 = arith.constant 24 : i32
        %get3A_1514 = arith.index_cast %rem3A_161 : i32 to index
        %get3A_1515 = arith.index_cast %get3A_1513 : i32 to index
        %get3A_1516 = arith.constant 64 : index
        %get3A_1517 = tpu.vector_load %arg8[%get3A_1514, %get3A_1515, %get3A_1516] {strides = array<i32>} : memref<2x32x128xf32, #tpu.memory_space<vmem>>, vector<16xf32>,
        %get3A_1518 = arith.constant 25 : i32
        %get3A_1519 = arith.index_cast %rem3A_161 : i32 to index
        %get3A_1520 = arith.index_cast %get3A_1518 : i32 to index
        %get3A_1521 = arith.constant 64 : index
        %get3A_1522 = tpu.vector_load %arg8[%get3A_1519, %get3A_1520, %get3A_1521] {strides = array<i32>} : memref<2x32x128xf32, #tpu.memory_space<vmem>>, vector<16xf32>,
        %add3A_1523 = arith.addf %get3A_1517, %get3A_1522 : vector<16xf32>
        %get3A_1524 = arith.constant 26 : i32
        %get3A_1525 = arith.index_cast %rem3A_161 : i32 to index
        %get3A_1526 = arith.index_cast %get3A_1524 : i32 to index
        %get3A_1527 = arith.constant 64 : index
        %get3A_1528 = tpu.vector_load %arg8[%get3A_1525, %get3A_1526, %get3A_1527] {strides = array<i32>} : memref<2x32x128xf32, #tpu.memory_space<vmem>>, vector<16xf32>,
        %add3A_1529 = arith.addf %add3A_1523, %get3A_1528 : vector<16xf32>
        %get3A_1530 = arith.constant 27 : i32
        %get3A_1531 = arith.index_cast %rem3A_161 : i32 to index
        %get3A_1532 = arith.index_cast %get3A_1530 : i32 to index
        %get3A_1533 = arith.constant 64 : index
        %get3A_1534 = tpu.vector_load %arg8[%get3A_1531, %get3A_1532, %get3A_1533] {strides = array<i32>} : memref<2x32x128xf32, #tpu.memory_space<vmem>>, vector<16xf32>,
        %add3A_1535 = arith.addf %add3A_1529, %get3A_1534 : vector<16xf32>
        %get3A_1536 = arith.constant 28 : i32
        %get3A_1537 = arith.index_cast %rem3A_161 : i32 to index
        %get3A_1538 = arith.index_cast %get3A_1536 : i32 to index
        %get3A_1539 = arith.constant 64 : index
        %get3A_1540 = tpu.vector_load %arg8[%get3A_1537, %get3A_1538, %get3A_1539] {strides = array<i32>} : memref<2x32x128xf32, #tpu.memory_space<vmem>>, vector<16xf32>,
        %add3A_1541 = arith.addf %add3A_1535, %get3A_1540 : vector<16xf32>
        %get3A_1542 = arith.constant 29 : i32
        %get3A_1543 = arith.index_cast %rem3A_161 : i32 to index
        %get3A_1544 = arith.index_cast %get3A_1542 : i32 to index
        %get3A_1545 = arith.constant 64 : index
        %get3A_1546 = tpu.vector_load %arg8[%get3A_1543, %get3A_1544, %get3A_1545] {strides = array<i32>} : memref<2x32x128xf32, #tpu.memory_space<vmem>>, vector<16xf32>,
        %add3A_1547 = arith.addf %add3A_1541, %get3A_1546 : vector<16xf32>
        %get3A_1548 = arith.constant 30 : i32
        %get3A_1549 = arith.index_cast %rem3A_161 : i32 to index
        %get3A_1550 = arith.index_cast %get3A_1548 : i32 to index
        %get3A_1551 = arith.constant 64 : index
        %get3A_1552 = tpu.vector_load %arg8[%get3A_1549, %get3A_1550, %get3A_1551] {strides = array<i32>} : memref<2x32x128xf32, #tpu.memory_space<vmem>>, vector<16xf32>,
        %add3A_1553 = arith.addf %add3A_1547, %get3A_1552 : vector<16xf32>
        %get3A_1554 = arith.constant 31 : i32
        %get3A_1555 = arith.index_cast %rem3A_161 : i32 to index
        %get3A_1556 = arith.index_cast %get3A_1554 : i32 to index
        %get3A_1557 = arith.constant 64 : index
        %get3A_1558 = tpu.vector_load %arg8[%get3A_1555, %get3A_1556, %get3A_1557] {strides = array<i32>} : memref<2x32x128xf32, #tpu.memory_space<vmem>>, vector<16xf32>,
        %add3A_1559 = arith.addf %add3A_1553, %get3A_1558 : vector<16xf32>
        tpu.vector_store_idx %arg9[%add3A_13, %add3A_1324], %add3A_1559 : memref<128x200xf32, #tpu.memory_space<vmem>>[vector<16xi32>, vector<16xi32>], vector<16xf32>,
        %get3A_1560 = arith.constant 24 : i32
        %get3A_1561 = arith.index_cast %rem3A_161 : i32 to index
        %get3A_1562 = arith.index_cast %get3A_1560 : i32 to index
        %get3A_1563 = arith.constant 80 : index
        %get3A_1564 = tpu.vector_load %arg8[%get3A_1561, %get3A_1562, %get3A_1563] {strides = array<i32>} : memref<2x32x128xf32, #tpu.memory_space<vmem>>, vector<16xf32>,
        %get3A_1565 = arith.constant 25 : i32
        %get3A_1566 = arith.index_cast %rem3A_161 : i32 to index
        %get3A_1567 = arith.index_cast %get3A_1565 : i32 to index
        %get3A_1568 = arith.constant 80 : index
        %get3A_1569 = tpu.vector_load %arg8[%get3A_1566, %get3A_1567, %get3A_1568] {strides = array<i32>} : memref<2x32x128xf32, #tpu.memory_space<vmem>>, vector<16xf32>,
        %add3A_1570 = arith.addf %get3A_1564, %get3A_1569 : vector<16xf32>
        %get3A_1571 = arith.constant 26 : i32
        %get3A_1572 = arith.index_cast %rem3A_161 : i32 to index
        %get3A_1573 = arith.index_cast %get3A_1571 : i32 to index
        %get3A_1574 = arith.constant 80 : index
        %get3A_1575 = tpu.vector_load %arg8[%get3A_1572, %get3A_1573, %get3A_1574] {strides = array<i32>} : memref<2x32x128xf32, #tpu.memory_space<vmem>>, vector<16xf32>,
        %add3A_1576 = arith.addf %add3A_1570, %get3A_1575 : vector<16xf32>
        %get3A_1577 = arith.constant 27 : i32
        %get3A_1578 = arith.index_cast %rem3A_161 : i32 to index
        %get3A_1579 = arith.index_cast %get3A_1577 : i32 to index
        %get3A_1580 = arith.constant 80 : index
        %get3A_1581 = tpu.vector_load %arg8[%get3A_1578, %get3A_1579, %get3A_1580] {strides = array<i32>} : memref<2x32x128xf32, #tpu.memory_space<vmem>>, vector<16xf32>,
        %add3A_1582 = arith.addf %add3A_1576, %get3A_1581 : vector<16xf32>
        %get3A_1583 = arith.constant 28 : i32
        %get3A_1584 = arith.index_cast %rem3A_161 : i32 to index
        %get3A_1585 = arith.index_cast %get3A_1583 : i32 to index
        %get3A_1586 = arith.constant 80 : index
        %get3A_1587 = tpu.vector_load %arg8[%get3A_1584, %get3A_1585, %get3A_1586] {strides = array<i32>} : memref<2x32x128xf32, #tpu.memory_space<vmem>>, vector<16xf32>,
        %add3A_1588 = arith.addf %add3A_1582, %get3A_1587 : vector<16xf32>
        %get3A_1589 = arith.constant 29 : i32
        %get3A_1590 = arith.index_cast %rem3A_161 : i32 to index
        %get3A_1591 = arith.index_cast %get3A_1589 : i32 to index
        %get3A_1592 = arith.constant 80 : index
        %get3A_1593 = tpu.vector_load %arg8[%get3A_1590, %get3A_1591, %get3A_1592] {strides = array<i32>} : memref<2x32x128xf32, #tpu.memory_space<vmem>>, vector<16xf32>,
        %add3A_1594 = arith.addf %add3A_1588, %get3A_1593 : vector<16xf32>
        %get3A_1595 = arith.constant 30 : i32
        %get3A_1596 = arith.index_cast %rem3A_161 : i32 to index
        %get3A_1597 = arith.index_cast %get3A_1595 : i32 to index
        %get3A_1598 = arith.constant 80 : index
        %get3A_1599 = tpu.vector_load %arg8[%get3A_1596, %get3A_1597, %get3A_1598] {strides = array<i32>} : memref<2x32x128xf32, #tpu.memory_space<vmem>>, vector<16xf32>,
        %add3A_1600 = arith.addf %add3A_1594, %get3A_1599 : vector<16xf32>
        %get3A_1601 = arith.constant 31 : i32
        %get3A_1602 = arith.index_cast %rem3A_161 : i32 to index
        %get3A_1603 = arith.index_cast %get3A_1601 : i32 to index
        %get3A_1604 = arith.constant 80 : index
        %get3A_1605 = tpu.vector_load %arg8[%get3A_1602, %get3A_1603, %get3A_1604] {strides = array<i32>} : memref<2x32x128xf32, #tpu.memory_space<vmem>>, vector<16xf32>,
        %add3A_1606 = arith.addf %add3A_1600, %get3A_1605 : vector<16xf32>
        tpu.vector_store_idx %arg9[%add3A_16, %add3A_1324], %add3A_1606 : memref<128x200xf32, #tpu.memory_space<vmem>>[vector<16xi32>, vector<16xi32>], vector<16xf32>,
        %get3A_1607 = arith.constant 24 : i32
        %get3A_1608 = arith.index_cast %rem3A_161 : i32 to index
        %get3A_1609 = arith.index_cast %get3A_1607 : i32 to index
        %get3A_1610 = arith.constant 96 : index
        %get3A_1611 = tpu.vector_load %arg8[%get3A_1608, %get3A_1609, %get3A_1610] {strides = array<i32>} : memref<2x32x128xf32, #tpu.memory_space<vmem>>, vector<16xf32>,
        %get3A_1612 = arith.constant 25 : i32
        %get3A_1613 = arith.index_cast %rem3A_161 : i32 to index
        %get3A_1614 = arith.index_cast %get3A_1612 : i32 to index
        %get3A_1615 = arith.constant 96 : index
        %get3A_1616 = tpu.vector_load %arg8[%get3A_1613, %get3A_1614, %get3A_1615] {strides = array<i32>} : memref<2x32x128xf32, #tpu.memory_space<vmem>>, vector<16xf32>,
        %add3A_1617 = arith.addf %get3A_1611, %get3A_1616 : vector<16xf32>
        %get3A_1618 = arith.constant 26 : i32
        %get3A_1619 = arith.index_cast %rem3A_161 : i32 to index
        %get3A_1620 = arith.index_cast %get3A_1618 : i32 to index
        %get3A_1621 = arith.constant 96 : index
        %get3A_1622 = tpu.vector_load %arg8[%get3A_1619, %get3A_1620, %get3A_1621] {strides = array<i32>} : memref<2x32x128xf32, #tpu.memory_space<vmem>>, vector<16xf32>,
        %add3A_1623 = arith.addf %add3A_1617, %get3A_1622 : vector<16xf32>
        %get3A_1624 = arith.constant 27 : i32
        %get3A_1625 = arith.index_cast %rem3A_161 : i32 to index
        %get3A_1626 = arith.index_cast %get3A_1624 : i32 to index
        %get3A_1627 = arith.constant 96 : index
        %get3A_1628 = tpu.vector_load %arg8[%get3A_1625, %get3A_1626, %get3A_1627] {strides = array<i32>} : memref<2x32x128xf32, #tpu.memory_space<vmem>>, vector<16xf32>,
        %add3A_1629 = arith.addf %add3A_1623, %get3A_1628 : vector<16xf32>
        %get3A_1630 = arith.constant 28 : i32
        %get3A_1631 = arith.index_cast %rem3A_161 : i32 to index
        %get3A_1632 = arith.index_cast %get3A_1630 : i32 to index
        %get3A_1633 = arith.constant 96 : index
        %get3A_1634 = tpu.vector_load %arg8[%get3A_1631, %get3A_1632, %get3A_1633] {strides = array<i32>} : memref<2x32x128xf32, #tpu.memory_space<vmem>>, vector<16xf32>,
        %add3A_1635 = arith.addf %add3A_1629, %get3A_1634 : vector<16xf32>
        %get3A_1636 = arith.constant 29 : i32
        %get3A_1637 = arith.index_cast %rem3A_161 : i32 to index
        %get3A_1638 = arith.index_cast %get3A_1636 : i32 to index
        %get3A_1639 = arith.constant 96 : index
        %get3A_1640 = tpu.vector_load %arg8[%get3A_1637, %get3A_1638, %get3A_1639] {strides = array<i32>} : memref<2x32x128xf32, #tpu.memory_space<vmem>>, vector<16xf32>,
        %add3A_1641 = arith.addf %add3A_1635, %get3A_1640 : vector<16xf32>
        %get3A_1642 = arith.constant 30 : i32
        %get3A_1643 = arith.index_cast %rem3A_161 : i32 to index
        %get3A_1644 = arith.index_cast %get3A_1642 : i32 to index
        %get3A_1645 = arith.constant 96 : index
        %get3A_1646 = tpu.vector_load %arg8[%get3A_1643, %get3A_1644, %get3A_1645] {strides = array<i32>} : memref<2x32x128xf32, #tpu.memory_space<vmem>>, vector<16xf32>,
        %add3A_1647 = arith.addf %add3A_1641, %get3A_1646 : vector<16xf32>
        %get3A_1648 = arith.constant 31 : i32
        %get3A_1649 = arith.index_cast %rem3A_161 : i32 to index
        %get3A_1650 = arith.index_cast %get3A_1648 : i32 to index
        %get3A_1651 = arith.constant 96 : index
        %get3A_1652 = tpu.vector_load %arg8[%get3A_1649, %get3A_1650, %get3A_1651] {strides = array<i32>} : memref<2x32x128xf32, #tpu.memory_space<vmem>>, vector<16xf32>,
        %add3A_1653 = arith.addf %add3A_1647, %get3A_1652 : vector<16xf32>
        tpu.vector_store_idx %arg9[%add3A_19, %add3A_1324], %add3A_1653 : memref<128x200xf32, #tpu.memory_space<vmem>>[vector<16xi32>, vector<16xi32>], vector<16xf32>,
        %get3A_1654 = arith.constant 24 : i32
        %get3A_1655 = arith.index_cast %rem3A_161 : i32 to index
        %get3A_1656 = arith.index_cast %get3A_1654 : i32 to index
        %get3A_1657 = arith.constant 112 : index
        %get3A_1658 = tpu.vector_load %arg8[%get3A_1655, %get3A_1656, %get3A_1657] {strides = array<i32>} : memref<2x32x128xf32, #tpu.memory_space<vmem>>, vector<16xf32>,
        %get3A_1659 = arith.constant 25 : i32
        %get3A_1660 = arith.index_cast %rem3A_161 : i32 to index
        %get3A_1661 = arith.index_cast %get3A_1659 : i32 to index
        %get3A_1662 = arith.constant 112 : index
        %get3A_1663 = tpu.vector_load %arg8[%get3A_1660, %get3A_1661, %get3A_1662] {strides = array<i32>} : memref<2x32x128xf32, #tpu.memory_space<vmem>>, vector<16xf32>,
        %add3A_1664 = arith.addf %get3A_1658, %get3A_1663 : vector<16xf32>
        %get3A_1665 = arith.constant 26 : i32
        %get3A_1666 = arith.index_cast %rem3A_161 : i32 to index
        %get3A_1667 = arith.index_cast %get3A_1665 : i32 to index
        %get3A_1668 = arith.constant 112 : index
        %get3A_1669 = tpu.vector_load %arg8[%get3A_1666, %get3A_1667, %get3A_1668] {strides = array<i32>} : memref<2x32x128xf32, #tpu.memory_space<vmem>>, vector<16xf32>,
        %add3A_1670 = arith.addf %add3A_1664, %get3A_1669 : vector<16xf32>
        %get3A_1671 = arith.constant 27 : i32
        %get3A_1672 = arith.index_cast %rem3A_161 : i32 to index
        %get3A_1673 = arith.index_cast %get3A_1671 : i32 to index
        %get3A_1674 = arith.constant 112 : index
        %get3A_1675 = tpu.vector_load %arg8[%get3A_1672, %get3A_1673, %get3A_1674] {strides = array<i32>} : memref<2x32x128xf32, #tpu.memory_space<vmem>>, vector<16xf32>,
        %add3A_1676 = arith.addf %add3A_1670, %get3A_1675 : vector<16xf32>
        %get3A_1677 = arith.constant 28 : i32
        %get3A_1678 = arith.index_cast %rem3A_161 : i32 to index
        %get3A_1679 = arith.index_cast %get3A_1677 : i32 to index
        %get3A_1680 = arith.constant 112 : index
        %get3A_1681 = tpu.vector_load %arg8[%get3A_1678, %get3A_1679, %get3A_1680] {strides = array<i32>} : memref<2x32x128xf32, #tpu.memory_space<vmem>>, vector<16xf32>,
        %add3A_1682 = arith.addf %add3A_1676, %get3A_1681 : vector<16xf32>
        %get3A_1683 = arith.constant 29 : i32
        %get3A_1684 = arith.index_cast %rem3A_161 : i32 to index
        %get3A_1685 = arith.index_cast %get3A_1683 : i32 to index
        %get3A_1686 = arith.constant 112 : index
        %get3A_1687 = tpu.vector_load %arg8[%get3A_1684, %get3A_1685, %get3A_1686] {strides = array<i32>} : memref<2x32x128xf32, #tpu.memory_space<vmem>>, vector<16xf32>,
        %add3A_1688 = arith.addf %add3A_1682, %get3A_1687 : vector<16xf32>
        %get3A_1689 = arith.constant 30 : i32
        %get3A_1690 = arith.index_cast %rem3A_161 : i32 to index
        %get3A_1691 = arith.index_cast %get3A_1689 : i32 to index
        %get3A_1692 = arith.constant 112 : index
        %get3A_1693 = tpu.vector_load %arg8[%get3A_1690, %get3A_1691, %get3A_1692] {strides = array<i32>} : memref<2x32x128xf32, #tpu.memory_space<vmem>>, vector<16xf32>,
        %add3A_1694 = arith.addf %add3A_1688, %get3A_1693 : vector<16xf32>
        %get3A_1695 = arith.constant 31 : i32
        %get3A_1696 = arith.index_cast %rem3A_161 : i32 to index
        %get3A_1697 = arith.index_cast %get3A_1695 : i32 to index
        %get3A_1698 = arith.constant 112 : index
        %get3A_1699 = tpu.vector_load %arg8[%get3A_1696, %get3A_1697, %get3A_1698] {strides = array<i32>} : memref<2x32x128xf32, #tpu.memory_space<vmem>>, vector<16xf32>,
        %add3A_1700 = arith.addf %add3A_1694, %get3A_1699 : vector<16xf32>
        tpu.vector_store_idx %arg9[%add3A_22, %add3A_1324], %add3A_1700 : memref<128x200xf32, #tpu.memory_space<vmem>>[vector<16xi32>, vector<16xi32>], vector<16xf32>,
        %while3A_1701 = arith.constant 0 : i32
        scf.yield %while3A_1701 : i32
      }
      %while3A_140 = arith.constant 1 : i32
      %while3A_141 = scf.for %while3A_158 = %while3A_137 to %while3A_133 step %while3A_140 iter_args(%while3A_159 = %while3A_139) -> (i32)  : i32 {
        %rem3A_160 = arith.constant 2 : i32
        %rem3A_161 = arith.remsi %while3A_158, %rem3A_160 : i32
        %dma_wait3A = arith.constant 0 : i32
        %dma_wait3A_162 = arith.constant 0 : i32
        %dma_wait3A_163 = tpu.memref_slice %arg8[%rem3A_161, %dma_wait3A, %dma_wait3A_162] : memref<2x32x128xf32, #tpu.memory_space<vmem>> -> memref<1x32x128xf32, #tpu.memory_space<vmem>>
        %dma_wait3A_164 = tpu.memref_squeeze %dma_wait3A_163 : memref<1x32x128xf32, #tpu.memory_space<vmem>> -> memref<32x128xf32, #tpu.memory_space<vmem>>
        %dma_wait3A_165 = arith.constant 0 : i32
        %dma_wait3A_166 = arith.constant 0 : i32
        %dma_wait3A_167 = arith.constant 0 : i32
        %dma_wait3A_168 = tpu.memref_slice %arg4[%dma_wait3A_165, %dma_wait3A_166, %dma_wait3A_167] : memref<8x1024x128xf32, #tpu.memory_space<hbm>> -> memref<32x1024x128xf32, #tpu.memory_space<hbm>>
        %dma_wait3A_169 = arith.constant 0 : i32
        %dma_wait3A_170 = arith.constant 0 : i32
        %dma_wait3A_171 = tpu.memref_slice %arg8[%rem3A_161, %dma_wait3A_169, %dma_wait3A_170] : memref<2x32x128xf32, #tpu.memory_space<vmem>> -> memref<1x32x128xf32, #tpu.memory_space<vmem>>
        %dma_wait3A_172 = tpu.memref_squeeze %dma_wait3A_171 : memref<1x32x128xf32, #tpu.memory_space<vmem>> -> memref<32x128xf32, #tpu.memory_space<vmem>>
        %dma_wait3A_173 = arith.constant 0 : i32
        %dma_wait3A_174 = arith.constant 0 : i32
        %dma_wait3A_175 = arith.constant 0 : i32
        %dma_wait3A_176 = tpu.memref_slice %arg4[%dma_wait3A_173, %dma_wait3A_174, %dma_wait3A_175] : memref<8x1024x128xf32, #tpu.memory_space<hbm>> -> memref<32x1024x128xf32, #tpu.memory_space<hbm>>
        tpu.wait_dma2 semaphore(%arg13 : memref<!tpu.dma_semaphore, #tpu.memory_space<semaphore_mem>>) src(%dma_wait3A_176 : memref<32x1024x128xf32, #tpu.memory_space<hbm>>) dst(%dma_wait3A_172 : memref<32x128xf32, #tpu.memory_space<vmem>>)
        %add3A_177 = arith.constant 1 : i32
        %add3A_178 = arith.addi %while3A_158, %add3A_177 : i32
        %lt3A = arith.cmpi slt, %add3A_178, %select_n3A_125 : i32
        %convert_element_type3A_179 = arith.extui %lt3A : i1 to i32
        %cond3A_180 = arith.constant 0 : i32
        %cond3A_181 = arith.cmpi ne, %convert_element_type3A_179, %cond3A_180 : i32
        scf.if %cond3A_181 {
          %add3A_1702 = arith.constant 1 : i32
          %add3A_1703 = arith.addi %while3A_158, %add3A_1702 : i32
          %mul3A_1704 = arith.constant 8 : i32
          %mul3A_1705 = arith.muli %add3A_1703, %mul3A_1704 : i32
          %mul3A_1706 = arith.constant 4 : i32
          %mul3A_1707 = arith.muli %mul3A_1705, %mul3A_1706 : i32
          %add3A_1708 = arith.constant 1 : i32
          %add3A_1709 = arith.addi %while3A_158, %add3A_1708 : i32
          %rem3A_1710 = arith.constant 2 : i32
          %rem3A_1711 = arith.remsi %add3A_1709, %rem3A_1710 : i32
          %dma_start3A = arith.constant 0 : i32
          %dma_start3A_1712 = arith.constant 0 : i32
          %dma_start3A_1713 = tpu.memref_slice %arg8[%rem3A_1711, %dma_start3A, %dma_start3A_1712] : memref<2x32x128xf32, #tpu.memory_space<vmem>> -> memref<1x32x128xf32, #tpu.memory_space<vmem>>
          %dma_start3A_1714 = tpu.memref_squeeze %dma_start3A_1713 : memref<1x32x128xf32, #tpu.memory_space<vmem>> -> memref<32x128xf32, #tpu.memory_space<vmem>>
          %dma_start3A_1715 = tpu.memref_slice %arg7[%mul3A_1707] : memref<1600xi32, #tpu.memory_space<vmem>> -> memref<32xi32, #tpu.memory_space<vmem>>
          %dma_start3A_1716 = arith.constant 0 : i32
          %dma_start3A_1717 = arith.constant 0 : i32
          %dma_start3A_1718 = tpu.memref_slice %arg12[%dma_start3A_1716, %dma_start3A_1717] : memref<8192x128xf32, #tpu.memory_space<vmem_shared>> -> memref<8192x128xf32, #tpu.memory_space<vmem_shared>>
          tpu.enqueue_indirect_dma source(%dma_start3A_1718 : memref<8192x128xf32, #tpu.memory_space<vmem_shared>>) target(%dma_start3A_1714 : memref<32x128xf32, #tpu.memory_space<vmem>>) offsets(%dma_start3A_1715 : memref<32xi32, #tpu.memory_space<vmem>>) semaphore(%arg13 : memref<!tpu.dma_semaphore, #tpu.memory_space<semaphore_mem>>)
        } else {
        }
        %mul3A_182 = arith.constant 4 : i32
        %mul3A_183 = arith.muli %while3A_158, %mul3A_182 : i32
        %broadcast_in_dim3A_184 = vector.broadcast %mul3A_183 : i32 to vector<16xi32>
        %add3A_185 = arith.constant 0 : i32
        %add3A_186 = vector.broadcast %add3A_185 : i32 to vector<16xi32>
        %add3A_187 = arith.addi %broadcast_in_dim3A_184, %add3A_186 : vector<16xi32>
        %get3A_188 = arith.constant 0 : i32
        %get3A_189 = arith.index_cast %rem3A_161 : i32 to index
        %get3A_190 = arith.index_cast %get3A_188 : i32 to index
        %get3A_191 = arith.constant 0 : index
        %get3A_192 = tpu.vector_load %arg8[%get3A_189, %get3A_190, %get3A_191] {strides = array<i32>} : memref<2x32x128xf32, #tpu.memory_space<vmem>>, vector<16xf32>,
        %get3A_193 = arith.constant 1 : i32
        %get3A_194 = arith.index_cast %rem3A_161 : i32 to index
        %get3A_195 = arith.index_cast %get3A_193 : i32 to index
        %get3A_196 = arith.constant 0 : index
        %get3A_197 = tpu.vector_load %arg8[%get3A_194, %get3A_195, %get3A_196] {strides = array<i32>} : memref<2x32x128xf32, #tpu.memory_space<vmem>>, vector<16xf32>,
        %add3A_198 = arith.addf %get3A_192, %get3A_197 : vector<16xf32>
        %get3A_199 = arith.constant 2 : i32
        %get3A_200 = arith.index_cast %rem3A_161 : i32 to index
        %get3A_201 = arith.index_cast %get3A_199 : i32 to index
        %get3A_202 = arith.constant 0 : index
        %get3A_203 = tpu.vector_load %arg8[%get3A_200, %get3A_201, %get3A_202] {strides = array<i32>} : memref<2x32x128xf32, #tpu.memory_space<vmem>>, vector<16xf32>,
        %add3A_204 = arith.addf %add3A_198, %get3A_203 : vector<16xf32>
        %get3A_205 = arith.constant 3 : i32
        %get3A_206 = arith.index_cast %rem3A_161 : i32 to index
        %get3A_207 = arith.index_cast %get3A_205 : i32 to index
        %get3A_208 = arith.constant 0 : index
        %get3A_209 = tpu.vector_load %arg8[%get3A_206, %get3A_207, %get3A_208] {strides = array<i32>} : memref<2x32x128xf32, #tpu.memory_space<vmem>>, vector<16xf32>,
        %add3A_210 = arith.addf %add3A_204, %get3A_209 : vector<16xf32>
        %get3A_211 = arith.constant 4 : i32
        %get3A_212 = arith.index_cast %rem3A_161 : i32 to index
        %get3A_213 = arith.index_cast %get3A_211 : i32 to index
        %get3A_214 = arith.constant 0 : index
        %get3A_215 = tpu.vector_load %arg8[%get3A_212, %get3A_213, %get3A_214] {strides = array<i32>} : memref<2x32x128xf32, #tpu.memory_space<vmem>>, vector<16xf32>,
        %add3A_216 = arith.addf %add3A_210, %get3A_215 : vector<16xf32>
        %get3A_217 = arith.constant 5 : i32
        %get3A_218 = arith.index_cast %rem3A_161 : i32 to index
        %get3A_219 = arith.index_cast %get3A_217 : i32 to index
        %get3A_220 = arith.constant 0 : index
        %get3A_221 = tpu.vector_load %arg8[%get3A_218, %get3A_219, %get3A_220] {strides = array<i32>} : memref<2x32x128xf32, #tpu.memory_space<vmem>>, vector<16xf32>,
        %add3A_222 = arith.addf %add3A_216, %get3A_221 : vector<16xf32>
        %get3A_223 = arith.constant 6 : i32
        %get3A_224 = arith.index_cast %rem3A_161 : i32 to index
        %get3A_225 = arith.index_cast %get3A_223 : i32 to index
        %get3A_226 = arith.constant 0 : index
        %get3A_227 = tpu.vector_load %arg8[%get3A_224, %get3A_225, %get3A_226] {strides = array<i32>} : memref<2x32x128xf32, #tpu.memory_space<vmem>>, vector<16xf32>,
        %add3A_228 = arith.addf %add3A_222, %get3A_227 : vector<16xf32>
        %get3A_229 = arith.constant 7 : i32
        %get3A_230 = arith.index_cast %rem3A_161 : i32 to index
        %get3A_231 = arith.index_cast %get3A_229 : i32 to index
        %get3A_232 = arith.constant 0 : index
        %get3A_233 = tpu.vector_load %arg8[%get3A_230, %get3A_231, %get3A_232] {strides = array<i32>} : memref<2x32x128xf32, #tpu.memory_space<vmem>>, vector<16xf32>,
        %add3A_234 = arith.addf %add3A_228, %get3A_233 : vector<16xf32>
        tpu.vector_store_idx %arg9[%add3A_1, %add3A_187], %add3A_234 : memref<128x200xf32, #tpu.memory_space<vmem>>[vector<16xi32>, vector<16xi32>], vector<16xf32>,
        %get3A_235 = arith.constant 0 : i32
        %get3A_236 = arith.index_cast %rem3A_161 : i32 to index
        %get3A_237 = arith.index_cast %get3A_235 : i32 to index
        %get3A_238 = arith.constant 16 : index
        %get3A_239 = tpu.vector_load %arg8[%get3A_236, %get3A_237, %get3A_238] {strides = array<i32>} : memref<2x32x128xf32, #tpu.memory_space<vmem>>, vector<16xf32>,
        %get3A_240 = arith.constant 1 : i32
        %get3A_241 = arith.index_cast %rem3A_161 : i32 to index
        %get3A_242 = arith.index_cast %get3A_240 : i32 to index
        %get3A_243 = arith.constant 16 : index
        %get3A_244 = tpu.vector_load %arg8[%get3A_241, %get3A_242, %get3A_243] {strides = array<i32>} : memref<2x32x128xf32, #tpu.memory_space<vmem>>, vector<16xf32>,
        %add3A_245 = arith.addf %get3A_239, %get3A_244 : vector<16xf32>
        %get3A_246 = arith.constant 2 : i32
        %get3A_247 = arith.index_cast %rem3A_161 : i32 to index
        %get3A_248 = arith.index_cast %get3A_246 : i32 to index
        %get3A_249 = arith.constant 16 : index
        %get3A_250 = tpu.vector_load %arg8[%get3A_247, %get3A_248, %get3A_249] {strides = array<i32>} : memref<2x32x128xf32, #tpu.memory_space<vmem>>, vector<16xf32>,
        %add3A_251 = arith.addf %add3A_245, %get3A_250 : vector<16xf32>
        %get3A_252 = arith.constant 3 : i32
        %get3A_253 = arith.index_cast %rem3A_161 : i32 to index
        %get3A_254 = arith.index_cast %get3A_252 : i32 to index
        %get3A_255 = arith.constant 16 : index
        %get3A_256 = tpu.vector_load %arg8[%get3A_253, %get3A_254, %get3A_255] {strides = array<i32>} : memref<2x32x128xf32, #tpu.memory_space<vmem>>, vector<16xf32>,
        %add3A_257 = arith.addf %add3A_251, %get3A_256 : vector<16xf32>
        %get3A_258 = arith.constant 4 : i32
        %get3A_259 = arith.index_cast %rem3A_161 : i32 to index
        %get3A_260 = arith.index_cast %get3A_258 : i32 to index
        %get3A_261 = arith.constant 16 : index
        %get3A_262 = tpu.vector_load %arg8[%get3A_259, %get3A_260, %get3A_261] {strides = array<i32>} : memref<2x32x128xf32, #tpu.memory_space<vmem>>, vector<16xf32>,
        %add3A_263 = arith.addf %add3A_257, %get3A_262 : vector<16xf32>
        %get3A_264 = arith.constant 5 : i32
        %get3A_265 = arith.index_cast %rem3A_161 : i32 to index
        %get3A_266 = arith.index_cast %get3A_264 : i32 to index
        %get3A_267 = arith.constant 16 : index
        %get3A_268 = tpu.vector_load %arg8[%get3A_265, %get3A_266, %get3A_267] {strides = array<i32>} : memref<2x32x128xf32, #tpu.memory_space<vmem>>, vector<16xf32>,
        %add3A_269 = arith.addf %add3A_263, %get3A_268 : vector<16xf32>
        %get3A_270 = arith.constant 6 : i32
        %get3A_271 = arith.index_cast %rem3A_161 : i32 to index
        %get3A_272 = arith.index_cast %get3A_270 : i32 to index
        %get3A_273 = arith.constant 16 : index
        %get3A_274 = tpu.vector_load %arg8[%get3A_271, %get3A_272, %get3A_273] {strides = array<i32>} : memref<2x32x128xf32, #tpu.memory_space<vmem>>, vector<16xf32>,
        %add3A_275 = arith.addf %add3A_269, %get3A_274 : vector<16xf32>
        %get3A_276 = arith.constant 7 : i32
        %get3A_277 = arith.index_cast %rem3A_161 : i32 to index
        %get3A_278 = arith.index_cast %get3A_276 : i32 to index
        %get3A_279 = arith.constant 16 : index
        %get3A_280 = tpu.vector_load %arg8[%get3A_277, %get3A_278, %get3A_279] {strides = array<i32>} : memref<2x32x128xf32, #tpu.memory_space<vmem>>, vector<16xf32>,
        %add3A_281 = arith.addf %add3A_275, %get3A_280 : vector<16xf32>
        tpu.vector_store_idx %arg9[%add3A_4, %add3A_187], %add3A_281 : memref<128x200xf32, #tpu.memory_space<vmem>>[vector<16xi32>, vector<16xi32>], vector<16xf32>,
        %get3A_282 = arith.constant 0 : i32
        %get3A_283 = arith.index_cast %rem3A_161 : i32 to index
        %get3A_284 = arith.index_cast %get3A_282 : i32 to index
        %get3A_285 = arith.constant 32 : index
        %get3A_286 = tpu.vector_load %arg8[%get3A_283, %get3A_284, %get3A_285] {strides = array<i32>} : memref<2x32x128xf32, #tpu.memory_space<vmem>>, vector<16xf32>,
        %get3A_287 = arith.constant 1 : i32
        %get3A_288 = arith.index_cast %rem3A_161 : i32 to index
        %get3A_289 = arith.index_cast %get3A_287 : i32 to index
        %get3A_290 = arith.constant 32 : index
        %get3A_291 = tpu.vector_load %arg8[%get3A_288, %get3A_289, %get3A_290] {strides = array<i32>} : memref<2x32x128xf32, #tpu.memory_space<vmem>>, vector<16xf32>,
        %add3A_292 = arith.addf %get3A_286, %get3A_291 : vector<16xf32>
        %get3A_293 = arith.constant 2 : i32
        %get3A_294 = arith.index_cast %rem3A_161 : i32 to index
        %get3A_295 = arith.index_cast %get3A_293 : i32 to index
        %get3A_296 = arith.constant 32 : index
        %get3A_297 = tpu.vector_load %arg8[%get3A_294, %get3A_295, %get3A_296] {strides = array<i32>} : memref<2x32x128xf32, #tpu.memory_space<vmem>>, vector<16xf32>,
        %add3A_298 = arith.addf %add3A_292, %get3A_297 : vector<16xf32>
        %get3A_299 = arith.constant 3 : i32
        %get3A_300 = arith.index_cast %rem3A_161 : i32 to index
        %get3A_301 = arith.index_cast %get3A_299 : i32 to index
        %get3A_302 = arith.constant 32 : index
        %get3A_303 = tpu.vector_load %arg8[%get3A_300, %get3A_301, %get3A_302] {strides = array<i32>} : memref<2x32x128xf32, #tpu.memory_space<vmem>>, vector<16xf32>,
        %add3A_304 = arith.addf %add3A_298, %get3A_303 : vector<16xf32>
        %get3A_305 = arith.constant 4 : i32
        %get3A_306 = arith.index_cast %rem3A_161 : i32 to index
        %get3A_307 = arith.index_cast %get3A_305 : i32 to index
        %get3A_308 = arith.constant 32 : index
        %get3A_309 = tpu.vector_load %arg8[%get3A_306, %get3A_307, %get3A_308] {strides = array<i32>} : memref<2x32x128xf32, #tpu.memory_space<vmem>>, vector<16xf32>,
        %add3A_310 = arith.addf %add3A_304, %get3A_309 : vector<16xf32>
        %get3A_311 = arith.constant 5 : i32
        %get3A_312 = arith.index_cast %rem3A_161 : i32 to index
        %get3A_313 = arith.index_cast %get3A_311 : i32 to index
        %get3A_314 = arith.constant 32 : index
        %get3A_315 = tpu.vector_load %arg8[%get3A_312, %get3A_313, %get3A_314] {strides = array<i32>} : memref<2x32x128xf32, #tpu.memory_space<vmem>>, vector<16xf32>,
        %add3A_316 = arith.addf %add3A_310, %get3A_315 : vector<16xf32>
        %get3A_317 = arith.constant 6 : i32
        %get3A_318 = arith.index_cast %rem3A_161 : i32 to index
        %get3A_319 = arith.index_cast %get3A_317 : i32 to index
        %get3A_320 = arith.constant 32 : index
        %get3A_321 = tpu.vector_load %arg8[%get3A_318, %get3A_319, %get3A_320] {strides = array<i32>} : memref<2x32x128xf32, #tpu.memory_space<vmem>>, vector<16xf32>,
        %add3A_322 = arith.addf %add3A_316, %get3A_321 : vector<16xf32>
        %get3A_323 = arith.constant 7 : i32
        %get3A_324 = arith.index_cast %rem3A_161 : i32 to index
        %get3A_325 = arith.index_cast %get3A_323 : i32 to index
        %get3A_326 = arith.constant 32 : index
        %get3A_327 = tpu.vector_load %arg8[%get3A_324, %get3A_325, %get3A_326] {strides = array<i32>} : memref<2x32x128xf32, #tpu.memory_space<vmem>>, vector<16xf32>,
        %add3A_328 = arith.addf %add3A_322, %get3A_327 : vector<16xf32>
        tpu.vector_store_idx %arg9[%add3A_7, %add3A_187], %add3A_328 : memref<128x200xf32, #tpu.memory_space<vmem>>[vector<16xi32>, vector<16xi32>], vector<16xf32>,
        %get3A_329 = arith.constant 0 : i32
        %get3A_330 = arith.index_cast %rem3A_161 : i32 to index
        %get3A_331 = arith.index_cast %get3A_329 : i32 to index
        %get3A_332 = arith.constant 48 : index
        %get3A_333 = tpu.vector_load %arg8[%get3A_330, %get3A_331, %get3A_332] {strides = array<i32>} : memref<2x32x128xf32, #tpu.memory_space<vmem>>, vector<16xf32>,
        %get3A_334 = arith.constant 1 : i32
        %get3A_335 = arith.index_cast %rem3A_161 : i32 to index
        %get3A_336 = arith.index_cast %get3A_334 : i32 to index
        %get3A_337 = arith.constant 48 : index
        %get3A_338 = tpu.vector_load %arg8[%get3A_335, %get3A_336, %get3A_337] {strides = array<i32>} : memref<2x32x128xf32, #tpu.memory_space<vmem>>, vector<16xf32>,
        %add3A_339 = arith.addf %get3A_333, %get3A_338 : vector<16xf32>
        %get3A_340 = arith.constant 2 : i32
        %get3A_341 = arith.index_cast %rem3A_161 : i32 to index
        %get3A_342 = arith.index_cast %get3A_340 : i32 to index
        %get3A_343 = arith.constant 48 : index
        %get3A_344 = tpu.vector_load %arg8[%get3A_341, %get3A_342, %get3A_343] {strides = array<i32>} : memref<2x32x128xf32, #tpu.memory_space<vmem>>, vector<16xf32>,
        %add3A_345 = arith.addf %add3A_339, %get3A_344 : vector<16xf32>
        %get3A_346 = arith.constant 3 : i32
        %get3A_347 = arith.index_cast %rem3A_161 : i32 to index
        %get3A_348 = arith.index_cast %get3A_346 : i32 to index
        %get3A_349 = arith.constant 48 : index
        %get3A_350 = tpu.vector_load %arg8[%get3A_347, %get3A_348, %get3A_349] {strides = array<i32>} : memref<2x32x128xf32, #tpu.memory_space<vmem>>, vector<16xf32>,
        %add3A_351 = arith.addf %add3A_345, %get3A_350 : vector<16xf32>
        %get3A_352 = arith.constant 4 : i32
        %get3A_353 = arith.index_cast %rem3A_161 : i32 to index
        %get3A_354 = arith.index_cast %get3A_352 : i32 to index
        %get3A_355 = arith.constant 48 : index
        %get3A_356 = tpu.vector_load %arg8[%get3A_353, %get3A_354, %get3A_355] {strides = array<i32>} : memref<2x32x128xf32, #tpu.memory_space<vmem>>, vector<16xf32>,
        %add3A_357 = arith.addf %add3A_351, %get3A_356 : vector<16xf32>
        %get3A_358 = arith.constant 5 : i32
        %get3A_359 = arith.index_cast %rem3A_161 : i32 to index
        %get3A_360 = arith.index_cast %get3A_358 : i32 to index
        %get3A_361 = arith.constant 48 : index
        %get3A_362 = tpu.vector_load %arg8[%get3A_359, %get3A_360, %get3A_361] {strides = array<i32>} : memref<2x32x128xf32, #tpu.memory_space<vmem>>, vector<16xf32>,
        %add3A_363 = arith.addf %add3A_357, %get3A_362 : vector<16xf32>
        %get3A_364 = arith.constant 6 : i32
        %get3A_365 = arith.index_cast %rem3A_161 : i32 to index
        %get3A_366 = arith.index_cast %get3A_364 : i32 to index
        %get3A_367 = arith.constant 48 : index
        %get3A_368 = tpu.vector_load %arg8[%get3A_365, %get3A_366, %get3A_367] {strides = array<i32>} : memref<2x32x128xf32, #tpu.memory_space<vmem>>, vector<16xf32>,
        %add3A_369 = arith.addf %add3A_363, %get3A_368 : vector<16xf32>
        %get3A_370 = arith.constant 7 : i32
        %get3A_371 = arith.index_cast %rem3A_161 : i32 to index
        %get3A_372 = arith.index_cast %get3A_370 : i32 to index
        %get3A_373 = arith.constant 48 : index
        %get3A_374 = tpu.vector_load %arg8[%get3A_371, %get3A_372, %get3A_373] {strides = array<i32>} : memref<2x32x128xf32, #tpu.memory_space<vmem>>, vector<16xf32>,
        %add3A_375 = arith.addf %add3A_369, %get3A_374 : vector<16xf32>
        tpu.vector_store_idx %arg9[%add3A_10, %add3A_187], %add3A_375 : memref<128x200xf32, #tpu.memory_space<vmem>>[vector<16xi32>, vector<16xi32>], vector<16xf32>,
        %get3A_376 = arith.constant 0 : i32
        %get3A_377 = arith.index_cast %rem3A_161 : i32 to index
        %get3A_378 = arith.index_cast %get3A_376 : i32 to index
        %get3A_379 = arith.constant 64 : index
        %get3A_380 = tpu.vector_load %arg8[%get3A_377, %get3A_378, %get3A_379] {strides = array<i32>} : memref<2x32x128xf32, #tpu.memory_space<vmem>>, vector<16xf32>,
        %get3A_381 = arith.constant 1 : i32
        %get3A_382 = arith.index_cast %rem3A_161 : i32 to index
        %get3A_383 = arith.index_cast %get3A_381 : i32 to index
        %get3A_384 = arith.constant 64 : index
        %get3A_385 = tpu.vector_load %arg8[%get3A_382, %get3A_383, %get3A_384] {strides = array<i32>} : memref<2x32x128xf32, #tpu.memory_space<vmem>>, vector<16xf32>,
        %add3A_386 = arith.addf %get3A_380, %get3A_385 : vector<16xf32>
        %get3A_387 = arith.constant 2 : i32
        %get3A_388 = arith.index_cast %rem3A_161 : i32 to index
        %get3A_389 = arith.index_cast %get3A_387 : i32 to index
        %get3A_390 = arith.constant 64 : index
        %get3A_391 = tpu.vector_load %arg8[%get3A_388, %get3A_389, %get3A_390] {strides = array<i32>} : memref<2x32x128xf32, #tpu.memory_space<vmem>>, vector<16xf32>,
        %add3A_392 = arith.addf %add3A_386, %get3A_391 : vector<16xf32>
        %get3A_393 = arith.constant 3 : i32
        %get3A_394 = arith.index_cast %rem3A_161 : i32 to index
        %get3A_395 = arith.index_cast %get3A_393 : i32 to index
        %get3A_396 = arith.constant 64 : index
        %get3A_397 = tpu.vector_load %arg8[%get3A_394, %get3A_395, %get3A_396] {strides = array<i32>} : memref<2x32x128xf32, #tpu.memory_space<vmem>>, vector<16xf32>,
        %add3A_398 = arith.addf %add3A_392, %get3A_397 : vector<16xf32>
        %get3A_399 = arith.constant 4 : i32
        %get3A_400 = arith.index_cast %rem3A_161 : i32 to index
        %get3A_401 = arith.index_cast %get3A_399 : i32 to index
        %get3A_402 = arith.constant 64 : index
        %get3A_403 = tpu.vector_load %arg8[%get3A_400, %get3A_401, %get3A_402] {strides = array<i32>} : memref<2x32x128xf32, #tpu.memory_space<vmem>>, vector<16xf32>,
        %add3A_404 = arith.addf %add3A_398, %get3A_403 : vector<16xf32>
        %get3A_405 = arith.constant 5 : i32
        %get3A_406 = arith.index_cast %rem3A_161 : i32 to index
        %get3A_407 = arith.index_cast %get3A_405 : i32 to index
        %get3A_408 = arith.constant 64 : index
        %get3A_409 = tpu.vector_load %arg8[%get3A_406, %get3A_407, %get3A_408] {strides = array<i32>} : memref<2x32x128xf32, #tpu.memory_space<vmem>>, vector<16xf32>,
        %add3A_410 = arith.addf %add3A_404, %get3A_409 : vector<16xf32>
        %get3A_411 = arith.constant 6 : i32
        %get3A_412 = arith.index_cast %rem3A_161 : i32 to index
        %get3A_413 = arith.index_cast %get3A_411 : i32 to index
        %get3A_414 = arith.constant 64 : index
        %get3A_415 = tpu.vector_load %arg8[%get3A_412, %get3A_413, %get3A_414] {strides = array<i32>} : memref<2x32x128xf32, #tpu.memory_space<vmem>>, vector<16xf32>,
        %add3A_416 = arith.addf %add3A_410, %get3A_415 : vector<16xf32>
        %get3A_417 = arith.constant 7 : i32
        %get3A_418 = arith.index_cast %rem3A_161 : i32 to index
        %get3A_419 = arith.index_cast %get3A_417 : i32 to index
        %get3A_420 = arith.constant 64 : index
        %get3A_421 = tpu.vector_load %arg8[%get3A_418, %get3A_419, %get3A_420] {strides = array<i32>} : memref<2x32x128xf32, #tpu.memory_space<vmem>>, vector<16xf32>,
        %add3A_422 = arith.addf %add3A_416, %get3A_421 : vector<16xf32>
        tpu.vector_store_idx %arg9[%add3A_13, %add3A_187], %add3A_422 : memref<128x200xf32, #tpu.memory_space<vmem>>[vector<16xi32>, vector<16xi32>], vector<16xf32>,
        %get3A_423 = arith.constant 0 : i32
        %get3A_424 = arith.index_cast %rem3A_161 : i32 to index
        %get3A_425 = arith.index_cast %get3A_423 : i32 to index
        %get3A_426 = arith.constant 80 : index
        %get3A_427 = tpu.vector_load %arg8[%get3A_424, %get3A_425, %get3A_426] {strides = array<i32>} : memref<2x32x128xf32, #tpu.memory_space<vmem>>, vector<16xf32>,
        %get3A_428 = arith.constant 1 : i32
        %get3A_429 = arith.index_cast %rem3A_161 : i32 to index
        %get3A_430 = arith.index_cast %get3A_428 : i32 to index
        %get3A_431 = arith.constant 80 : index
        %get3A_432 = tpu.vector_load %arg8[%get3A_429, %get3A_430, %get3A_431] {strides = array<i32>} : memref<2x32x128xf32, #tpu.memory_space<vmem>>, vector<16xf32>,
        %add3A_433 = arith.addf %get3A_427, %get3A_432 : vector<16xf32>
        %get3A_434 = arith.constant 2 : i32
        %get3A_435 = arith.index_cast %rem3A_161 : i32 to index
        %get3A_436 = arith.index_cast %get3A_434 : i32 to index
        %get3A_437 = arith.constant 80 : index
        %get3A_438 = tpu.vector_load %arg8[%get3A_435, %get3A_436, %get3A_437] {strides = array<i32>} : memref<2x32x128xf32, #tpu.memory_space<vmem>>, vector<16xf32>,
        %add3A_439 = arith.addf %add3A_433, %get3A_438 : vector<16xf32>
        %get3A_440 = arith.constant 3 : i32
        %get3A_441 = arith.index_cast %rem3A_161 : i32 to index
        %get3A_442 = arith.index_cast %get3A_440 : i32 to index
        %get3A_443 = arith.constant 80 : index
        %get3A_444 = tpu.vector_load %arg8[%get3A_441, %get3A_442, %get3A_443] {strides = array<i32>} : memref<2x32x128xf32, #tpu.memory_space<vmem>>, vector<16xf32>,
        %add3A_445 = arith.addf %add3A_439, %get3A_444 : vector<16xf32>
        %get3A_446 = arith.constant 4 : i32
        %get3A_447 = arith.index_cast %rem3A_161 : i32 to index
        %get3A_448 = arith.index_cast %get3A_446 : i32 to index
        %get3A_449 = arith.constant 80 : index
        %get3A_450 = tpu.vector_load %arg8[%get3A_447, %get3A_448, %get3A_449] {strides = array<i32>} : memref<2x32x128xf32, #tpu.memory_space<vmem>>, vector<16xf32>,
        %add3A_451 = arith.addf %add3A_445, %get3A_450 : vector<16xf32>
        %get3A_452 = arith.constant 5 : i32
        %get3A_453 = arith.index_cast %rem3A_161 : i32 to index
        %get3A_454 = arith.index_cast %get3A_452 : i32 to index
        %get3A_455 = arith.constant 80 : index
        %get3A_456 = tpu.vector_load %arg8[%get3A_453, %get3A_454, %get3A_455] {strides = array<i32>} : memref<2x32x128xf32, #tpu.memory_space<vmem>>, vector<16xf32>,
        %add3A_457 = arith.addf %add3A_451, %get3A_456 : vector<16xf32>
        %get3A_458 = arith.constant 6 : i32
        %get3A_459 = arith.index_cast %rem3A_161 : i32 to index
        %get3A_460 = arith.index_cast %get3A_458 : i32 to index
        %get3A_461 = arith.constant 80 : index
        %get3A_462 = tpu.vector_load %arg8[%get3A_459, %get3A_460, %get3A_461] {strides = array<i32>} : memref<2x32x128xf32, #tpu.memory_space<vmem>>, vector<16xf32>,
        %add3A_463 = arith.addf %add3A_457, %get3A_462 : vector<16xf32>
        %get3A_464 = arith.constant 7 : i32
        %get3A_465 = arith.index_cast %rem3A_161 : i32 to index
        %get3A_466 = arith.index_cast %get3A_464 : i32 to index
        %get3A_467 = arith.constant 80 : index
        %get3A_468 = tpu.vector_load %arg8[%get3A_465, %get3A_466, %get3A_467] {strides = array<i32>} : memref<2x32x128xf32, #tpu.memory_space<vmem>>, vector<16xf32>,
        %add3A_469 = arith.addf %add3A_463, %get3A_468 : vector<16xf32>
        tpu.vector_store_idx %arg9[%add3A_16, %add3A_187], %add3A_469 : memref<128x200xf32, #tpu.memory_space<vmem>>[vector<16xi32>, vector<16xi32>], vector<16xf32>,
        %get3A_470 = arith.constant 0 : i32
        %get3A_471 = arith.index_cast %rem3A_161 : i32 to index
        %get3A_472 = arith.index_cast %get3A_470 : i32 to index
        %get3A_473 = arith.constant 96 : index
        %get3A_474 = tpu.vector_load %arg8[%get3A_471, %get3A_472, %get3A_473] {strides = array<i32>} : memref<2x32x128xf32, #tpu.memory_space<vmem>>, vector<16xf32>,
        %get3A_475 = arith.constant 1 : i32
        %get3A_476 = arith.index_cast %rem3A_161 : i32 to index
        %get3A_477 = arith.index_cast %get3A_475 : i32 to index
        %get3A_478 = arith.constant 96 : index
        %get3A_479 = tpu.vector_load %arg8[%get3A_476, %get3A_477, %get3A_478] {strides = array<i32>} : memref<2x32x128xf32, #tpu.memory_space<vmem>>, vector<16xf32>,
        %add3A_480 = arith.addf %get3A_474, %get3A_479 : vector<16xf32>
        %get3A_481 = arith.constant 2 : i32
        %get3A_482 = arith.index_cast %rem3A_161 : i32 to index
        %get3A_483 = arith.index_cast %get3A_481 : i32 to index
        %get3A_484 = arith.constant 96 : index
        %get3A_485 = tpu.vector_load %arg8[%get3A_482, %get3A_483, %get3A_484] {strides = array<i32>} : memref<2x32x128xf32, #tpu.memory_space<vmem>>, vector<16xf32>,
        %add3A_486 = arith.addf %add3A_480, %get3A_485 : vector<16xf32>
        %get3A_487 = arith.constant 3 : i32
        %get3A_488 = arith.index_cast %rem3A_161 : i32 to index
        %get3A_489 = arith.index_cast %get3A_487 : i32 to index
        %get3A_490 = arith.constant 96 : index
        %get3A_491 = tpu.vector_load %arg8[%get3A_488, %get3A_489, %get3A_490] {strides = array<i32>} : memref<2x32x128xf32, #tpu.memory_space<vmem>>, vector<16xf32>,
        %add3A_492 = arith.addf %add3A_486, %get3A_491 : vector<16xf32>
        %get3A_493 = arith.constant 4 : i32
        %get3A_494 = arith.index_cast %rem3A_161 : i32 to index
        %get3A_495 = arith.index_cast %get3A_493 : i32 to index
        %get3A_496 = arith.constant 96 : index
        %get3A_497 = tpu.vector_load %arg8[%get3A_494, %get3A_495, %get3A_496] {strides = array<i32>} : memref<2x32x128xf32, #tpu.memory_space<vmem>>, vector<16xf32>,
        %add3A_498 = arith.addf %add3A_492, %get3A_497 : vector<16xf32>
        %get3A_499 = arith.constant 5 : i32
        %get3A_500 = arith.index_cast %rem3A_161 : i32 to index
        %get3A_501 = arith.index_cast %get3A_499 : i32 to index
        %get3A_502 = arith.constant 96 : index
        %get3A_503 = tpu.vector_load %arg8[%get3A_500, %get3A_501, %get3A_502] {strides = array<i32>} : memref<2x32x128xf32, #tpu.memory_space<vmem>>, vector<16xf32>,
        %add3A_504 = arith.addf %add3A_498, %get3A_503 : vector<16xf32>
        %get3A_505 = arith.constant 6 : i32
        %get3A_506 = arith.index_cast %rem3A_161 : i32 to index
        %get3A_507 = arith.index_cast %get3A_505 : i32 to index
        %get3A_508 = arith.constant 96 : index
        %get3A_509 = tpu.vector_load %arg8[%get3A_506, %get3A_507, %get3A_508] {strides = array<i32>} : memref<2x32x128xf32, #tpu.memory_space<vmem>>, vector<16xf32>,
        %add3A_510 = arith.addf %add3A_504, %get3A_509 : vector<16xf32>
        %get3A_511 = arith.constant 7 : i32
        %get3A_512 = arith.index_cast %rem3A_161 : i32 to index
        %get3A_513 = arith.index_cast %get3A_511 : i32 to index
        %get3A_514 = arith.constant 96 : index
        %get3A_515 = tpu.vector_load %arg8[%get3A_512, %get3A_513, %get3A_514] {strides = array<i32>} : memref<2x32x128xf32, #tpu.memory_space<vmem>>, vector<16xf32>,
        %add3A_516 = arith.addf %add3A_510, %get3A_515 : vector<16xf32>
        tpu.vector_store_idx %arg9[%add3A_19, %add3A_187], %add3A_516 : memref<128x200xf32, #tpu.memory_space<vmem>>[vector<16xi32>, vector<16xi32>], vector<16xf32>,
        %get3A_517 = arith.constant 0 : i32
        %get3A_518 = arith.index_cast %rem3A_161 : i32 to index
        %get3A_519 = arith.index_cast %get3A_517 : i32 to index
        %get3A_520 = arith.constant 112 : index
        %get3A_521 = tpu.vector_load %arg8[%get3A_518, %get3A_519, %get3A_520] {strides = array<i32>} : memref<2x32x128xf32, #tpu.memory_space<vmem>>, vector<16xf32>,
        %get3A_522 = arith.constant 1 : i32
        %get3A_523 = arith.index_cast %rem3A_161 : i32 to index
        %get3A_524 = arith.index_cast %get3A_522 : i32 to index
        %get3A_525 = arith.constant 112 : index
        %get3A_526 = tpu.vector_load %arg8[%get3A_523, %get3A_524, %get3A_525] {strides = array<i32>} : memref<2x32x128xf32, #tpu.memory_space<vmem>>, vector<16xf32>,
        %add3A_527 = arith.addf %get3A_521, %get3A_526 : vector<16xf32>
        %get3A_528 = arith.constant 2 : i32
        %get3A_529 = arith.index_cast %rem3A_161 : i32 to index
        %get3A_530 = arith.index_cast %get3A_528 : i32 to index
        %get3A_531 = arith.constant 112 : index
        %get3A_532 = tpu.vector_load %arg8[%get3A_529, %get3A_530, %get3A_531] {strides = array<i32>} : memref<2x32x128xf32, #tpu.memory_space<vmem>>, vector<16xf32>,
        %add3A_533 = arith.addf %add3A_527, %get3A_532 : vector<16xf32>
        %get3A_534 = arith.constant 3 : i32
        %get3A_535 = arith.index_cast %rem3A_161 : i32 to index
        %get3A_536 = arith.index_cast %get3A_534 : i32 to index
        %get3A_537 = arith.constant 112 : index
        %get3A_538 = tpu.vector_load %arg8[%get3A_535, %get3A_536, %get3A_537] {strides = array<i32>} : memref<2x32x128xf32, #tpu.memory_space<vmem>>, vector<16xf32>,
        %add3A_539 = arith.addf %add3A_533, %get3A_538 : vector<16xf32>
        %get3A_540 = arith.constant 4 : i32
        %get3A_541 = arith.index_cast %rem3A_161 : i32 to index
        %get3A_542 = arith.index_cast %get3A_540 : i32 to index
        %get3A_543 = arith.constant 112 : index
        %get3A_544 = tpu.vector_load %arg8[%get3A_541, %get3A_542, %get3A_543] {strides = array<i32>} : memref<2x32x128xf32, #tpu.memory_space<vmem>>, vector<16xf32>,
        %add3A_545 = arith.addf %add3A_539, %get3A_544 : vector<16xf32>
        %get3A_546 = arith.constant 5 : i32
        %get3A_547 = arith.index_cast %rem3A_161 : i32 to index
        %get3A_548 = arith.index_cast %get3A_546 : i32 to index
        %get3A_549 = arith.constant 112 : index
        %get3A_550 = tpu.vector_load %arg8[%get3A_547, %get3A_548, %get3A_549] {strides = array<i32>} : memref<2x32x128xf32, #tpu.memory_space<vmem>>, vector<16xf32>,
        %add3A_551 = arith.addf %add3A_545, %get3A_550 : vector<16xf32>
        %get3A_552 = arith.constant 6 : i32
        %get3A_553 = arith.index_cast %rem3A_161 : i32 to index
        %get3A_554 = arith.index_cast %get3A_552 : i32 to index
        %get3A_555 = arith.constant 112 : index
        %get3A_556 = tpu.vector_load %arg8[%get3A_553, %get3A_554, %get3A_555] {strides = array<i32>} : memref<2x32x128xf32, #tpu.memory_space<vmem>>, vector<16xf32>,
        %add3A_557 = arith.addf %add3A_551, %get3A_556 : vector<16xf32>
        %get3A_558 = arith.constant 7 : i32
        %get3A_559 = arith.index_cast %rem3A_161 : i32 to index
        %get3A_560 = arith.index_cast %get3A_558 : i32 to index
        %get3A_561 = arith.constant 112 : index
        %get3A_562 = tpu.vector_load %arg8[%get3A_559, %get3A_560, %get3A_561] {strides = array<i32>} : memref<2x32x128xf32, #tpu.memory_space<vmem>>, vector<16xf32>,
        %add3A_563 = arith.addf %add3A_557, %get3A_562 : vector<16xf32>
        tpu.vector_store_idx %arg9[%add3A_22, %add3A_187], %add3A_563 : memref<128x200xf32, #tpu.memory_space<vmem>>[vector<16xi32>, vector<16xi32>], vector<16xf32>,
        %add3A_564 = arith.constant 1 : i32
        %add3A_565 = vector.broadcast %add3A_564 : i32 to vector<16xi32>
        %add3A_566 = arith.addi %broadcast_in_dim3A_184, %add3A_565 : vector<16xi32>
        %get3A_567 = arith.constant 8 : i32
        %get3A_568 = arith.index_cast %rem3A_161 : i32 to index
        %get3A_569 = arith.index_cast %get3A_567 : i32 to index
        %get3A_570 = arith.constant 0 : index
        %get3A_571 = tpu.vector_load %arg8[%get3A_568, %get3A_569, %get3A_570] {strides = array<i32>} : memref<2x32x128xf32, #tpu.memory_space<vmem>>, vector<16xf32>,
        %get3A_572 = arith.constant 9 : i32
        %get3A_573 = arith.index_cast %rem3A_161 : i32 to index
        %get3A_574 = arith.index_cast %get3A_572 : i32 to index
        %get3A_575 = arith.constant 0 : index
        %get3A_576 = tpu.vector_load %arg8[%get3A_573, %get3A_574, %get3A_575] {strides = array<i32>} : memref<2x32x128xf32, #tpu.memory_space<vmem>>, vector<16xf32>,
        %add3A_577 = arith.addf %get3A_571, %get3A_576 : vector<16xf32>
        %get3A_578 = arith.constant 10 : i32
        %get3A_579 = arith.index_cast %rem3A_161 : i32 to index
        %get3A_580 = arith.index_cast %get3A_578 : i32 to index
        %get3A_581 = arith.constant 0 : index
        %get3A_582 = tpu.vector_load %arg8[%get3A_579, %get3A_580, %get3A_581] {strides = array<i32>} : memref<2x32x128xf32, #tpu.memory_space<vmem>>, vector<16xf32>,
        %add3A_583 = arith.addf %add3A_577, %get3A_582 : vector<16xf32>
        %get3A_584 = arith.constant 11 : i32
        %get3A_585 = arith.index_cast %rem3A_161 : i32 to index
        %get3A_586 = arith.index_cast %get3A_584 : i32 to index
        %get3A_587 = arith.constant 0 : index
        %get3A_588 = tpu.vector_load %arg8[%get3A_585, %get3A_586, %get3A_587] {strides = array<i32>} : memref<2x32x128xf32, #tpu.memory_space<vmem>>, vector<16xf32>,
        %add3A_589 = arith.addf %add3A_583, %get3A_588 : vector<16xf32>
        %get3A_590 = arith.constant 12 : i32
        %get3A_591 = arith.index_cast %rem3A_161 : i32 to index
        %get3A_592 = arith.index_cast %get3A_590 : i32 to index
        %get3A_593 = arith.constant 0 : index
        %get3A_594 = tpu.vector_load %arg8[%get3A_591, %get3A_592, %get3A_593] {strides = array<i32>} : memref<2x32x128xf32, #tpu.memory_space<vmem>>, vector<16xf32>,
        %add3A_595 = arith.addf %add3A_589, %get3A_594 : vector<16xf32>
        %get3A_596 = arith.constant 13 : i32
        %get3A_597 = arith.index_cast %rem3A_161 : i32 to index
        %get3A_598 = arith.index_cast %get3A_596 : i32 to index
        %get3A_599 = arith.constant 0 : index
        %get3A_600 = tpu.vector_load %arg8[%get3A_597, %get3A_598, %get3A_599] {strides = array<i32>} : memref<2x32x128xf32, #tpu.memory_space<vmem>>, vector<16xf32>,
        %add3A_601 = arith.addf %add3A_595, %get3A_600 : vector<16xf32>
        %get3A_602 = arith.constant 14 : i32
        %get3A_603 = arith.index_cast %rem3A_161 : i32 to index
        %get3A_604 = arith.index_cast %get3A_602 : i32 to index
        %get3A_605 = arith.constant 0 : index
        %get3A_606 = tpu.vector_load %arg8[%get3A_603, %get3A_604, %get3A_605] {strides = array<i32>} : memref<2x32x128xf32, #tpu.memory_space<vmem>>, vector<16xf32>,
        %add3A_607 = arith.addf %add3A_601, %get3A_606 : vector<16xf32>
        %get3A_608 = arith.constant 15 : i32
        %get3A_609 = arith.index_cast %rem3A_161 : i32 to index
        %get3A_610 = arith.index_cast %get3A_608 : i32 to index
        %get3A_611 = arith.constant 0 : index
        %get3A_612 = tpu.vector_load %arg8[%get3A_609, %get3A_610, %get3A_611] {strides = array<i32>} : memref<2x32x128xf32, #tpu.memory_space<vmem>>, vector<16xf32>,
        %add3A_613 = arith.addf %add3A_607, %get3A_612 : vector<16xf32>
        tpu.vector_store_idx %arg9[%add3A_1, %add3A_566], %add3A_613 : memref<128x200xf32, #tpu.memory_space<vmem>>[vector<16xi32>, vector<16xi32>], vector<16xf32>,
        %get3A_614 = arith.constant 8 : i32
        %get3A_615 = arith.index_cast %rem3A_161 : i32 to index
        %get3A_616 = arith.index_cast %get3A_614 : i32 to index
        %get3A_617 = arith.constant 16 : index
        %get3A_618 = tpu.vector_load %arg8[%get3A_615, %get3A_616, %get3A_617] {strides = array<i32>} : memref<2x32x128xf32, #tpu.memory_space<vmem>>, vector<16xf32>,
        %get3A_619 = arith.constant 9 : i32
        %get3A_620 = arith.index_cast %rem3A_161 : i32 to index
        %get3A_621 = arith.index_cast %get3A_619 : i32 to index
        %get3A_622 = arith.constant 16 : index
        %get3A_623 = tpu.vector_load %arg8[%get3A_620, %get3A_621, %get3A_622] {strides = array<i32>} : memref<2x32x128xf32, #tpu.memory_space<vmem>>, vector<16xf32>,
        %add3A_624 = arith.addf %get3A_618, %get3A_623 : vector<16xf32>
        %get3A_625 = arith.constant 10 : i32
        %get3A_626 = arith.index_cast %rem3A_161 : i32 to index
        %get3A_627 = arith.index_cast %get3A_625 : i32 to index
        %get3A_628 = arith.constant 16 : index
        %get3A_629 = tpu.vector_load %arg8[%get3A_626, %get3A_627, %get3A_628] {strides = array<i32>} : memref<2x32x128xf32, #tpu.memory_space<vmem>>, vector<16xf32>,
        %add3A_630 = arith.addf %add3A_624, %get3A_629 : vector<16xf32>
        %get3A_631 = arith.constant 11 : i32
        %get3A_632 = arith.index_cast %rem3A_161 : i32 to index
        %get3A_633 = arith.index_cast %get3A_631 : i32 to index
        %get3A_634 = arith.constant 16 : index
        %get3A_635 = tpu.vector_load %arg8[%get3A_632, %get3A_633, %get3A_634] {strides = array<i32>} : memref<2x32x128xf32, #tpu.memory_space<vmem>>, vector<16xf32>,
        %add3A_636 = arith.addf %add3A_630, %get3A_635 : vector<16xf32>
        %get3A_637 = arith.constant 12 : i32
        %get3A_638 = arith.index_cast %rem3A_161 : i32 to index
        %get3A_639 = arith.index_cast %get3A_637 : i32 to index
        %get3A_640 = arith.constant 16 : index
        %get3A_641 = tpu.vector_load %arg8[%get3A_638, %get3A_639, %get3A_640] {strides = array<i32>} : memref<2x32x128xf32, #tpu.memory_space<vmem>>, vector<16xf32>,
        %add3A_642 = arith.addf %add3A_636, %get3A_641 : vector<16xf32>
        %get3A_643 = arith.constant 13 : i32
        %get3A_644 = arith.index_cast %rem3A_161 : i32 to index
        %get3A_645 = arith.index_cast %get3A_643 : i32 to index
        %get3A_646 = arith.constant 16 : index
        %get3A_647 = tpu.vector_load %arg8[%get3A_644, %get3A_645, %get3A_646] {strides = array<i32>} : memref<2x32x128xf32, #tpu.memory_space<vmem>>, vector<16xf32>,
        %add3A_648 = arith.addf %add3A_642, %get3A_647 : vector<16xf32>
        %get3A_649 = arith.constant 14 : i32
        %get3A_650 = arith.index_cast %rem3A_161 : i32 to index
        %get3A_651 = arith.index_cast %get3A_649 : i32 to index
        %get3A_652 = arith.constant 16 : index
        %get3A_653 = tpu.vector_load %arg8[%get3A_650, %get3A_651, %get3A_652] {strides = array<i32>} : memref<2x32x128xf32, #tpu.memory_space<vmem>>, vector<16xf32>,
        %add3A_654 = arith.addf %add3A_648, %get3A_653 : vector<16xf32>
        %get3A_655 = arith.constant 15 : i32
        %get3A_656 = arith.index_cast %rem3A_161 : i32 to index
        %get3A_657 = arith.index_cast %get3A_655 : i32 to index
        %get3A_658 = arith.constant 16 : index
        %get3A_659 = tpu.vector_load %arg8[%get3A_656, %get3A_657, %get3A_658] {strides = array<i32>} : memref<2x32x128xf32, #tpu.memory_space<vmem>>, vector<16xf32>,
        %add3A_660 = arith.addf %add3A_654, %get3A_659 : vector<16xf32>
        tpu.vector_store_idx %arg9[%add3A_4, %add3A_566], %add3A_660 : memref<128x200xf32, #tpu.memory_space<vmem>>[vector<16xi32>, vector<16xi32>], vector<16xf32>,
        %get3A_661 = arith.constant 8 : i32
        %get3A_662 = arith.index_cast %rem3A_161 : i32 to index
        %get3A_663 = arith.index_cast %get3A_661 : i32 to index
        %get3A_664 = arith.constant 32 : index
        %get3A_665 = tpu.vector_load %arg8[%get3A_662, %get3A_663, %get3A_664] {strides = array<i32>} : memref<2x32x128xf32, #tpu.memory_space<vmem>>, vector<16xf32>,
        %get3A_666 = arith.constant 9 : i32
        %get3A_667 = arith.index_cast %rem3A_161 : i32 to index
        %get3A_668 = arith.index_cast %get3A_666 : i32 to index
        %get3A_669 = arith.constant 32 : index
        %get3A_670 = tpu.vector_load %arg8[%get3A_667, %get3A_668, %get3A_669] {strides = array<i32>} : memref<2x32x128xf32, #tpu.memory_space<vmem>>, vector<16xf32>,
        %add3A_671 = arith.addf %get3A_665, %get3A_670 : vector<16xf32>
        %get3A_672 = arith.constant 10 : i32
        %get3A_673 = arith.index_cast %rem3A_161 : i32 to index
        %get3A_674 = arith.index_cast %get3A_672 : i32 to index
        %get3A_675 = arith.constant 32 : index
        %get3A_676 = tpu.vector_load %arg8[%get3A_673, %get3A_674, %get3A_675] {strides = array<i32>} : memref<2x32x128xf32, #tpu.memory_space<vmem>>, vector<16xf32>,
        %add3A_677 = arith.addf %add3A_671, %get3A_676 : vector<16xf32>
        %get3A_678 = arith.constant 11 : i32
        %get3A_679 = arith.index_cast %rem3A_161 : i32 to index
        %get3A_680 = arith.index_cast %get3A_678 : i32 to index
        %get3A_681 = arith.constant 32 : index
        %get3A_682 = tpu.vector_load %arg8[%get3A_679, %get3A_680, %get3A_681] {strides = array<i32>} : memref<2x32x128xf32, #tpu.memory_space<vmem>>, vector<16xf32>,
        %add3A_683 = arith.addf %add3A_677, %get3A_682 : vector<16xf32>
        %get3A_684 = arith.constant 12 : i32
        %get3A_685 = arith.index_cast %rem3A_161 : i32 to index
        %get3A_686 = arith.index_cast %get3A_684 : i32 to index
        %get3A_687 = arith.constant 32 : index
        %get3A_688 = tpu.vector_load %arg8[%get3A_685, %get3A_686, %get3A_687] {strides = array<i32>} : memref<2x32x128xf32, #tpu.memory_space<vmem>>, vector<16xf32>,
        %add3A_689 = arith.addf %add3A_683, %get3A_688 : vector<16xf32>
        %get3A_690 = arith.constant 13 : i32
        %get3A_691 = arith.index_cast %rem3A_161 : i32 to index
        %get3A_692 = arith.index_cast %get3A_690 : i32 to index
        %get3A_693 = arith.constant 32 : index
        %get3A_694 = tpu.vector_load %arg8[%get3A_691, %get3A_692, %get3A_693] {strides = array<i32>} : memref<2x32x128xf32, #tpu.memory_space<vmem>>, vector<16xf32>,
        %add3A_695 = arith.addf %add3A_689, %get3A_694 : vector<16xf32>
        %get3A_696 = arith.constant 14 : i32
        %get3A_697 = arith.index_cast %rem3A_161 : i32 to index
        %get3A_698 = arith.index_cast %get3A_696 : i32 to index
        %get3A_699 = arith.constant 32 : index
        %get3A_700 = tpu.vector_load %arg8[%get3A_697, %get3A_698, %get3A_699] {strides = array<i32>} : memref<2x32x128xf32, #tpu.memory_space<vmem>>, vector<16xf32>,
        %add3A_701 = arith.addf %add3A_695, %get3A_700 : vector<16xf32>
        %get3A_702 = arith.constant 15 : i32
        %get3A_703 = arith.index_cast %rem3A_161 : i32 to index
        %get3A_704 = arith.index_cast %get3A_702 : i32 to index
        %get3A_705 = arith.constant 32 : index
        %get3A_706 = tpu.vector_load %arg8[%get3A_703, %get3A_704, %get3A_705] {strides = array<i32>} : memref<2x32x128xf32, #tpu.memory_space<vmem>>, vector<16xf32>,
        %add3A_707 = arith.addf %add3A_701, %get3A_706 : vector<16xf32>
        tpu.vector_store_idx %arg9[%add3A_7, %add3A_566], %add3A_707 : memref<128x200xf32, #tpu.memory_space<vmem>>[vector<16xi32>, vector<16xi32>], vector<16xf32>,
        %get3A_708 = arith.constant 8 : i32
        %get3A_709 = arith.index_cast %rem3A_161 : i32 to index
        %get3A_710 = arith.index_cast %get3A_708 : i32 to index
        %get3A_711 = arith.constant 48 : index
        %get3A_712 = tpu.vector_load %arg8[%get3A_709, %get3A_710, %get3A_711] {strides = array<i32>} : memref<2x32x128xf32, #tpu.memory_space<vmem>>, vector<16xf32>,
        %get3A_713 = arith.constant 9 : i32
        %get3A_714 = arith.index_cast %rem3A_161 : i32 to index
        %get3A_715 = arith.index_cast %get3A_713 : i32 to index
        %get3A_716 = arith.constant 48 : index
        %get3A_717 = tpu.vector_load %arg8[%get3A_714, %get3A_715, %get3A_716] {strides = array<i32>} : memref<2x32x128xf32, #tpu.memory_space<vmem>>, vector<16xf32>,
        %add3A_718 = arith.addf %get3A_712, %get3A_717 : vector<16xf32>
        %get3A_719 = arith.constant 10 : i32
        %get3A_720 = arith.index_cast %rem3A_161 : i32 to index
        %get3A_721 = arith.index_cast %get3A_719 : i32 to index
        %get3A_722 = arith.constant 48 : index
        %get3A_723 = tpu.vector_load %arg8[%get3A_720, %get3A_721, %get3A_722] {strides = array<i32>} : memref<2x32x128xf32, #tpu.memory_space<vmem>>, vector<16xf32>,
        %add3A_724 = arith.addf %add3A_718, %get3A_723 : vector<16xf32>
        %get3A_725 = arith.constant 11 : i32
        %get3A_726 = arith.index_cast %rem3A_161 : i32 to index
        %get3A_727 = arith.index_cast %get3A_725 : i32 to index
        %get3A_728 = arith.constant 48 : index
        %get3A_729 = tpu.vector_load %arg8[%get3A_726, %get3A_727, %get3A_728] {strides = array<i32>} : memref<2x32x128xf32, #tpu.memory_space<vmem>>, vector<16xf32>,
        %add3A_730 = arith.addf %add3A_724, %get3A_729 : vector<16xf32>
        %get3A_731 = arith.constant 12 : i32
        %get3A_732 = arith.index_cast %rem3A_161 : i32 to index
        %get3A_733 = arith.index_cast %get3A_731 : i32 to index
        %get3A_734 = arith.constant 48 : index
        %get3A_735 = tpu.vector_load %arg8[%get3A_732, %get3A_733, %get3A_734] {strides = array<i32>} : memref<2x32x128xf32, #tpu.memory_space<vmem>>, vector<16xf32>,
        %add3A_736 = arith.addf %add3A_730, %get3A_735 : vector<16xf32>
        %get3A_737 = arith.constant 13 : i32
        %get3A_738 = arith.index_cast %rem3A_161 : i32 to index
        %get3A_739 = arith.index_cast %get3A_737 : i32 to index
        %get3A_740 = arith.constant 48 : index
        %get3A_741 = tpu.vector_load %arg8[%get3A_738, %get3A_739, %get3A_740] {strides = array<i32>} : memref<2x32x128xf32, #tpu.memory_space<vmem>>, vector<16xf32>,
        %add3A_742 = arith.addf %add3A_736, %get3A_741 : vector<16xf32>
        %get3A_743 = arith.constant 14 : i32
        %get3A_744 = arith.index_cast %rem3A_161 : i32 to index
        %get3A_745 = arith.index_cast %get3A_743 : i32 to index
        %get3A_746 = arith.constant 48 : index
        %get3A_747 = tpu.vector_load %arg8[%get3A_744, %get3A_745, %get3A_746] {strides = array<i32>} : memref<2x32x128xf32, #tpu.memory_space<vmem>>, vector<16xf32>,
        %add3A_748 = arith.addf %add3A_742, %get3A_747 : vector<16xf32>
        %get3A_749 = arith.constant 15 : i32
        %get3A_750 = arith.index_cast %rem3A_161 : i32 to index
        %get3A_751 = arith.index_cast %get3A_749 : i32 to index
        %get3A_752 = arith.constant 48 : index
        %get3A_753 = tpu.vector_load %arg8[%get3A_750, %get3A_751, %get3A_752] {strides = array<i32>} : memref<2x32x128xf32, #tpu.memory_space<vmem>>, vector<16xf32>,
        %add3A_754 = arith.addf %add3A_748, %get3A_753 : vector<16xf32>
        tpu.vector_store_idx %arg9[%add3A_10, %add3A_566], %add3A_754 : memref<128x200xf32, #tpu.memory_space<vmem>>[vector<16xi32>, vector<16xi32>], vector<16xf32>,
        %get3A_755 = arith.constant 8 : i32
        %get3A_756 = arith.index_cast %rem3A_161 : i32 to index
        %get3A_757 = arith.index_cast %get3A_755 : i32 to index
        %get3A_758 = arith.constant 64 : index
        %get3A_759 = tpu.vector_load %arg8[%get3A_756, %get3A_757, %get3A_758] {strides = array<i32>} : memref<2x32x128xf32, #tpu.memory_space<vmem>>, vector<16xf32>,
        %get3A_760 = arith.constant 9 : i32
        %get3A_761 = arith.index_cast %rem3A_161 : i32 to index
        %get3A_762 = arith.index_cast %get3A_760 : i32 to index
        %get3A_763 = arith.constant 64 : index
        %get3A_764 = tpu.vector_load %arg8[%get3A_761, %get3A_762, %get3A_763] {strides = array<i32>} : memref<2x32x128xf32, #tpu.memory_space<vmem>>, vector<16xf32>,
        %add3A_765 = arith.addf %get3A_759, %get3A_764 : vector<16xf32>
        %get3A_766 = arith.constant 10 : i32
        %get3A_767 = arith.index_cast %rem3A_161 : i32 to index
        %get3A_768 = arith.index_cast %get3A_766 : i32 to index
        %get3A_769 = arith.constant 64 : index
        %get3A_770 = tpu.vector_load %arg8[%get3A_767, %get3A_768, %get3A_769] {strides = array<i32>} : memref<2x32x128xf32, #tpu.memory_space<vmem>>, vector<16xf32>,
        %add3A_771 = arith.addf %add3A_765, %get3A_770 : vector<16xf32>
        %get3A_772 = arith.constant 11 : i32
        %get3A_773 = arith.index_cast %rem3A_161 : i32 to index
        %get3A_774 = arith.index_cast %get3A_772 : i32 to index
        %get3A_775 = arith.constant 64 : index
        %get3A_776 = tpu.vector_load %arg8[%get3A_773, %get3A_774, %get3A_775] {strides = array<i32>} : memref<2x32x128xf32, #tpu.memory_space<vmem>>, vector<16xf32>,
        %add3A_777 = arith.addf %add3A_771, %get3A_776 : vector<16xf32>
        %get3A_778 = arith.constant 12 : i32
        %get3A_779 = arith.index_cast %rem3A_161 : i32 to index
        %get3A_780 = arith.index_cast %get3A_778 : i32 to index
        %get3A_781 = arith.constant 64 : index
        %get3A_782 = tpu.vector_load %arg8[%get3A_779, %get3A_780, %get3A_781] {strides = array<i32>} : memref<2x32x128xf32, #tpu.memory_space<vmem>>, vector<16xf32>,
        %add3A_783 = arith.addf %add3A_777, %get3A_782 : vector<16xf32>
        %get3A_784 = arith.constant 13 : i32
        %get3A_785 = arith.index_cast %rem3A_161 : i32 to index
        %get3A_786 = arith.index_cast %get3A_784 : i32 to index
        %get3A_787 = arith.constant 64 : index
        %get3A_788 = tpu.vector_load %arg8[%get3A_785, %get3A_786, %get3A_787] {strides = array<i32>} : memref<2x32x128xf32, #tpu.memory_space<vmem>>, vector<16xf32>,
        %add3A_789 = arith.addf %add3A_783, %get3A_788 : vector<16xf32>
        %get3A_790 = arith.constant 14 : i32
        %get3A_791 = arith.index_cast %rem3A_161 : i32 to index
        %get3A_792 = arith.index_cast %get3A_790 : i32 to index
        %get3A_793 = arith.constant 64 : index
        %get3A_794 = tpu.vector_load %arg8[%get3A_791, %get3A_792, %get3A_793] {strides = array<i32>} : memref<2x32x128xf32, #tpu.memory_space<vmem>>, vector<16xf32>,
        %add3A_795 = arith.addf %add3A_789, %get3A_794 : vector<16xf32>
        %get3A_796 = arith.constant 15 : i32
        %get3A_797 = arith.index_cast %rem3A_161 : i32 to index
        %get3A_798 = arith.index_cast %get3A_796 : i32 to index
        %get3A_799 = arith.constant 64 : index
        %get3A_800 = tpu.vector_load %arg8[%get3A_797, %get3A_798, %get3A_799] {strides = array<i32>} : memref<2x32x128xf32, #tpu.memory_space<vmem>>, vector<16xf32>,
        %add3A_801 = arith.addf %add3A_795, %get3A_800 : vector<16xf32>
        tpu.vector_store_idx %arg9[%add3A_13, %add3A_566], %add3A_801 : memref<128x200xf32, #tpu.memory_space<vmem>>[vector<16xi32>, vector<16xi32>], vector<16xf32>,
        %get3A_802 = arith.constant 8 : i32
        %get3A_803 = arith.index_cast %rem3A_161 : i32 to index
        %get3A_804 = arith.index_cast %get3A_802 : i32 to index
        %get3A_805 = arith.constant 80 : index
        %get3A_806 = tpu.vector_load %arg8[%get3A_803, %get3A_804, %get3A_805] {strides = array<i32>} : memref<2x32x128xf32, #tpu.memory_space<vmem>>, vector<16xf32>,
        %get3A_807 = arith.constant 9 : i32
        %get3A_808 = arith.index_cast %rem3A_161 : i32 to index
        %get3A_809 = arith.index_cast %get3A_807 : i32 to index
        %get3A_810 = arith.constant 80 : index
        %get3A_811 = tpu.vector_load %arg8[%get3A_808, %get3A_809, %get3A_810] {strides = array<i32>} : memref<2x32x128xf32, #tpu.memory_space<vmem>>, vector<16xf32>,
        %add3A_812 = arith.addf %get3A_806, %get3A_811 : vector<16xf32>
        %get3A_813 = arith.constant 10 : i32
        %get3A_814 = arith.index_cast %rem3A_161 : i32 to index
        %get3A_815 = arith.index_cast %get3A_813 : i32 to index
        %get3A_816 = arith.constant 80 : index
        %get3A_817 = tpu.vector_load %arg8[%get3A_814, %get3A_815, %get3A_816] {strides = array<i32>} : memref<2x32x128xf32, #tpu.memory_space<vmem>>, vector<16xf32>,
        %add3A_818 = arith.addf %add3A_812, %get3A_817 : vector<16xf32>
        %get3A_819 = arith.constant 11 : i32
        %get3A_820 = arith.index_cast %rem3A_161 : i32 to index
        %get3A_821 = arith.index_cast %get3A_819 : i32 to index
        %get3A_822 = arith.constant 80 : index
        %get3A_823 = tpu.vector_load %arg8[%get3A_820, %get3A_821, %get3A_822] {strides = array<i32>} : memref<2x32x128xf32, #tpu.memory_space<vmem>>, vector<16xf32>,
        %add3A_824 = arith.addf %add3A_818, %get3A_823 : vector<16xf32>
        %get3A_825 = arith.constant 12 : i32
        %get3A_826 = arith.index_cast %rem3A_161 : i32 to index
        %get3A_827 = arith.index_cast %get3A_825 : i32 to index
        %get3A_828 = arith.constant 80 : index
        %get3A_829 = tpu.vector_load %arg8[%get3A_826, %get3A_827, %get3A_828] {strides = array<i32>} : memref<2x32x128xf32, #tpu.memory_space<vmem>>, vector<16xf32>,
        %add3A_830 = arith.addf %add3A_824, %get3A_829 : vector<16xf32>
        %get3A_831 = arith.constant 13 : i32
        %get3A_832 = arith.index_cast %rem3A_161 : i32 to index
        %get3A_833 = arith.index_cast %get3A_831 : i32 to index
        %get3A_834 = arith.constant 80 : index
        %get3A_835 = tpu.vector_load %arg8[%get3A_832, %get3A_833, %get3A_834] {strides = array<i32>} : memref<2x32x128xf32, #tpu.memory_space<vmem>>, vector<16xf32>,
        %add3A_836 = arith.addf %add3A_830, %get3A_835 : vector<16xf32>
        %get3A_837 = arith.constant 14 : i32
        %get3A_838 = arith.index_cast %rem3A_161 : i32 to index
        %get3A_839 = arith.index_cast %get3A_837 : i32 to index
        %get3A_840 = arith.constant 80 : index
        %get3A_841 = tpu.vector_load %arg8[%get3A_838, %get3A_839, %get3A_840] {strides = array<i32>} : memref<2x32x128xf32, #tpu.memory_space<vmem>>, vector<16xf32>,
        %add3A_842 = arith.addf %add3A_836, %get3A_841 : vector<16xf32>
        %get3A_843 = arith.constant 15 : i32
        %get3A_844 = arith.index_cast %rem3A_161 : i32 to index
        %get3A_845 = arith.index_cast %get3A_843 : i32 to index
        %get3A_846 = arith.constant 80 : index
        %get3A_847 = tpu.vector_load %arg8[%get3A_844, %get3A_845, %get3A_846] {strides = array<i32>} : memref<2x32x128xf32, #tpu.memory_space<vmem>>, vector<16xf32>,
        %add3A_848 = arith.addf %add3A_842, %get3A_847 : vector<16xf32>
        tpu.vector_store_idx %arg9[%add3A_16, %add3A_566], %add3A_848 : memref<128x200xf32, #tpu.memory_space<vmem>>[vector<16xi32>, vector<16xi32>], vector<16xf32>,
        %get3A_849 = arith.constant 8 : i32
        %get3A_850 = arith.index_cast %rem3A_161 : i32 to index
        %get3A_851 = arith.index_cast %get3A_849 : i32 to index
        %get3A_852 = arith.constant 96 : index
        %get3A_853 = tpu.vector_load %arg8[%get3A_850, %get3A_851, %get3A_852] {strides = array<i32>} : memref<2x32x128xf32, #tpu.memory_space<vmem>>, vector<16xf32>,
        %get3A_854 = arith.constant 9 : i32
        %get3A_855 = arith.index_cast %rem3A_161 : i32 to index
        %get3A_856 = arith.index_cast %get3A_854 : i32 to index
        %get3A_857 = arith.constant 96 : index
        %get3A_858 = tpu.vector_load %arg8[%get3A_855, %get3A_856, %get3A_857] {strides = array<i32>} : memref<2x32x128xf32, #tpu.memory_space<vmem>>, vector<16xf32>,
        %add3A_859 = arith.addf %get3A_853, %get3A_858 : vector<16xf32>
        %get3A_860 = arith.constant 10 : i32
        %get3A_861 = arith.index_cast %rem3A_161 : i32 to index
        %get3A_862 = arith.index_cast %get3A_860 : i32 to index
        %get3A_863 = arith.constant 96 : index
        %get3A_864 = tpu.vector_load %arg8[%get3A_861, %get3A_862, %get3A_863] {strides = array<i32>} : memref<2x32x128xf32, #tpu.memory_space<vmem>>, vector<16xf32>,
        %add3A_865 = arith.addf %add3A_859, %get3A_864 : vector<16xf32>
        %get3A_866 = arith.constant 11 : i32
        %get3A_867 = arith.index_cast %rem3A_161 : i32 to index
        %get3A_868 = arith.index_cast %get3A_866 : i32 to index
        %get3A_869 = arith.constant 96 : index
        %get3A_870 = tpu.vector_load %arg8[%get3A_867, %get3A_868, %get3A_869] {strides = array<i32>} : memref<2x32x128xf32, #tpu.memory_space<vmem>>, vector<16xf32>,
        %add3A_871 = arith.addf %add3A_865, %get3A_870 : vector<16xf32>
        %get3A_872 = arith.constant 12 : i32
        %get3A_873 = arith.index_cast %rem3A_161 : i32 to index
        %get3A_874 = arith.index_cast %get3A_872 : i32 to index
        %get3A_875 = arith.constant 96 : index
        %get3A_876 = tpu.vector_load %arg8[%get3A_873, %get3A_874, %get3A_875] {strides = array<i32>} : memref<2x32x128xf32, #tpu.memory_space<vmem>>, vector<16xf32>,
        %add3A_877 = arith.addf %add3A_871, %get3A_876 : vector<16xf32>
        %get3A_878 = arith.constant 13 : i32
        %get3A_879 = arith.index_cast %rem3A_161 : i32 to index
        %get3A_880 = arith.index_cast %get3A_878 : i32 to index
        %get3A_881 = arith.constant 96 : index
        %get3A_882 = tpu.vector_load %arg8[%get3A_879, %get3A_880, %get3A_881] {strides = array<i32>} : memref<2x32x128xf32, #tpu.memory_space<vmem>>, vector<16xf32>,
        %add3A_883 = arith.addf %add3A_877, %get3A_882 : vector<16xf32>
        %get3A_884 = arith.constant 14 : i32
        %get3A_885 = arith.index_cast %rem3A_161 : i32 to index
        %get3A_886 = arith.index_cast %get3A_884 : i32 to index
        %get3A_887 = arith.constant 96 : index
        %get3A_888 = tpu.vector_load %arg8[%get3A_885, %get3A_886, %get3A_887] {strides = array<i32>} : memref<2x32x128xf32, #tpu.memory_space<vmem>>, vector<16xf32>,
        %add3A_889 = arith.addf %add3A_883, %get3A_888 : vector<16xf32>
        %get3A_890 = arith.constant 15 : i32
        %get3A_891 = arith.index_cast %rem3A_161 : i32 to index
        %get3A_892 = arith.index_cast %get3A_890 : i32 to index
        %get3A_893 = arith.constant 96 : index
        %get3A_894 = tpu.vector_load %arg8[%get3A_891, %get3A_892, %get3A_893] {strides = array<i32>} : memref<2x32x128xf32, #tpu.memory_space<vmem>>, vector<16xf32>,
        %add3A_895 = arith.addf %add3A_889, %get3A_894 : vector<16xf32>
        tpu.vector_store_idx %arg9[%add3A_19, %add3A_566], %add3A_895 : memref<128x200xf32, #tpu.memory_space<vmem>>[vector<16xi32>, vector<16xi32>], vector<16xf32>,
        %get3A_896 = arith.constant 8 : i32
        %get3A_897 = arith.index_cast %rem3A_161 : i32 to index
        %get3A_898 = arith.index_cast %get3A_896 : i32 to index
        %get3A_899 = arith.constant 112 : index
        %get3A_900 = tpu.vector_load %arg8[%get3A_897, %get3A_898, %get3A_899] {strides = array<i32>} : memref<2x32x128xf32, #tpu.memory_space<vmem>>, vector<16xf32>,
        %get3A_901 = arith.constant 9 : i32
        %get3A_902 = arith.index_cast %rem3A_161 : i32 to index
        %get3A_903 = arith.index_cast %get3A_901 : i32 to index
        %get3A_904 = arith.constant 112 : index
        %get3A_905 = tpu.vector_load %arg8[%get3A_902, %get3A_903, %get3A_904] {strides = array<i32>} : memref<2x32x128xf32, #tpu.memory_space<vmem>>, vector<16xf32>,
        %add3A_906 = arith.addf %get3A_900, %get3A_905 : vector<16xf32>
        %get3A_907 = arith.constant 10 : i32
        %get3A_908 = arith.index_cast %rem3A_161 : i32 to index
        %get3A_909 = arith.index_cast %get3A_907 : i32 to index
        %get3A_910 = arith.constant 112 : index
        %get3A_911 = tpu.vector_load %arg8[%get3A_908, %get3A_909, %get3A_910] {strides = array<i32>} : memref<2x32x128xf32, #tpu.memory_space<vmem>>, vector<16xf32>,
        %add3A_912 = arith.addf %add3A_906, %get3A_911 : vector<16xf32>
        %get3A_913 = arith.constant 11 : i32
        %get3A_914 = arith.index_cast %rem3A_161 : i32 to index
        %get3A_915 = arith.index_cast %get3A_913 : i32 to index
        %get3A_916 = arith.constant 112 : index
        %get3A_917 = tpu.vector_load %arg8[%get3A_914, %get3A_915, %get3A_916] {strides = array<i32>} : memref<2x32x128xf32, #tpu.memory_space<vmem>>, vector<16xf32>,
        %add3A_918 = arith.addf %add3A_912, %get3A_917 : vector<16xf32>
        %get3A_919 = arith.constant 12 : i32
        %get3A_920 = arith.index_cast %rem3A_161 : i32 to index
        %get3A_921 = arith.index_cast %get3A_919 : i32 to index
        %get3A_922 = arith.constant 112 : index
        %get3A_923 = tpu.vector_load %arg8[%get3A_920, %get3A_921, %get3A_922] {strides = array<i32>} : memref<2x32x128xf32, #tpu.memory_space<vmem>>, vector<16xf32>,
        %add3A_924 = arith.addf %add3A_918, %get3A_923 : vector<16xf32>
        %get3A_925 = arith.constant 13 : i32
        %get3A_926 = arith.index_cast %rem3A_161 : i32 to index
        %get3A_927 = arith.index_cast %get3A_925 : i32 to index
        %get3A_928 = arith.constant 112 : index
        %get3A_929 = tpu.vector_load %arg8[%get3A_926, %get3A_927, %get3A_928] {strides = array<i32>} : memref<2x32x128xf32, #tpu.memory_space<vmem>>, vector<16xf32>,
        %add3A_930 = arith.addf %add3A_924, %get3A_929 : vector<16xf32>
        %get3A_931 = arith.constant 14 : i32
        %get3A_932 = arith.index_cast %rem3A_161 : i32 to index
        %get3A_933 = arith.index_cast %get3A_931 : i32 to index
        %get3A_934 = arith.constant 112 : index
        %get3A_935 = tpu.vector_load %arg8[%get3A_932, %get3A_933, %get3A_934] {strides = array<i32>} : memref<2x32x128xf32, #tpu.memory_space<vmem>>, vector<16xf32>,
        %add3A_936 = arith.addf %add3A_930, %get3A_935 : vector<16xf32>
        %get3A_937 = arith.constant 15 : i32
        %get3A_938 = arith.index_cast %rem3A_161 : i32 to index
        %get3A_939 = arith.index_cast %get3A_937 : i32 to index
        %get3A_940 = arith.constant 112 : index
        %get3A_941 = tpu.vector_load %arg8[%get3A_938, %get3A_939, %get3A_940] {strides = array<i32>} : memref<2x32x128xf32, #tpu.memory_space<vmem>>, vector<16xf32>,
        %add3A_942 = arith.addf %add3A_936, %get3A_941 : vector<16xf32>
        tpu.vector_store_idx %arg9[%add3A_22, %add3A_566], %add3A_942 : memref<128x200xf32, #tpu.memory_space<vmem>>[vector<16xi32>, vector<16xi32>], vector<16xf32>,
        %add3A_943 = arith.constant 2 : i32
        %add3A_944 = vector.broadcast %add3A_943 : i32 to vector<16xi32>
        %add3A_945 = arith.addi %broadcast_in_dim3A_184, %add3A_944 : vector<16xi32>
        %get3A_946 = arith.constant 16 : i32
        %get3A_947 = arith.index_cast %rem3A_161 : i32 to index
        %get3A_948 = arith.index_cast %get3A_946 : i32 to index
        %get3A_949 = arith.constant 0 : index
        %get3A_950 = tpu.vector_load %arg8[%get3A_947, %get3A_948, %get3A_949] {strides = array<i32>} : memref<2x32x128xf32, #tpu.memory_space<vmem>>, vector<16xf32>,
        %get3A_951 = arith.constant 17 : i32
        %get3A_952 = arith.index_cast %rem3A_161 : i32 to index
        %get3A_953 = arith.index_cast %get3A_951 : i32 to index
        %get3A_954 = arith.constant 0 : index
        %get3A_955 = tpu.vector_load %arg8[%get3A_952, %get3A_953, %get3A_954] {strides = array<i32>} : memref<2x32x128xf32, #tpu.memory_space<vmem>>, vector<16xf32>,
        %add3A_956 = arith.addf %get3A_950, %get3A_955 : vector<16xf32>
        %get3A_957 = arith.constant 18 : i32
        %get3A_958 = arith.index_cast %rem3A_161 : i32 to index
        %get3A_959 = arith.index_cast %get3A_957 : i32 to index
        %get3A_960 = arith.constant 0 : index
        %get3A_961 = tpu.vector_load %arg8[%get3A_958, %get3A_959, %get3A_960] {strides = array<i32>} : memref<2x32x128xf32, #tpu.memory_space<vmem>>, vector<16xf32>,
        %add3A_962 = arith.addf %add3A_956, %get3A_961 : vector<16xf32>
        %get3A_963 = arith.constant 19 : i32
        %get3A_964 = arith.index_cast %rem3A_161 : i32 to index
        %get3A_965 = arith.index_cast %get3A_963 : i32 to index
        %get3A_966 = arith.constant 0 : index
        %get3A_967 = tpu.vector_load %arg8[%get3A_964, %get3A_965, %get3A_966] {strides = array<i32>} : memref<2x32x128xf32, #tpu.memory_space<vmem>>, vector<16xf32>,
        %add3A_968 = arith.addf %add3A_962, %get3A_967 : vector<16xf32>
        %get3A_969 = arith.constant 20 : i32
        %get3A_970 = arith.index_cast %rem3A_161 : i32 to index
        %get3A_971 = arith.index_cast %get3A_969 : i32 to index
        %get3A_972 = arith.constant 0 : index
        %get3A_973 = tpu.vector_load %arg8[%get3A_970, %get3A_971, %get3A_972] {strides = array<i32>} : memref<2x32x128xf32, #tpu.memory_space<vmem>>, vector<16xf32>,
        %add3A_974 = arith.addf %add3A_968, %get3A_973 : vector<16xf32>
        %get3A_975 = arith.constant 21 : i32
        %get3A_976 = arith.index_cast %rem3A_161 : i32 to index
        %get3A_977 = arith.index_cast %get3A_975 : i32 to index
        %get3A_978 = arith.constant 0 : index
        %get3A_979 = tpu.vector_load %arg8[%get3A_976, %get3A_977, %get3A_978] {strides = array<i32>} : memref<2x32x128xf32, #tpu.memory_space<vmem>>, vector<16xf32>,
        %add3A_980 = arith.addf %add3A_974, %get3A_979 : vector<16xf32>
        %get3A_981 = arith.constant 22 : i32
        %get3A_982 = arith.index_cast %rem3A_161 : i32 to index
        %get3A_983 = arith.index_cast %get3A_981 : i32 to index
        %get3A_984 = arith.constant 0 : index
        %get3A_985 = tpu.vector_load %arg8[%get3A_982, %get3A_983, %get3A_984] {strides = array<i32>} : memref<2x32x128xf32, #tpu.memory_space<vmem>>, vector<16xf32>,
        %add3A_986 = arith.addf %add3A_980, %get3A_985 : vector<16xf32>
        %get3A_987 = arith.constant 23 : i32
        %get3A_988 = arith.index_cast %rem3A_161 : i32 to index
        %get3A_989 = arith.index_cast %get3A_987 : i32 to index
        %get3A_990 = arith.constant 0 : index
        %get3A_991 = tpu.vector_load %arg8[%get3A_988, %get3A_989, %get3A_990] {strides = array<i32>} : memref<2x32x128xf32, #tpu.memory_space<vmem>>, vector<16xf32>,
        %add3A_992 = arith.addf %add3A_986, %get3A_991 : vector<16xf32>
        tpu.vector_store_idx %arg9[%add3A_1, %add3A_945], %add3A_992 : memref<128x200xf32, #tpu.memory_space<vmem>>[vector<16xi32>, vector<16xi32>], vector<16xf32>,
        %get3A_993 = arith.constant 16 : i32
        %get3A_994 = arith.index_cast %rem3A_161 : i32 to index
        %get3A_995 = arith.index_cast %get3A_993 : i32 to index
        %get3A_996 = arith.constant 16 : index
        %get3A_997 = tpu.vector_load %arg8[%get3A_994, %get3A_995, %get3A_996] {strides = array<i32>} : memref<2x32x128xf32, #tpu.memory_space<vmem>>, vector<16xf32>,
        %get3A_998 = arith.constant 17 : i32
        %get3A_999 = arith.index_cast %rem3A_161 : i32 to index
        %get3A_1000 = arith.index_cast %get3A_998 : i32 to index
        %get3A_1001 = arith.constant 16 : index
        %get3A_1002 = tpu.vector_load %arg8[%get3A_999, %get3A_1000, %get3A_1001] {strides = array<i32>} : memref<2x32x128xf32, #tpu.memory_space<vmem>>, vector<16xf32>,
        %add3A_1003 = arith.addf %get3A_997, %get3A_1002 : vector<16xf32>
        %get3A_1004 = arith.constant 18 : i32
        %get3A_1005 = arith.index_cast %rem3A_161 : i32 to index
        %get3A_1006 = arith.index_cast %get3A_1004 : i32 to index
        %get3A_1007 = arith.constant 16 : index
        %get3A_1008 = tpu.vector_load %arg8[%get3A_1005, %get3A_1006, %get3A_1007] {strides = array<i32>} : memref<2x32x128xf32, #tpu.memory_space<vmem>>, vector<16xf32>,
        %add3A_1009 = arith.addf %add3A_1003, %get3A_1008 : vector<16xf32>
        %get3A_1010 = arith.constant 19 : i32
        %get3A_1011 = arith.index_cast %rem3A_161 : i32 to index
        %get3A_1012 = arith.index_cast %get3A_1010 : i32 to index
        %get3A_1013 = arith.constant 16 : index
        %get3A_1014 = tpu.vector_load %arg8[%get3A_1011, %get3A_1012, %get3A_1013] {strides = array<i32>} : memref<2x32x128xf32, #tpu.memory_space<vmem>>, vector<16xf32>,
        %add3A_1015 = arith.addf %add3A_1009, %get3A_1014 : vector<16xf32>
        %get3A_1016 = arith.constant 20 : i32
        %get3A_1017 = arith.index_cast %rem3A_161 : i32 to index
        %get3A_1018 = arith.index_cast %get3A_1016 : i32 to index
        %get3A_1019 = arith.constant 16 : index
        %get3A_1020 = tpu.vector_load %arg8[%get3A_1017, %get3A_1018, %get3A_1019] {strides = array<i32>} : memref<2x32x128xf32, #tpu.memory_space<vmem>>, vector<16xf32>,
        %add3A_1021 = arith.addf %add3A_1015, %get3A_1020 : vector<16xf32>
        %get3A_1022 = arith.constant 21 : i32
        %get3A_1023 = arith.index_cast %rem3A_161 : i32 to index
        %get3A_1024 = arith.index_cast %get3A_1022 : i32 to index
        %get3A_1025 = arith.constant 16 : index
        %get3A_1026 = tpu.vector_load %arg8[%get3A_1023, %get3A_1024, %get3A_1025] {strides = array<i32>} : memref<2x32x128xf32, #tpu.memory_space<vmem>>, vector<16xf32>,
        %add3A_1027 = arith.addf %add3A_1021, %get3A_1026 : vector<16xf32>
        %get3A_1028 = arith.constant 22 : i32
        %get3A_1029 = arith.index_cast %rem3A_161 : i32 to index
        %get3A_1030 = arith.index_cast %get3A_1028 : i32 to index
        %get3A_1031 = arith.constant 16 : index
        %get3A_1032 = tpu.vector_load %arg8[%get3A_1029, %get3A_1030, %get3A_1031] {strides = array<i32>} : memref<2x32x128xf32, #tpu.memory_space<vmem>>, vector<16xf32>,
        %add3A_1033 = arith.addf %add3A_1027, %get3A_1032 : vector<16xf32>
        %get3A_1034 = arith.constant 23 : i32
        %get3A_1035 = arith.index_cast %rem3A_161 : i32 to index
        %get3A_1036 = arith.index_cast %get3A_1034 : i32 to index
        %get3A_1037 = arith.constant 16 : index
        %get3A_1038 = tpu.vector_load %arg8[%get3A_1035, %get3A_1036, %get3A_1037] {strides = array<i32>} : memref<2x32x128xf32, #tpu.memory_space<vmem>>, vector<16xf32>,
        %add3A_1039 = arith.addf %add3A_1033, %get3A_1038 : vector<16xf32>
        tpu.vector_store_idx %arg9[%add3A_4, %add3A_945], %add3A_1039 : memref<128x200xf32, #tpu.memory_space<vmem>>[vector<16xi32>, vector<16xi32>], vector<16xf32>,
        %get3A_1040 = arith.constant 16 : i32
        %get3A_1041 = arith.index_cast %rem3A_161 : i32 to index
        %get3A_1042 = arith.index_cast %get3A_1040 : i32 to index
        %get3A_1043 = arith.constant 32 : index
        %get3A_1044 = tpu.vector_load %arg8[%get3A_1041, %get3A_1042, %get3A_1043] {strides = array<i32>} : memref<2x32x128xf32, #tpu.memory_space<vmem>>, vector<16xf32>,
        %get3A_1045 = arith.constant 17 : i32
        %get3A_1046 = arith.index_cast %rem3A_161 : i32 to index
        %get3A_1047 = arith.index_cast %get3A_1045 : i32 to index
        %get3A_1048 = arith.constant 32 : index
        %get3A_1049 = tpu.vector_load %arg8[%get3A_1046, %get3A_1047, %get3A_1048] {strides = array<i32>} : memref<2x32x128xf32, #tpu.memory_space<vmem>>, vector<16xf32>,
        %add3A_1050 = arith.addf %get3A_1044, %get3A_1049 : vector<16xf32>
        %get3A_1051 = arith.constant 18 : i32
        %get3A_1052 = arith.index_cast %rem3A_161 : i32 to index
        %get3A_1053 = arith.index_cast %get3A_1051 : i32 to index
        %get3A_1054 = arith.constant 32 : index
        %get3A_1055 = tpu.vector_load %arg8[%get3A_1052, %get3A_1053, %get3A_1054] {strides = array<i32>} : memref<2x32x128xf32, #tpu.memory_space<vmem>>, vector<16xf32>,
        %add3A_1056 = arith.addf %add3A_1050, %get3A_1055 : vector<16xf32>
        %get3A_1057 = arith.constant 19 : i32
        %get3A_1058 = arith.index_cast %rem3A_161 : i32 to index
        %get3A_1059 = arith.index_cast %get3A_1057 : i32 to index
        %get3A_1060 = arith.constant 32 : index
        %get3A_1061 = tpu.vector_load %arg8[%get3A_1058, %get3A_1059, %get3A_1060] {strides = array<i32>} : memref<2x32x128xf32, #tpu.memory_space<vmem>>, vector<16xf32>,
        %add3A_1062 = arith.addf %add3A_1056, %get3A_1061 : vector<16xf32>
        %get3A_1063 = arith.constant 20 : i32
        %get3A_1064 = arith.index_cast %rem3A_161 : i32 to index
        %get3A_1065 = arith.index_cast %get3A_1063 : i32 to index
        %get3A_1066 = arith.constant 32 : index
        %get3A_1067 = tpu.vector_load %arg8[%get3A_1064, %get3A_1065, %get3A_1066] {strides = array<i32>} : memref<2x32x128xf32, #tpu.memory_space<vmem>>, vector<16xf32>,
        %add3A_1068 = arith.addf %add3A_1062, %get3A_1067 : vector<16xf32>
        %get3A_1069 = arith.constant 21 : i32
        %get3A_1070 = arith.index_cast %rem3A_161 : i32 to index
        %get3A_1071 = arith.index_cast %get3A_1069 : i32 to index
        %get3A_1072 = arith.constant 32 : index
        %get3A_1073 = tpu.vector_load %arg8[%get3A_1070, %get3A_1071, %get3A_1072] {strides = array<i32>} : memref<2x32x128xf32, #tpu.memory_space<vmem>>, vector<16xf32>,
        %add3A_1074 = arith.addf %add3A_1068, %get3A_1073 : vector<16xf32>
        %get3A_1075 = arith.constant 22 : i32
        %get3A_1076 = arith.index_cast %rem3A_161 : i32 to index
        %get3A_1077 = arith.index_cast %get3A_1075 : i32 to index
        %get3A_1078 = arith.constant 32 : index
        %get3A_1079 = tpu.vector_load %arg8[%get3A_1076, %get3A_1077, %get3A_1078] {strides = array<i32>} : memref<2x32x128xf32, #tpu.memory_space<vmem>>, vector<16xf32>,
        %add3A_1080 = arith.addf %add3A_1074, %get3A_1079 : vector<16xf32>
        %get3A_1081 = arith.constant 23 : i32
        %get3A_1082 = arith.index_cast %rem3A_161 : i32 to index
        %get3A_1083 = arith.index_cast %get3A_1081 : i32 to index
        %get3A_1084 = arith.constant 32 : index
        %get3A_1085 = tpu.vector_load %arg8[%get3A_1082, %get3A_1083, %get3A_1084] {strides = array<i32>} : memref<2x32x128xf32, #tpu.memory_space<vmem>>, vector<16xf32>,
        %add3A_1086 = arith.addf %add3A_1080, %get3A_1085 : vector<16xf32>
        tpu.vector_store_idx %arg9[%add3A_7, %add3A_945], %add3A_1086 : memref<128x200xf32, #tpu.memory_space<vmem>>[vector<16xi32>, vector<16xi32>], vector<16xf32>,
        %get3A_1087 = arith.constant 16 : i32
        %get3A_1088 = arith.index_cast %rem3A_161 : i32 to index
        %get3A_1089 = arith.index_cast %get3A_1087 : i32 to index
        %get3A_1090 = arith.constant 48 : index
        %get3A_1091 = tpu.vector_load %arg8[%get3A_1088, %get3A_1089, %get3A_1090] {strides = array<i32>} : memref<2x32x128xf32, #tpu.memory_space<vmem>>, vector<16xf32>,
        %get3A_1092 = arith.constant 17 : i32
        %get3A_1093 = arith.index_cast %rem3A_161 : i32 to index
        %get3A_1094 = arith.index_cast %get3A_1092 : i32 to index
        %get3A_1095 = arith.constant 48 : index
        %get3A_1096 = tpu.vector_load %arg8[%get3A_1093, %get3A_1094, %get3A_1095] {strides = array<i32>} : memref<2x32x128xf32, #tpu.memory_space<vmem>>, vector<16xf32>,
        %add3A_1097 = arith.addf %get3A_1091, %get3A_1096 : vector<16xf32>
        %get3A_1098 = arith.constant 18 : i32
        %get3A_1099 = arith.index_cast %rem3A_161 : i32 to index
        %get3A_1100 = arith.index_cast %get3A_1098 : i32 to index
        %get3A_1101 = arith.constant 48 : index
        %get3A_1102 = tpu.vector_load %arg8[%get3A_1099, %get3A_1100, %get3A_1101] {strides = array<i32>} : memref<2x32x128xf32, #tpu.memory_space<vmem>>, vector<16xf32>,
        %add3A_1103 = arith.addf %add3A_1097, %get3A_1102 : vector<16xf32>
        %get3A_1104 = arith.constant 19 : i32
        %get3A_1105 = arith.index_cast %rem3A_161 : i32 to index
        %get3A_1106 = arith.index_cast %get3A_1104 : i32 to index
        %get3A_1107 = arith.constant 48 : index
        %get3A_1108 = tpu.vector_load %arg8[%get3A_1105, %get3A_1106, %get3A_1107] {strides = array<i32>} : memref<2x32x128xf32, #tpu.memory_space<vmem>>, vector<16xf32>,
        %add3A_1109 = arith.addf %add3A_1103, %get3A_1108 : vector<16xf32>
        %get3A_1110 = arith.constant 20 : i32
        %get3A_1111 = arith.index_cast %rem3A_161 : i32 to index
        %get3A_1112 = arith.index_cast %get3A_1110 : i32 to index
        %get3A_1113 = arith.constant 48 : index
        %get3A_1114 = tpu.vector_load %arg8[%get3A_1111, %get3A_1112, %get3A_1113] {strides = array<i32>} : memref<2x32x128xf32, #tpu.memory_space<vmem>>, vector<16xf32>,
        %add3A_1115 = arith.addf %add3A_1109, %get3A_1114 : vector<16xf32>
        %get3A_1116 = arith.constant 21 : i32
        %get3A_1117 = arith.index_cast %rem3A_161 : i32 to index
        %get3A_1118 = arith.index_cast %get3A_1116 : i32 to index
        %get3A_1119 = arith.constant 48 : index
        %get3A_1120 = tpu.vector_load %arg8[%get3A_1117, %get3A_1118, %get3A_1119] {strides = array<i32>} : memref<2x32x128xf32, #tpu.memory_space<vmem>>, vector<16xf32>,
        %add3A_1121 = arith.addf %add3A_1115, %get3A_1120 : vector<16xf32>
        %get3A_1122 = arith.constant 22 : i32
        %get3A_1123 = arith.index_cast %rem3A_161 : i32 to index
        %get3A_1124 = arith.index_cast %get3A_1122 : i32 to index
        %get3A_1125 = arith.constant 48 : index
        %get3A_1126 = tpu.vector_load %arg8[%get3A_1123, %get3A_1124, %get3A_1125] {strides = array<i32>} : memref<2x32x128xf32, #tpu.memory_space<vmem>>, vector<16xf32>,
        %add3A_1127 = arith.addf %add3A_1121, %get3A_1126 : vector<16xf32>
        %get3A_1128 = arith.constant 23 : i32
        %get3A_1129 = arith.index_cast %rem3A_161 : i32 to index
        %get3A_1130 = arith.index_cast %get3A_1128 : i32 to index
        %get3A_1131 = arith.constant 48 : index
        %get3A_1132 = tpu.vector_load %arg8[%get3A_1129, %get3A_1130, %get3A_1131] {strides = array<i32>} : memref<2x32x128xf32, #tpu.memory_space<vmem>>, vector<16xf32>,
        %add3A_1133 = arith.addf %add3A_1127, %get3A_1132 : vector<16xf32>
        tpu.vector_store_idx %arg9[%add3A_10, %add3A_945], %add3A_1133 : memref<128x200xf32, #tpu.memory_space<vmem>>[vector<16xi32>, vector<16xi32>], vector<16xf32>,
        %get3A_1134 = arith.constant 16 : i32
        %get3A_1135 = arith.index_cast %rem3A_161 : i32 to index
        %get3A_1136 = arith.index_cast %get3A_1134 : i32 to index
        %get3A_1137 = arith.constant 64 : index
        %get3A_1138 = tpu.vector_load %arg8[%get3A_1135, %get3A_1136, %get3A_1137] {strides = array<i32>} : memref<2x32x128xf32, #tpu.memory_space<vmem>>, vector<16xf32>,
        %get3A_1139 = arith.constant 17 : i32
        %get3A_1140 = arith.index_cast %rem3A_161 : i32 to index
        %get3A_1141 = arith.index_cast %get3A_1139 : i32 to index
        %get3A_1142 = arith.constant 64 : index
        %get3A_1143 = tpu.vector_load %arg8[%get3A_1140, %get3A_1141, %get3A_1142] {strides = array<i32>} : memref<2x32x128xf32, #tpu.memory_space<vmem>>, vector<16xf32>,
        %add3A_1144 = arith.addf %get3A_1138, %get3A_1143 : vector<16xf32>
        %get3A_1145 = arith.constant 18 : i32
        %get3A_1146 = arith.index_cast %rem3A_161 : i32 to index
        %get3A_1147 = arith.index_cast %get3A_1145 : i32 to index
        %get3A_1148 = arith.constant 64 : index
        %get3A_1149 = tpu.vector_load %arg8[%get3A_1146, %get3A_1147, %get3A_1148] {strides = array<i32>} : memref<2x32x128xf32, #tpu.memory_space<vmem>>, vector<16xf32>,
        %add3A_1150 = arith.addf %add3A_1144, %get3A_1149 : vector<16xf32>
        %get3A_1151 = arith.constant 19 : i32
        %get3A_1152 = arith.index_cast %rem3A_161 : i32 to index
        %get3A_1153 = arith.index_cast %get3A_1151 : i32 to index
        %get3A_1154 = arith.constant 64 : index
        %get3A_1155 = tpu.vector_load %arg8[%get3A_1152, %get3A_1153, %get3A_1154] {strides = array<i32>} : memref<2x32x128xf32, #tpu.memory_space<vmem>>, vector<16xf32>,
        %add3A_1156 = arith.addf %add3A_1150, %get3A_1155 : vector<16xf32>
        %get3A_1157 = arith.constant 20 : i32
        %get3A_1158 = arith.index_cast %rem3A_161 : i32 to index
        %get3A_1159 = arith.index_cast %get3A_1157 : i32 to index
        %get3A_1160 = arith.constant 64 : index
        %get3A_1161 = tpu.vector_load %arg8[%get3A_1158, %get3A_1159, %get3A_1160] {strides = array<i32>} : memref<2x32x128xf32, #tpu.memory_space<vmem>>, vector<16xf32>,
        %add3A_1162 = arith.addf %add3A_1156, %get3A_1161 : vector<16xf32>
        %get3A_1163 = arith.constant 21 : i32
        %get3A_1164 = arith.index_cast %rem3A_161 : i32 to index
        %get3A_1165 = arith.index_cast %get3A_1163 : i32 to index
        %get3A_1166 = arith.constant 64 : index
        %get3A_1167 = tpu.vector_load %arg8[%get3A_1164, %get3A_1165, %get3A_1166] {strides = array<i32>} : memref<2x32x128xf32, #tpu.memory_space<vmem>>, vector<16xf32>,
        %add3A_1168 = arith.addf %add3A_1162, %get3A_1167 : vector<16xf32>
        %get3A_1169 = arith.constant 22 : i32
        %get3A_1170 = arith.index_cast %rem3A_161 : i32 to index
        %get3A_1171 = arith.index_cast %get3A_1169 : i32 to index
        %get3A_1172 = arith.constant 64 : index
        %get3A_1173 = tpu.vector_load %arg8[%get3A_1170, %get3A_1171, %get3A_1172] {strides = array<i32>} : memref<2x32x128xf32, #tpu.memory_space<vmem>>, vector<16xf32>,
        %add3A_1174 = arith.addf %add3A_1168, %get3A_1173 : vector<16xf32>
        %get3A_1175 = arith.constant 23 : i32
        %get3A_1176 = arith.index_cast %rem3A_161 : i32 to index
        %get3A_1177 = arith.index_cast %get3A_1175 : i32 to index
        %get3A_1178 = arith.constant 64 : index
        %get3A_1179 = tpu.vector_load %arg8[%get3A_1176, %get3A_1177, %get3A_1178] {strides = array<i32>} : memref<2x32x128xf32, #tpu.memory_space<vmem>>, vector<16xf32>,
        %add3A_1180 = arith.addf %add3A_1174, %get3A_1179 : vector<16xf32>
        tpu.vector_store_idx %arg9[%add3A_13, %add3A_945], %add3A_1180 : memref<128x200xf32, #tpu.memory_space<vmem>>[vector<16xi32>, vector<16xi32>], vector<16xf32>,
        %get3A_1181 = arith.constant 16 : i32
        %get3A_1182 = arith.index_cast %rem3A_161 : i32 to index
        %get3A_1183 = arith.index_cast %get3A_1181 : i32 to index
        %get3A_1184 = arith.constant 80 : index
        %get3A_1185 = tpu.vector_load %arg8[%get3A_1182, %get3A_1183, %get3A_1184] {strides = array<i32>} : memref<2x32x128xf32, #tpu.memory_space<vmem>>, vector<16xf32>,
        %get3A_1186 = arith.constant 17 : i32
        %get3A_1187 = arith.index_cast %rem3A_161 : i32 to index
        %get3A_1188 = arith.index_cast %get3A_1186 : i32 to index
        %get3A_1189 = arith.constant 80 : index
        %get3A_1190 = tpu.vector_load %arg8[%get3A_1187, %get3A_1188, %get3A_1189] {strides = array<i32>} : memref<2x32x128xf32, #tpu.memory_space<vmem>>, vector<16xf32>,
        %add3A_1191 = arith.addf %get3A_1185, %get3A_1190 : vector<16xf32>
        %get3A_1192 = arith.constant 18 : i32
        %get3A_1193 = arith.index_cast %rem3A_161 : i32 to index
        %get3A_1194 = arith.index_cast %get3A_1192 : i32 to index
        %get3A_1195 = arith.constant 80 : index
        %get3A_1196 = tpu.vector_load %arg8[%get3A_1193, %get3A_1194, %get3A_1195] {strides = array<i32>} : memref<2x32x128xf32, #tpu.memory_space<vmem>>, vector<16xf32>,
        %add3A_1197 = arith.addf %add3A_1191, %get3A_1196 : vector<16xf32>
        %get3A_1198 = arith.constant 19 : i32
        %get3A_1199 = arith.index_cast %rem3A_161 : i32 to index
        %get3A_1200 = arith.index_cast %get3A_1198 : i32 to index
        %get3A_1201 = arith.constant 80 : index
        %get3A_1202 = tpu.vector_load %arg8[%get3A_1199, %get3A_1200, %get3A_1201] {strides = array<i32>} : memref<2x32x128xf32, #tpu.memory_space<vmem>>, vector<16xf32>,
        %add3A_1203 = arith.addf %add3A_1197, %get3A_1202 : vector<16xf32>
        %get3A_1204 = arith.constant 20 : i32
        %get3A_1205 = arith.index_cast %rem3A_161 : i32 to index
        %get3A_1206 = arith.index_cast %get3A_1204 : i32 to index
        %get3A_1207 = arith.constant 80 : index
        %get3A_1208 = tpu.vector_load %arg8[%get3A_1205, %get3A_1206, %get3A_1207] {strides = array<i32>} : memref<2x32x128xf32, #tpu.memory_space<vmem>>, vector<16xf32>,
        %add3A_1209 = arith.addf %add3A_1203, %get3A_1208 : vector<16xf32>
        %get3A_1210 = arith.constant 21 : i32
        %get3A_1211 = arith.index_cast %rem3A_161 : i32 to index
        %get3A_1212 = arith.index_cast %get3A_1210 : i32 to index
        %get3A_1213 = arith.constant 80 : index
        %get3A_1214 = tpu.vector_load %arg8[%get3A_1211, %get3A_1212, %get3A_1213] {strides = array<i32>} : memref<2x32x128xf32, #tpu.memory_space<vmem>>, vector<16xf32>,
        %add3A_1215 = arith.addf %add3A_1209, %get3A_1214 : vector<16xf32>
        %get3A_1216 = arith.constant 22 : i32
        %get3A_1217 = arith.index_cast %rem3A_161 : i32 to index
        %get3A_1218 = arith.index_cast %get3A_1216 : i32 to index
        %get3A_1219 = arith.constant 80 : index
        %get3A_1220 = tpu.vector_load %arg8[%get3A_1217, %get3A_1218, %get3A_1219] {strides = array<i32>} : memref<2x32x128xf32, #tpu.memory_space<vmem>>, vector<16xf32>,
        %add3A_1221 = arith.addf %add3A_1215, %get3A_1220 : vector<16xf32>
        %get3A_1222 = arith.constant 23 : i32
        %get3A_1223 = arith.index_cast %rem3A_161 : i32 to index
        %get3A_1224 = arith.index_cast %get3A_1222 : i32 to index
        %get3A_1225 = arith.constant 80 : index
        %get3A_1226 = tpu.vector_load %arg8[%get3A_1223, %get3A_1224, %get3A_1225] {strides = array<i32>} : memref<2x32x128xf32, #tpu.memory_space<vmem>>, vector<16xf32>,
        %add3A_1227 = arith.addf %add3A_1221, %get3A_1226 : vector<16xf32>
        tpu.vector_store_idx %arg9[%add3A_16, %add3A_945], %add3A_1227 : memref<128x200xf32, #tpu.memory_space<vmem>>[vector<16xi32>, vector<16xi32>], vector<16xf32>,
        %get3A_1228 = arith.constant 16 : i32
        %get3A_1229 = arith.index_cast %rem3A_161 : i32 to index
        %get3A_1230 = arith.index_cast %get3A_1228 : i32 to index
        %get3A_1231 = arith.constant 96 : index
        %get3A_1232 = tpu.vector_load %arg8[%get3A_1229, %get3A_1230, %get3A_1231] {strides = array<i32>} : memref<2x32x128xf32, #tpu.memory_space<vmem>>, vector<16xf32>,
        %get3A_1233 = arith.constant 17 : i32
        %get3A_1234 = arith.index_cast %rem3A_161 : i32 to index
        %get3A_1235 = arith.index_cast %get3A_1233 : i32 to index
        %get3A_1236 = arith.constant 96 : index
        %get3A_1237 = tpu.vector_load %arg8[%get3A_1234, %get3A_1235, %get3A_1236] {strides = array<i32>} : memref<2x32x128xf32, #tpu.memory_space<vmem>>, vector<16xf32>,
        %add3A_1238 = arith.addf %get3A_1232, %get3A_1237 : vector<16xf32>
        %get3A_1239 = arith.constant 18 : i32
        %get3A_1240 = arith.index_cast %rem3A_161 : i32 to index
        %get3A_1241 = arith.index_cast %get3A_1239 : i32 to index
        %get3A_1242 = arith.constant 96 : index
        %get3A_1243 = tpu.vector_load %arg8[%get3A_1240, %get3A_1241, %get3A_1242] {strides = array<i32>} : memref<2x32x128xf32, #tpu.memory_space<vmem>>, vector<16xf32>,
        %add3A_1244 = arith.addf %add3A_1238, %get3A_1243 : vector<16xf32>
        %get3A_1245 = arith.constant 19 : i32
        %get3A_1246 = arith.index_cast %rem3A_161 : i32 to index
        %get3A_1247 = arith.index_cast %get3A_1245 : i32 to index
        %get3A_1248 = arith.constant 96 : index
        %get3A_1249 = tpu.vector_load %arg8[%get3A_1246, %get3A_1247, %get3A_1248] {strides = array<i32>} : memref<2x32x128xf32, #tpu.memory_space<vmem>>, vector<16xf32>,
        %add3A_1250 = arith.addf %add3A_1244, %get3A_1249 : vector<16xf32>
        %get3A_1251 = arith.constant 20 : i32
        %get3A_1252 = arith.index_cast %rem3A_161 : i32 to index
        %get3A_1253 = arith.index_cast %get3A_1251 : i32 to index
        %get3A_1254 = arith.constant 96 : index
        %get3A_1255 = tpu.vector_load %arg8[%get3A_1252, %get3A_1253, %get3A_1254] {strides = array<i32>} : memref<2x32x128xf32, #tpu.memory_space<vmem>>, vector<16xf32>,
        %add3A_1256 = arith.addf %add3A_1250, %get3A_1255 : vector<16xf32>
        %get3A_1257 = arith.constant 21 : i32
        %get3A_1258 = arith.index_cast %rem3A_161 : i32 to index
        %get3A_1259 = arith.index_cast %get3A_1257 : i32 to index
        %get3A_1260 = arith.constant 96 : index
        %get3A_1261 = tpu.vector_load %arg8[%get3A_1258, %get3A_1259, %get3A_1260] {strides = array<i32>} : memref<2x32x128xf32, #tpu.memory_space<vmem>>, vector<16xf32>,
        %add3A_1262 = arith.addf %add3A_1256, %get3A_1261 : vector<16xf32>
        %get3A_1263 = arith.constant 22 : i32
        %get3A_1264 = arith.index_cast %rem3A_161 : i32 to index
        %get3A_1265 = arith.index_cast %get3A_1263 : i32 to index
        %get3A_1266 = arith.constant 96 : index
        %get3A_1267 = tpu.vector_load %arg8[%get3A_1264, %get3A_1265, %get3A_1266] {strides = array<i32>} : memref<2x32x128xf32, #tpu.memory_space<vmem>>, vector<16xf32>,
        %add3A_1268 = arith.addf %add3A_1262, %get3A_1267 : vector<16xf32>
        %get3A_1269 = arith.constant 23 : i32
        %get3A_1270 = arith.index_cast %rem3A_161 : i32 to index
        %get3A_1271 = arith.index_cast %get3A_1269 : i32 to index
        %get3A_1272 = arith.constant 96 : index
        %get3A_1273 = tpu.vector_load %arg8[%get3A_1270, %get3A_1271, %get3A_1272] {strides = array<i32>} : memref<2x32x128xf32, #tpu.memory_space<vmem>>, vector<16xf32>,
        %add3A_1274 = arith.addf %add3A_1268, %get3A_1273 : vector<16xf32>
        tpu.vector_store_idx %arg9[%add3A_19, %add3A_945], %add3A_1274 : memref<128x200xf32, #tpu.memory_space<vmem>>[vector<16xi32>, vector<16xi32>], vector<16xf32>,
        %get3A_1275 = arith.constant 16 : i32
        %get3A_1276 = arith.index_cast %rem3A_161 : i32 to index
        %get3A_1277 = arith.index_cast %get3A_1275 : i32 to index
        %get3A_1278 = arith.constant 112 : index
        %get3A_1279 = tpu.vector_load %arg8[%get3A_1276, %get3A_1277, %get3A_1278] {strides = array<i32>} : memref<2x32x128xf32, #tpu.memory_space<vmem>>, vector<16xf32>,
        %get3A_1280 = arith.constant 17 : i32
        %get3A_1281 = arith.index_cast %rem3A_161 : i32 to index
        %get3A_1282 = arith.index_cast %get3A_1280 : i32 to index
        %get3A_1283 = arith.constant 112 : index
        %get3A_1284 = tpu.vector_load %arg8[%get3A_1281, %get3A_1282, %get3A_1283] {strides = array<i32>} : memref<2x32x128xf32, #tpu.memory_space<vmem>>, vector<16xf32>,
        %add3A_1285 = arith.addf %get3A_1279, %get3A_1284 : vector<16xf32>
        %get3A_1286 = arith.constant 18 : i32
        %get3A_1287 = arith.index_cast %rem3A_161 : i32 to index
        %get3A_1288 = arith.index_cast %get3A_1286 : i32 to index
        %get3A_1289 = arith.constant 112 : index
        %get3A_1290 = tpu.vector_load %arg8[%get3A_1287, %get3A_1288, %get3A_1289] {strides = array<i32>} : memref<2x32x128xf32, #tpu.memory_space<vmem>>, vector<16xf32>,
        %add3A_1291 = arith.addf %add3A_1285, %get3A_1290 : vector<16xf32>
        %get3A_1292 = arith.constant 19 : i32
        %get3A_1293 = arith.index_cast %rem3A_161 : i32 to index
        %get3A_1294 = arith.index_cast %get3A_1292 : i32 to index
        %get3A_1295 = arith.constant 112 : index
        %get3A_1296 = tpu.vector_load %arg8[%get3A_1293, %get3A_1294, %get3A_1295] {strides = array<i32>} : memref<2x32x128xf32, #tpu.memory_space<vmem>>, vector<16xf32>,
        %add3A_1297 = arith.addf %add3A_1291, %get3A_1296 : vector<16xf32>
        %get3A_1298 = arith.constant 20 : i32
        %get3A_1299 = arith.index_cast %rem3A_161 : i32 to index
        %get3A_1300 = arith.index_cast %get3A_1298 : i32 to index
        %get3A_1301 = arith.constant 112 : index
        %get3A_1302 = tpu.vector_load %arg8[%get3A_1299, %get3A_1300, %get3A_1301] {strides = array<i32>} : memref<2x32x128xf32, #tpu.memory_space<vmem>>, vector<16xf32>,
        %add3A_1303 = arith.addf %add3A_1297, %get3A_1302 : vector<16xf32>
        %get3A_1304 = arith.constant 21 : i32
        %get3A_1305 = arith.index_cast %rem3A_161 : i32 to index
        %get3A_1306 = arith.index_cast %get3A_1304 : i32 to index
        %get3A_1307 = arith.constant 112 : index
        %get3A_1308 = tpu.vector_load %arg8[%get3A_1305, %get3A_1306, %get3A_1307] {strides = array<i32>} : memref<2x32x128xf32, #tpu.memory_space<vmem>>, vector<16xf32>,
        %add3A_1309 = arith.addf %add3A_1303, %get3A_1308 : vector<16xf32>
        %get3A_1310 = arith.constant 22 : i32
        %get3A_1311 = arith.index_cast %rem3A_161 : i32 to index
        %get3A_1312 = arith.index_cast %get3A_1310 : i32 to index
        %get3A_1313 = arith.constant 112 : index
        %get3A_1314 = tpu.vector_load %arg8[%get3A_1311, %get3A_1312, %get3A_1313] {strides = array<i32>} : memref<2x32x128xf32, #tpu.memory_space<vmem>>, vector<16xf32>,
        %add3A_1315 = arith.addf %add3A_1309, %get3A_1314 : vector<16xf32>
        %get3A_1316 = arith.constant 23 : i32
        %get3A_1317 = arith.index_cast %rem3A_161 : i32 to index
        %get3A_1318 = arith.index_cast %get3A_1316 : i32 to index
        %get3A_1319 = arith.constant 112 : index
        %get3A_1320 = tpu.vector_load %arg8[%get3A_1317, %get3A_1318, %get3A_1319] {strides = array<i32>} : memref<2x32x128xf32, #tpu.memory_space<vmem>>, vector<16xf32>,
        %add3A_1321 = arith.addf %add3A_1315, %get3A_1320 : vector<16xf32>
        tpu.vector_store_idx %arg9[%add3A_22, %add3A_945], %add3A_1321 : memref<128x200xf32, #tpu.memory_space<vmem>>[vector<16xi32>, vector<16xi32>], vector<16xf32>,
        %add3A_1322 = arith.constant 3 : i32
        %add3A_1323 = vector.broadcast %add3A_1322 : i32 to vector<16xi32>
        %add3A_1324 = arith.addi %broadcast_in_dim3A_184, %add3A_1323 : vector<16xi32>
        %get3A_1325 = arith.constant 24 : i32
        %get3A_1326 = arith.index_cast %rem3A_161 : i32 to index
        %get3A_1327 = arith.index_cast %get3A_1325 : i32 to index
        %get3A_1328 = arith.constant 0 : index
        %get3A_1329 = tpu.vector_load %arg8[%get3A_1326, %get3A_1327, %get3A_1328] {strides = array<i32>} : memref<2x32x128xf32, #tpu.memory_space<vmem>>, vector<16xf32>,
        %get3A_1330 = arith.constant 25 : i32
        %get3A_1331 = arith.index_cast %rem3A_161 : i32 to index
        %get3A_1332 = arith.index_cast %get3A_1330 : i32 to index
        %get3A_1333 = arith.constant 0 : index
        %get3A_1334 = tpu.vector_load %arg8[%get3A_1331, %get3A_1332, %get3A_1333] {strides = array<i32>} : memref<2x32x128xf32, #tpu.memory_space<vmem>>, vector<16xf32>,
        %add3A_1335 = arith.addf %get3A_1329, %get3A_1334 : vector<16xf32>
        %get3A_1336 = arith.constant 26 : i32
        %get3A_1337 = arith.index_cast %rem3A_161 : i32 to index
        %get3A_1338 = arith.index_cast %get3A_1336 : i32 to index
        %get3A_1339 = arith.constant 0 : index
        %get3A_1340 = tpu.vector_load %arg8[%get3A_1337, %get3A_1338, %get3A_1339] {strides = array<i32>} : memref<2x32x128xf32, #tpu.memory_space<vmem>>, vector<16xf32>,
        %add3A_1341 = arith.addf %add3A_1335, %get3A_1340 : vector<16xf32>
        %get3A_1342 = arith.constant 27 : i32
        %get3A_1343 = arith.index_cast %rem3A_161 : i32 to index
        %get3A_1344 = arith.index_cast %get3A_1342 : i32 to index
        %get3A_1345 = arith.constant 0 : index
        %get3A_1346 = tpu.vector_load %arg8[%get3A_1343, %get3A_1344, %get3A_1345] {strides = array<i32>} : memref<2x32x128xf32, #tpu.memory_space<vmem>>, vector<16xf32>,
        %add3A_1347 = arith.addf %add3A_1341, %get3A_1346 : vector<16xf32>
        %get3A_1348 = arith.constant 28 : i32
        %get3A_1349 = arith.index_cast %rem3A_161 : i32 to index
        %get3A_1350 = arith.index_cast %get3A_1348 : i32 to index
        %get3A_1351 = arith.constant 0 : index
        %get3A_1352 = tpu.vector_load %arg8[%get3A_1349, %get3A_1350, %get3A_1351] {strides = array<i32>} : memref<2x32x128xf32, #tpu.memory_space<vmem>>, vector<16xf32>,
        %add3A_1353 = arith.addf %add3A_1347, %get3A_1352 : vector<16xf32>
        %get3A_1354 = arith.constant 29 : i32
        %get3A_1355 = arith.index_cast %rem3A_161 : i32 to index
        %get3A_1356 = arith.index_cast %get3A_1354 : i32 to index
        %get3A_1357 = arith.constant 0 : index
        %get3A_1358 = tpu.vector_load %arg8[%get3A_1355, %get3A_1356, %get3A_1357] {strides = array<i32>} : memref<2x32x128xf32, #tpu.memory_space<vmem>>, vector<16xf32>,
        %add3A_1359 = arith.addf %add3A_1353, %get3A_1358 : vector<16xf32>
        %get3A_1360 = arith.constant 30 : i32
        %get3A_1361 = arith.index_cast %rem3A_161 : i32 to index
        %get3A_1362 = arith.index_cast %get3A_1360 : i32 to index
        %get3A_1363 = arith.constant 0 : index
        %get3A_1364 = tpu.vector_load %arg8[%get3A_1361, %get3A_1362, %get3A_1363] {strides = array<i32>} : memref<2x32x128xf32, #tpu.memory_space<vmem>>, vector<16xf32>,
        %add3A_1365 = arith.addf %add3A_1359, %get3A_1364 : vector<16xf32>
        %get3A_1366 = arith.constant 31 : i32
        %get3A_1367 = arith.index_cast %rem3A_161 : i32 to index
        %get3A_1368 = arith.index_cast %get3A_1366 : i32 to index
        %get3A_1369 = arith.constant 0 : index
        %get3A_1370 = tpu.vector_load %arg8[%get3A_1367, %get3A_1368, %get3A_1369] {strides = array<i32>} : memref<2x32x128xf32, #tpu.memory_space<vmem>>, vector<16xf32>,
        %add3A_1371 = arith.addf %add3A_1365, %get3A_1370 : vector<16xf32>
        tpu.vector_store_idx %arg9[%add3A_1, %add3A_1324], %add3A_1371 : memref<128x200xf32, #tpu.memory_space<vmem>>[vector<16xi32>, vector<16xi32>], vector<16xf32>,
        %get3A_1372 = arith.constant 24 : i32
        %get3A_1373 = arith.index_cast %rem3A_161 : i32 to index
        %get3A_1374 = arith.index_cast %get3A_1372 : i32 to index
        %get3A_1375 = arith.constant 16 : index
        %get3A_1376 = tpu.vector_load %arg8[%get3A_1373, %get3A_1374, %get3A_1375] {strides = array<i32>} : memref<2x32x128xf32, #tpu.memory_space<vmem>>, vector<16xf32>,
        %get3A_1377 = arith.constant 25 : i32
        %get3A_1378 = arith.index_cast %rem3A_161 : i32 to index
        %get3A_1379 = arith.index_cast %get3A_1377 : i32 to index
        %get3A_1380 = arith.constant 16 : index
        %get3A_1381 = tpu.vector_load %arg8[%get3A_1378, %get3A_1379, %get3A_1380] {strides = array<i32>} : memref<2x32x128xf32, #tpu.memory_space<vmem>>, vector<16xf32>,
        %add3A_1382 = arith.addf %get3A_1376, %get3A_1381 : vector<16xf32>
        %get3A_1383 = arith.constant 26 : i32
        %get3A_1384 = arith.index_cast %rem3A_161 : i32 to index
        %get3A_1385 = arith.index_cast %get3A_1383 : i32 to index
        %get3A_1386 = arith.constant 16 : index
        %get3A_1387 = tpu.vector_load %arg8[%get3A_1384, %get3A_1385, %get3A_1386] {strides = array<i32>} : memref<2x32x128xf32, #tpu.memory_space<vmem>>, vector<16xf32>,
        %add3A_1388 = arith.addf %add3A_1382, %get3A_1387 : vector<16xf32>
        %get3A_1389 = arith.constant 27 : i32
        %get3A_1390 = arith.index_cast %rem3A_161 : i32 to index
        %get3A_1391 = arith.index_cast %get3A_1389 : i32 to index
        %get3A_1392 = arith.constant 16 : index
        %get3A_1393 = tpu.vector_load %arg8[%get3A_1390, %get3A_1391, %get3A_1392] {strides = array<i32>} : memref<2x32x128xf32, #tpu.memory_space<vmem>>, vector<16xf32>,
        %add3A_1394 = arith.addf %add3A_1388, %get3A_1393 : vector<16xf32>
        %get3A_1395 = arith.constant 28 : i32
        %get3A_1396 = arith.index_cast %rem3A_161 : i32 to index
        %get3A_1397 = arith.index_cast %get3A_1395 : i32 to index
        %get3A_1398 = arith.constant 16 : index
        %get3A_1399 = tpu.vector_load %arg8[%get3A_1396, %get3A_1397, %get3A_1398] {strides = array<i32>} : memref<2x32x128xf32, #tpu.memory_space<vmem>>, vector<16xf32>,
        %add3A_1400 = arith.addf %add3A_1394, %get3A_1399 : vector<16xf32>
        %get3A_1401 = arith.constant 29 : i32
        %get3A_1402 = arith.index_cast %rem3A_161 : i32 to index
        %get3A_1403 = arith.index_cast %get3A_1401 : i32 to index
        %get3A_1404 = arith.constant 16 : index
        %get3A_1405 = tpu.vector_load %arg8[%get3A_1402, %get3A_1403, %get3A_1404] {strides = array<i32>} : memref<2x32x128xf32, #tpu.memory_space<vmem>>, vector<16xf32>,
        %add3A_1406 = arith.addf %add3A_1400, %get3A_1405 : vector<16xf32>
        %get3A_1407 = arith.constant 30 : i32
        %get3A_1408 = arith.index_cast %rem3A_161 : i32 to index
        %get3A_1409 = arith.index_cast %get3A_1407 : i32 to index
        %get3A_1410 = arith.constant 16 : index
        %get3A_1411 = tpu.vector_load %arg8[%get3A_1408, %get3A_1409, %get3A_1410] {strides = array<i32>} : memref<2x32x128xf32, #tpu.memory_space<vmem>>, vector<16xf32>,
        %add3A_1412 = arith.addf %add3A_1406, %get3A_1411 : vector<16xf32>
        %get3A_1413 = arith.constant 31 : i32
        %get3A_1414 = arith.index_cast %rem3A_161 : i32 to index
        %get3A_1415 = arith.index_cast %get3A_1413 : i32 to index
        %get3A_1416 = arith.constant 16 : index
        %get3A_1417 = tpu.vector_load %arg8[%get3A_1414, %get3A_1415, %get3A_1416] {strides = array<i32>} : memref<2x32x128xf32, #tpu.memory_space<vmem>>, vector<16xf32>,
        %add3A_1418 = arith.addf %add3A_1412, %get3A_1417 : vector<16xf32>
        tpu.vector_store_idx %arg9[%add3A_4, %add3A_1324], %add3A_1418 : memref<128x200xf32, #tpu.memory_space<vmem>>[vector<16xi32>, vector<16xi32>], vector<16xf32>,
        %get3A_1419 = arith.constant 24 : i32
        %get3A_1420 = arith.index_cast %rem3A_161 : i32 to index
        %get3A_1421 = arith.index_cast %get3A_1419 : i32 to index
        %get3A_1422 = arith.constant 32 : index
        %get3A_1423 = tpu.vector_load %arg8[%get3A_1420, %get3A_1421, %get3A_1422] {strides = array<i32>} : memref<2x32x128xf32, #tpu.memory_space<vmem>>, vector<16xf32>,
        %get3A_1424 = arith.constant 25 : i32
        %get3A_1425 = arith.index_cast %rem3A_161 : i32 to index
        %get3A_1426 = arith.index_cast %get3A_1424 : i32 to index
        %get3A_1427 = arith.constant 32 : index
        %get3A_1428 = tpu.vector_load %arg8[%get3A_1425, %get3A_1426, %get3A_1427] {strides = array<i32>} : memref<2x32x128xf32, #tpu.memory_space<vmem>>, vector<16xf32>,
        %add3A_1429 = arith.addf %get3A_1423, %get3A_1428 : vector<16xf32>
        %get3A_1430 = arith.constant 26 : i32
        %get3A_1431 = arith.index_cast %rem3A_161 : i32 to index
        %get3A_1432 = arith.index_cast %get3A_1430 : i32 to index
        %get3A_1433 = arith.constant 32 : index
        %get3A_1434 = tpu.vector_load %arg8[%get3A_1431, %get3A_1432, %get3A_1433] {strides = array<i32>} : memref<2x32x128xf32, #tpu.memory_space<vmem>>, vector<16xf32>,
        %add3A_1435 = arith.addf %add3A_1429, %get3A_1434 : vector<16xf32>
        %get3A_1436 = arith.constant 27 : i32
        %get3A_1437 = arith.index_cast %rem3A_161 : i32 to index
        %get3A_1438 = arith.index_cast %get3A_1436 : i32 to index
        %get3A_1439 = arith.constant 32 : index
        %get3A_1440 = tpu.vector_load %arg8[%get3A_1437, %get3A_1438, %get3A_1439] {strides = array<i32>} : memref<2x32x128xf32, #tpu.memory_space<vmem>>, vector<16xf32>,
        %add3A_1441 = arith.addf %add3A_1435, %get3A_1440 : vector<16xf32>
        %get3A_1442 = arith.constant 28 : i32
        %get3A_1443 = arith.index_cast %rem3A_161 : i32 to index
        %get3A_1444 = arith.index_cast %get3A_1442 : i32 to index
        %get3A_1445 = arith.constant 32 : index
        %get3A_1446 = tpu.vector_load %arg8[%get3A_1443, %get3A_1444, %get3A_1445] {strides = array<i32>} : memref<2x32x128xf32, #tpu.memory_space<vmem>>, vector<16xf32>,
        %add3A_1447 = arith.addf %add3A_1441, %get3A_1446 : vector<16xf32>
        %get3A_1448 = arith.constant 29 : i32
        %get3A_1449 = arith.index_cast %rem3A_161 : i32 to index
        %get3A_1450 = arith.index_cast %get3A_1448 : i32 to index
        %get3A_1451 = arith.constant 32 : index
        %get3A_1452 = tpu.vector_load %arg8[%get3A_1449, %get3A_1450, %get3A_1451] {strides = array<i32>} : memref<2x32x128xf32, #tpu.memory_space<vmem>>, vector<16xf32>,
        %add3A_1453 = arith.addf %add3A_1447, %get3A_1452 : vector<16xf32>
        %get3A_1454 = arith.constant 30 : i32
        %get3A_1455 = arith.index_cast %rem3A_161 : i32 to index
        %get3A_1456 = arith.index_cast %get3A_1454 : i32 to index
        %get3A_1457 = arith.constant 32 : index
        %get3A_1458 = tpu.vector_load %arg8[%get3A_1455, %get3A_1456, %get3A_1457] {strides = array<i32>} : memref<2x32x128xf32, #tpu.memory_space<vmem>>, vector<16xf32>,
        %add3A_1459 = arith.addf %add3A_1453, %get3A_1458 : vector<16xf32>
        %get3A_1460 = arith.constant 31 : i32
        %get3A_1461 = arith.index_cast %rem3A_161 : i32 to index
        %get3A_1462 = arith.index_cast %get3A_1460 : i32 to index
        %get3A_1463 = arith.constant 32 : index
        %get3A_1464 = tpu.vector_load %arg8[%get3A_1461, %get3A_1462, %get3A_1463] {strides = array<i32>} : memref<2x32x128xf32, #tpu.memory_space<vmem>>, vector<16xf32>,
        %add3A_1465 = arith.addf %add3A_1459, %get3A_1464 : vector<16xf32>
        tpu.vector_store_idx %arg9[%add3A_7, %add3A_1324], %add3A_1465 : memref<128x200xf32, #tpu.memory_space<vmem>>[vector<16xi32>, vector<16xi32>], vector<16xf32>,
        %get3A_1466 = arith.constant 24 : i32
        %get3A_1467 = arith.index_cast %rem3A_161 : i32 to index
        %get3A_1468 = arith.index_cast %get3A_1466 : i32 to index
        %get3A_1469 = arith.constant 48 : index
        %get3A_1470 = tpu.vector_load %arg8[%get3A_1467, %get3A_1468, %get3A_1469] {strides = array<i32>} : memref<2x32x128xf32, #tpu.memory_space<vmem>>, vector<16xf32>,
        %get3A_1471 = arith.constant 25 : i32
        %get3A_1472 = arith.index_cast %rem3A_161 : i32 to index
        %get3A_1473 = arith.index_cast %get3A_1471 : i32 to index
        %get3A_1474 = arith.constant 48 : index
        %get3A_1475 = tpu.vector_load %arg8[%get3A_1472, %get3A_1473, %get3A_1474] {strides = array<i32>} : memref<2x32x128xf32, #tpu.memory_space<vmem>>, vector<16xf32>,
        %add3A_1476 = arith.addf %get3A_1470, %get3A_1475 : vector<16xf32>
        %get3A_1477 = arith.constant 26 : i32
        %get3A_1478 = arith.index_cast %rem3A_161 : i32 to index
        %get3A_1479 = arith.index_cast %get3A_1477 : i32 to index
        %get3A_1480 = arith.constant 48 : index
        %get3A_1481 = tpu.vector_load %arg8[%get3A_1478, %get3A_1479, %get3A_1480] {strides = array<i32>} : memref<2x32x128xf32, #tpu.memory_space<vmem>>, vector<16xf32>,
        %add3A_1482 = arith.addf %add3A_1476, %get3A_1481 : vector<16xf32>
        %get3A_1483 = arith.constant 27 : i32
        %get3A_1484 = arith.index_cast %rem3A_161 : i32 to index
        %get3A_1485 = arith.index_cast %get3A_1483 : i32 to index
        %get3A_1486 = arith.constant 48 : index
        %get3A_1487 = tpu.vector_load %arg8[%get3A_1484, %get3A_1485, %get3A_1486] {strides = array<i32>} : memref<2x32x128xf32, #tpu.memory_space<vmem>>, vector<16xf32>,
        %add3A_1488 = arith.addf %add3A_1482, %get3A_1487 : vector<16xf32>
        %get3A_1489 = arith.constant 28 : i32
        %get3A_1490 = arith.index_cast %rem3A_161 : i32 to index
        %get3A_1491 = arith.index_cast %get3A_1489 : i32 to index
        %get3A_1492 = arith.constant 48 : index
        %get3A_1493 = tpu.vector_load %arg8[%get3A_1490, %get3A_1491, %get3A_1492] {strides = array<i32>} : memref<2x32x128xf32, #tpu.memory_space<vmem>>, vector<16xf32>,
        %add3A_1494 = arith.addf %add3A_1488, %get3A_1493 : vector<16xf32>
        %get3A_1495 = arith.constant 29 : i32
        %get3A_1496 = arith.index_cast %rem3A_161 : i32 to index
        %get3A_1497 = arith.index_cast %get3A_1495 : i32 to index
        %get3A_1498 = arith.constant 48 : index
        %get3A_1499 = tpu.vector_load %arg8[%get3A_1496, %get3A_1497, %get3A_1498] {strides = array<i32>} : memref<2x32x128xf32, #tpu.memory_space<vmem>>, vector<16xf32>,
        %add3A_1500 = arith.addf %add3A_1494, %get3A_1499 : vector<16xf32>
        %get3A_1501 = arith.constant 30 : i32
        %get3A_1502 = arith.index_cast %rem3A_161 : i32 to index
        %get3A_1503 = arith.index_cast %get3A_1501 : i32 to index
        %get3A_1504 = arith.constant 48 : index
        %get3A_1505 = tpu.vector_load %arg8[%get3A_1502, %get3A_1503, %get3A_1504] {strides = array<i32>} : memref<2x32x128xf32, #tpu.memory_space<vmem>>, vector<16xf32>,
        %add3A_1506 = arith.addf %add3A_1500, %get3A_1505 : vector<16xf32>
        %get3A_1507 = arith.constant 31 : i32
        %get3A_1508 = arith.index_cast %rem3A_161 : i32 to index
        %get3A_1509 = arith.index_cast %get3A_1507 : i32 to index
        %get3A_1510 = arith.constant 48 : index
        %get3A_1511 = tpu.vector_load %arg8[%get3A_1508, %get3A_1509, %get3A_1510] {strides = array<i32>} : memref<2x32x128xf32, #tpu.memory_space<vmem>>, vector<16xf32>,
        %add3A_1512 = arith.addf %add3A_1506, %get3A_1511 : vector<16xf32>
        tpu.vector_store_idx %arg9[%add3A_10, %add3A_1324], %add3A_1512 : memref<128x200xf32, #tpu.memory_space<vmem>>[vector<16xi32>, vector<16xi32>], vector<16xf32>,
        %get3A_1513 = arith.constant 24 : i32
        %get3A_1514 = arith.index_cast %rem3A_161 : i32 to index
        %get3A_1515 = arith.index_cast %get3A_1513 : i32 to index
        %get3A_1516 = arith.constant 64 : index
        %get3A_1517 = tpu.vector_load %arg8[%get3A_1514, %get3A_1515, %get3A_1516] {strides = array<i32>} : memref<2x32x128xf32, #tpu.memory_space<vmem>>, vector<16xf32>,
        %get3A_1518 = arith.constant 25 : i32
        %get3A_1519 = arith.index_cast %rem3A_161 : i32 to index
        %get3A_1520 = arith.index_cast %get3A_1518 : i32 to index
        %get3A_1521 = arith.constant 64 : index
        %get3A_1522 = tpu.vector_load %arg8[%get3A_1519, %get3A_1520, %get3A_1521] {strides = array<i32>} : memref<2x32x128xf32, #tpu.memory_space<vmem>>, vector<16xf32>,
        %add3A_1523 = arith.addf %get3A_1517, %get3A_1522 : vector<16xf32>
        %get3A_1524 = arith.constant 26 : i32
        %get3A_1525 = arith.index_cast %rem3A_161 : i32 to index
        %get3A_1526 = arith.index_cast %get3A_1524 : i32 to index
        %get3A_1527 = arith.constant 64 : index
        %get3A_1528 = tpu.vector_load %arg8[%get3A_1525, %get3A_1526, %get3A_1527] {strides = array<i32>} : memref<2x32x128xf32, #tpu.memory_space<vmem>>, vector<16xf32>,
        %add3A_1529 = arith.addf %add3A_1523, %get3A_1528 : vector<16xf32>
        %get3A_1530 = arith.constant 27 : i32
        %get3A_1531 = arith.index_cast %rem3A_161 : i32 to index
        %get3A_1532 = arith.index_cast %get3A_1530 : i32 to index
        %get3A_1533 = arith.constant 64 : index
        %get3A_1534 = tpu.vector_load %arg8[%get3A_1531, %get3A_1532, %get3A_1533] {strides = array<i32>} : memref<2x32x128xf32, #tpu.memory_space<vmem>>, vector<16xf32>,
        %add3A_1535 = arith.addf %add3A_1529, %get3A_1534 : vector<16xf32>
        %get3A_1536 = arith.constant 28 : i32
        %get3A_1537 = arith.index_cast %rem3A_161 : i32 to index
        %get3A_1538 = arith.index_cast %get3A_1536 : i32 to index
        %get3A_1539 = arith.constant 64 : index
        %get3A_1540 = tpu.vector_load %arg8[%get3A_1537, %get3A_1538, %get3A_1539] {strides = array<i32>} : memref<2x32x128xf32, #tpu.memory_space<vmem>>, vector<16xf32>,
        %add3A_1541 = arith.addf %add3A_1535, %get3A_1540 : vector<16xf32>
        %get3A_1542 = arith.constant 29 : i32
        %get3A_1543 = arith.index_cast %rem3A_161 : i32 to index
        %get3A_1544 = arith.index_cast %get3A_1542 : i32 to index
        %get3A_1545 = arith.constant 64 : index
        %get3A_1546 = tpu.vector_load %arg8[%get3A_1543, %get3A_1544, %get3A_1545] {strides = array<i32>} : memref<2x32x128xf32, #tpu.memory_space<vmem>>, vector<16xf32>,
        %add3A_1547 = arith.addf %add3A_1541, %get3A_1546 : vector<16xf32>
        %get3A_1548 = arith.constant 30 : i32
        %get3A_1549 = arith.index_cast %rem3A_161 : i32 to index
        %get3A_1550 = arith.index_cast %get3A_1548 : i32 to index
        %get3A_1551 = arith.constant 64 : index
        %get3A_1552 = tpu.vector_load %arg8[%get3A_1549, %get3A_1550, %get3A_1551] {strides = array<i32>} : memref<2x32x128xf32, #tpu.memory_space<vmem>>, vector<16xf32>,
        %add3A_1553 = arith.addf %add3A_1547, %get3A_1552 : vector<16xf32>
        %get3A_1554 = arith.constant 31 : i32
        %get3A_1555 = arith.index_cast %rem3A_161 : i32 to index
        %get3A_1556 = arith.index_cast %get3A_1554 : i32 to index
        %get3A_1557 = arith.constant 64 : index
        %get3A_1558 = tpu.vector_load %arg8[%get3A_1555, %get3A_1556, %get3A_1557] {strides = array<i32>} : memref<2x32x128xf32, #tpu.memory_space<vmem>>, vector<16xf32>,
        %add3A_1559 = arith.addf %add3A_1553, %get3A_1558 : vector<16xf32>
        tpu.vector_store_idx %arg9[%add3A_13, %add3A_1324], %add3A_1559 : memref<128x200xf32, #tpu.memory_space<vmem>>[vector<16xi32>, vector<16xi32>], vector<16xf32>,
        %get3A_1560 = arith.constant 24 : i32
        %get3A_1561 = arith.index_cast %rem3A_161 : i32 to index
        %get3A_1562 = arith.index_cast %get3A_1560 : i32 to index
        %get3A_1563 = arith.constant 80 : index
        %get3A_1564 = tpu.vector_load %arg8[%get3A_1561, %get3A_1562, %get3A_1563] {strides = array<i32>} : memref<2x32x128xf32, #tpu.memory_space<vmem>>, vector<16xf32>,
        %get3A_1565 = arith.constant 25 : i32
        %get3A_1566 = arith.index_cast %rem3A_161 : i32 to index
        %get3A_1567 = arith.index_cast %get3A_1565 : i32 to index
        %get3A_1568 = arith.constant 80 : index
        %get3A_1569 = tpu.vector_load %arg8[%get3A_1566, %get3A_1567, %get3A_1568] {strides = array<i32>} : memref<2x32x128xf32, #tpu.memory_space<vmem>>, vector<16xf32>,
        %add3A_1570 = arith.addf %get3A_1564, %get3A_1569 : vector<16xf32>
        %get3A_1571 = arith.constant 26 : i32
        %get3A_1572 = arith.index_cast %rem3A_161 : i32 to index
        %get3A_1573 = arith.index_cast %get3A_1571 : i32 to index
        %get3A_1574 = arith.constant 80 : index
        %get3A_1575 = tpu.vector_load %arg8[%get3A_1572, %get3A_1573, %get3A_1574] {strides = array<i32>} : memref<2x32x128xf32, #tpu.memory_space<vmem>>, vector<16xf32>,
        %add3A_1576 = arith.addf %add3A_1570, %get3A_1575 : vector<16xf32>
        %get3A_1577 = arith.constant 27 : i32
        %get3A_1578 = arith.index_cast %rem3A_161 : i32 to index
        %get3A_1579 = arith.index_cast %get3A_1577 : i32 to index
        %get3A_1580 = arith.constant 80 : index
        %get3A_1581 = tpu.vector_load %arg8[%get3A_1578, %get3A_1579, %get3A_1580] {strides = array<i32>} : memref<2x32x128xf32, #tpu.memory_space<vmem>>, vector<16xf32>,
        %add3A_1582 = arith.addf %add3A_1576, %get3A_1581 : vector<16xf32>
        %get3A_1583 = arith.constant 28 : i32
        %get3A_1584 = arith.index_cast %rem3A_161 : i32 to index
        %get3A_1585 = arith.index_cast %get3A_1583 : i32 to index
        %get3A_1586 = arith.constant 80 : index
        %get3A_1587 = tpu.vector_load %arg8[%get3A_1584, %get3A_1585, %get3A_1586] {strides = array<i32>} : memref<2x32x128xf32, #tpu.memory_space<vmem>>, vector<16xf32>,
        %add3A_1588 = arith.addf %add3A_1582, %get3A_1587 : vector<16xf32>
        %get3A_1589 = arith.constant 29 : i32
        %get3A_1590 = arith.index_cast %rem3A_161 : i32 to index
        %get3A_1591 = arith.index_cast %get3A_1589 : i32 to index
        %get3A_1592 = arith.constant 80 : index
        %get3A_1593 = tpu.vector_load %arg8[%get3A_1590, %get3A_1591, %get3A_1592] {strides = array<i32>} : memref<2x32x128xf32, #tpu.memory_space<vmem>>, vector<16xf32>,
        %add3A_1594 = arith.addf %add3A_1588, %get3A_1593 : vector<16xf32>
        %get3A_1595 = arith.constant 30 : i32
        %get3A_1596 = arith.index_cast %rem3A_161 : i32 to index
        %get3A_1597 = arith.index_cast %get3A_1595 : i32 to index
        %get3A_1598 = arith.constant 80 : index
        %get3A_1599 = tpu.vector_load %arg8[%get3A_1596, %get3A_1597, %get3A_1598] {strides = array<i32>} : memref<2x32x128xf32, #tpu.memory_space<vmem>>, vector<16xf32>,
        %add3A_1600 = arith.addf %add3A_1594, %get3A_1599 : vector<16xf32>
        %get3A_1601 = arith.constant 31 : i32
        %get3A_1602 = arith.index_cast %rem3A_161 : i32 to index
        %get3A_1603 = arith.index_cast %get3A_1601 : i32 to index
        %get3A_1604 = arith.constant 80 : index
        %get3A_1605 = tpu.vector_load %arg8[%get3A_1602, %get3A_1603, %get3A_1604] {strides = array<i32>} : memref<2x32x128xf32, #tpu.memory_space<vmem>>, vector<16xf32>,
        %add3A_1606 = arith.addf %add3A_1600, %get3A_1605 : vector<16xf32>
        tpu.vector_store_idx %arg9[%add3A_16, %add3A_1324], %add3A_1606 : memref<128x200xf32, #tpu.memory_space<vmem>>[vector<16xi32>, vector<16xi32>], vector<16xf32>,
        %get3A_1607 = arith.constant 24 : i32
        %get3A_1608 = arith.index_cast %rem3A_161 : i32 to index
        %get3A_1609 = arith.index_cast %get3A_1607 : i32 to index
        %get3A_1610 = arith.constant 96 : index
        %get3A_1611 = tpu.vector_load %arg8[%get3A_1608, %get3A_1609, %get3A_1610] {strides = array<i32>} : memref<2x32x128xf32, #tpu.memory_space<vmem>>, vector<16xf32>,
        %get3A_1612 = arith.constant 25 : i32
        %get3A_1613 = arith.index_cast %rem3A_161 : i32 to index
        %get3A_1614 = arith.index_cast %get3A_1612 : i32 to index
        %get3A_1615 = arith.constant 96 : index
        %get3A_1616 = tpu.vector_load %arg8[%get3A_1613, %get3A_1614, %get3A_1615] {strides = array<i32>} : memref<2x32x128xf32, #tpu.memory_space<vmem>>, vector<16xf32>,
        %add3A_1617 = arith.addf %get3A_1611, %get3A_1616 : vector<16xf32>
        %get3A_1618 = arith.constant 26 : i32
        %get3A_1619 = arith.index_cast %rem3A_161 : i32 to index
        %get3A_1620 = arith.index_cast %get3A_1618 : i32 to index
        %get3A_1621 = arith.constant 96 : index
        %get3A_1622 = tpu.vector_load %arg8[%get3A_1619, %get3A_1620, %get3A_1621] {strides = array<i32>} : memref<2x32x128xf32, #tpu.memory_space<vmem>>, vector<16xf32>,
        %add3A_1623 = arith.addf %add3A_1617, %get3A_1622 : vector<16xf32>
        %get3A_1624 = arith.constant 27 : i32
        %get3A_1625 = arith.index_cast %rem3A_161 : i32 to index
        %get3A_1626 = arith.index_cast %get3A_1624 : i32 to index
        %get3A_1627 = arith.constant 96 : index
        %get3A_1628 = tpu.vector_load %arg8[%get3A_1625, %get3A_1626, %get3A_1627] {strides = array<i32>} : memref<2x32x128xf32, #tpu.memory_space<vmem>>, vector<16xf32>,
        %add3A_1629 = arith.addf %add3A_1623, %get3A_1628 : vector<16xf32>
        %get3A_1630 = arith.constant 28 : i32
        %get3A_1631 = arith.index_cast %rem3A_161 : i32 to index
        %get3A_1632 = arith.index_cast %get3A_1630 : i32 to index
        %get3A_1633 = arith.constant 96 : index
        %get3A_1634 = tpu.vector_load %arg8[%get3A_1631, %get3A_1632, %get3A_1633] {strides = array<i32>} : memref<2x32x128xf32, #tpu.memory_space<vmem>>, vector<16xf32>,
        %add3A_1635 = arith.addf %add3A_1629, %get3A_1634 : vector<16xf32>
        %get3A_1636 = arith.constant 29 : i32
        %get3A_1637 = arith.index_cast %rem3A_161 : i32 to index
        %get3A_1638 = arith.index_cast %get3A_1636 : i32 to index
        %get3A_1639 = arith.constant 96 : index
        %get3A_1640 = tpu.vector_load %arg8[%get3A_1637, %get3A_1638, %get3A_1639] {strides = array<i32>} : memref<2x32x128xf32, #tpu.memory_space<vmem>>, vector<16xf32>,
        %add3A_1641 = arith.addf %add3A_1635, %get3A_1640 : vector<16xf32>
        %get3A_1642 = arith.constant 30 : i32
        %get3A_1643 = arith.index_cast %rem3A_161 : i32 to index
        %get3A_1644 = arith.index_cast %get3A_1642 : i32 to index
        %get3A_1645 = arith.constant 96 : index
        %get3A_1646 = tpu.vector_load %arg8[%get3A_1643, %get3A_1644, %get3A_1645] {strides = array<i32>} : memref<2x32x128xf32, #tpu.memory_space<vmem>>, vector<16xf32>,
        %add3A_1647 = arith.addf %add3A_1641, %get3A_1646 : vector<16xf32>
        %get3A_1648 = arith.constant 31 : i32
        %get3A_1649 = arith.index_cast %rem3A_161 : i32 to index
        %get3A_1650 = arith.index_cast %get3A_1648 : i32 to index
        %get3A_1651 = arith.constant 96 : index
        %get3A_1652 = tpu.vector_load %arg8[%get3A_1649, %get3A_1650, %get3A_1651] {strides = array<i32>} : memref<2x32x128xf32, #tpu.memory_space<vmem>>, vector<16xf32>,
        %add3A_1653 = arith.addf %add3A_1647, %get3A_1652 : vector<16xf32>
        tpu.vector_store_idx %arg9[%add3A_19, %add3A_1324], %add3A_1653 : memref<128x200xf32, #tpu.memory_space<vmem>>[vector<16xi32>, vector<16xi32>], vector<16xf32>,
        %get3A_1654 = arith.constant 24 : i32
        %get3A_1655 = arith.index_cast %rem3A_161 : i32 to index
        %get3A_1656 = arith.index_cast %get3A_1654 : i32 to index
        %get3A_1657 = arith.constant 112 : index
        %get3A_1658 = tpu.vector_load %arg8[%get3A_1655, %get3A_1656, %get3A_1657] {strides = array<i32>} : memref<2x32x128xf32, #tpu.memory_space<vmem>>, vector<16xf32>,
        %get3A_1659 = arith.constant 25 : i32
        %get3A_1660 = arith.index_cast %rem3A_161 : i32 to index
        %get3A_1661 = arith.index_cast %get3A_1659 : i32 to index
        %get3A_1662 = arith.constant 112 : index
        %get3A_1663 = tpu.vector_load %arg8[%get3A_1660, %get3A_1661, %get3A_1662] {strides = array<i32>} : memref<2x32x128xf32, #tpu.memory_space<vmem>>, vector<16xf32>,
        %add3A_1664 = arith.addf %get3A_1658, %get3A_1663 : vector<16xf32>
        %get3A_1665 = arith.constant 26 : i32
        %get3A_1666 = arith.index_cast %rem3A_161 : i32 to index
        %get3A_1667 = arith.index_cast %get3A_1665 : i32 to index
        %get3A_1668 = arith.constant 112 : index
        %get3A_1669 = tpu.vector_load %arg8[%get3A_1666, %get3A_1667, %get3A_1668] {strides = array<i32>} : memref<2x32x128xf32, #tpu.memory_space<vmem>>, vector<16xf32>,
        %add3A_1670 = arith.addf %add3A_1664, %get3A_1669 : vector<16xf32>
        %get3A_1671 = arith.constant 27 : i32
        %get3A_1672 = arith.index_cast %rem3A_161 : i32 to index
        %get3A_1673 = arith.index_cast %get3A_1671 : i32 to index
        %get3A_1674 = arith.constant 112 : index
        %get3A_1675 = tpu.vector_load %arg8[%get3A_1672, %get3A_1673, %get3A_1674] {strides = array<i32>} : memref<2x32x128xf32, #tpu.memory_space<vmem>>, vector<16xf32>,
        %add3A_1676 = arith.addf %add3A_1670, %get3A_1675 : vector<16xf32>
        %get3A_1677 = arith.constant 28 : i32
        %get3A_1678 = arith.index_cast %rem3A_161 : i32 to index
        %get3A_1679 = arith.index_cast %get3A_1677 : i32 to index
        %get3A_1680 = arith.constant 112 : index
        %get3A_1681 = tpu.vector_load %arg8[%get3A_1678, %get3A_1679, %get3A_1680] {strides = array<i32>} : memref<2x32x128xf32, #tpu.memory_space<vmem>>, vector<16xf32>,
        %add3A_1682 = arith.addf %add3A_1676, %get3A_1681 : vector<16xf32>
        %get3A_1683 = arith.constant 29 : i32
        %get3A_1684 = arith.index_cast %rem3A_161 : i32 to index
        %get3A_1685 = arith.index_cast %get3A_1683 : i32 to index
        %get3A_1686 = arith.constant 112 : index
        %get3A_1687 = tpu.vector_load %arg8[%get3A_1684, %get3A_1685, %get3A_1686] {strides = array<i32>} : memref<2x32x128xf32, #tpu.memory_space<vmem>>, vector<16xf32>,
        %add3A_1688 = arith.addf %add3A_1682, %get3A_1687 : vector<16xf32>
        %get3A_1689 = arith.constant 30 : i32
        %get3A_1690 = arith.index_cast %rem3A_161 : i32 to index
        %get3A_1691 = arith.index_cast %get3A_1689 : i32 to index
        %get3A_1692 = arith.constant 112 : index
        %get3A_1693 = tpu.vector_load %arg8[%get3A_1690, %get3A_1691, %get3A_1692] {strides = array<i32>} : memref<2x32x128xf32, #tpu.memory_space<vmem>>, vector<16xf32>,
        %add3A_1694 = arith.addf %add3A_1688, %get3A_1693 : vector<16xf32>
        %get3A_1695 = arith.constant 31 : i32
        %get3A_1696 = arith.index_cast %rem3A_161 : i32 to index
        %get3A_1697 = arith.index_cast %get3A_1695 : i32 to index
        %get3A_1698 = arith.constant 112 : index
        %get3A_1699 = tpu.vector_load %arg8[%get3A_1696, %get3A_1697, %get3A_1698] {strides = array<i32>} : memref<2x32x128xf32, #tpu.memory_space<vmem>>, vector<16xf32>,
        %add3A_1700 = arith.addf %add3A_1694, %get3A_1699 : vector<16xf32>
        tpu.vector_store_idx %arg9[%add3A_22, %add3A_1324], %add3A_1700 : memref<128x200xf32, #tpu.memory_space<vmem>>[vector<16xi32>, vector<16xi32>], vector<16xf32>,
        %while3A_1701 = arith.constant 0 : i32
        scf.yield %while3A_1701 : i32
      }
      %while3A_142 = arith.constant 200 : i32
      %while3A_143 = arith.constant 0 : i32
      %while3A_144 = arith.subi %while3A_142, %min3A : i32
      %while3A_145 = arith.addi %min3A, %while3A_144 : i32
      %while3A_146 = arith.constant 1 : i32
      %while3A_147 = arith.divsi %while3A_144, %while3A_146 : i32
      %while3A_148 = arith.muli %while3A_147, %while3A_146 : i32
      %while3A_149 = arith.addi %min3A, %while3A_148 : i32
      %while3A_150 = arith.constant 1 : i32
      %while3A_151 = scf.for %while3A_158 = %min3A to %while3A_149 step %while3A_150 iter_args(%while3A_159 = %while3A_143) -> (i32)  : i32 {
        %broadcast_in_dim3A_160 = vector.broadcast %while3A_158 : i32 to vector<16xi32>
        tpu.vector_store_idx %arg9[%add3A_1, %broadcast_in_dim3A_160], %broadcast_in_dim3A_23 : memref<128x200xf32, #tpu.memory_space<vmem>>[vector<16xi32>, vector<16xi32>], vector<16xf32>,
        tpu.vector_store_idx %arg9[%add3A_4, %broadcast_in_dim3A_160], %broadcast_in_dim3A_23 : memref<128x200xf32, #tpu.memory_space<vmem>>[vector<16xi32>, vector<16xi32>], vector<16xf32>,
        tpu.vector_store_idx %arg9[%add3A_7, %broadcast_in_dim3A_160], %broadcast_in_dim3A_23 : memref<128x200xf32, #tpu.memory_space<vmem>>[vector<16xi32>, vector<16xi32>], vector<16xf32>,
        tpu.vector_store_idx %arg9[%add3A_10, %broadcast_in_dim3A_160], %broadcast_in_dim3A_23 : memref<128x200xf32, #tpu.memory_space<vmem>>[vector<16xi32>, vector<16xi32>], vector<16xf32>,
        tpu.vector_store_idx %arg9[%add3A_13, %broadcast_in_dim3A_160], %broadcast_in_dim3A_23 : memref<128x200xf32, #tpu.memory_space<vmem>>[vector<16xi32>, vector<16xi32>], vector<16xf32>,
        tpu.vector_store_idx %arg9[%add3A_16, %broadcast_in_dim3A_160], %broadcast_in_dim3A_23 : memref<128x200xf32, #tpu.memory_space<vmem>>[vector<16xi32>, vector<16xi32>], vector<16xf32>,
        tpu.vector_store_idx %arg9[%add3A_19, %broadcast_in_dim3A_160], %broadcast_in_dim3A_23 : memref<128x200xf32, #tpu.memory_space<vmem>>[vector<16xi32>, vector<16xi32>], vector<16xf32>,
        tpu.vector_store_idx %arg9[%add3A_22, %broadcast_in_dim3A_160], %broadcast_in_dim3A_23 : memref<128x200xf32, #tpu.memory_space<vmem>>[vector<16xi32>, vector<16xi32>], vector<16xf32>,
        %while3A_161 = arith.constant 0 : i32
        scf.yield %while3A_161 : i32
      }
      %while3A_152 = arith.constant 1 : i32
      %while3A_153 = scf.for %while3A_158 = %while3A_149 to %while3A_145 step %while3A_152 iter_args(%while3A_159 = %while3A_151) -> (i32)  : i32 {
        %broadcast_in_dim3A_160 = vector.broadcast %while3A_158 : i32 to vector<16xi32>
        tpu.vector_store_idx %arg9[%add3A_1, %broadcast_in_dim3A_160], %broadcast_in_dim3A_23 : memref<128x200xf32, #tpu.memory_space<vmem>>[vector<16xi32>, vector<16xi32>], vector<16xf32>,
        tpu.vector_store_idx %arg9[%add3A_4, %broadcast_in_dim3A_160], %broadcast_in_dim3A_23 : memref<128x200xf32, #tpu.memory_space<vmem>>[vector<16xi32>, vector<16xi32>], vector<16xf32>,
        tpu.vector_store_idx %arg9[%add3A_7, %broadcast_in_dim3A_160], %broadcast_in_dim3A_23 : memref<128x200xf32, #tpu.memory_space<vmem>>[vector<16xi32>, vector<16xi32>], vector<16xf32>,
        tpu.vector_store_idx %arg9[%add3A_10, %broadcast_in_dim3A_160], %broadcast_in_dim3A_23 : memref<128x200xf32, #tpu.memory_space<vmem>>[vector<16xi32>, vector<16xi32>], vector<16xf32>,
        tpu.vector_store_idx %arg9[%add3A_13, %broadcast_in_dim3A_160], %broadcast_in_dim3A_23 : memref<128x200xf32, #tpu.memory_space<vmem>>[vector<16xi32>, vector<16xi32>], vector<16xf32>,
        tpu.vector_store_idx %arg9[%add3A_16, %broadcast_in_dim3A_160], %broadcast_in_dim3A_23 : memref<128x200xf32, #tpu.memory_space<vmem>>[vector<16xi32>, vector<16xi32>], vector<16xf32>,
        tpu.vector_store_idx %arg9[%add3A_19, %broadcast_in_dim3A_160], %broadcast_in_dim3A_23 : memref<128x200xf32, #tpu.memory_space<vmem>>[vector<16xi32>, vector<16xi32>], vector<16xf32>,
        tpu.vector_store_idx %arg9[%add3A_22, %broadcast_in_dim3A_160], %broadcast_in_dim3A_23 : memref<128x200xf32, #tpu.memory_space<vmem>>[vector<16xi32>, vector<16xi32>], vector<16xf32>,
        %while3A_161 = arith.constant 0 : i32
        scf.yield %while3A_161 : i32
      }
      "tpu.region"() ({
        %run_scoped3A = tpu.sem_alloc : memref<!tpu.dma_semaphore, #tpu.memory_space<semaphore_mem>>
        %dma_start3A = arith.constant 0 : i32
        %dma_start3A_158 = tpu.memref_slice %arg5[%add3A_78, %dma_start3A, %multiple_of3A] : memref<16x128x2000xf32, #tpu.memory_space<hbm>> -> memref<1x128x200xf32, #tpu.memory_space<hbm>>
        %dma_start3A_159 = tpu.memref_squeeze %dma_start3A_158 : memref<1x128x200xf32, #tpu.memory_space<hbm>> -> memref<128x200xf32, #tpu.memory_space<hbm>>
        %dma_start3A_160 = arith.constant 0 : i32
        %dma_start3A_161 = tpu.memref_slice %arg5[%add3A_78, %dma_start3A_160, %multiple_of3A] : memref<16x128x2000xf32, #tpu.memory_space<hbm>> -> memref<1x128x200xf32, #tpu.memory_space<hbm>>
        %dma_start3A_162 = tpu.memref_squeeze %dma_start3A_161 : memref<1x128x200xf32, #tpu.memory_space<hbm>> -> memref<128x200xf32, #tpu.memory_space<hbm>>
        tpu.enqueue_dma source(%arg9 : memref<128x200xf32, #tpu.memory_space<vmem>>) target(%dma_start3A_162 : memref<128x200xf32, #tpu.memory_space<hbm>>) target_semaphore(%run_scoped3A : memref<!tpu.dma_semaphore, #tpu.memory_space<semaphore_mem>>)
        %dma_wait3A = arith.constant 0 : i32
        %dma_wait3A_163 = tpu.memref_slice %arg5[%add3A_78, %dma_wait3A, %multiple_of3A] : memref<16x128x2000xf32, #tpu.memory_space<hbm>> -> memref<1x128x200xf32, #tpu.memory_space<hbm>>
        %dma_wait3A_164 = tpu.memref_squeeze %dma_wait3A_163 : memref<1x128x200xf32, #tpu.memory_space<hbm>> -> memref<128x200xf32, #tpu.memory_space<hbm>>
        %dma_wait3A_165 = arith.constant 0 : i32
        %dma_wait3A_166 = tpu.memref_slice %arg5[%add3A_78, %dma_wait3A_165, %multiple_of3A] : memref<16x128x2000xf32, #tpu.memory_space<hbm>> -> memref<1x128x200xf32, #tpu.memory_space<hbm>>
        %dma_wait3A_167 = tpu.memref_squeeze %dma_wait3A_166 : memref<1x128x200xf32, #tpu.memory_space<hbm>> -> memref<128x200xf32, #tpu.memory_space<hbm>>
        tpu.wait_dma2 semaphore(%run_scoped3A : memref<!tpu.dma_semaphore, #tpu.memory_space<semaphore_mem>>) src(%arg9 : memref<128x200xf32, #tpu.memory_space<vmem>>) dst(%dma_wait3A_167 : memref<128x200xf32, #tpu.memory_space<hbm>>)
        tpu.yield
      }) : () -> ()
      %sc_fetch_and_add3A_154 = arith.constant 1 : i32
      %sc_fetch_and_add3A_155 = arith.constant 0 : i32
      %sc_fetch_and_add3A_156 = arith.constant 0 : i32
      %sc_fetch_and_add3A_157 = tpu.fetch_and_add_sync %arg11[%sc_fetch_and_add3A_155], %sc_fetch_and_add3A_154, %sc_fetch_and_add3A_156 : memref<1xi32, #tpu.memory_space<smem>>, i32 -> i32
      scf.yield %sc_fetch_and_add3A_157 : i32
    }
    return
  }
}

</mosaic_0001>

<sc_bundles>
// kernel: kernel.3.cloned.1.call-start
scs
__scs_entry_jumppad:
0x0: {  	(pc) =	sbr.rel $0x88, $3  }
0x1: {  	(tag) =	ssettag $0x0;
	lr =	simm.s32 $0x1  }
0x2: {  	[smem:$0x3F9E] =	sst lr;
	_ =	strace $0xD0000000  }
0x3: {  	_ = 	snop  }
0x4: {  	_ = 	snop  }
0x5: {  	_ = 	snop  }
0x6: {  	_ = 	snop  }
0x7: {  	_ = 	snop  }
__scs_overlays_trampoline_lowered:
0x8: {  	[smem:$0x3FAD] =	sst s0  }
0x9: {  	[smem:$0x3FAE] =	sst s1  }
0xa: {  	[smem:$0x3FAF] =	sst s2  }
0xb: {  	[smem:$0x3FB0] =	sst s3  }
0xc: {  	[smem:$0x3FB1] =	sst s4  }
0xd: {  	[smem:$0x3FB2] =	sst s5  }
0xe: {  	[smem:$0x3FB3] =	sst s6  }
0xf: {  	[smem:$0x3FB4] =	sst s7  }
0x10: {  	[smem:$0x3FB5] =	sst s8  }
0x11: {  	[smem:$0x3FB6] =	sst s9;
	s0 =	simm.s32 @!p0 $0x0  }
0x12: {  	s1 =	sld [smem:$0x3F9C];
	s0 =	simm.s32 @p0 $0x1  }
0x13: {  	[smem:$0x3FB7] =	sst s0;
	s0 =	simm.s32 @!p1 $0x0  }
0x14: {  	s2 =	sld [smem:$0x3F9B];
	s0 =	simm.s32 @p1 $0x1  }
0x15: {  	[smem:$0x3FB8] =	sst s0;
	s0 =	simm.s32 @!p2 $0x0  }
0x16: {  	s3 =	sld [smem:$0x3FDB];
	s0 =	simm.s32 @p2 $0x1  }
0x17: {  	s4 =	simm.s32 $0x1BF5;
	[smem:$0x3FBA] =	sst s0  }
0x18: {  	s0 =	sld [smem:$0x3F9D];
	_ =	swait.ge [sflag:s4], $0x0  }
0x19: {  	s7 =	sld [smem:$0x3F9E]  }
0x1a: {  	s8 =	sadd.s32 $0xFFFFE003, lr  }
0x1b: {  	s9 =	sadd.s32 $0xFFFFFEF7, lr;
	s5 =	simm.s32 $0xFFFFFFFF;
	p2 =	slt.u32 s8, $0xFFFFF086  }
0x1c: {  	p1 =	slt.u32 s9, $0xF7A;
	s5 =	simm.s32 @!p2 $0x0  }
0x1d: {  	s5 =	simm.s32 @p1 $0x1;
	p0 =	seq.s32 s7, s2  }
0x1e: {  	s7 =	smul.u32 @!p0 $0xF7A, s2;
	p2 =	seq.s32 @!p0 s5, $0x0  }
0x1f: {  	s9 =	smul.u32 $0xF7A, s1;
	s8 =	simm.s32 @!p0 $0x1BF5;
	p2 =	por !p2, p0  }
0x20: {  	[sflag:s8] =	ssyncset.s32 @!p0 $0xFFFFF086;
	s6 =	sadd.s32 @!p0 s3, s7;
	s7 =	simm.s32 @!p0 $0x108  }
0x21: {  	s3 =	sadd.s32 s3, s9;
	s6 =	sadd.s32 @!p0 $0x88, s6;
	s7 =	simm.s32 @p2 $0x1082  }
0x22: {  	[simem:s7], [sflag:s8] =	dma.local @!p0 [hbm:s6], $0xF7A  }
0x23: {  	s9 =	sor.u32 $0xD0000000, s2;
	s6 =	simm.s32 $0x108;
	_ =	swait.ge @!p0 [sflag:s8], $0x0  }
0x24: {  	s3 =	sadd.s32 $0x88, s3;
	s6 =	simm.s32 @!p1 $0x1082;
	[sflag:s4] =	ssyncset.s32 $0xFFFFF086  }
0x25: {  	[simem:s6], [sflag:s4] =	dma.local [hbm:s3], $0xF7A  }
0x26: {  	[smem:$0x3F9E] =	sst s1;
	(tag) =	ssettag s2;
	_ =	strace s9  }
0x27: {  	s1 =	sld [smem:$0x3FAE]  }
0x28: {  	s2 =	sld [smem:$0x3FAF]  }
0x29: {  	s4 =	sld [smem:$0x3FB1]  }
0x2a: {  	p0 =	seq.s32 s5, $0x0;
	s5 =	sld [smem:$0x3FB2]  }
0x2b: {  	s6 =	sld [smem:$0x3FB3]  }
0x2c: {  	s7 =	sld [smem:$0x3FB4]  }
0x2d: {  	s3 =	simm.s32 $0x108;
	s8 =	sld [smem:$0x3FB5]  }
0x2e: {  	s3 =	simm.s32 @!p0 $0x1082;
	s9 =	sld [smem:$0x3FB6]  }
0x2f: {  	lr =	sadd.s32 s0, s3;
	s0 =	sld [smem:$0x3FAD]  }
0x30: {  	s3 =	sld [smem:$0x3FB0]  }
0x31: {  	[smem:$0x3FB9] =	sst s10  }
0x32: {  	s10 =	sld [smem:$0x3FB7];
	_ =	sdelay $0x3  }
0x33: {  	p0 =	seq.s32 s10, $0x1;
	s10 =	sld [smem:$0x3FB9];
	_ =	sdelay $0x3  }
0x34: {  	[smem:$0x3FB9] =	sst s10  }
0x35: {  	s10 =	sld [smem:$0x3FB8];
	_ =	sdelay $0x3  }
0x36: {  	p1 =	seq.s32 s10, $0x1;
	s10 =	sld [smem:$0x3FB9];
	_ =	sdelay $0x3  }
0x37: {  	[smem:$0x3FB9] =	sst s10  }
0x38: {  	s10 =	sld [smem:$0x3FBA]  }
0x39: {  	_ = 	snop;
	(pc) =	sbr.ind lr, $3  }
0x3a: {  	_ = 	snop  }
0x3b: {  	_ = 	snop  }
0x3c: {  	p2 =	seq.s32 s10, $0x1;
	s10 =	sld [smem:$0x3FB9]  }
0x3d: {  	_ =	shalt  }
0x3e: {  	_ =	shalt  }
0x3f: {  	_ =	shalt  }
0x40: {  	_ =	shalt  }
0x41: {  	_ =	shalt  }
0x42: {  	_ =	shalt  }
0x43: {  	_ =	shalt  }
0x44: {  	_ =	shalt  }
0x45: {  	_ =	shalt  }
0x46: {  	_ =	shalt  }
0x47: {  	_ =	shalt  }
0x48: {  	_ =	shalt  }
0x49: {  	_ =	shalt  }
0x4a: {  	_ =	shalt  }
0x4b: {  	_ =	shalt  }
0x4c: {  	_ =	shalt  }
0x4d: {  	_ =	shalt  }
0x4e: {  	_ =	shalt  }
0x4f: {  	_ =	shalt  }
0x50: {  	_ =	shalt  }
0x51: {  	_ =	shalt  }
0x52: {  	_ =	shalt  }
0x53: {  	_ =	shalt  }
0x54: {  	_ =	shalt  }
0x55: {  	_ =	shalt  }
0x56: {  	_ =	shalt  }
0x57: {  	_ =	shalt  }
0x58: {  	_ =	shalt  }
0x59: {  	_ =	shalt  }
0x5a: {  	_ =	shalt  }
0x5b: {  	_ =	shalt  }
0x5c: {  	_ =	shalt  }
0x5d: {  	_ =	shalt  }
0x5e: {  	_ =	shalt  }
0x5f: {  	_ =	shalt  }
0x60: {  	_ =	shalt  }
0x61: {  	_ =	shalt  }
0x62: {  	_ =	shalt  }
0x63: {  	_ =	shalt  }
0x64: {  	_ =	shalt  }
0x65: {  	_ =	shalt  }
0x66: {  	_ =	shalt  }
0x67: {  	_ =	shalt  }
0x68: {  	_ =	shalt  }
0x69: {  	_ =	shalt  }
0x6a: {  	_ =	shalt  }
0x6b: {  	_ =	shalt  }
0x6c: {  	_ =	shalt  }
0x6d: {  	_ =	shalt  }
0x6e: {  	_ =	shalt  }
0x6f: {  	_ =	shalt  }
0x70: {  	_ =	shalt  }
0x71: {  	_ =	shalt  }
0x72: {  	_ =	shalt  }
0x73: {  	_ =	shalt  }
0x74: {  	_ =	shalt  }
0x75: {  	_ =	shalt  }
0x76: {  	_ =	shalt  }
0x77: {  	_ =	shalt  }
0x78: {  	_ =	shalt  }
0x79: {  	_ =	shalt  }
0x7a: {  	_ =	shalt  }
0x7b: {  	_ =	shalt  }
0x7c: {  	_ =	shalt  }
0x7d: {  	_ =	shalt  }
0x7e: {  	_ =	shalt  }
0x7f: {  	_ =	shalt  }
0x80: {  	_ =	shalt  }
0x81: {  	_ =	shalt  }
0x82: {  	_ =	shalt  }
0x83: {  	_ =	shalt  }
0x84: {  	_ =	shalt  }
0x85: {  	_ =	shalt  }
0x86: {  	_ =	shalt  }
0x87: {  	_ =	shalt  }
.Lfunc_end0:
.L_simem_size_0:
called_computation_lowered:
.L_overlay_start_0:
0x88: {  	s2 =	sld [smem:$0x3FD9]  }
0x89: {  	s3 =	sld [smem:$0x3FFE];
	_ =	sdelay $0x1  }
0x8a: {  	s1 =	srdreg.scid  }
0x8b: {  	s0 =	sand.u32 $0x1, s1  }
0x8c: {  	s17 =	sshll.u32 s0, $0xA;
	s2 =	sadd.s32 s3, s2  }
0x8d: {  	s2 =	sadd.s32 s2, s17  }
0x8e: {  	[smem:$0x3FC5] =	sst s2  }
0x8f: {  	_ = 	snop  }
0x90: {  	s2 =	sld [smem:$0x3FC8]  }
0x91: {  	s18 =	sld [smem:$0x3FC7]  }
0x92: {  	s4 =	sld [smem:$0x3FD0];
	(tm) =	ssettm $0x1  }
0x93: {  	s5 =	sld [smem:$0x3FFB];
	_ =	sdelay $0x3  }
0x94: {  	_ =	strace s5  }
0x95: {  	s5 =	sld [smem:$0x3FFC];
	_ =	sdelay $0x3  }
0x96: {  	_ =	strace s5  }
0x97: {  	s5 =	sld [smem:$0x3FFD];
	_ =	sdelay $0x3  }
0x98: {  	_ =	strace s5  }
0x99: {  	_ =	strace $0x8FFFFFFF  }
0x9a: {  	s19 =	sld [smem:$0x3FDB];
	_ =	sdelay $0x1  }
0x9b: {  	s6 =	simm.s32 $_scs_section_size  }
0x9c: {  	s7 =	simm.s32 $_size__tile_overlayer_lowered;
	s8 =	simm.s32 $_tile_overlayer_lowered  }
0x9d: {  	s22 =	simm.s32 $0x1BFF;
	s21 =	sshll.u32 s8, $0x1;
	s5 =	sadd.s32 s6, s19  }
0x9e: {  	s9 =	simm.s32 $0x0;
	s20 =	sshll.u32 s7, $0x1;
	s7 =	sadd.s32 s21, s5  }
0x9f: {  	[timem:s9], [sflag:s22] =	dma.local [hbm:s7], s20  }
0xa0: {  	_ =	swait.ge [sflag:s22], s20  }
0xa1: {  	s6 =	ssub.s32 $0x0, s20;
	[sflag:s22] =	ssyncset.done $0x0  }
0xa2: {  	[sflag:s22] =	ssyncadd.s32 s6;
	_ =	sdelay $0x1  }
0xa3: {  	s23 =	simm.s32 $0x1B8B  }
0xa4: {  	_ =	swait.ge [sflag:s23], $0x1  }
0xa5: {  	[sflag:s23] =	ssyncset.done $0x0  }
0xa6: {  	s25 =	simm.s32 $0x1B8E;
	s24 =	sld [smem:$0x3FFE];
	[sflag:s23] =	ssyncadd.s32 $0xFFFFFFFF  }
0xa7: {  	s26 =	simm.s32 $execute0_lowered;
	[smem:$0x3FD2] =	sst s25  }
0xa8: {  	s7 =	sshll.u32 s26, $0x1;
	_ =	strace $0x80000046;
	[dreg:$0x1] =	wrdreg $0xFFFFFFFF  }
0xa9: {  	s28 =	simm.s32 $_size_execute0_lowered;
	s5 =	sadd.s32 s5, s7;
	[dreg:$0x0] =	wrdreg $0x0  }
0xaa: {  	s7 =	sshll.u32 s28, $0x1;
	[dreg:$0x2] =	wrdreg s5  }
0xab: {  	[dreg:$0x3] =	wrdreg s7  }
0xac: {  	[dreg:$0x4] =	wrdreg $0xC0  }
0xad: {  	_ =	task [dreg:s9], $0x5FFFF  }
0xae: {  	[dreg:$0x1] =	wrdreg $0xFFFFFFFF  }
0xaf: {  	[dreg:$0x0] =	wrdreg $0x60  }
0xb0: {  	[dreg:$0x2] =	wrdreg s24  }
0xb1: {  	[dreg:$0x3] =	wrdreg s2  }
0xb2: {  	[dreg:$0x4] =	wrdreg s18  }
0xb3: {  	[dreg:$0x5] =	wrdreg s4  }
0xb4: {  	[dreg:$0x6] =	wrdreg $0x90900  }
0xb5: {  	[dreg:$0x7] =	wrdreg $0x9  }
0xb6: {  	_ =	task.clear_ibuf [dreg:s9], $0x8FFFF;
	_ =	strace $0x90000046  }
0xb7: {  	s29 =	simm.s32 $0x9;
	_ =	strace $0x80000048  }
0xb8: {  	_ =	swait.ge [sflag:s29], $0x1  }
0xb9: {  	[sflag:s29] =	ssyncadd.s32 $0xFFFFFFFF  }
0xba: {  	_ =	strace $0x90000048  }
0xbb: {  	_ =	sfence  }
0xbc: {  	s30 =	sld [smem:$0x0];
	_ =	sdelay $0x2  }
0xbd: {  	s31 =	sshll.u32 s1, $0xD;
	s1 =	sshrl.u32 s1, $0x2  }
0xbe: {  	s3 =	sand.u32 $0x4000, s31;
	s1 =	sadd.s32 s1, s30  }
0xbf: {  	s0 =	sor.u32 s3, s0;
	s1 =	sshll.u32 s1, $0x11  }
0xc0: {  	s0 =	sor.u32 s1, s0  }
0xc1: {  	s0 =	sadd.s32 $0x8F2B, s0  }
0xc2: {  	[sflag:s0] =	ssyncadd.remote.s32 $0x1  }
0xc3: {  	_ =	sfence.sel $0xFFFF  }
0xc4: {  	[dreg:$0x0] =	wrdreg $0xFFFFFFFF;
	(pc) =	sbr.abs _section_cstart, $3  }
0xc5: {  	[dreg:$0x1] =	wrdreg $0xFFFFFFFF  }
0xc6: {  	_ =	task.clear_ibuf [dreg:s9], $0x2FFFF;
	_ =	strace $0x9FFFFFFF  }
0xc7: {  	(tm) =	ssettm $0x7FFFFFFF  }
tec
execute0_lowered:
.L_overlay_start_1:
0x0: {  	(tag) =	ssettag $0x1  }
0x1: {  	v0 =	vlaneseq.u32  }
0x2: {  	v1 =	vmul.u32 $0xC8, v0  }
0x3: {  	v2 =	vimm.f32 $0.0e+00  }
0x4: {  	v5 =	vmul.u32 $0x8, v0;
	v3 =	vadd.s32 $0xC80, v1;
	v4 =	vadd.s32 $0x1900, v1  }
0x5: {  	v6 =	vadd.s32 $0x2580, v1;
	v7 =	vadd.s32 $0x3200, v1;
	v8 =	vadd.s32 $0x3E80, v1  }
0x6: {  	v9 =	vadd.s32 $0x4B00, v1;
	v10 =	vadd.s32 $0x5780, v1;
	v0 =	vor.u32 $0x80, v5  }
0x7: {  	v24 =	vor.u32 $0x81, v5;
	v25 =	vor.u32 $0x101, v5;
	v26 =	vor.u32 $0x181, v5  }
0x8: {  	v27 =	vor.u32 $0x201, v5;
	v28 =	vor.u32 $0x281, v5;
	v29 =	vor.u32 $0x301, v5  }
0x9: {  	s0 =	rddreg [dreg:$0x0];
	v30 =	vor.u32 $0x381, v5;
	v31 =	vor.u32 $0x401, v5;
	[tilespmem:$0x1FF30] =	vst v0;
	v0 =	vor.u32 $0x100, v5  }
0xa: {  	s2 =	rddreg [dreg:$0x2];
	v32 =	vor.u32 $0x481, v5;
	v33 =	vor.u32 $0x501, v5;
	[tilespmem:$0x1FF40] =	vst v0;
	v0 =	vor.u32 $0x180, v5  }
0xb: {  	s1 =	rddreg [dreg:$0x3];
	v34 =	vor.u32 $0x581, v5;
	v35 =	vadd.s32 $0x5C1, v5;
	[tilespmem:$0x1FF50] =	vst v0;
	v0 =	vor.u32 $0x200, v5  }
0xc: {  	s3 =	rddreg [dreg:$0x4];
	s5 =	srdreg.scid;
	v36 =	vor.u32 $0x2, v5;
	v37 =	vor.u32 $0x82, v5;
	[tilespmem:$0x1FF60] =	vst v0;
	v0 =	vor.u32 $0x280, v5  }
0xd: {  	s4 =	simm.s32 $0x0;
	s10 =	stileid.u32;
	s13 =	simm.s32 $0x2;
	v38 =	vor.u32 $0x102, v5;
	v39 =	vor.u32 $0x182, v5;
	[tilespmem:$0x1FF70] =	vst v0;
	v0 =	vor.u32 $0x300, v5  }
0xe: {  	s14 =	simm.s32 $0x1;
	s15 =	simm.s32 $0x2C80;
	s16 =	simm.s32 $0xC8;
	v40 =	vor.u32 $0x202, v5;
	v41 =	vor.u32 $0x282, v5;
	[tilespmem:$0x1FF80] =	vst v0;
	v0 =	vor.u32 $0x380, v5  }
0xf: {  	s17 =	simm.s32 $0x7D0;
	s18 =	simm.s32 $0x3;
	s19 =	simm.s32 $0x640;
	v42 =	vor.u32 $0x302, v5;
	v43 =	vor.u32 $0x382, v5;
	[tilespmem:$0x1FF90] =	vst v0;
	v0 =	vor.u32 $0x400, v5  }
0x10: {  	s20 =	simm.s32 $0x20;
	s21 =	simm.s32 $0xC80;
	s22 =	simm.s32 $0x0;
	v44 =	vor.u32 $0x402, v5;
	v45 =	vor.u32 $0x482, v5;
	[tilespmem:$0x1FFA0] =	vst v0;
	v0 =	vor.u32 $0x480, v5  }
0x11: {  	s6 =	sand.u32 $0x1, s5;
	[smem:$0x7FF] =	sst s4;
	s5 =	sadd.s32 $0x400, s0;
	v46 =	vor.u32 $0x502, v5;
	v47 =	vor.u32 $0x582, v5;
	[tilespmem:$0x1FFB0] =	vst v0;
	v0 =	vor.u32 $0x500, v5  }
0x12: {  	s28 =	sshll.u32 s10, $0x10;
	s29 =	sshll.u32 s10, $0xD;
	s30 =	sshll.u32 s10, $0x6;
	v48 =	vadd.s32 $0x5C2, v5;
	v49 =	vor.u32 $0x3, v5;
	[tilespmem:$0x1FFC0] =	vst v0;
	v0 =	vor.u32 $0x580, v5  }
.Ltmp0:
0x13: {  	p0 =	sne.s32 s10, $0x0;
	s7 =	ssub.s32 $0x2, s6;
	v50 =	vor.u32 $0x83, v5;
	v51 =	vor.u32 $0x103, v5;
	[tilespmem:$0x1FFD0] =	vst v0;
	v0 =	vadd.s32 $0x5C0, v5;
	(pc) =	sbr.rel .LBB2_1-.Ltmp0, $4  }
0x14: {  	s11 =	sadd.s32 s28, s3;
	s2 =	sadd.s32 s2, s29;
	s31 =	sor.u32 $0x1C04, s30;
	v52 =	vor.u32 $0x183, v5;
	v53 =	vor.u32 $0x203, v5;
	[tilespmem:$0x1FFE0] =	vst v0;
	v0 =	vor.u32 $0x1, v5  }
0x15: {  	s8 =	sshrl.u32 s7, $0x1;
	s10 =	sshrl.u32 s11, $0x3;
	s11 =	simm.s32 $0x4;
	v54 =	vor.u32 $0x283, v5;
	v55 =	vor.u32 $0x303, v5;
	v56 =	vor.u32 $0x383, v5;
	[tilespmem:$0x1FFF0] =	vst v0  }
0x16: {  	v57 =	vor.u32 $0x403, v5;
	v58 =	vor.u32 $0x483, v5;
	v59 =	vor.u32 $0x503, v5;
	s26 =	ssub.s32 s7, s8;
	_ =	strace $0x80000047;
	[dreg:$0x6] =	wrdreg s2  }
0x17: {  	v60 =	vor.u32 $0x583, v5;
	v61 =	vadd.s32 $0x5C3, v5;
	v62 =	vor.u32 $0x4, v5;
	s8 =	sshll.u32 s6, $0x3;
	s9 =	smax.u32 s26, $0x1;
	[dreg:$0x7] =	wrdreg s31  }
.LBB2_11:
0x18: {  	s22 =	sadd.s32 $0x1, s22  }
0x19: {  	p1 =	sne.s32 s22, s9  }
.Ltmp1:
0x1a: {  	_ = 	snop;
	(pc) =	sbr.rel @!p1 .LBB2_12-.Ltmp1, $1  }
0x1b: {  	_ =	sdelay $0x3  }
.LBB2_1:
0x1c: {  	s0 =	rddreg [dreg:$0x6]  }
0x1d: {  	s2 =	rddreg [dreg:$0x7]  }
0x1e: {  	[spmem:s10], [sflag:s2] =	dma.local [hbm:s0], $0x2000  }
0x1f: {  	_ =	swait.ge [sflag:s11], $0x2000  }
0x20: {  	[sflag:s11] =	ssyncset.done $0x0  }
0x21: {  	[sflag:s11] =	ssyncadd.s32 $0xFFFFE000  }
0x22: {  	s31 =	simm.s32 $0x9080;
	s30 =	rddreg [dreg:$0x1]  }
0x23: {  	[tilespmem:s31], [sflag:$0x4] =	stream.linear.gather [hbm4b:s30+s4], $0x10, $0x38;
	[tilespmem:$0x19090] =	vst v63  }
0x24: {  	_ =	swait.ge [sflag:s11], $0x10  }
0x25: {  	[sflag:s11] =	ssyncset.done $0x0  }
0x26: {  	s0 =	simm.s32 @!p0 $0x0;
	[sflag:s11] =	ssyncadd.s32 $0xFFFFFFF0  }
0x27: {  	[smem:$0x0] =	sst @!p0 s0  }
0x28: {  	[bflag:$0x0] =	sbarrier.arrive $0xFFFF  }
0x29: {  	v0 =	vld [tilespmem:$0x9080];
	[sflag:s13] =	ssyncset.done $0x0  }
0x2a: {  	[smem:s4], [sflag:$0x2] =	smem.add.s32 $0x1  }
0x2b: {  	_ =	swait.done [sflag:s13]  }
0x2c: {  	s0 =	ssyncread [sflag:$0x2];
	_ =	sdelay $0x2  }
0x2d: {  	p1 =	sgt.s32 s0, $0x4F  }
.Ltmp2:
0x2e: {  	_ = 	snop;
	(pc) =	sbr.rel @p1 .LBB2_11-.Ltmp2, $3  }
0x2f: {  	_ =	sdelay $0x1  }
0x30: {  	[sflag:s13] =	ssyncset.s32 $0x0  }
0x31: {  	[sflag:s13] =	ssyncset.done $0x0  }
.Ltmp3:
0x32: {  	(pc) =	sbr.rel .LBB2_3-.Ltmp3, $2  }
0x33: {  	_ =	sdelay $0x2  }
0x34: {  	v63 =	vxor.u32 $0x80000000, v0  }
.LBB2_9:
0x35: {  	_ =	sdelay $0x3  }
0x36: {  	[tilespmem:v15+s15+$0x0] =	vst.idx.msk $0xffff, v2  }
0x37: {  	v11 =	vadd.s32 v10, v11;
	[tilespmem:v16+s15+$0x0] =	vst.idx.msk $0xffff, v2  }
0x38: {  	[tilespmem:v12+s15+$0x0] =	vst.idx.msk $0xffff, v2  }
0x39: {  	[tilespmem:v13+s15+$0x0] =	vst.idx.msk $0xffff, v2  }
0x3a: {  	[tilespmem:v14+s15+$0x0] =	vst.idx.msk $0xffff, v2  }
0x3b: {  	[tilespmem:v0+s15+$0x0] =	vst.idx.msk $0xffff, v2  }
0x3c: {  	[tilespmem:v11+s15+$0x0] =	vst.idx.msk $0xffff, v2  }
.LBB2_10:
0x3d: {  	s0 =	smul.u32 $0x3E800, s23;
	_ =	sdelay $0x1  }
0x3e: {  	s0 =	sadd.s32 s24, s0  }
0x3f: {  	s0 =	sshrl.u32 s0, $0x3  }
0x40: {  	s0 =	sadd.s32 s1, s0  }
0x41: {  	[hbm4b:s0+s16] =	stream.strided.scatter [tilespmem:s15], [sflag:$0x4], $0x6400, s17, s16, $0x38;
	[tilespmem:$0x19090] =	vst v63  }
0x42: {  	_ =	swait.ge [sflag:s11], $0x6400  }
0x43: {  	[sflag:s11] =	ssyncset.done $0x0  }
0x44: {  	[sflag:s11] =	ssyncadd.s32 $0xFFFF9C00  }
0x45: {  	[sflag:s18] =	ssyncset.done $0x0  }
0x46: {  	[smem:s4], [sflag:$0x3] =	smem.add.s32 $0x1  }
0x47: {  	_ =	swait.done [sflag:s18]  }
0x48: {  	s0 =	ssyncread [sflag:$0x3];
	_ =	sdelay $0x2  }
0x49: {  	p1 =	slt.s32 s0, $0x50  }
.Ltmp4:
0x4a: {  	_ = 	snop;
	(pc) =	sbr.rel @!p1 .LBB2_11-.Ltmp4, $3  }
0x4b: {  	_ =	sdelay $0x1  }
0x4c: {  	[sflag:s18] =	ssyncset.s32 $0x0  }
0x4d: {  	[sflag:s18] =	ssyncset.done $0x0  }
.LBB2_3:
0x4e: {  	s2 =	smulhi.u32 $0x66666667, s0;
	s6 =	sshra.s32 s0, $0x1F  }
0x4f: {  	s6 =	smul.u32 $0x66666667, s6;
	_ =	sdelay $0x1  }
0x50: {  	s2 =	sadd.s32 s6, s2  }
0x51: {  	s6 =	sshrl.u32 s2, $0x1F;
	s2 =	sshra.s32 s2, $0x2  }
0x52: {  	s2 =	sadd.s32 s6, s2  }
0x53: {  	s6 =	smul.u32 $0xFFFFFFF6, s2;
	_ =	sdelay $0x1  }
0x54: {  	s6 =	sadd.s32 s0, s6  }
0x55: {  	p1 =	slt.s32 s0, $0x1;
	p2 =	sne.s32 s6, $0x0  }
0x56: {  	p1 =	por !p1, !p2  }
0x57: {  	s0 =	simm.s32 $0x1;
	p1 =	por !p1, !p1  }
0x58: {  	s2 =	sadd.s32 s8, s2;
	s0 =	simm.s32 @!p1 $0x0  }
0x59: {  	s23 =	ssub.s32 s2, s0  }
0x5a: {  	v11 =	vlaneseq.u32;
	v0 =	vmov s23  }
0x5b: {  	vm0 =	veq.s32 v0, v11  }
0x5c: {  	v0 =	vnsel vm0, $0x80000000, v63  }
0x5d: {  	(xrf0) =	vmax.scan.msk.u32 $0xffff, v0;
	_ =	sdelay $0x5  }
0x5e: {  	v0, _, _ =	vpop (xrf0)  }
0x5f: {  	(v2sf) =	vpush v0, $0xF;
	_ =	sdelay $0xe  }
0x60: {  	s24 =	smul.u32 $0xC8, s6;
	s31 =	spop (v2sf)  }
0x61: {  	s0 =	sxor.u32 $0x80000000, s31  }
0x62: {  	s26 =	ssub.s32 s0, s24  }
0x63: {  	p1 =	sgt.s32 s26, $0x0;
	s0 =	smov.u32 s26  }
0x64: {  	s0 =	simm.s32 @!p1 $0x0  }
0x65: {  	s25 =	smin.u32 s0, $0xC8  }
0x66: {  	s0 =	sadd.s32 $0x3, s25  }
0x67: {  	s28 =	sshrl.u32 s0, $0x2  }
0x68: {  	p1 =	seq.s32 s28, $0x0  }
.Ltmp5:
0x69: {  	_ = 	snop;
	(pc) =	sbr.rel @p1 .LBB2_6-.Ltmp5, $1  }
0x6a: {  	_ =	sdelay $0x3  }
0x6b: {  	s0 =	smul.u32 $0x3E80, s23;
	_ =	sdelay $0x1  }
0x6c: {  	s0 =	sadd.s32 s24, s0  }
0x6d: {  	s0 =	sshrl.u32 s0, $0x3  }
0x6e: {  	s29 =	simm.s32 $0x0;
	s0 =	sadd.s32 s5, s0  }
0x6f: {  	[tilespmem:s29], [sflag:$0x4] =	stream.strided.gather [hbm4b:s0+s16], $0x640, s17, s16, $0x38;
	[tilespmem:$0x19090] =	vst v63  }
0x70: {  	_ =	swait.ge [sflag:s11], $0x640  }
0x71: {  	[sflag:s11] =	ssyncset.done $0x0  }
0x72: {  	[sflag:s11] =	ssyncadd.s32 $0xFFFFF9C0  }
0x73: {  	v0 =	vld [tilespmem:$0x0];
	_ =	sdelay $0x2  }
0x74: {  	v11 =	vld [tilespmem:$0x1FF30];
	_ =	sdelay $0x1  }
0x75: {  	[tilespmem:v5+s19+$0x0] =	vst.idx.msk $0xffff, v0  }
0x76: {  	v0 =	vld [tilespmem:$0x10];
	_ =	sdelay $0x4  }
0x77: {  	[tilespmem:v11+s19+$0x0] =	vst.idx.msk $0xffff, v0;
	v11 =	vld [tilespmem:$0x1FF40];
	_ =	sdelay $0x2  }
0x78: {  	v0 =	vld [tilespmem:$0x20];
	_ =	sdelay $0x4  }
0x79: {  	[tilespmem:v11+s19+$0x0] =	vst.idx.msk $0xffff, v0;
	v11 =	vld [tilespmem:$0x1FF50];
	_ =	sdelay $0x2  }
0x7a: {  	v0 =	vld [tilespmem:$0x30];
	_ =	sdelay $0x4  }
0x7b: {  	[tilespmem:v11+s19+$0x0] =	vst.idx.msk $0xffff, v0;
	v11 =	vld [tilespmem:$0x1FF60];
	_ =	sdelay $0x2  }
0x7c: {  	v0 =	vld [tilespmem:$0x40];
	_ =	sdelay $0x4  }
0x7d: {  	[tilespmem:v11+s19+$0x0] =	vst.idx.msk $0xffff, v0;
	v11 =	vld [tilespmem:$0x1FF70];
	_ =	sdelay $0x2  }
0x7e: {  	v0 =	vld [tilespmem:$0x50];
	_ =	sdelay $0x4  }
0x7f: {  	[tilespmem:v11+s19+$0x0] =	vst.idx.msk $0xffff, v0;
	v11 =	vld [tilespmem:$0x1FF80];
	_ =	sdelay $0x2  }
0x80: {  	v0 =	vld [tilespmem:$0x60];
	_ =	sdelay $0x4  }
0x81: {  	[tilespmem:v11+s19+$0x0] =	vst.idx.msk $0xffff, v0;
	v11 =	vld [tilespmem:$0x1FF90];
	_ =	sdelay $0x2  }
0x82: {  	v0 =	vld [tilespmem:$0x70];
	_ =	sdelay $0x4  }
0x83: {  	[tilespmem:v11+s19+$0x0] =	vst.idx.msk $0xffff, v0;
	v11 =	vld [tilespmem:$0x1FFA0];
	_ =	sdelay $0x2  }
0x84: {  	v0 =	vld [tilespmem:$0x80];
	_ =	sdelay $0x4  }
0x85: {  	[tilespmem:v11+s19+$0x0] =	vst.idx.msk $0xffff, v0;
	v11 =	vld [tilespmem:$0x1FFB0];
	_ =	sdelay $0x2  }
0x86: {  	v0 =	vld [tilespmem:$0x90];
	_ =	sdelay $0x4  }
0x87: {  	[tilespmem:v11+s19+$0x0] =	vst.idx.msk $0xffff, v0;
	v11 =	vld [tilespmem:$0x1FFC0];
	_ =	sdelay $0x2  }
0x88: {  	v0 =	vld [tilespmem:$0xA0];
	_ =	sdelay $0x4  }
0x89: {  	[tilespmem:v11+s19+$0x0] =	vst.idx.msk $0xffff, v0;
	v11 =	vld [tilespmem:$0x1FFD0];
	_ =	sdelay $0x2  }
0x8a: {  	v0 =	vld [tilespmem:$0xB0];
	_ =	sdelay $0x4  }
0x8b: {  	[tilespmem:v11+s19+$0x0] =	vst.idx.msk $0xffff, v0;
	v11 =	vld [tilespmem:$0x1FFE0];
	_ =	sdelay $0x2  }
0x8c: {  	v0 =	vld [tilespmem:$0xB8];
	_ =	sdelay $0x4  }
0x8d: {  	[tilespmem:v11+s19+$0x0] =	vst.idx.msk $0xffff, v0;
	v11 =	vld [tilespmem:$0x1FFF0];
	_ =	sdelay $0x1  }
0x8e: {  	v0 =	vld [tilespmem:$0xC8];
	_ =	sdelay $0x4  }
0x8f: {  	v0 =	vadd.s32 $0x400, v0  }
0x90: {  	[tilespmem:v11+s19+$0x0] =	vst.idx.msk $0xffff, v0  }
0x91: {  	v0 =	vld [tilespmem:$0xD8];
	_ =	sdelay $0x4  }
0x92: {  	v0 =	vadd.s32 $0x400, v0  }
0x93: {  	[tilespmem:v24+s19+$0x0] =	vst.idx.msk $0xffff, v0  }
0x94: {  	v0 =	vld [tilespmem:$0xE8];
	_ =	sdelay $0x4  }
0x95: {  	v0 =	vadd.s32 $0x400, v0  }
0x96: {  	[tilespmem:v25+s19+$0x0] =	vst.idx.msk $0xffff, v0  }
0x97: {  	v0 =	vld [tilespmem:$0xF8];
	_ =	sdelay $0x4  }
0x98: {  	v0 =	vadd.s32 $0x400, v0  }
0x99: {  	[tilespmem:v26+s19+$0x0] =	vst.idx.msk $0xffff, v0  }
0x9a: {  	v0 =	vld [tilespmem:$0x108];
	_ =	sdelay $0x4  }
0x9b: {  	v0 =	vadd.s32 $0x400, v0  }
0x9c: {  	[tilespmem:v27+s19+$0x0] =	vst.idx.msk $0xffff, v0  }
0x9d: {  	v0 =	vld [tilespmem:$0x118];
	_ =	sdelay $0x4  }
0x9e: {  	v0 =	vadd.s32 $0x400, v0  }
0x9f: {  	[tilespmem:v28+s19+$0x0] =	vst.idx.msk $0xffff, v0  }
0xa0: {  	v0 =	vld [tilespmem:$0x128];
	_ =	sdelay $0x4  }
0xa1: {  	v0 =	vadd.s32 $0x400, v0  }
0xa2: {  	[tilespmem:v29+s19+$0x0] =	vst.idx.msk $0xffff, v0  }
0xa3: {  	v0 =	vld [tilespmem:$0x138];
	_ =	sdelay $0x4  }
0xa4: {  	v0 =	vadd.s32 $0x400, v0  }
0xa5: {  	[tilespmem:v30+s19+$0x0] =	vst.idx.msk $0xffff, v0  }
0xa6: {  	v0 =	vld [tilespmem:$0x148];
	_ =	sdelay $0x4  }
0xa7: {  	v0 =	vadd.s32 $0x400, v0  }
0xa8: {  	[tilespmem:v31+s19+$0x0] =	vst.idx.msk $0xffff, v0  }
0xa9: {  	v0 =	vld [tilespmem:$0x158];
	_ =	sdelay $0x4  }
0xaa: {  	v0 =	vadd.s32 $0x400, v0  }
0xab: {  	[tilespmem:v32+s19+$0x0] =	vst.idx.msk $0xffff, v0  }
0xac: {  	v0 =	vld [tilespmem:$0x168];
	_ =	sdelay $0x4  }
0xad: {  	v0 =	vadd.s32 $0x400, v0  }
0xae: {  	[tilespmem:v33+s19+$0x0] =	vst.idx.msk $0xffff, v0  }
0xaf: {  	v0 =	vld [tilespmem:$0x178];
	_ =	sdelay $0x4  }
0xb0: {  	v0 =	vadd.s32 $0x400, v0  }
0xb1: {  	[tilespmem:v34+s19+$0x0] =	vst.idx.msk $0xffff, v0  }
0xb2: {  	v0 =	vld [tilespmem:$0x180];
	_ =	sdelay $0x4  }
0xb3: {  	v0 =	vadd.s32 $0x400, v0  }
0xb4: {  	[tilespmem:v35+s19+$0x0] =	vst.idx.msk $0xffff, v0  }
0xb5: {  	v0 =	vld [tilespmem:$0x190];
	_ =	sdelay $0x4  }
0xb6: {  	v0 =	vadd.s32 $0x800, v0  }
0xb7: {  	[tilespmem:v36+s19+$0x0] =	vst.idx.msk $0xffff, v0  }
0xb8: {  	v0 =	vld [tilespmem:$0x1A0];
	_ =	sdelay $0x4  }
0xb9: {  	v0 =	vadd.s32 $0x800, v0  }
0xba: {  	[tilespmem:v37+s19+$0x0] =	vst.idx.msk $0xffff, v0  }
0xbb: {  	v0 =	vld [tilespmem:$0x1B0];
	_ =	sdelay $0x4  }
0xbc: {  	v0 =	vadd.s32 $0x800, v0  }
0xbd: {  	[tilespmem:v38+s19+$0x0] =	vst.idx.msk $0xffff, v0  }
0xbe: {  	v0 =	vld [tilespmem:$0x1C0];
	_ =	sdelay $0x4  }
0xbf: {  	v0 =	vadd.s32 $0x800, v0  }
0xc0: {  	[tilespmem:v39+s19+$0x0] =	vst.idx.msk $0xffff, v0  }
0xc1: {  	v0 =	vld [tilespmem:$0x1D0];
	_ =	sdelay $0x4  }
0xc2: {  	v0 =	vadd.s32 $0x800, v0  }
0xc3: {  	[tilespmem:v40+s19+$0x0] =	vst.idx.msk $0xffff, v0  }
0xc4: {  	v0 =	vld [tilespmem:$0x1E0];
	_ =	sdelay $0x4  }
0xc5: {  	v0 =	vadd.s32 $0x800, v0  }
0xc6: {  	[tilespmem:v41+s19+$0x0] =	vst.idx.msk $0xffff, v0  }
0xc7: {  	v0 =	vld [tilespmem:$0x1F0];
	_ =	sdelay $0x4  }
0xc8: {  	v0 =	vadd.s32 $0x800, v0  }
0xc9: {  	[tilespmem:v42+s19+$0x0] =	vst.idx.msk $0xffff, v0  }
0xca: {  	v0 =	vld [tilespmem:$0x200];
	_ =	sdelay $0x4  }
0xcb: {  	v0 =	vadd.s32 $0x800, v0  }
0xcc: {  	[tilespmem:v43+s19+$0x0] =	vst.idx.msk $0xffff, v0  }
0xcd: {  	v0 =	vld [tilespmem:$0x210];
	_ =	sdelay $0x4  }
0xce: {  	v0 =	vadd.s32 $0x800, v0  }
0xcf: {  	[tilespmem:v44+s19+$0x0] =	vst.idx.msk $0xffff, v0  }
0xd0: {  	v0 =	vld [tilespmem:$0x220];
	_ =	sdelay $0x4  }
0xd1: {  	v0 =	vadd.s32 $0x800, v0  }
0xd2: {  	[tilespmem:v45+s19+$0x0] =	vst.idx.msk $0xffff, v0  }
0xd3: {  	v0 =	vld [tilespmem:$0x230];
	_ =	sdelay $0x4  }
0xd4: {  	v0 =	vadd.s32 $0x800, v0  }
0xd5: {  	[tilespmem:v46+s19+$0x0] =	vst.idx.msk $0xffff, v0  }
0xd6: {  	v0 =	vld [tilespmem:$0x240];
	_ =	sdelay $0x4  }
0xd7: {  	v0 =	vadd.s32 $0x800, v0  }
0xd8: {  	[tilespmem:v47+s19+$0x0] =	vst.idx.msk $0xffff, v0  }
0xd9: {  	v0 =	vld [tilespmem:$0x248];
	_ =	sdelay $0x4  }
0xda: {  	v0 =	vadd.s32 $0x800, v0  }
0xdb: {  	[tilespmem:v48+s19+$0x0] =	vst.idx.msk $0xffff, v0  }
0xdc: {  	v0 =	vld [tilespmem:$0x258];
	_ =	sdelay $0x4  }
0xdd: {  	v0 =	vadd.s32 $0xC00, v0  }
0xde: {  	[tilespmem:v49+s19+$0x0] =	vst.idx.msk $0xffff, v0  }
0xdf: {  	v0 =	vld [tilespmem:$0x268];
	_ =	sdelay $0x4  }
0xe0: {  	v0 =	vadd.s32 $0xC00, v0  }
0xe1: {  	[tilespmem:v50+s19+$0x0] =	vst.idx.msk $0xffff, v0  }
0xe2: {  	v0 =	vld [tilespmem:$0x278];
	_ =	sdelay $0x4  }
0xe3: {  	v0 =	vadd.s32 $0xC00, v0  }
0xe4: {  	[tilespmem:v51+s19+$0x0] =	vst.idx.msk $0xffff, v0  }
0xe5: {  	v0 =	vld [tilespmem:$0x288];
	_ =	sdelay $0x4  }
0xe6: {  	v0 =	vadd.s32 $0xC00, v0  }
0xe7: {  	[tilespmem:v52+s19+$0x0] =	vst.idx.msk $0xffff, v0  }
0xe8: {  	v0 =	vld [tilespmem:$0x298];
	_ =	sdelay $0x4  }
0xe9: {  	v0 =	vadd.s32 $0xC00, v0  }
0xea: {  	[tilespmem:v53+s19+$0x0] =	vst.idx.msk $0xffff, v0  }
0xeb: {  	v0 =	vld [tilespmem:$0x2A8];
	_ =	sdelay $0x4  }
0xec: {  	v0 =	vadd.s32 $0xC00, v0  }
0xed: {  	[tilespmem:v54+s19+$0x0] =	vst.idx.msk $0xffff, v0  }
0xee: {  	v0 =	vld [tilespmem:$0x2B8];
	_ =	sdelay $0x4  }
0xef: {  	v0 =	vadd.s32 $0xC00, v0  }
0xf0: {  	[tilespmem:v55+s19+$0x0] =	vst.idx.msk $0xffff, v0  }
0xf1: {  	v0 =	vld [tilespmem:$0x2C8];
	_ =	sdelay $0x4  }
0xf2: {  	v0 =	vadd.s32 $0xC00, v0  }
0xf3: {  	[tilespmem:v56+s19+$0x0] =	vst.idx.msk $0xffff, v0  }
0xf4: {  	v0 =	vld [tilespmem:$0x2D8];
	_ =	sdelay $0x4  }
0xf5: {  	v0 =	vadd.s32 $0xC00, v0  }
0xf6: {  	[tilespmem:v57+s19+$0x0] =	vst.idx.msk $0xffff, v0  }
0xf7: {  	v0 =	vld [tilespmem:$0x2E8];
	_ =	sdelay $0x4  }
0xf8: {  	v0 =	vadd.s32 $0xC00, v0  }
0xf9: {  	[tilespmem:v58+s19+$0x0] =	vst.idx.msk $0xffff, v0  }
0xfa: {  	v0 =	vld [tilespmem:$0x2F8];
	_ =	sdelay $0x4  }
0xfb: {  	v0 =	vadd.s32 $0xC00, v0  }
0xfc: {  	[tilespmem:v59+s19+$0x0] =	vst.idx.msk $0xffff, v0  }
0xfd: {  	v0 =	vld [tilespmem:$0x308];
	_ =	sdelay $0x4  }
0xfe: {  	v0 =	vadd.s32 $0xC00, v0  }
0xff: {  	[tilespmem:v60+s19+$0x0] =	vst.idx.msk $0xffff, v0  }
0x100: {  	v0 =	vld [tilespmem:$0x310];
	_ =	sdelay $0x4  }
0x101: {  	v0 =	vadd.s32 $0xC00, v0  }
0x102: {  	[tilespmem:v61+s19+$0x0] =	vst.idx.msk $0xffff, v0  }
0x103: {  	v0 =	vld [tilespmem:$0x320];
	_ =	sdelay $0x4  }
0x104: {  	v0 =	vadd.s32 $0x1000, v0  }
0x105: {  	[tilespmem:v62+s19+$0x0] =	vst.idx.msk $0xffff, v0  }
0x106: {  	v0 =	vld [tilespmem:$0x330]  }
0x107: {  	v11 =	vor.u32 $0x84, v5;
	_ =	sdelay $0x3  }
0x108: {  	v0 =	vadd.s32 $0x1000, v0  }
0x109: {  	[tilespmem:v11+s19+$0x0] =	vst.idx.msk $0xffff, v0  }
0x10a: {  	v0 =	vld [tilespmem:$0x340]  }
0x10b: {  	v11 =	vor.u32 $0x104, v5;
	_ =	sdelay $0x3  }
0x10c: {  	v0 =	vadd.s32 $0x1000, v0  }
0x10d: {  	[tilespmem:v11+s19+$0x0] =	vst.idx.msk $0xffff, v0  }
0x10e: {  	v0 =	vld [tilespmem:$0x350]  }
0x10f: {  	v11 =	vor.u32 $0x184, v5;
	_ =	sdelay $0x3  }
0x110: {  	v0 =	vadd.s32 $0x1000, v0  }
0x111: {  	[tilespmem:v11+s19+$0x0] =	vst.idx.msk $0xffff, v0  }
0x112: {  	v0 =	vld [tilespmem:$0x360]  }
0x113: {  	v11 =	vor.u32 $0x204, v5;
	_ =	sdelay $0x3  }
0x114: {  	v0 =	vadd.s32 $0x1000, v0  }
0x115: {  	[tilespmem:v11+s19+$0x0] =	vst.idx.msk $0xffff, v0  }
0x116: {  	v0 =	vld [tilespmem:$0x370]  }
0x117: {  	v11 =	vor.u32 $0x284, v5;
	_ =	sdelay $0x3  }
0x118: {  	v0 =	vadd.s32 $0x1000, v0  }
0x119: {  	[tilespmem:v11+s19+$0x0] =	vst.idx.msk $0xffff, v0  }
0x11a: {  	v0 =	vld [tilespmem:$0x380]  }
0x11b: {  	v11 =	vor.u32 $0x304, v5;
	_ =	sdelay $0x3  }
0x11c: {  	v0 =	vadd.s32 $0x1000, v0  }
0x11d: {  	[tilespmem:v11+s19+$0x0] =	vst.idx.msk $0xffff, v0  }
0x11e: {  	v0 =	vld [tilespmem:$0x390]  }
0x11f: {  	v11 =	vor.u32 $0x384, v5;
	_ =	sdelay $0x3  }
0x120: {  	v0 =	vadd.s32 $0x1000, v0  }
0x121: {  	[tilespmem:v11+s19+$0x0] =	vst.idx.msk $0xffff, v0  }
0x122: {  	v0 =	vld [tilespmem:$0x3A0]  }
0x123: {  	v11 =	vor.u32 $0x404, v5;
	_ =	sdelay $0x3  }
0x124: {  	v0 =	vadd.s32 $0x1000, v0  }
0x125: {  	[tilespmem:v11+s19+$0x0] =	vst.idx.msk $0xffff, v0  }
0x126: {  	v0 =	vld [tilespmem:$0x3B0]  }
0x127: {  	v11 =	vor.u32 $0x484, v5;
	_ =	sdelay $0x3  }
0x128: {  	v0 =	vadd.s32 $0x1000, v0  }
0x129: {  	[tilespmem:v11+s19+$0x0] =	vst.idx.msk $0xffff, v0  }
0x12a: {  	v0 =	vld [tilespmem:$0x3C0]  }
0x12b: {  	v11 =	vor.u32 $0x504, v5;
	_ =	sdelay $0x3  }
0x12c: {  	v0 =	vadd.s32 $0x1000, v0  }
0x12d: {  	[tilespmem:v11+s19+$0x0] =	vst.idx.msk $0xffff, v0  }
0x12e: {  	v0 =	vld [tilespmem:$0x3D0]  }
0x12f: {  	v11 =	vor.u32 $0x584, v5;
	_ =	sdelay $0x3  }
0x130: {  	v0 =	vadd.s32 $0x1000, v0  }
0x131: {  	[tilespmem:v11+s19+$0x0] =	vst.idx.msk $0xffff, v0  }
0x132: {  	v0 =	vld [tilespmem:$0x3D8]  }
0x133: {  	v11 =	vadd.s32 $0x5C4, v5;
	_ =	sdelay $0x3  }
0x134: {  	v0 =	vadd.s32 $0x1000, v0  }
0x135: {  	[tilespmem:v11+s19+$0x0] =	vst.idx.msk $0xffff, v0  }
0x136: {  	v0 =	vld [tilespmem:$0x3E8]  }
0x137: {  	v11 =	vor.u32 $0x5, v5;
	_ =	sdelay $0x3  }
0x138: {  	v0 =	vadd.s32 $0x1400, v0  }
0x139: {  	[tilespmem:v11+s19+$0x0] =	vst.idx.msk $0xffff, v0  }
0x13a: {  	v0 =	vld [tilespmem:$0x3F8]  }
0x13b: {  	v11 =	vor.u32 $0x85, v5;
	_ =	sdelay $0x3  }
0x13c: {  	v0 =	vadd.s32 $0x1400, v0  }
0x13d: {  	[tilespmem:v11+s19+$0x0] =	vst.idx.msk $0xffff, v0  }
0x13e: {  	v0 =	vld [tilespmem:$0x408]  }
0x13f: {  	v11 =	vor.u32 $0x105, v5;
	_ =	sdelay $0x3  }
0x140: {  	v0 =	vadd.s32 $0x1400, v0  }
0x141: {  	[tilespmem:v11+s19+$0x0] =	vst.idx.msk $0xffff, v0  }
0x142: {  	v0 =	vld [tilespmem:$0x418]  }
0x143: {  	v11 =	vor.u32 $0x185, v5;
	_ =	sdelay $0x3  }
0x144: {  	v0 =	vadd.s32 $0x1400, v0  }
0x145: {  	[tilespmem:v11+s19+$0x0] =	vst.idx.msk $0xffff, v0  }
0x146: {  	v0 =	vld [tilespmem:$0x428]  }
0x147: {  	v11 =	vor.u32 $0x205, v5;
	_ =	sdelay $0x3  }
0x148: {  	v0 =	vadd.s32 $0x1400, v0  }
0x149: {  	[tilespmem:v11+s19+$0x0] =	vst.idx.msk $0xffff, v0  }
0x14a: {  	v0 =	vld [tilespmem:$0x438]  }
0x14b: {  	v11 =	vor.u32 $0x285, v5;
	_ =	sdelay $0x3  }
0x14c: {  	v0 =	vadd.s32 $0x1400, v0  }
0x14d: {  	[tilespmem:v11+s19+$0x0] =	vst.idx.msk $0xffff, v0  }
0x14e: {  	v0 =	vld [tilespmem:$0x448]  }
0x14f: {  	v11 =	vor.u32 $0x305, v5;
	_ =	sdelay $0x3  }
0x150: {  	v0 =	vadd.s32 $0x1400, v0  }
0x151: {  	[tilespmem:v11+s19+$0x0] =	vst.idx.msk $0xffff, v0  }
0x152: {  	v0 =	vld [tilespmem:$0x458]  }
0x153: {  	v11 =	vor.u32 $0x385, v5;
	_ =	sdelay $0x3  }
0x154: {  	v0 =	vadd.s32 $0x1400, v0  }
0x155: {  	[tilespmem:v11+s19+$0x0] =	vst.idx.msk $0xffff, v0  }
0x156: {  	v0 =	vld [tilespmem:$0x468]  }
0x157: {  	v11 =	vor.u32 $0x405, v5;
	_ =	sdelay $0x3  }
0x158: {  	v0 =	vadd.s32 $0x1400, v0  }
0x159: {  	[tilespmem:v11+s19+$0x0] =	vst.idx.msk $0xffff, v0  }
0x15a: {  	v0 =	vld [tilespmem:$0x478]  }
0x15b: {  	v11 =	vor.u32 $0x485, v5;
	_ =	sdelay $0x3  }
0x15c: {  	v0 =	vadd.s32 $0x1400, v0  }
0x15d: {  	[tilespmem:v11+s19+$0x0] =	vst.idx.msk $0xffff, v0  }
0x15e: {  	v0 =	vld [tilespmem:$0x488]  }
0x15f: {  	v11 =	vor.u32 $0x505, v5;
	_ =	sdelay $0x3  }
0x160: {  	v0 =	vadd.s32 $0x1400, v0  }
0x161: {  	[tilespmem:v11+s19+$0x0] =	vst.idx.msk $0xffff, v0  }
0x162: {  	v0 =	vld [tilespmem:$0x498]  }
0x163: {  	v11 =	vor.u32 $0x585, v5;
	_ =	sdelay $0x3  }
0x164: {  	v0 =	vadd.s32 $0x1400, v0  }
0x165: {  	[tilespmem:v11+s19+$0x0] =	vst.idx.msk $0xffff, v0  }
0x166: {  	v0 =	vld [tilespmem:$0x4A0]  }
0x167: {  	v11 =	vadd.s32 $0x5C5, v5;
	_ =	sdelay $0x3  }
0x168: {  	v0 =	vadd.s32 $0x1400, v0  }
0x169: {  	[tilespmem:v11+s19+$0x0] =	vst.idx.msk $0xffff, v0  }
0x16a: {  	v0 =	vld [tilespmem:$0x4B0]  }
0x16b: {  	v11 =	vor.u32 $0x6, v5;
	_ =	sdelay $0x3  }
0x16c: {  	v0 =	vadd.s32 $0x1800, v0  }
0x16d: {  	[tilespmem:v11+s19+$0x0] =	vst.idx.msk $0xffff, v0  }
0x16e: {  	v0 =	vld [tilespmem:$0x4C0]  }
0x16f: {  	v11 =	vor.u32 $0x86, v5;
	_ =	sdelay $0x3  }
0x170: {  	v0 =	vadd.s32 $0x1800, v0  }
0x171: {  	[tilespmem:v11+s19+$0x0] =	vst.idx.msk $0xffff, v0  }
0x172: {  	v0 =	vld [tilespmem:$0x4D0]  }
0x173: {  	v11 =	vor.u32 $0x106, v5;
	_ =	sdelay $0x3  }
0x174: {  	v0 =	vadd.s32 $0x1800, v0  }
0x175: {  	[tilespmem:v11+s19+$0x0] =	vst.idx.msk $0xffff, v0  }
0x176: {  	v0 =	vld [tilespmem:$0x4E0]  }
0x177: {  	v11 =	vor.u32 $0x186, v5;
	_ =	sdelay $0x3  }
0x178: {  	v0 =	vadd.s32 $0x1800, v0  }
0x179: {  	[tilespmem:v11+s19+$0x0] =	vst.idx.msk $0xffff, v0  }
0x17a: {  	v0 =	vld [tilespmem:$0x4F0]  }
0x17b: {  	v11 =	vor.u32 $0x206, v5;
	_ =	sdelay $0x3  }
0x17c: {  	v0 =	vadd.s32 $0x1800, v0  }
0x17d: {  	[tilespmem:v11+s19+$0x0] =	vst.idx.msk $0xffff, v0  }
0x17e: {  	v0 =	vld [tilespmem:$0x500]  }
0x17f: {  	v11 =	vor.u32 $0x286, v5;
	_ =	sdelay $0x3  }
0x180: {  	v0 =	vadd.s32 $0x1800, v0  }
0x181: {  	[tilespmem:v11+s19+$0x0] =	vst.idx.msk $0xffff, v0  }
0x182: {  	v0 =	vld [tilespmem:$0x510]  }
0x183: {  	v11 =	vor.u32 $0x306, v5;
	_ =	sdelay $0x3  }
0x184: {  	v0 =	vadd.s32 $0x1800, v0  }
0x185: {  	[tilespmem:v11+s19+$0x0] =	vst.idx.msk $0xffff, v0  }
0x186: {  	v0 =	vld [tilespmem:$0x520]  }
0x187: {  	v11 =	vor.u32 $0x386, v5;
	_ =	sdelay $0x3  }
0x188: {  	v0 =	vadd.s32 $0x1800, v0  }
0x189: {  	[tilespmem:v11+s19+$0x0] =	vst.idx.msk $0xffff, v0  }
0x18a: {  	v0 =	vld [tilespmem:$0x530]  }
0x18b: {  	v11 =	vor.u32 $0x406, v5;
	_ =	sdelay $0x3  }
0x18c: {  	v0 =	vadd.s32 $0x1800, v0  }
0x18d: {  	[tilespmem:v11+s19+$0x0] =	vst.idx.msk $0xffff, v0  }
0x18e: {  	v0 =	vld [tilespmem:$0x540]  }
0x18f: {  	v11 =	vor.u32 $0x486, v5;
	_ =	sdelay $0x3  }
0x190: {  	v0 =	vadd.s32 $0x1800, v0  }
0x191: {  	[tilespmem:v11+s19+$0x0] =	vst.idx.msk $0xffff, v0  }
0x192: {  	v0 =	vld [tilespmem:$0x550]  }
0x193: {  	v11 =	vor.u32 $0x506, v5;
	_ =	sdelay $0x3  }
0x194: {  	v0 =	vadd.s32 $0x1800, v0  }
0x195: {  	[tilespmem:v11+s19+$0x0] =	vst.idx.msk $0xffff, v0  }
0x196: {  	v0 =	vld [tilespmem:$0x560]  }
0x197: {  	v11 =	vor.u32 $0x586, v5;
	_ =	sdelay $0x3  }
0x198: {  	v0 =	vadd.s32 $0x1800, v0  }
0x199: {  	[tilespmem:v11+s19+$0x0] =	vst.idx.msk $0xffff, v0  }
0x19a: {  	v0 =	vld [tilespmem:$0x568]  }
0x19b: {  	v11 =	vadd.s32 $0x5C6, v5;
	_ =	sdelay $0x3  }
0x19c: {  	v0 =	vadd.s32 $0x1800, v0  }
0x19d: {  	[tilespmem:v11+s19+$0x0] =	vst.idx.msk $0xffff, v0  }
0x19e: {  	v0 =	vld [tilespmem:$0x578]  }
0x19f: {  	v11 =	vor.u32 $0x7, v5;
	_ =	sdelay $0x3  }
0x1a0: {  	v0 =	vadd.s32 $0x1C00, v0  }
0x1a1: {  	[tilespmem:v11+s19+$0x0] =	vst.idx.msk $0xffff, v0  }
0x1a2: {  	v0 =	vld [tilespmem:$0x588]  }
0x1a3: {  	v11 =	vor.u32 $0x87, v5;
	_ =	sdelay $0x3  }
0x1a4: {  	v0 =	vadd.s32 $0x1C00, v0  }
0x1a5: {  	[tilespmem:v11+s19+$0x0] =	vst.idx.msk $0xffff, v0  }
0x1a6: {  	v0 =	vld [tilespmem:$0x598]  }
0x1a7: {  	v11 =	vor.u32 $0x107, v5;
	_ =	sdelay $0x3  }
0x1a8: {  	v0 =	vadd.s32 $0x1C00, v0  }
0x1a9: {  	[tilespmem:v11+s19+$0x0] =	vst.idx.msk $0xffff, v0  }
0x1aa: {  	v0 =	vld [tilespmem:$0x5A8]  }
0x1ab: {  	v11 =	vor.u32 $0x187, v5;
	_ =	sdelay $0x3  }
0x1ac: {  	v0 =	vadd.s32 $0x1C00, v0  }
0x1ad: {  	[tilespmem:v11+s19+$0x0] =	vst.idx.msk $0xffff, v0  }
0x1ae: {  	v0 =	vld [tilespmem:$0x5B8]  }
0x1af: {  	v11 =	vor.u32 $0x207, v5;
	_ =	sdelay $0x3  }
0x1b0: {  	v0 =	vadd.s32 $0x1C00, v0  }
0x1b1: {  	[tilespmem:v11+s19+$0x0] =	vst.idx.msk $0xffff, v0  }
0x1b2: {  	v0 =	vld [tilespmem:$0x5C8]  }
0x1b3: {  	v11 =	vor.u32 $0x287, v5;
	_ =	sdelay $0x3  }
0x1b4: {  	v0 =	vadd.s32 $0x1C00, v0  }
0x1b5: {  	[tilespmem:v11+s19+$0x0] =	vst.idx.msk $0xffff, v0  }
0x1b6: {  	v0 =	vld [tilespmem:$0x5D8]  }
0x1b7: {  	v11 =	vor.u32 $0x307, v5;
	_ =	sdelay $0x3  }
0x1b8: {  	v0 =	vadd.s32 $0x1C00, v0  }
0x1b9: {  	[tilespmem:v11+s19+$0x0] =	vst.idx.msk $0xffff, v0  }
0x1ba: {  	v0 =	vld [tilespmem:$0x5E8]  }
0x1bb: {  	v11 =	vor.u32 $0x387, v5;
	_ =	sdelay $0x3  }
0x1bc: {  	v0 =	vadd.s32 $0x1C00, v0  }
0x1bd: {  	[tilespmem:v11+s19+$0x0] =	vst.idx.msk $0xffff, v0  }
0x1be: {  	v0 =	vld [tilespmem:$0x5F8]  }
0x1bf: {  	v11 =	vor.u32 $0x407, v5;
	_ =	sdelay $0x3  }
0x1c0: {  	v0 =	vadd.s32 $0x1C00, v0  }
0x1c1: {  	[tilespmem:v11+s19+$0x0] =	vst.idx.msk $0xffff, v0  }
0x1c2: {  	v0 =	vld [tilespmem:$0x608]  }
0x1c3: {  	v11 =	vor.u32 $0x487, v5;
	_ =	sdelay $0x3  }
0x1c4: {  	v0 =	vadd.s32 $0x1C00, v0  }
0x1c5: {  	[tilespmem:v11+s19+$0x0] =	vst.idx.msk $0xffff, v0  }
0x1c6: {  	v0 =	vld [tilespmem:$0x618]  }
0x1c7: {  	v11 =	vor.u32 $0x507, v5;
	_ =	sdelay $0x3  }
0x1c8: {  	v0 =	vadd.s32 $0x1C00, v0  }
0x1c9: {  	[tilespmem:v11+s19+$0x0] =	vst.idx.msk $0xffff, v0  }
0x1ca: {  	v0 =	vld [tilespmem:$0x628]  }
0x1cb: {  	v11 =	vor.u32 $0x587, v5;
	_ =	sdelay $0x3  }
0x1cc: {  	v0 =	vadd.s32 $0x1C00, v0  }
0x1cd: {  	[tilespmem:v11+s19+$0x0] =	vst.idx.msk $0xffff, v0  }
0x1ce: {  	v0 =	vld [tilespmem:$0x630]  }
0x1cf: {  	v11 =	vadd.s32 $0x5C7, v5;
	_ =	sdelay $0x3  }
0x1d0: {  	s30 =	sshll.u32 s28, $0x2;
	s31 =	simm.s32 $0x4000;
	v0 =	vadd.s32 $0x1C00, v0  }
0x1d1: {  	s2 =	simm.s32 $0x660;
	s12 =	simm.s32 $0x0;
	s0 =	simm.s32 $0x1;
	[tilespmem:v11+s19+$0x0] =	vst.idx.msk $0xffff, v0  }
0x1d2: {  	[tilespmem:s21], [sflag:$0x1] =	stream.indirect.gather [spmem:s3], $0x80, s19, s20, $0xb8;
	[tilespmem:$0x19090] =	vst v63  }
.LBB2_5:
0x1d3: {  	p1 =	sge.u32 s0, s28  }
0x1d4: {  	_ =	swait.ge [sflag:s14], $0x1000;
	s6 =	sand.u32 @!p1 $0x4000, s31  }
0x1d5: {  	[sflag:s14] =	ssyncset.done $0x0;
	s6 =	sshrl.u32 @!p1 s6, $0x2  }
0x1d6: {  	s7 =	simm.s32 @!p1 $0x20;
	[sflag:s14] =	ssyncadd.s32 $0xFFFFF000;
	s6 =	sor.u32 @!p1 $0xC80, s6  }
0x1d7: {  	[tilespmem:s6], [sflag:$0x1] =	stream.indirect.gather @!p1 [spmem:s3], $0x80, s2, s7, $0xb8;
	[tilespmem:$0x19090] =	vst v63  }
0x1d8: {  	s7 =	sand.u32 $0x1000, s29  }
0x1d9: {  	v0 =	vld [tilespmem:s7+$0xC80]  }
0x1da: {  	v11 =	vld [tilespmem:s7+$0xD00];
	_ =	sdelay $0x1  }
0x1db: {  	v12 =	vld [tilespmem:s7+$0xD80];
	_ =	sdelay $0x1  }
0x1dc: {  	v13 =	vld [tilespmem:s7+$0xE00]  }
0x1dd: {  	v0 =	vadd.f32 v11, v0  }
0x1de: {  	v11 =	vld [tilespmem:s7+$0xE80]  }
0x1df: {  	v0 =	vadd.f32 v12, v0  }
0x1e0: {  	v22 =	vld [tilespmem:s7+$0xF00]  }
0x1e1: {  	v0 =	vadd.f32 v13, v0  }
0x1e2: {  	v23 =	vld [tilespmem:s7+$0xF80]  }
0x1e3: {  	v14 =	vmov s12;
	v0 =	vadd.f32 v11, v0  }
0x1e4: {  	v18 =	vand.u32 $0xFFFFFFF8, v14;
	v15 =	vld [tilespmem:s7+$0x1000]  }
0x1e5: {  	v11 =	vadd.s32 v1, v18;
	v12 =	vadd.f32 v22, v0;
	v0 =	vand.u32 $0x4, v14  }
0x1e6: {  	v14 =	vor.u32 v0, v11  }
0x1e7: {  	v12 =	vadd.f32 v23, v12;
	_ =	sdelay $0x1  }
0x1e8: {  	v12 =	vadd.f32 v15, v12;
	_ =	sdelay $0x1  }
0x1e9: {  	[tilespmem:v14+s15+$0x0] =	vst.idx.msk $0xffff, v12  }
0x1ea: {  	v12 =	vld [tilespmem:s7+$0xC90]  }
0x1eb: {  	v19 =	vld [tilespmem:s7+$0xD10];
	_ =	sdelay $0x1  }
0x1ec: {  	v14 =	vld [tilespmem:s7+$0xD90];
	_ =	sdelay $0x1  }
0x1ed: {  	v20 =	vld [tilespmem:s7+$0xE10]  }
0x1ee: {  	v12 =	vadd.f32 v19, v12  }
0x1ef: {  	v21 =	vld [tilespmem:s7+$0xE90]  }
0x1f0: {  	v12 =	vadd.f32 v14, v12  }
0x1f1: {  	v22 =	vld [tilespmem:s7+$0xF10]  }
0x1f2: {  	v12 =	vadd.f32 v20, v12  }
0x1f3: {  	v23 =	vld [tilespmem:s7+$0xF90]  }
0x1f4: {  	v12 =	vadd.f32 v21, v12  }
0x1f5: {  	v20 =	vld [tilespmem:s7+$0x1010]  }
0x1f6: {  	v14 =	vadd.f32 v22, v12;
	v12 =	vadd.s32 v3, v18  }
0x1f7: {  	v16 =	vor.u32 v0, v12  }
0x1f8: {  	v14 =	vadd.f32 v23, v14;
	_ =	sdelay $0x1  }
0x1f9: {  	v13 =	vadd.f32 v20, v14;
	_ =	sdelay $0x1  }
0x1fa: {  	[tilespmem:v16+s15+$0x0] =	vst.idx.msk $0xffff, v13  }
0x1fb: {  	v13 =	vld [tilespmem:s7+$0xCA0]  }
0x1fc: {  	v21 =	vld [tilespmem:s7+$0xD20];
	_ =	sdelay $0x1  }
0x1fd: {  	v22 =	vld [tilespmem:s7+$0xDA0];
	_ =	sdelay $0x1  }
0x1fe: {  	v16 =	vld [tilespmem:s7+$0xE20]  }
0x1ff: {  	v13 =	vadd.f32 v21, v13  }
0x200: {  	v23 =	vld [tilespmem:s7+$0xEA0]  }
0x201: {  	v13 =	vadd.f32 v22, v13  }
0x202: {  	v20 =	vld [tilespmem:s7+$0xF20]  }
0x203: {  	v13 =	vadd.f32 v16, v13  }
0x204: {  	v21 =	vld [tilespmem:s7+$0xFA0]  }
0x205: {  	v13 =	vadd.f32 v23, v13  }
0x206: {  	v22 =	vld [tilespmem:s7+$0x1020]  }
0x207: {  	v15 =	vadd.f32 v20, v13;
	v13 =	vadd.s32 v4, v18  }
0x208: {  	v17 =	vor.u32 v0, v13  }
0x209: {  	v15 =	vadd.f32 v21, v15;
	_ =	sdelay $0x1  }
0x20a: {  	v14 =	vadd.f32 v22, v15;
	_ =	sdelay $0x1  }
0x20b: {  	[tilespmem:v17+s15+$0x0] =	vst.idx.msk $0xffff, v14  }
0x20c: {  	v14 =	vld [tilespmem:s7+$0xCB0]  }
0x20d: {  	v23 =	vld [tilespmem:s7+$0xD30];
	_ =	sdelay $0x1  }
0x20e: {  	v20 =	vld [tilespmem:s7+$0xDB0];
	_ =	sdelay $0x1  }
0x20f: {  	v17 =	vld [tilespmem:s7+$0xE30]  }
0x210: {  	v14 =	vadd.f32 v23, v14  }
0x211: {  	v21 =	vld [tilespmem:s7+$0xEB0]  }
0x212: {  	v14 =	vadd.f32 v20, v14  }
0x213: {  	v22 =	vld [tilespmem:s7+$0xF30]  }
0x214: {  	v14 =	vadd.f32 v17, v14  }
0x215: {  	v23 =	vld [tilespmem:s7+$0xFB0]  }
0x216: {  	v14 =	vadd.f32 v21, v14  }
0x217: {  	v21 =	vld [tilespmem:s7+$0x1030]  }
0x218: {  	v16 =	vadd.f32 v22, v14;
	v14 =	vadd.s32 v6, v18  }
0x219: {  	v19 =	vor.u32 v0, v14  }
0x21a: {  	v16 =	vadd.f32 v23, v16;
	_ =	sdelay $0x1  }
0x21b: {  	v15 =	vadd.f32 v21, v16;
	_ =	sdelay $0x1  }
0x21c: {  	[tilespmem:v19+s15+$0x0] =	vst.idx.msk $0xffff, v15  }
0x21d: {  	v15 =	vld [tilespmem:s7+$0xCC0]  }
0x21e: {  	v22 =	vld [tilespmem:s7+$0xD40];
	_ =	sdelay $0x1  }
0x21f: {  	v23 =	vld [tilespmem:s7+$0xDC0];
	_ =	sdelay $0x1  }
0x220: {  	v19 =	vld [tilespmem:s7+$0xE40]  }
0x221: {  	v15 =	vadd.f32 v22, v15  }
0x222: {  	v21 =	vld [tilespmem:s7+$0xEC0]  }
0x223: {  	v15 =	vadd.f32 v23, v15  }
0x224: {  	v22 =	vld [tilespmem:s7+$0xF40]  }
0x225: {  	v15 =	vadd.f32 v19, v15  }
0x226: {  	v19 =	vld [tilespmem:s7+$0xFC0]  }
0x227: {  	v15 =	vadd.f32 v21, v15  }
0x228: {  	v16 =	vld [tilespmem:s7+$0x1040]  }
0x229: {  	v17 =	vadd.f32 v22, v15;
	v15 =	vadd.s32 v7, v18  }
0x22a: {  	v20 =	vor.u32 v0, v15  }
0x22b: {  	v17 =	vadd.f32 v19, v17;
	_ =	sdelay $0x1  }
0x22c: {  	v16 =	vadd.f32 v16, v17;
	_ =	sdelay $0x1  }
0x22d: {  	[tilespmem:v20+s15+$0x0] =	vst.idx.msk $0xffff, v16  }
0x22e: {  	v16 =	vld [tilespmem:s7+$0xCD0]  }
0x22f: {  	v17 =	vld [tilespmem:s7+$0xD50];
	_ =	sdelay $0x1  }
0x230: {  	v19 =	vld [tilespmem:s7+$0xDD0];
	_ =	sdelay $0x1  }
0x231: {  	v20 =	vld [tilespmem:s7+$0xE50]  }
0x232: {  	v16 =	vadd.f32 v17, v16  }
0x233: {  	v17 =	vld [tilespmem:s7+$0xED0]  }
0x234: {  	v16 =	vadd.f32 v19, v16  }
0x235: {  	v19 =	vld [tilespmem:s7+$0xF50]  }
0x236: {  	v16 =	vadd.f32 v20, v16  }
0x237: {  	v20 =	vld [tilespmem:s7+$0xFD0]  }
0x238: {  	v16 =	vadd.f32 v17, v16  }
0x239: {  	v17 =	vld [tilespmem:s7+$0x1050]  }
0x23a: {  	v19 =	vadd.f32 v19, v16;
	v16 =	vadd.s32 v8, v18  }
0x23b: {  	v21 =	vor.u32 v0, v16  }
0x23c: {  	v19 =	vadd.f32 v20, v19;
	_ =	sdelay $0x1  }
0x23d: {  	v17 =	vadd.f32 v17, v19;
	_ =	sdelay $0x1  }
0x23e: {  	[tilespmem:v21+s15+$0x0] =	vst.idx.msk $0xffff, v17  }
0x23f: {  	v17 =	vld [tilespmem:s7+$0xCE0]  }
0x240: {  	v19 =	vld [tilespmem:s7+$0xD60];
	_ =	sdelay $0x1  }
0x241: {  	v20 =	vld [tilespmem:s7+$0xDE0];
	_ =	sdelay $0x1  }
0x242: {  	v21 =	vld [tilespmem:s7+$0xE60]  }
0x243: {  	v17 =	vadd.f32 v19, v17  }
0x244: {  	v19 =	vld [tilespmem:s7+$0xEE0]  }
0x245: {  	v17 =	vadd.f32 v20, v17  }
0x246: {  	v20 =	vld [tilespmem:s7+$0xF60]  }
0x247: {  	v17 =	vadd.f32 v21, v17  }
0x248: {  	v21 =	vld [tilespmem:s7+$0xFE0]  }
0x249: {  	v17 =	vadd.f32 v19, v17  }
0x24a: {  	v19 =	vld [tilespmem:s7+$0x1060]  }
0x24b: {  	v20 =	vadd.f32 v20, v17;
	v17 =	vadd.s32 v9, v18  }
0x24c: {  	v22 =	vor.u32 v0, v17  }
0x24d: {  	v20 =	vadd.f32 v21, v20;
	_ =	sdelay $0x1  }
0x24e: {  	v19 =	vadd.f32 v19, v20;
	_ =	sdelay $0x1  }
0x24f: {  	[tilespmem:v22+s15+$0x0] =	vst.idx.msk $0xffff, v19  }
0x250: {  	v19 =	vld [tilespmem:s7+$0xCF0]  }
0x251: {  	v20 =	vld [tilespmem:s7+$0xD70];
	_ =	sdelay $0x1  }
0x252: {  	v21 =	vld [tilespmem:s7+$0xDF0];
	_ =	sdelay $0x1  }
0x253: {  	v22 =	vld [tilespmem:s7+$0xE70]  }
0x254: {  	v19 =	vadd.f32 v20, v19  }
0x255: {  	v20 =	vld [tilespmem:s7+$0xEF0]  }
0x256: {  	v19 =	vadd.f32 v21, v19  }
0x257: {  	v21 =	vld [tilespmem:s7+$0xF70]  }
0x258: {  	v19 =	vadd.f32 v22, v19  }
0x259: {  	v22 =	vld [tilespmem:s7+$0xFF0]  }
0x25a: {  	v19 =	vadd.f32 v20, v19  }
0x25b: {  	v20 =	vld [tilespmem:s7+$0x1070]  }
0x25c: {  	v18 =	vadd.s32 v10, v18;
	v19 =	vadd.f32 v21, v19  }
0x25d: {  	v21 =	vor.u32 v0, v18  }
0x25e: {  	v19 =	vadd.f32 v22, v19;
	_ =	sdelay $0x1  }
0x25f: {  	v19 =	vadd.f32 v20, v19;
	_ =	sdelay $0x1  }
0x260: {  	[tilespmem:v21+s15+$0x0] =	vst.idx.msk $0xffff, v19  }
0x261: {  	v19 =	vld [tilespmem:s7+$0x1080]  }
0x262: {  	v20 =	vld [tilespmem:s7+$0x1100];
	_ =	sdelay $0x1  }
0x263: {  	v21 =	vld [tilespmem:s7+$0x1180];
	_ =	sdelay $0x1  }
0x264: {  	v22 =	vld [tilespmem:s7+$0x1200]  }
0x265: {  	v19 =	vadd.f32 v20, v19  }
0x266: {  	v20 =	vld [tilespmem:s7+$0x1280]  }
0x267: {  	v19 =	vadd.f32 v21, v19  }
0x268: {  	v21 =	vld [tilespmem:s7+$0x1300]  }
0x269: {  	v19 =	vadd.f32 v22, v19  }
0x26a: {  	v22 =	vld [tilespmem:s7+$0x1380]  }
0x26b: {  	v19 =	vadd.f32 v20, v19  }
0x26c: {  	v20 =	vld [tilespmem:s7+$0x1400]  }
0x26d: {  	v19 =	vadd.f32 v21, v19;
	v21 =	vor.u32 $0x1, v0  }
0x26e: {  	v23 =	vor.u32 v21, v11  }
0x26f: {  	v19 =	vadd.f32 v22, v19;
	_ =	sdelay $0x1  }
0x270: {  	v19 =	vadd.f32 v20, v19;
	_ =	sdelay $0x1  }
0x271: {  	[tilespmem:v23+s15+$0x0] =	vst.idx.msk $0xffff, v19  }
0x272: {  	v19 =	vld [tilespmem:s7+$0x1090]  }
0x273: {  	v20 =	vld [tilespmem:s7+$0x1110];
	_ =	sdelay $0x1  }
0x274: {  	v22 =	vld [tilespmem:s7+$0x1190];
	_ =	sdelay $0x1  }
0x275: {  	v23 =	vld [tilespmem:s7+$0x1210]  }
0x276: {  	v19 =	vadd.f32 v20, v19  }
0x277: {  	v20 =	vld [tilespmem:s7+$0x1290]  }
0x278: {  	v19 =	vadd.f32 v22, v19  }
0x279: {  	v22 =	vld [tilespmem:s7+$0x1310]  }
0x27a: {  	v19 =	vadd.f32 v23, v19  }
0x27b: {  	v23 =	vld [tilespmem:s7+$0x1390]  }
0x27c: {  	v19 =	vadd.f32 v20, v19  }
0x27d: {  	v20 =	vld [tilespmem:s7+$0x1410]  }
0x27e: {  	v19 =	vadd.f32 v22, v19  }
0x27f: {  	v22 =	vor.u32 v21, v12  }
0x280: {  	v19 =	vadd.f32 v23, v19;
	_ =	sdelay $0x1  }
0x281: {  	v19 =	vadd.f32 v20, v19;
	_ =	sdelay $0x1  }
0x282: {  	[tilespmem:v22+s15+$0x0] =	vst.idx.msk $0xffff, v19  }
0x283: {  	v19 =	vld [tilespmem:s7+$0x10A0]  }
0x284: {  	v20 =	vld [tilespmem:s7+$0x1120];
	_ =	sdelay $0x1  }
0x285: {  	v22 =	vld [tilespmem:s7+$0x11A0];
	_ =	sdelay $0x1  }
0x286: {  	v23 =	vld [tilespmem:s7+$0x1220]  }
0x287: {  	v19 =	vadd.f32 v20, v19  }
0x288: {  	v20 =	vld [tilespmem:s7+$0x12A0]  }
0x289: {  	v19 =	vadd.f32 v22, v19  }
0x28a: {  	v22 =	vld [tilespmem:s7+$0x1320]  }
0x28b: {  	v19 =	vadd.f32 v23, v19  }
0x28c: {  	v23 =	vld [tilespmem:s7+$0x13A0]  }
0x28d: {  	v19 =	vadd.f32 v20, v19  }
0x28e: {  	v20 =	vld [tilespmem:s7+$0x1420]  }
0x28f: {  	v19 =	vadd.f32 v22, v19  }
0x290: {  	v22 =	vor.u32 v21, v13  }
0x291: {  	v19 =	vadd.f32 v23, v19;
	_ =	sdelay $0x1  }
0x292: {  	v19 =	vadd.f32 v20, v19;
	_ =	sdelay $0x1  }
0x293: {  	[tilespmem:v22+s15+$0x0] =	vst.idx.msk $0xffff, v19  }
0x294: {  	v19 =	vld [tilespmem:s7+$0x10B0]  }
0x295: {  	v20 =	vld [tilespmem:s7+$0x1130];
	_ =	sdelay $0x1  }
0x296: {  	v22 =	vld [tilespmem:s7+$0x11B0];
	_ =	sdelay $0x1  }
0x297: {  	v23 =	vld [tilespmem:s7+$0x1230]  }
0x298: {  	v19 =	vadd.f32 v20, v19  }
0x299: {  	v20 =	vld [tilespmem:s7+$0x12B0]  }
0x29a: {  	v19 =	vadd.f32 v22, v19  }
0x29b: {  	v22 =	vld [tilespmem:s7+$0x1330]  }
0x29c: {  	v19 =	vadd.f32 v23, v19  }
0x29d: {  	v23 =	vld [tilespmem:s7+$0x13B0]  }
0x29e: {  	v19 =	vadd.f32 v20, v19  }
0x29f: {  	v20 =	vld [tilespmem:s7+$0x1430]  }
0x2a0: {  	v19 =	vadd.f32 v22, v19  }
0x2a1: {  	v22 =	vor.u32 v21, v14  }
0x2a2: {  	v19 =	vadd.f32 v23, v19;
	_ =	sdelay $0x1  }
0x2a3: {  	v19 =	vadd.f32 v20, v19;
	_ =	sdelay $0x1  }
0x2a4: {  	[tilespmem:v22+s15+$0x0] =	vst.idx.msk $0xffff, v19  }
0x2a5: {  	v19 =	vld [tilespmem:s7+$0x10C0]  }
0x2a6: {  	v20 =	vld [tilespmem:s7+$0x1140];
	_ =	sdelay $0x1  }
0x2a7: {  	v22 =	vld [tilespmem:s7+$0x11C0];
	_ =	sdelay $0x1  }
0x2a8: {  	v23 =	vld [tilespmem:s7+$0x1240]  }
0x2a9: {  	v19 =	vadd.f32 v20, v19  }
0x2aa: {  	v20 =	vld [tilespmem:s7+$0x12C0]  }
0x2ab: {  	v19 =	vadd.f32 v22, v19  }
0x2ac: {  	v22 =	vld [tilespmem:s7+$0x1340]  }
0x2ad: {  	v19 =	vadd.f32 v23, v19  }
0x2ae: {  	v23 =	vld [tilespmem:s7+$0x13C0]  }
0x2af: {  	v19 =	vadd.f32 v20, v19  }
0x2b0: {  	v20 =	vld [tilespmem:s7+$0x1440]  }
0x2b1: {  	v19 =	vadd.f32 v22, v19  }
0x2b2: {  	v22 =	vor.u32 v21, v15  }
0x2b3: {  	v19 =	vadd.f32 v23, v19;
	_ =	sdelay $0x1  }
0x2b4: {  	v19 =	vadd.f32 v20, v19;
	_ =	sdelay $0x1  }
0x2b5: {  	[tilespmem:v22+s15+$0x0] =	vst.idx.msk $0xffff, v19  }
0x2b6: {  	v19 =	vld [tilespmem:s7+$0x10D0]  }
0x2b7: {  	v20 =	vld [tilespmem:s7+$0x1150];
	_ =	sdelay $0x1  }
0x2b8: {  	v22 =	vld [tilespmem:s7+$0x11D0];
	_ =	sdelay $0x1  }
0x2b9: {  	v23 =	vld [tilespmem:s7+$0x1250]  }
0x2ba: {  	v19 =	vadd.f32 v20, v19  }
0x2bb: {  	v20 =	vld [tilespmem:s7+$0x12D0]  }
0x2bc: {  	v19 =	vadd.f32 v22, v19  }
0x2bd: {  	v22 =	vld [tilespmem:s7+$0x1350]  }
0x2be: {  	v19 =	vadd.f32 v23, v19  }
0x2bf: {  	v23 =	vld [tilespmem:s7+$0x13D0]  }
0x2c0: {  	v19 =	vadd.f32 v20, v19  }
0x2c1: {  	v20 =	vld [tilespmem:s7+$0x1450]  }
0x2c2: {  	v19 =	vadd.f32 v22, v19  }
0x2c3: {  	v22 =	vor.u32 v21, v16  }
0x2c4: {  	v19 =	vadd.f32 v23, v19;
	_ =	sdelay $0x1  }
0x2c5: {  	v19 =	vadd.f32 v20, v19;
	_ =	sdelay $0x1  }
0x2c6: {  	[tilespmem:v22+s15+$0x0] =	vst.idx.msk $0xffff, v19  }
0x2c7: {  	v19 =	vld [tilespmem:s7+$0x10E0]  }
0x2c8: {  	v20 =	vld [tilespmem:s7+$0x1160];
	_ =	sdelay $0x1  }
0x2c9: {  	v22 =	vld [tilespmem:s7+$0x11E0];
	_ =	sdelay $0x1  }
0x2ca: {  	v23 =	vld [tilespmem:s7+$0x1260]  }
0x2cb: {  	v19 =	vadd.f32 v20, v19  }
0x2cc: {  	v20 =	vld [tilespmem:s7+$0x12E0]  }
0x2cd: {  	v19 =	vadd.f32 v22, v19  }
0x2ce: {  	v22 =	vld [tilespmem:s7+$0x1360]  }
0x2cf: {  	v19 =	vadd.f32 v23, v19  }
0x2d0: {  	v23 =	vld [tilespmem:s7+$0x13E0]  }
0x2d1: {  	v19 =	vadd.f32 v20, v19  }
0x2d2: {  	v20 =	vld [tilespmem:s7+$0x1460]  }
0x2d3: {  	v19 =	vadd.f32 v22, v19  }
0x2d4: {  	v22 =	vor.u32 v21, v17  }
0x2d5: {  	v19 =	vadd.f32 v23, v19;
	_ =	sdelay $0x1  }
0x2d6: {  	v19 =	vadd.f32 v20, v19;
	_ =	sdelay $0x1  }
0x2d7: {  	[tilespmem:v22+s15+$0x0] =	vst.idx.msk $0xffff, v19  }
0x2d8: {  	v19 =	vld [tilespmem:s7+$0x10F0]  }
0x2d9: {  	v20 =	vld [tilespmem:s7+$0x1170];
	_ =	sdelay $0x1  }
0x2da: {  	v22 =	vld [tilespmem:s7+$0x11F0];
	_ =	sdelay $0x1  }
0x2db: {  	v23 =	vld [tilespmem:s7+$0x1270]  }
0x2dc: {  	v19 =	vadd.f32 v20, v19  }
0x2dd: {  	v20 =	vld [tilespmem:s7+$0x12F0]  }
0x2de: {  	v19 =	vadd.f32 v22, v19  }
0x2df: {  	v22 =	vld [tilespmem:s7+$0x1370]  }
0x2e0: {  	v19 =	vadd.f32 v23, v19  }
0x2e1: {  	v23 =	vld [tilespmem:s7+$0x13F0]  }
0x2e2: {  	v19 =	vadd.f32 v20, v19  }
0x2e3: {  	v20 =	vld [tilespmem:s7+$0x1470]  }
0x2e4: {  	v19 =	vadd.f32 v22, v19  }
0x2e5: {  	v21 =	vor.u32 v21, v18  }
0x2e6: {  	v19 =	vadd.f32 v23, v19;
	_ =	sdelay $0x1  }
0x2e7: {  	v19 =	vadd.f32 v20, v19;
	_ =	sdelay $0x1  }
0x2e8: {  	[tilespmem:v21+s15+$0x0] =	vst.idx.msk $0xffff, v19  }
0x2e9: {  	v19 =	vld [tilespmem:s7+$0x1480]  }
0x2ea: {  	v20 =	vld [tilespmem:s7+$0x1500];
	_ =	sdelay $0x1  }
0x2eb: {  	v21 =	vld [tilespmem:s7+$0x1580];
	_ =	sdelay $0x1  }
0x2ec: {  	v22 =	vld [tilespmem:s7+$0x1600]  }
0x2ed: {  	v19 =	vadd.f32 v20, v19  }
0x2ee: {  	v20 =	vld [tilespmem:s7+$0x1680]  }
0x2ef: {  	v19 =	vadd.f32 v21, v19  }
0x2f0: {  	v21 =	vld [tilespmem:s7+$0x1700]  }
0x2f1: {  	v19 =	vadd.f32 v22, v19  }
0x2f2: {  	v22 =	vld [tilespmem:s7+$0x1780]  }
0x2f3: {  	v19 =	vadd.f32 v20, v19  }
0x2f4: {  	v20 =	vld [tilespmem:s7+$0x1800]  }
0x2f5: {  	v19 =	vadd.f32 v21, v19;
	v21 =	vor.u32 $0x2, v0  }
0x2f6: {  	v23 =	vor.u32 v21, v11  }
0x2f7: {  	v19 =	vadd.f32 v22, v19;
	_ =	sdelay $0x1  }
0x2f8: {  	v19 =	vadd.f32 v20, v19;
	_ =	sdelay $0x1  }
0x2f9: {  	[tilespmem:v23+s15+$0x0] =	vst.idx.msk $0xffff, v19  }
0x2fa: {  	v19 =	vld [tilespmem:s7+$0x1490]  }
0x2fb: {  	v20 =	vld [tilespmem:s7+$0x1510];
	_ =	sdelay $0x1  }
0x2fc: {  	v22 =	vld [tilespmem:s7+$0x1590];
	_ =	sdelay $0x1  }
0x2fd: {  	v23 =	vld [tilespmem:s7+$0x1610]  }
0x2fe: {  	v19 =	vadd.f32 v20, v19  }
0x2ff: {  	v20 =	vld [tilespmem:s7+$0x1690]  }
0x300: {  	v19 =	vadd.f32 v22, v19  }
0x301: {  	v22 =	vld [tilespmem:s7+$0x1710]  }
0x302: {  	v19 =	vadd.f32 v23, v19  }
0x303: {  	v23 =	vld [tilespmem:s7+$0x1790]  }
0x304: {  	v19 =	vadd.f32 v20, v19  }
0x305: {  	v20 =	vld [tilespmem:s7+$0x1810]  }
0x306: {  	v19 =	vadd.f32 v22, v19  }
0x307: {  	v22 =	vor.u32 v21, v12  }
0x308: {  	v19 =	vadd.f32 v23, v19;
	_ =	sdelay $0x1  }
0x309: {  	v19 =	vadd.f32 v20, v19;
	_ =	sdelay $0x1  }
0x30a: {  	[tilespmem:v22+s15+$0x0] =	vst.idx.msk $0xffff, v19  }
0x30b: {  	v19 =	vld [tilespmem:s7+$0x14A0]  }
0x30c: {  	v20 =	vld [tilespmem:s7+$0x1520];
	_ =	sdelay $0x1  }
0x30d: {  	v22 =	vld [tilespmem:s7+$0x15A0];
	_ =	sdelay $0x1  }
0x30e: {  	v23 =	vld [tilespmem:s7+$0x1620]  }
0x30f: {  	v19 =	vadd.f32 v20, v19  }
0x310: {  	v20 =	vld [tilespmem:s7+$0x16A0]  }
0x311: {  	v19 =	vadd.f32 v22, v19  }
0x312: {  	v22 =	vld [tilespmem:s7+$0x1720]  }
0x313: {  	v19 =	vadd.f32 v23, v19  }
0x314: {  	v23 =	vld [tilespmem:s7+$0x17A0]  }
0x315: {  	v19 =	vadd.f32 v20, v19  }
0x316: {  	v20 =	vld [tilespmem:s7+$0x1820]  }
0x317: {  	v19 =	vadd.f32 v22, v19  }
0x318: {  	v22 =	vor.u32 v21, v13  }
0x319: {  	v19 =	vadd.f32 v23, v19;
	_ =	sdelay $0x1  }
0x31a: {  	v19 =	vadd.f32 v20, v19;
	_ =	sdelay $0x1  }
0x31b: {  	[tilespmem:v22+s15+$0x0] =	vst.idx.msk $0xffff, v19  }
0x31c: {  	v19 =	vld [tilespmem:s7+$0x14B0]  }
0x31d: {  	v20 =	vld [tilespmem:s7+$0x1530];
	_ =	sdelay $0x1  }
0x31e: {  	v22 =	vld [tilespmem:s7+$0x15B0];
	_ =	sdelay $0x1  }
0x31f: {  	v23 =	vld [tilespmem:s7+$0x1630]  }
0x320: {  	v19 =	vadd.f32 v20, v19  }
0x321: {  	v20 =	vld [tilespmem:s7+$0x16B0]  }
0x322: {  	v19 =	vadd.f32 v22, v19  }
0x323: {  	v22 =	vld [tilespmem:s7+$0x1730]  }
0x324: {  	v19 =	vadd.f32 v23, v19  }
0x325: {  	v23 =	vld [tilespmem:s7+$0x17B0]  }
0x326: {  	v19 =	vadd.f32 v20, v19  }
0x327: {  	v20 =	vld [tilespmem:s7+$0x1830]  }
0x328: {  	v19 =	vadd.f32 v22, v19  }
0x329: {  	v22 =	vor.u32 v21, v14  }
0x32a: {  	v19 =	vadd.f32 v23, v19;
	_ =	sdelay $0x1  }
0x32b: {  	v19 =	vadd.f32 v20, v19;
	_ =	sdelay $0x1  }
0x32c: {  	[tilespmem:v22+s15+$0x0] =	vst.idx.msk $0xffff, v19  }
0x32d: {  	v19 =	vld [tilespmem:s7+$0x14C0]  }
0x32e: {  	v20 =	vld [tilespmem:s7+$0x1540];
	_ =	sdelay $0x1  }
0x32f: {  	v22 =	vld [tilespmem:s7+$0x15C0];
	_ =	sdelay $0x1  }
0x330: {  	v23 =	vld [tilespmem:s7+$0x1640]  }
0x331: {  	v19 =	vadd.f32 v20, v19  }
0x332: {  	v20 =	vld [tilespmem:s7+$0x16C0]  }
0x333: {  	v19 =	vadd.f32 v22, v19  }
0x334: {  	v22 =	vld [tilespmem:s7+$0x1740]  }
0x335: {  	v19 =	vadd.f32 v23, v19  }
0x336: {  	v23 =	vld [tilespmem:s7+$0x17C0]  }
0x337: {  	v19 =	vadd.f32 v20, v19  }
0x338: {  	v20 =	vld [tilespmem:s7+$0x1840]  }
0x339: {  	v19 =	vadd.f32 v22, v19  }
0x33a: {  	v22 =	vor.u32 v21, v15  }
0x33b: {  	v19 =	vadd.f32 v23, v19;
	_ =	sdelay $0x1  }
0x33c: {  	v19 =	vadd.f32 v20, v19;
	_ =	sdelay $0x1  }
0x33d: {  	[tilespmem:v22+s15+$0x0] =	vst.idx.msk $0xffff, v19  }
0x33e: {  	v19 =	vld [tilespmem:s7+$0x14D0]  }
0x33f: {  	v20 =	vld [tilespmem:s7+$0x1550];
	_ =	sdelay $0x1  }
0x340: {  	v22 =	vld [tilespmem:s7+$0x15D0];
	_ =	sdelay $0x1  }
0x341: {  	v23 =	vld [tilespmem:s7+$0x1650]  }
0x342: {  	v19 =	vadd.f32 v20, v19  }
0x343: {  	v20 =	vld [tilespmem:s7+$0x16D0]  }
0x344: {  	v19 =	vadd.f32 v22, v19  }
0x345: {  	v22 =	vld [tilespmem:s7+$0x1750]  }
0x346: {  	v19 =	vadd.f32 v23, v19  }
0x347: {  	v23 =	vld [tilespmem:s7+$0x17D0]  }
0x348: {  	v19 =	vadd.f32 v20, v19  }
0x349: {  	v20 =	vld [tilespmem:s7+$0x1850]  }
0x34a: {  	v19 =	vadd.f32 v22, v19  }
0x34b: {  	v22 =	vor.u32 v21, v16  }
0x34c: {  	v19 =	vadd.f32 v23, v19;
	_ =	sdelay $0x1  }
0x34d: {  	v19 =	vadd.f32 v20, v19;
	_ =	sdelay $0x1  }
0x34e: {  	[tilespmem:v22+s15+$0x0] =	vst.idx.msk $0xffff, v19  }
0x34f: {  	v19 =	vld [tilespmem:s7+$0x14E0]  }
0x350: {  	v20 =	vld [tilespmem:s7+$0x1560];
	_ =	sdelay $0x1  }
0x351: {  	v22 =	vld [tilespmem:s7+$0x15E0];
	_ =	sdelay $0x1  }
0x352: {  	v23 =	vld [tilespmem:s7+$0x1660]  }
0x353: {  	v19 =	vadd.f32 v20, v19  }
0x354: {  	v20 =	vld [tilespmem:s7+$0x16E0]  }
0x355: {  	v19 =	vadd.f32 v22, v19  }
0x356: {  	v22 =	vld [tilespmem:s7+$0x1760]  }
0x357: {  	v19 =	vadd.f32 v23, v19  }
0x358: {  	v23 =	vld [tilespmem:s7+$0x17E0]  }
0x359: {  	v19 =	vadd.f32 v20, v19  }
0x35a: {  	v20 =	vld [tilespmem:s7+$0x1860]  }
0x35b: {  	v19 =	vadd.f32 v22, v19  }
0x35c: {  	v22 =	vor.u32 v21, v17  }
0x35d: {  	v19 =	vadd.f32 v23, v19;
	_ =	sdelay $0x1  }
0x35e: {  	v19 =	vadd.f32 v20, v19;
	_ =	sdelay $0x1  }
0x35f: {  	[tilespmem:v22+s15+$0x0] =	vst.idx.msk $0xffff, v19  }
0x360: {  	v19 =	vld [tilespmem:s7+$0x14F0]  }
0x361: {  	v20 =	vld [tilespmem:s7+$0x1570];
	_ =	sdelay $0x1  }
0x362: {  	v22 =	vld [tilespmem:s7+$0x15F0];
	_ =	sdelay $0x1  }
0x363: {  	v23 =	vld [tilespmem:s7+$0x1670]  }
0x364: {  	v19 =	vadd.f32 v20, v19  }
0x365: {  	v20 =	vld [tilespmem:s7+$0x16F0]  }
0x366: {  	v19 =	vadd.f32 v22, v19  }
0x367: {  	v22 =	vld [tilespmem:s7+$0x1770]  }
0x368: {  	v19 =	vadd.f32 v23, v19  }
0x369: {  	v23 =	vld [tilespmem:s7+$0x17F0]  }
0x36a: {  	v19 =	vadd.f32 v20, v19  }
0x36b: {  	v20 =	vld [tilespmem:s7+$0x1870]  }
0x36c: {  	v19 =	vadd.f32 v22, v19  }
0x36d: {  	v21 =	vor.u32 v21, v18  }
0x36e: {  	v19 =	vadd.f32 v23, v19;
	_ =	sdelay $0x1  }
0x36f: {  	v19 =	vadd.f32 v20, v19;
	_ =	sdelay $0x1  }
0x370: {  	[tilespmem:v21+s15+$0x0] =	vst.idx.msk $0xffff, v19  }
0x371: {  	v19 =	vld [tilespmem:s7+$0x1880]  }
0x372: {  	v20 =	vld [tilespmem:s7+$0x1900];
	_ =	sdelay $0x1  }
0x373: {  	v21 =	vld [tilespmem:s7+$0x1980];
	_ =	sdelay $0x1  }
0x374: {  	v22 =	vld [tilespmem:s7+$0x1A00]  }
0x375: {  	v19 =	vadd.f32 v20, v19  }
0x376: {  	v20 =	vld [tilespmem:s7+$0x1A80]  }
0x377: {  	v19 =	vadd.f32 v21, v19  }
0x378: {  	v21 =	vld [tilespmem:s7+$0x1B00]  }
0x379: {  	v19 =	vadd.f32 v22, v19  }
0x37a: {  	v22 =	vld [tilespmem:s7+$0x1B80]  }
0x37b: {  	v19 =	vadd.f32 v20, v19  }
0x37c: {  	v20 =	vld [tilespmem:s7+$0x1C00]  }
0x37d: {  	v0 =	vor.u32 $0x3, v0;
	v19 =	vadd.f32 v21, v19  }
0x37e: {  	v11 =	vor.u32 v0, v11  }
0x37f: {  	v19 =	vadd.f32 v22, v19;
	_ =	sdelay $0x1  }
0x380: {  	v19 =	vadd.f32 v20, v19;
	_ =	sdelay $0x1  }
0x381: {  	[tilespmem:v11+s15+$0x0] =	vst.idx.msk $0xffff, v19  }
0x382: {  	v11 =	vld [tilespmem:s7+$0x1890]  }
0x383: {  	v19 =	vld [tilespmem:s7+$0x1910];
	_ =	sdelay $0x1  }
0x384: {  	v20 =	vld [tilespmem:s7+$0x1990];
	_ =	sdelay $0x1  }
0x385: {  	v21 =	vld [tilespmem:s7+$0x1A10]  }
0x386: {  	v11 =	vadd.f32 v19, v11  }
0x387: {  	v19 =	vld [tilespmem:s7+$0x1A90]  }
0x388: {  	v11 =	vadd.f32 v20, v11  }
0x389: {  	v20 =	vld [tilespmem:s7+$0x1B10]  }
0x38a: {  	v11 =	vadd.f32 v21, v11  }
0x38b: {  	v21 =	vld [tilespmem:s7+$0x1B90]  }
0x38c: {  	v11 =	vadd.f32 v19, v11  }
0x38d: {  	v23 =	vld [tilespmem:s7+$0x1C10]  }
0x38e: {  	v11 =	vadd.f32 v20, v11  }
0x38f: {  	v12 =	vor.u32 v0, v12  }
0x390: {  	v11 =	vadd.f32 v21, v11;
	_ =	sdelay $0x1  }
0x391: {  	v11 =	vadd.f32 v23, v11;
	_ =	sdelay $0x1  }
0x392: {  	[tilespmem:v12+s15+$0x0] =	vst.idx.msk $0xffff, v11  }
0x393: {  	v11 =	vld [tilespmem:s7+$0x18A0]  }
0x394: {  	v12 =	vld [tilespmem:s7+$0x1920];
	_ =	sdelay $0x1  }
0x395: {  	v19 =	vld [tilespmem:s7+$0x19A0];
	_ =	sdelay $0x1  }
0x396: {  	v20 =	vld [tilespmem:s7+$0x1A20]  }
0x397: {  	v11 =	vadd.f32 v12, v11  }
0x398: {  	v12 =	vld [tilespmem:s7+$0x1AA0]  }
0x399: {  	v11 =	vadd.f32 v19, v11  }
0x39a: {  	v19 =	vld [tilespmem:s7+$0x1B20]  }
0x39b: {  	v11 =	vadd.f32 v20, v11  }
0x39c: {  	v20 =	vld [tilespmem:s7+$0x1BA0]  }
0x39d: {  	v11 =	vadd.f32 v12, v11  }
0x39e: {  	v22 =	vld [tilespmem:s7+$0x1C20]  }
0x39f: {  	v11 =	vadd.f32 v19, v11  }
0x3a0: {  	v13 =	vor.u32 v0, v13  }
0x3a1: {  	v11 =	vadd.f32 v20, v11;
	_ =	sdelay $0x1  }
0x3a2: {  	v11 =	vadd.f32 v22, v11;
	_ =	sdelay $0x1  }
0x3a3: {  	[tilespmem:v13+s15+$0x0] =	vst.idx.msk $0xffff, v11  }
0x3a4: {  	v11 =	vld [tilespmem:s7+$0x18B0]  }
0x3a5: {  	v23 =	vld [tilespmem:s7+$0x1930];
	_ =	sdelay $0x1  }
0x3a6: {  	v13 =	vld [tilespmem:s7+$0x19B0];
	_ =	sdelay $0x1  }
0x3a7: {  	v21 =	vld [tilespmem:s7+$0x1A30]  }
0x3a8: {  	v11 =	vadd.f32 v23, v11  }
0x3a9: {  	v22 =	vld [tilespmem:s7+$0x1AB0]  }
0x3aa: {  	v11 =	vadd.f32 v13, v11  }
0x3ab: {  	v23 =	vld [tilespmem:s7+$0x1B30]  }
0x3ac: {  	v11 =	vadd.f32 v21, v11  }
0x3ad: {  	v21 =	vld [tilespmem:s7+$0x1BB0]  }
0x3ae: {  	v11 =	vadd.f32 v22, v11  }
0x3af: {  	v22 =	vld [tilespmem:s7+$0x1C30]  }
0x3b0: {  	v11 =	vadd.f32 v23, v11  }
0x3b1: {  	v23 =	vor.u32 v0, v14  }
0x3b2: {  	v11 =	vadd.f32 v21, v11;
	_ =	sdelay $0x1  }
0x3b3: {  	v11 =	vadd.f32 v22, v11;
	_ =	sdelay $0x1  }
0x3b4: {  	[tilespmem:v23+s15+$0x0] =	vst.idx.msk $0xffff, v11  }
0x3b5: {  	v11 =	vld [tilespmem:s7+$0x18C0]  }
0x3b6: {  	v20 =	vld [tilespmem:s7+$0x1940];
	_ =	sdelay $0x1  }
0x3b7: {  	v13 =	vld [tilespmem:s7+$0x19C0];
	_ =	sdelay $0x1  }
0x3b8: {  	v21 =	vld [tilespmem:s7+$0x1A40]  }
0x3b9: {  	v11 =	vadd.f32 v20, v11  }
0x3ba: {  	v22 =	vld [tilespmem:s7+$0x1AC0]  }
0x3bb: {  	v11 =	vadd.f32 v13, v11  }
0x3bc: {  	v23 =	vld [tilespmem:s7+$0x1B40]  }
0x3bd: {  	v11 =	vadd.f32 v21, v11  }
0x3be: {  	v19 =	vld [tilespmem:s7+$0x1BC0]  }
0x3bf: {  	v11 =	vadd.f32 v22, v11  }
0x3c0: {  	v20 =	vld [tilespmem:s7+$0x1C40]  }
0x3c1: {  	v11 =	vadd.f32 v23, v11  }
0x3c2: {  	v21 =	vor.u32 v0, v15  }
0x3c3: {  	v11 =	vadd.f32 v19, v11;
	_ =	sdelay $0x1  }
0x3c4: {  	v11 =	vadd.f32 v20, v11;
	_ =	sdelay $0x1  }
0x3c5: {  	[tilespmem:v21+s15+$0x0] =	vst.idx.msk $0xffff, v11  }
0x3c6: {  	v11 =	vld [tilespmem:s7+$0x18D0]  }
0x3c7: {  	v22 =	vld [tilespmem:s7+$0x1950];
	_ =	sdelay $0x1  }
0x3c8: {  	v13 =	vld [tilespmem:s7+$0x19D0];
	_ =	sdelay $0x1  }
0x3c9: {  	v23 =	vld [tilespmem:s7+$0x1A50]  }
0x3ca: {  	v11 =	vadd.f32 v22, v11  }
0x3cb: {  	v19 =	vld [tilespmem:s7+$0x1AD0]  }
0x3cc: {  	v11 =	vadd.f32 v13, v11  }
0x3cd: {  	v20 =	vld [tilespmem:s7+$0x1B50]  }
0x3ce: {  	v11 =	vadd.f32 v23, v11  }
0x3cf: {  	v21 =	vld [tilespmem:s7+$0x1BD0]  }
0x3d0: {  	v11 =	vadd.f32 v19, v11  }
0x3d1: {  	v22 =	vld [tilespmem:s7+$0x1C50]  }
0x3d2: {  	v11 =	vadd.f32 v20, v11  }
0x3d3: {  	v23 =	vor.u32 v0, v16  }
0x3d4: {  	v11 =	vadd.f32 v21, v11;
	_ =	sdelay $0x1  }
0x3d5: {  	v11 =	vadd.f32 v22, v11;
	_ =	sdelay $0x1  }
0x3d6: {  	[tilespmem:v23+s15+$0x0] =	vst.idx.msk $0xffff, v11  }
0x3d7: {  	v11 =	vld [tilespmem:s7+$0x18E0]  }
0x3d8: {  	v16 =	vld [tilespmem:s7+$0x1960];
	_ =	sdelay $0x1  }
0x3d9: {  	v13 =	vld [tilespmem:s7+$0x19E0];
	_ =	sdelay $0x1  }
0x3da: {  	v19 =	vld [tilespmem:s7+$0x1A60]  }
0x3db: {  	v11 =	vadd.f32 v16, v11  }
0x3dc: {  	v20 =	vld [tilespmem:s7+$0x1AE0]  }
0x3dd: {  	v11 =	vadd.f32 v13, v11  }
0x3de: {  	v21 =	vld [tilespmem:s7+$0x1B60]  }
0x3df: {  	v11 =	vadd.f32 v19, v11  }
0x3e0: {  	v22 =	vld [tilespmem:s7+$0x1BE0]  }
0x3e1: {  	v11 =	vadd.f32 v20, v11  }
0x3e2: {  	v23 =	vld [tilespmem:s7+$0x1C60]  }
0x3e3: {  	v11 =	vadd.f32 v21, v11  }
0x3e4: {  	v16 =	vor.u32 v0, v17  }
0x3e5: {  	v11 =	vadd.f32 v22, v11;
	_ =	sdelay $0x1  }
0x3e6: {  	v11 =	vadd.f32 v23, v11;
	_ =	sdelay $0x1  }
0x3e7: {  	[tilespmem:v16+s15+$0x0] =	vst.idx.msk $0xffff, v11  }
0x3e8: {  	v11 =	vld [tilespmem:s7+$0x18F0]  }
0x3e9: {  	v17 =	vld [tilespmem:s7+$0x1970];
	_ =	sdelay $0x1  }
0x3ea: {  	v13 =	vld [tilespmem:s7+$0x19F0];
	_ =	sdelay $0x1  }
0x3eb: {  	v19 =	vld [tilespmem:s7+$0x1A70]  }
0x3ec: {  	v11 =	vadd.f32 v17, v11  }
0x3ed: {  	v20 =	vld [tilespmem:s7+$0x1AF0]  }
0x3ee: {  	v11 =	vadd.f32 v13, v11  }
0x3ef: {  	v21 =	vld [tilespmem:s7+$0x1B70]  }
0x3f0: {  	v11 =	vadd.f32 v19, v11  }
0x3f1: {  	v22 =	vld [tilespmem:s7+$0x1BF0]  }
0x3f2: {  	v11 =	vadd.f32 v20, v11  }
0x3f3: {  	v23 =	vld [tilespmem:s7+$0x1C70]  }
0x3f4: {  	s12 =	sadd.s32 $0x4, s12;
	v11 =	vadd.f32 v21, v11  }
0x3f5: {  	p1 =	seq.s32 s30, s12;
	v0 =	vor.u32 v0, v18  }
.Ltmp6:
0x3f6: {  	v11 =	vadd.f32 v22, v11;
	(pc) =	sbr.rel @!p1 .LBB2_5-.Ltmp6, $4  }
0x3f7: {  	_ = 	snop  }
0x3f8: {  	v11 =	vadd.f32 v23, v11  }
0x3f9: {  	s0 =	sadd.s32 $0x1, s0  }
0x3fa: {  	s31 =	sadd.s32 $0x4000, s31;
	s2 =	sadd.s32 $0x20, s2;
	s29 =	sadd.s32 $0x1000, s29;
	[tilespmem:v0+s15+$0x0] =	vst.idx.msk $0xffff, v11  }
.LBB2_6:
0x3fb: {  	p1 =	sgt.s32 s26, $0xC7  }
.Ltmp7:
0x3fc: {  	_ = 	snop;
	(pc) =	sbr.rel @p1 .LBB2_10-.Ltmp7, $1  }
0x3fd: {  	_ =	sdelay $0x3  }
0x3fe: {  	s0 =	smax.u32 s25, $0xC7;
	v0 =	vmov s25  }
0x3ff: {  	s2 =	sadd.s32 $0x1, s25;
	s0 =	sadd.s32 $0x1, s0;
	v11 =	vand.u32 $0xFF, v0  }
0x400: {  	v14 =	vadd.s32 v1, v11;
	p1 =	sne.s32 s0, s2  }
.Ltmp8:
0x401: {  	v15 =	vadd.s32 v3, v11;
	(pc) =	sbr.rel @!p1 .LBB2_9-.Ltmp8, $4  }
0x402: {  	v16 =	vadd.s32 v4, v11  }
0x403: {  	v12 =	vadd.s32 v6, v11  }
0x404: {  	v13 =	vadd.s32 v7, v11  }
0x405: {  	v0 =	vadd.s32 v9, v11;
	[tilespmem:v14+s15+$0x0] =	vst.idx.msk $0xffff, v2;
	v14 =	vadd.s32 v8, v11  }
.LBB2_8:
0x406: {  	v17 =	vmov s2;
	s2 =	sadd.s32 $0x1, s2;
	[tilespmem:v15+s15+$0x0] =	vst.idx.msk $0xffff, v2  }
0x407: {  	v18 =	vadd.s32 v10, v11;
	p1 =	sne.s32 s0, s2;
	[tilespmem:v16+s15+$0x0] =	vst.idx.msk $0xffff, v2;
	v11 =	vand.u32 $0xFF, v17  }
0x408: {  	v17 =	vadd.s32 v1, v11;
	v19 =	vadd.s32 v9, v11;
	[tilespmem:v12+s15+$0x0] =	vst.idx.msk $0xffff, v2  }
.Ltmp9:
0x409: {  	v15 =	vadd.s32 v3, v11;
	[tilespmem:v13+s15+$0x0] =	vst.idx.msk $0xffff, v2;
	(pc) =	sbr.rel @p1 .LBB2_8-.Ltmp9, $4  }
0x40a: {  	v16 =	vadd.s32 v4, v11;
	[tilespmem:v14+s15+$0x0] =	vst.idx.msk $0xffff, v2  }
0x40b: {  	v12 =	vadd.s32 v6, v11;
	[tilespmem:v0+s15+$0x0] =	vst.idx.msk $0xffff, v2;
	v0 =	vmov v19  }
0x40c: {  	v13 =	vadd.s32 v7, v11;
	[tilespmem:v18+s15+$0x0] =	vst.idx.msk $0xffff, v2  }
0x40d: {  	v14 =	vadd.s32 v8, v11;
	[tilespmem:v17+s15+$0x0] =	vst.idx.msk $0xffff, v2  }
.Ltmp10:
0x40e: {  	_ = 	snop;
	(pc) =	sbr.rel .LBB2_9-.Ltmp10, $1  }
0x40f: {  	_ =	sdelay $0x3  }
.LBB2_12:
0x410: {  	_ =	sfence.sel $0x180000  }
0x411: {  	[bflag:$0x0] =	sbarrier.arrive $0xFFFF  }
0x412: {  	_ =	strace $0x90000047  }
0x413: {  	[bflag:$0x2] =	sbarrier.arrive $0xFFFF  }
0x414: {  	s0 =	rddreg [dreg:$0x5]  }
0x415: {  	s0 =	sadd.s32 @!p0 $0x100000, s0  }
0x416: {  	[sflag:s0] =	ssyncadd.tile.s32 @!p0 $0x1;
	_ =	shalt  }
.Lfunc_end2:
_tile_overlayer_lowered:
.L_overlay_start_2:
0x417: {  	(tag) =	ssettag $0x2  }
0x418: {  	s0 =	rddreg [dreg:$0x0];
	s2 =	stileid.u32  }
0x419: {  	s1 =	rddreg [dreg:$0x1];
	p0 =	sne.s32 s2, $0x0  }
0x41a: {  	s3 =	rddreg [dreg:$0x2];
	[bflag:$0x3] =	sbarrier.arrive $0xFFFF;
	s2 =	simm.s32 @!p0 $0x1C02  }
0x41b: {  	[timem:s3], [sflag:s2] =	dma.local @!p0 [hbm:s0], s1  }
0x41c: {  	s0 =	simm.s32 @!p0 $0x2  }
0x41d: {  	_ =	swait.ge @!p0 [sflag:s0], s1  }
0x41e: {  	s1 =	ssub.s32 @!p0 $0x0, s1;
	[sflag:s0] =	ssyncset.done @!p0 $0x0  }
0x41f: {  	[sflag:s0] =	ssyncadd.s32 @!p0 s1  }
0x420: {  	[bflag:$0x3] =	sbarrier.arrive $0xFFFF  }
0x421: {  	_ =	shalt  }

</sc_bundles>
